<compile_context>
chip_gen: v7x
topology: tpu7x:2x2x1
jax: 0.10.2.dev20260603
libtpu: 0.0.44.dev20260713+nightly
codegen_flags: <defaults>
</compile_context>

<pallas_src>
import functools

import jax
import jax.numpy as jnp
from jax import lax
from jax.experimental import pallas as pl
from jax.experimental.pallas import tpu as pltpu
from jax.experimental.pallas import tpu_sc as plsc

N = 10000
E = 320000
F_IN = 128
H = 16
OUT = 10

NC = 2
NS = 16
NW = NC * NS
NPAD = 10240
SL = NPAD // NS
CHUNK = 128
G = 8
GM = 5
EP = 327680
RW = EP // (NW * CHUNK)
RD = EP // (NS * CHUNK)

_mesh = plsc.VectorSubcoreMesh(core_axis_name="c", subcore_axis_name="s")


@functools.partial(
    pl.kernel,
    mesh=_mesh,
    out_type=(
        jax.ShapeDtypeStruct((NC, NPAD, H), jnp.float32),
        jax.ShapeDtypeStruct((NC * NPAD,), jnp.float32),
        jax.ShapeDtypeStruct((NPAD,), jnp.float32),
        jax.ShapeDtypeStruct((NPAD, H), jnp.float32),
    ),
    scratch_types=[
        pltpu.VMEM((RD * CHUNK,), jnp.int32),
        pltpu.VMEM((RW * CHUNK,), jnp.int32),
        pltpu.VMEM((RW * CHUNK,), jnp.int32),
        pltpu.VMEM((G, CHUNK), jnp.int32),
        pltpu.VMEM((G, CHUNK), jnp.int32),
        pltpu.VMEM((GM, CHUNK), jnp.int32),
        pltpu.VMEM((GM, CHUNK), jnp.int32),
        pltpu.VMEM((GM, CHUNK), jnp.int32),
        pltpu.VMEM((GM, CHUNK), jnp.int32),
        pltpu.VMEM((GM * CHUNK, H), jnp.float32),
        pltpu.VMEM((GM * CHUNK, H), jnp.float32),
        pltpu.VMEM((GM * CHUNK,), jnp.float32),
        pltpu.VMEM((GM * CHUNK,), jnp.float32),
        pltpu.VMEM((CHUNK,), jnp.float32),
        pltpu.VMEM((SL + 16,), jnp.float32),
        pltpu.VMEM((SL, H), jnp.float32),
        pltpu.VMEM_SHARED((NPAD,), jnp.float32),
        pltpu.VMEM_SHARED((NPAD,), jnp.float32),
        pltpu.VMEM_SHARED((NPAD, H), jnp.float32),
        pltpu.VMEM_SHARED((NPAD, H), jnp.float32),
        pltpu.VMEM_SHARED((NPAD,), jnp.float32),
        pltpu.SemaphoreType.DMA,
        pltpu.SemaphoreType.DMA,
        pltpu.SemaphoreType.DMA,
        pltpu.SemaphoreType.DMA,
        pltpu.SemaphoreType.DMA,
        pltpu.SemaphoreType.DMA,
        pltpu.SemaphoreType.DMA,
    ],
    compiler_params=pltpu.CompilerParams(use_tc_tiling_on_sc=False,
                                         needs_layout_passes=False),
)
def _fused_kernel(row1_hbm, col1_hbm, xw_hbm, z1_hbm, z2_hbm,
                  acc_out, t_out, dinv_out, y_out,
                  dcol_v, ridx1_v, cidx1_v, d2a_v, d2b_v,
                  r2a_v, c2a_v, r2b_v, c2b_v, rowsa_v, rowsb_v, dva_v, dvb_v,
                  ones_v, dinvl_v, xwl_v,
                  deg_sh, dinv_sh, y_sh, acc_sh, t_sh,
                  semga, semgb, semsa, semsb, semdeg, semp, semq):
    c = lax.axis_index("c")
    s = lax.axis_index("s")
    w = c * NS + s

    cpd = pltpu.async_copy(
        col1_hbm.at[pl.ds(s * RD * CHUNK, RD * CHUNK)], dcol_v, semp)
    cpr = pltpu.async_copy(
        row1_hbm.at[pl.ds(w * RW * CHUNK, RW * CHUNK)], ridx1_v, semq)
    cpc = pltpu.async_copy(
        col1_hbm.at[pl.ds(w * RW * CHUNK, RW * CHUNK)], cidx1_v, semq)
    cpx = pltpu.async_copy(xw_hbm.at[pl.ds(s * SL, SL)], xwl_v, semq)

    for k in range(CHUNK // 16):
        ones_v[pl.ds(k * 16, 16)] = jnp.ones((16,), jnp.float32)
    pltpu.sync_copy(z1_hbm.at[pl.ds(s * SL, SL)], deg_sh.at[pl.ds(s * SL, SL)])
    pltpu.sync_copy(z1_hbm.at[pl.ds(s * SL, SL)], t_sh.at[pl.ds(s * SL, SL)])
    pltpu.sync_copy(z2_hbm.at[pl.ds(s * SL, SL)], acc_sh.at[pl.ds(s * SL, SL)])
    plsc.subcore_barrier()

    cpd.wait()

    def deg_outer(i, carry):
        cps = []
        for buf, g in ((d2a_v, 0), (d2b_v, 1)):
            for j in range(G):
                for k in range(CHUNK // 16):
                    o = ((i * 2 + g) * G + j) * CHUNK + k * 16
                    buf[j, pl.ds(k * 16, 16)] = dcol_v[pl.ds(o, 16)]
            for j in range(G):
                cps.append(pltpu.async_copy(ones_v, deg_sh.at[buf.at[j]],
                                            semdeg, add=True))
        for cp in cps:
            cp.wait()
        return carry

    lax.fori_loop(0, RD // (2 * G), deg_outer, 0)
    plsc.subcore_barrier()

    pltpu.sync_copy(deg_sh.at[pl.ds(s * SL, SL)], dinvl_v.at[pl.ds(0, SL)])
    cpx.wait()
    cpr.wait()
    cpc.wait()

    def rsq(k, carry):
        d = dinvl_v[pl.ds(k * 16, 16)] + 1.0
        bits = plsc.bitcast(d, jnp.int32)
        bits = 0x5F3759DF - lax.shift_right_logical(bits, 1)
        r = plsc.bitcast(bits, jnp.float32)
        r = r * (1.5 - 0.5 * d * r * r)
        r = r * (1.5 - 0.5 * d * r * r)
        r = r * (1.5 - 0.5 * d * r * r)
        dinvl_v[pl.ds(k * 16, 16)] = r
        return carry

    lax.fori_loop(0, SL // 16, rsq, 0)

    def scale_block(b, carry):
        r0 = b * 16
        dvv = dinvl_v[pl.ds(r0, 16)]
        for j in range(16):
            xwl_v[r0 + j] = xwl_v[r0 + j] * dvv[j]
        return carry

    lax.fori_loop(0, SL // 16, scale_block, 0)
    pltpu.sync_copy(dinvl_v.at[pl.ds(0, SL)], dinv_sh.at[pl.ds(s * SL, SL)])
    pltpu.sync_copy(xwl_v, y_sh.at[pl.ds(s * SL, SL)])

    @pl.when(c == 0)
    def _():
        pltpu.sync_copy(dinvl_v.at[pl.ds(0, SL)], dinv_out.at[pl.ds(s * SL, SL)])
        pltpu.sync_copy(xwl_v, y_out.at[pl.ds(s * SL, SL)])

    plsc.subcore_barrier()

    def _fire_gathers(base, rows_buf, dv_buf, semg):
        cpg = pltpu.async_copy(
            y_sh.at[ridx1_v.at[pl.ds(base, GM * CHUNK)]], rows_buf, semg)
        cpd2 = pltpu.async_copy(
            dinv_sh.at[cidx1_v.at[pl.ds(base, GM * CHUNK)]], dv_buf, semg)
        return cpg, cpd2

    def _copy_idx(base, r2_buf, c2_buf):
        for j in range(GM):
            for k in range(CHUNK // 16):
                o = base + j * CHUNK + k * 16
                c2_buf[j, pl.ds(k * 16, 16)] = cidx1_v[pl.ds(o, 16)]
                r2_buf[j, pl.ds(k * 16, 16)] = ridx1_v[pl.ds(o, 16)]

    def _fire_scatters(rows_buf, dv_buf, r2_buf, c2_buf, sems):
        cps = []
        for j in range(GM):
            cps.append(pltpu.async_copy(
                rows_buf.at[pl.ds(j * CHUNK, CHUNK)],
                acc_sh.at[c2_buf.at[j]], sems, add=True))
            cps.append(pltpu.async_copy(
                dv_buf.at[pl.ds(j * CHUNK, CHUNK)],
                t_sh.at[r2_buf.at[j]], sems, add=True))
        return cps

    def outer(i, carry):
        ba = (i * 2) * GM * CHUNK
        bb = ba + GM * CHUNK
        cpga, cpgda = _fire_gathers(ba, rowsa_v, dva_v, semga)
        _copy_idx(ba, r2a_v, c2a_v)
        cpga.wait()
        cpgda.wait()
        cpsa = _fire_scatters(rowsa_v, dva_v, r2a_v, c2a_v, semsa)
        cpgb, cpgdb = _fire_gathers(bb, rowsb_v, dvb_v, semgb)
        _copy_idx(bb, r2b_v, c2b_v)
        cpgb.wait()
        cpgdb.wait()
        cpsb = _fire_scatters(rowsb_v, dvb_v, r2b_v, c2b_v, semsb)
        for cp in cpsa:
            cp.wait()
        for cp in cpsb:
            cp.wait()
        return carry

    lax.fori_loop(0, RW // (2 * GM), outer, 0)
    plsc.subcore_barrier()

    pltpu.sync_copy(acc_sh.at[pl.ds(s * SL, SL)], acc_out.at[c, pl.ds(s * SL, SL)])
    pltpu.sync_copy(t_sh.at[pl.ds(s * SL, SL)],
                    t_out.at[pl.ds(c * NPAD + s * SL, SL)])


def _prep_body(ei_ref, pad_ref, x_ref, w1_ref, rowp_ref, colp_ref, xw_ref):
    ei = ei_ref[...]
    pad = pad_ref[...]
    rowp_ref[...] = jnp.concatenate([ei[0], pad])
    colp_ref[...] = jnp.concatenate([ei[1], pad])
    xw_ref[pl.ds(0, N), :] = jnp.dot(x_ref[...], w1_ref[...],
                                     preferred_element_type=jnp.float32)
    xw_ref[pl.ds(N, NPAD - N), :] = jnp.zeros((NPAD - N, H), jnp.float32)


_prep_call = pl.pallas_call(
    _prep_body,
    out_shape=(
        jax.ShapeDtypeStruct((EP,), jnp.int32),
        jax.ShapeDtypeStruct((EP,), jnp.int32),
        jax.ShapeDtypeStruct((NPAD, H), jnp.float32),
    ),
)


PK = NPAD // 8


def _final_body(accp_ref, y_ref, dinv_ref, s_ref, b1_ref, w2_ref, b2_ref,
                lw_ref, lb_ref, out_ref):
    acc = accp_ref[0] + accp_ref[1]
    h = jnp.maximum(dinv_ref[...] * (acc + y_ref[...]) + b1_ref[...], 0.0)
    q = s_ref[...] * h
    z128 = jnp.sum(q, axis=0, keepdims=True)
    z = z128[:, 0:H]
    for g in range(1, 8):
        z = z + z128[:, g * H:(g + 1) * H]
    pooled = jnp.dot(z * (1.0 / N), w2_ref[...],
                     preferred_element_type=jnp.float32) + b2_ref[...]
    out_ref[...] = jnp.dot(pooled, lw_ref[...],
                           preferred_element_type=jnp.float32) + lb_ref[...]


_final_call = pl.pallas_call(
    _final_body,
    out_shape=jax.ShapeDtypeStruct((1, OUT), jnp.float32),
)


def kernel(x, edge_index, W1, b1, W2, b2, lin_W, lin_b):
    npad_extra = NPAD - N
    pad_idx = (N + jnp.arange(EP - E, dtype=jnp.int32) % npad_extra)
    zeros1 = jnp.zeros((NPAD,), jnp.float32)
    zeros2 = jnp.zeros((NPAD, H), jnp.float32)

    rowp, colp, xw = _prep_call(edge_index, pad_idx, x, W1)
    accp, t1d, dinv, y = _fused_kernel(rowp, colp, xw, zeros1, zeros2)

    tp = t1d.reshape(NC, NPAD)
    t = tp[0] + tp[1]
    s = dinv * (dinv + t)
    s = jnp.where(jnp.arange(NPAD) < N, s, 0.0)
    s_exp = jnp.repeat(s, H).reshape(PK, 128)
    dinv_exp = jnp.repeat(dinv, H).reshape(PK, 128)
    accp2 = accp.reshape(NC, PK, 128)
    y2 = y.reshape(PK, 128)
    b1t = jnp.tile(b1, 8).reshape(1, 128)

    out = _final_call(accp2, y2, dinv_exp, s_exp, b1t,
                      W2, b2.reshape(1, H), lin_W, lin_b.reshape(1, OUT))
    return out.reshape(OUT)

# --- scband reference (transcript-rebuilt; emitter-appended) ---
"""Pipeline reference for scband-gcn-9629316678064 (READ-ONLY COPY).

The authoritative reference and input builder live on the scoring server;
editing this copy changes nothing except your own understanding.
"""

import jax, jax.numpy as jnp
import numpy as np

N = 10000
E = 320000
F_IN = 128
H = 16
OUT = 10

def setup_inputs(seed: int = 0) -> dict:
    key = jax.random.key(seed)
    ks = jax.random.split(key, 8)
    x = jax.random.normal(ks[0], (N, F_IN), dtype=jnp.float32)
    edge_index = jax.random.randint(ks[1], (2, E), 0, N, dtype=jnp.int32)
    W1 = jax.random.normal(ks[2], (F_IN, H), dtype=jnp.float32) / np.sqrt(F_IN)
    b1 = jnp.zeros((H,), dtype=jnp.float32)
    W2 = jax.random.normal(ks[3], (H, H), dtype=jnp.float32) / np.sqrt(H)
    b2 = jnp.zeros((H,), dtype=jnp.float32)
    lin_W = jax.random.normal(ks[4], (H, OUT), dtype=jnp.float32) / np.sqrt(H)
    lin_b = jnp.zeros((OUT,), dtype=jnp.float32)
    return {"x": x, "edge_index": edge_index, "W1": W1, "b1": b1, "W2": W2, "b2": b2, "lin_W": lin_W, "lin_b": lin_b}

def _gcn_conv(x, edge_index, W, b):
    # PyG GCNConv: add self-loops, symmetric normalization, x @ W, scatter-add to dst
    xw = x @ W
    loops = jnp.arange(N, dtype=edge_index.dtype)
    ei = jnp.concatenate([edge_index, jnp.stack([loops, loops])], axis=1)
    row, col = ei[0], ei[1]  # messages flow source(row) -> target(col)
    deg = jnp.zeros((N,), dtype=xw.dtype).at[col].add(1.0)
    dinv = jnp.where(deg > 0, deg ** -0.5, 0.0)
    norm = dinv[row] * dinv[col]
    msg = xw[row] * norm[:, None]
    out = jax.ops.segment_sum(msg, col, num_segments=N)
    return out + b

def reference(x, edge_index, W1, b1, W2, b2, lin_W, lin_b):
    h = jax.nn.relu(_gcn_conv(x, edge_index, W1, b1))
    h = _gcn_conv(h, edge_index, W2, b2)
    # batch = zeros -> global_mean_pool reduces all nodes to one graph
    pooled = jnp.mean(h, axis=0, keepdims=True)  # [1, H]
    out = pooled @ lin_W + lin_b  # [1, 10]
    return out.flatten()

if __name__ == "__main__":
    import jax
    _d = setup_inputs()
    print(jax.jit(kernel)(*tuple(_d.values())))

</pallas_src>

<mosaic_0001>
#map = affine_map<(d0, d1) -> (0)>
#map1 = affine_map<(d0, d1) -> (0, 0)>
#map2 = affine_map<(d0, d1) -> (0, 0, 0)>
module attributes {stable_mosaic.version = 14 : i64} {
  func.func @_fused_kernel(%arg0: i32, %arg1: i32, %arg2: memref<327680xi32, #tpu.memory_space<hbm>>, %arg3: memref<327680xi32, #tpu.memory_space<hbm>>, %arg4: memref<10240x16xf32, #tpu.memory_space<hbm>>, %arg5: memref<10240xf32, #tpu.memory_space<hbm>>, %arg6: memref<10240x16xf32, #tpu.memory_space<hbm>>, %arg7: memref<2x10240x16xf32, #tpu.memory_space<hbm>>, %arg8: memref<20480xf32, #tpu.memory_space<hbm>>, %arg9: memref<10240xf32, #tpu.memory_space<hbm>>, %arg10: memref<10240x16xf32, #tpu.memory_space<hbm>>, %arg11: memref<20480xi32, #tpu.memory_space<vmem>>, %arg12: memref<10240xi32, #tpu.memory_space<vmem>>, %arg13: memref<10240xi32, #tpu.memory_space<vmem>>, %arg14: memref<8x128xi32, #tpu.memory_space<vmem>>, %arg15: memref<8x128xi32, #tpu.memory_space<vmem>>, %arg16: memref<5x128xi32, #tpu.memory_space<vmem>>, %arg17: memref<5x128xi32, #tpu.memory_space<vmem>>, %arg18: memref<5x128xi32, #tpu.memory_space<vmem>>, %arg19: memref<5x128xi32, #tpu.memory_space<vmem>>, %arg20: memref<640x16xf32, #tpu.memory_space<vmem>>, %arg21: memref<640x16xf32, #tpu.memory_space<vmem>>, %arg22: memref<640xf32, #tpu.memory_space<vmem>>, %arg23: memref<640xf32, #tpu.memory_space<vmem>>, %arg24: memref<128xf32, #tpu.memory_space<vmem>>, %arg25: memref<656xf32, #tpu.memory_space<vmem>>, %arg26: memref<640x16xf32, #tpu.memory_space<vmem>>, %arg27: memref<10240xf32, #tpu.memory_space<vmem_shared>>, %arg28: memref<10240xf32, #tpu.memory_space<vmem_shared>>, %arg29: memref<10240x16xf32, #tpu.memory_space<vmem_shared>>, %arg30: memref<10240x16xf32, #tpu.memory_space<vmem_shared>>, %arg31: memref<10240xf32, #tpu.memory_space<vmem_shared>>, %arg32: memref<!tpu.dma_semaphore, #tpu.memory_space<semaphore_mem>>, %arg33: memref<!tpu.dma_semaphore, #tpu.memory_space<semaphore_mem>>, %arg34: memref<!tpu.dma_semaphore, #tpu.memory_space<semaphore_mem>>, %arg35: memref<!tpu.dma_semaphore, #tpu.memory_space<semaphore_mem>>, %arg36: memref<!tpu.dma_semaphore, #tpu.memory_space<semaphore_mem>>, %arg37: memref<!tpu.dma_semaphore, #tpu.memory_space<semaphore_mem>>, %arg38: memref<!tpu.dma_semaphore, #tpu.memory_space<semaphore_mem>>) attributes {dimension_semantics = [#tpu.dimension_semantics<core_parallel>, #tpu.dimension_semantics<subcore_parallel>], iteration_bounds = array<i64: 2, 16>, scalar_prefetch = 0 : i64, scratch_operands = 28 : i64, tpu.core_type = #tpu.core_type<sc_vector_subcore>, window_params = [{transform_indices = #map}, {transform_indices = #map}, {transform_indices = #map1}, {transform_indices = #map}, {transform_indices = #map1}, {transform_indices = #map2}, {transform_indices = #map}, {transform_indices = #map}, {transform_indices = #map1}]} {
    %mul3A = arith.constant 16 : i32
    %mul3A_0 = arith.muli %arg0, %mul3A : i32
    %add3A = arith.addi %mul3A_0, %arg1 : i32
    %mul3A_1 = arith.constant 160 : i32
    %mul3A_2 = arith.muli %arg1, %mul3A_1 : i32
    %mul3A_3 = arith.constant 128 : i32
    %mul3A_4 = arith.muli %mul3A_2, %mul3A_3 : i32
    %dma_start3A = tpu.memref_slice %arg3[%mul3A_4] : memref<327680xi32, #tpu.memory_space<hbm>> -> memref<20480xi32, #tpu.memory_space<hbm>>
    %dma_start3A_5 = tpu.memref_slice %arg3[%mul3A_4] : memref<327680xi32, #tpu.memory_space<hbm>> -> memref<20480xi32, #tpu.memory_space<hbm>>
    tpu.enqueue_dma source(%dma_start3A_5 : memref<20480xi32, #tpu.memory_space<hbm>>) target(%arg11 : memref<20480xi32, #tpu.memory_space<vmem>>) target_semaphore(%arg37 : memref<!tpu.dma_semaphore, #tpu.memory_space<semaphore_mem>>)
    %mul3A_6 = arith.constant 80 : i32
    %mul3A_7 = arith.muli %add3A, %mul3A_6 : i32
    %mul3A_8 = arith.constant 128 : i32
    %mul3A_9 = arith.muli %mul3A_7, %mul3A_8 : i32
    %dma_start3A_10 = tpu.memref_slice %arg2[%mul3A_9] : memref<327680xi32, #tpu.memory_space<hbm>> -> memref<10240xi32, #tpu.memory_space<hbm>>
    %dma_start3A_11 = tpu.memref_slice %arg2[%mul3A_9] : memref<327680xi32, #tpu.memory_space<hbm>> -> memref<10240xi32, #tpu.memory_space<hbm>>
    tpu.enqueue_dma source(%dma_start3A_11 : memref<10240xi32, #tpu.memory_space<hbm>>) target(%arg12 : memref<10240xi32, #tpu.memory_space<vmem>>) target_semaphore(%arg38 : memref<!tpu.dma_semaphore, #tpu.memory_space<semaphore_mem>>)
    %mul3A_12 = arith.constant 80 : i32
    %mul3A_13 = arith.muli %add3A, %mul3A_12 : i32
    %mul3A_14 = arith.constant 128 : i32
    %mul3A_15 = arith.muli %mul3A_13, %mul3A_14 : i32
    %dma_start3A_16 = tpu.memref_slice %arg3[%mul3A_15] : memref<327680xi32, #tpu.memory_space<hbm>> -> memref<10240xi32, #tpu.memory_space<hbm>>
    %dma_start3A_17 = tpu.memref_slice %arg3[%mul3A_15] : memref<327680xi32, #tpu.memory_space<hbm>> -> memref<10240xi32, #tpu.memory_space<hbm>>
    tpu.enqueue_dma source(%dma_start3A_17 : memref<10240xi32, #tpu.memory_space<hbm>>) target(%arg13 : memref<10240xi32, #tpu.memory_space<vmem>>) target_semaphore(%arg38 : memref<!tpu.dma_semaphore, #tpu.memory_space<semaphore_mem>>)
    %mul3A_18 = arith.constant 640 : i32
    %mul3A_19 = arith.muli %arg1, %mul3A_18 : i32
    %dma_start3A_20 = arith.constant 0 : i32
    %dma_start3A_21 = tpu.memref_slice %arg4[%mul3A_19, %dma_start3A_20] : memref<10240x16xf32, #tpu.memory_space<hbm>> -> memref<640x16xf32, #tpu.memory_space<hbm>>
    %dma_start3A_22 = arith.constant 0 : i32
    %dma_start3A_23 = tpu.memref_slice %arg4[%mul3A_19, %dma_start3A_22] : memref<10240x16xf32, #tpu.memory_space<hbm>> -> memref<640x16xf32, #tpu.memory_space<hbm>>
    tpu.enqueue_dma source(%dma_start3A_23 : memref<640x16xf32, #tpu.memory_space<hbm>>) target(%arg26 : memref<640x16xf32, #tpu.memory_space<vmem>>) target_semaphore(%arg38 : memref<!tpu.dma_semaphore, #tpu.memory_space<semaphore_mem>>)
    %broadcast_in_dim3A = arith.constant 1.000000e+00 : f32
    %broadcast_in_dim3A_24 = vector.broadcast %broadcast_in_dim3A : f32 to vector<16xf32>
    %swap3A = arith.constant 0 : index
    %swap3A_25 = tpu.vector_load %arg24[%swap3A] {strides = array<i32>} : memref<128xf32, #tpu.memory_space<vmem>>, vector<16xf32>,
    tpu.vector_store %arg24[%swap3A], %broadcast_in_dim3A_24 {strides = array<i32>} : memref<128xf32, #tpu.memory_space<vmem>>, vector<16xf32>,
    %broadcast_in_dim3A_26 = arith.constant 1.000000e+00 : f32
    %broadcast_in_dim3A_27 = vector.broadcast %broadcast_in_dim3A_26 : f32 to vector<16xf32>
    %swap3A_28 = arith.constant 16 : index
    %swap3A_29 = tpu.vector_load %arg24[%swap3A_28] {strides = array<i32>} : memref<128xf32, #tpu.memory_space<vmem>>, vector<16xf32>,
    tpu.vector_store %arg24[%swap3A_28], %broadcast_in_dim3A_27 {strides = array<i32>} : memref<128xf32, #tpu.memory_space<vmem>>, vector<16xf32>,
    %broadcast_in_dim3A_30 = arith.constant 1.000000e+00 : f32
    %broadcast_in_dim3A_31 = vector.broadcast %broadcast_in_dim3A_30 : f32 to vector<16xf32>
    %swap3A_32 = arith.constant 32 : index
    %swap3A_33 = tpu.vector_load %arg24[%swap3A_32] {strides = array<i32>} : memref<128xf32, #tpu.memory_space<vmem>>, vector<16xf32>,
    tpu.vector_store %arg24[%swap3A_32], %broadcast_in_dim3A_31 {strides = array<i32>} : memref<128xf32, #tpu.memory_space<vmem>>, vector<16xf32>,
    %broadcast_in_dim3A_34 = arith.constant 1.000000e+00 : f32
    %broadcast_in_dim3A_35 = vector.broadcast %broadcast_in_dim3A_34 : f32 to vector<16xf32>
    %swap3A_36 = arith.constant 48 : index
    %swap3A_37 = tpu.vector_load %arg24[%swap3A_36] {strides = array<i32>} : memref<128xf32, #tpu.memory_space<vmem>>, vector<16xf32>,
    tpu.vector_store %arg24[%swap3A_36], %broadcast_in_dim3A_35 {strides = array<i32>} : memref<128xf32, #tpu.memory_space<vmem>>, vector<16xf32>,
    %broadcast_in_dim3A_38 = arith.constant 1.000000e+00 : f32
    %broadcast_in_dim3A_39 = vector.broadcast %broadcast_in_dim3A_38 : f32 to vector<16xf32>
    %swap3A_40 = arith.constant 64 : index
    %swap3A_41 = tpu.vector_load %arg24[%swap3A_40] {strides = array<i32>} : memref<128xf32, #tpu.memory_space<vmem>>, vector<16xf32>,
    tpu.vector_store %arg24[%swap3A_40], %broadcast_in_dim3A_39 {strides = array<i32>} : memref<128xf32, #tpu.memory_space<vmem>>, vector<16xf32>,
    %broadcast_in_dim3A_42 = arith.constant 1.000000e+00 : f32
    %broadcast_in_dim3A_43 = vector.broadcast %broadcast_in_dim3A_42 : f32 to vector<16xf32>
    %swap3A_44 = arith.constant 80 : index
    %swap3A_45 = tpu.vector_load %arg24[%swap3A_44] {strides = array<i32>} : memref<128xf32, #tpu.memory_space<vmem>>, vector<16xf32>,
    tpu.vector_store %arg24[%swap3A_44], %broadcast_in_dim3A_43 {strides = array<i32>} : memref<128xf32, #tpu.memory_space<vmem>>, vector<16xf32>,
    %broadcast_in_dim3A_46 = arith.constant 1.000000e+00 : f32
    %broadcast_in_dim3A_47 = vector.broadcast %broadcast_in_dim3A_46 : f32 to vector<16xf32>
    %swap3A_48 = arith.constant 96 : index
    %swap3A_49 = tpu.vector_load %arg24[%swap3A_48] {strides = array<i32>} : memref<128xf32, #tpu.memory_space<vmem>>, vector<16xf32>,
    tpu.vector_store %arg24[%swap3A_48], %broadcast_in_dim3A_47 {strides = array<i32>} : memref<128xf32, #tpu.memory_space<vmem>>, vector<16xf32>,
    %broadcast_in_dim3A_50 = arith.constant 1.000000e+00 : f32
    %broadcast_in_dim3A_51 = vector.broadcast %broadcast_in_dim3A_50 : f32 to vector<16xf32>
    %swap3A_52 = arith.constant 112 : index
    %swap3A_53 = tpu.vector_load %arg24[%swap3A_52] {strides = array<i32>} : memref<128xf32, #tpu.memory_space<vmem>>, vector<16xf32>,
    tpu.vector_store %arg24[%swap3A_52], %broadcast_in_dim3A_51 {strides = array<i32>} : memref<128xf32, #tpu.memory_space<vmem>>, vector<16xf32>,
    %mul3A_54 = arith.constant 640 : i32
    %mul3A_55 = arith.muli %arg1, %mul3A_54 : i32
    %mul3A_56 = arith.constant 640 : i32
    %mul3A_57 = arith.muli %arg1, %mul3A_56 : i32
    "tpu.region"() ({
      %run_scoped3A = tpu.sem_alloc : memref<!tpu.dma_semaphore, #tpu.memory_space<semaphore_mem>>
      %dma_start3A_120 = tpu.memref_slice %arg27[%mul3A_57] : memref<10240xf32, #tpu.memory_space<vmem_shared>> -> memref<640xf32, #tpu.memory_space<vmem_shared>>
      %dma_start3A_121 = tpu.memref_slice %arg5[%mul3A_55] : memref<10240xf32, #tpu.memory_space<hbm>> -> memref<640xf32, #tpu.memory_space<hbm>>
      tpu.enqueue_dma source(%dma_start3A_121 : memref<640xf32, #tpu.memory_space<hbm>>) target(%dma_start3A_120 : memref<640xf32, #tpu.memory_space<vmem_shared>>) target_semaphore(%run_scoped3A : memref<!tpu.dma_semaphore, #tpu.memory_space<semaphore_mem>>)
      %dma_wait3A_122 = tpu.memref_slice %arg27[%mul3A_57] : memref<10240xf32, #tpu.memory_space<vmem_shared>> -> memref<640xf32, #tpu.memory_space<vmem_shared>>
      %dma_wait3A_123 = tpu.memref_slice %arg5[%mul3A_55] : memref<10240xf32, #tpu.memory_space<hbm>> -> memref<640xf32, #tpu.memory_space<hbm>>
      tpu.wait_dma2 semaphore(%run_scoped3A : memref<!tpu.dma_semaphore, #tpu.memory_space<semaphore_mem>>) src(%dma_wait3A_123 : memref<640xf32, #tpu.memory_space<hbm>>) dst(%dma_wait3A_122 : memref<640xf32, #tpu.memory_space<vmem_shared>>)
      tpu.yield
    }) : () -> ()
    %mul3A_58 = arith.constant 640 : i32
    %mul3A_59 = arith.muli %arg1, %mul3A_58 : i32
    %mul3A_60 = arith.constant 640 : i32
    %mul3A_61 = arith.muli %arg1, %mul3A_60 : i32
    "tpu.region"() ({
      %run_scoped3A = tpu.sem_alloc : memref<!tpu.dma_semaphore, #tpu.memory_space<semaphore_mem>>
      %dma_start3A_120 = tpu.memref_slice %arg31[%mul3A_61] : memref<10240xf32, #tpu.memory_space<vmem_shared>> -> memref<640xf32, #tpu.memory_space<vmem_shared>>
      %dma_start3A_121 = tpu.memref_slice %arg5[%mul3A_59] : memref<10240xf32, #tpu.memory_space<hbm>> -> memref<640xf32, #tpu.memory_space<hbm>>
      tpu.enqueue_dma source(%dma_start3A_121 : memref<640xf32, #tpu.memory_space<hbm>>) target(%dma_start3A_120 : memref<640xf32, #tpu.memory_space<vmem_shared>>) target_semaphore(%run_scoped3A : memref<!tpu.dma_semaphore, #tpu.memory_space<semaphore_mem>>)
      %dma_wait3A_122 = tpu.memref_slice %arg31[%mul3A_61] : memref<10240xf32, #tpu.memory_space<vmem_shared>> -> memref<640xf32, #tpu.memory_space<vmem_shared>>
      %dma_wait3A_123 = tpu.memref_slice %arg5[%mul3A_59] : memref<10240xf32, #tpu.memory_space<hbm>> -> memref<640xf32, #tpu.memory_space<hbm>>
      tpu.wait_dma2 semaphore(%run_scoped3A : memref<!tpu.dma_semaphore, #tpu.memory_space<semaphore_mem>>) src(%dma_wait3A_123 : memref<640xf32, #tpu.memory_space<hbm>>) dst(%dma_wait3A_122 : memref<640xf32, #tpu.memory_space<vmem_shared>>)
      tpu.yield
    }) : () -> ()
    %mul3A_62 = arith.constant 640 : i32
    %mul3A_63 = arith.muli %arg1, %mul3A_62 : i32
    %mul3A_64 = arith.constant 640 : i32
    %mul3A_65 = arith.muli %arg1, %mul3A_64 : i32
    "tpu.region"() ({
      %run_scoped3A = tpu.sem_alloc : memref<!tpu.dma_semaphore, #tpu.memory_space<semaphore_mem>>
      %dma_start3A_120 = arith.constant 0 : i32
      %dma_start3A_121 = tpu.memref_slice %arg30[%mul3A_65, %dma_start3A_120] : memref<10240x16xf32, #tpu.memory_space<vmem_shared>> -> memref<640x16xf32, #tpu.memory_space<vmem_shared>>
      %dma_start3A_122 = arith.constant 0 : i32
      %dma_start3A_123 = tpu.memref_slice %arg6[%mul3A_63, %dma_start3A_122] : memref<10240x16xf32, #tpu.memory_space<hbm>> -> memref<640x16xf32, #tpu.memory_space<hbm>>
      tpu.enqueue_dma source(%dma_start3A_123 : memref<640x16xf32, #tpu.memory_space<hbm>>) target(%dma_start3A_121 : memref<640x16xf32, #tpu.memory_space<vmem_shared>>) target_semaphore(%run_scoped3A : memref<!tpu.dma_semaphore, #tpu.memory_space<semaphore_mem>>)
      %dma_wait3A_124 = arith.constant 0 : i32
      %dma_wait3A_125 = tpu.memref_slice %arg30[%mul3A_65, %dma_wait3A_124] : memref<10240x16xf32, #tpu.memory_space<vmem_shared>> -> memref<640x16xf32, #tpu.memory_space<vmem_shared>>
      %dma_wait3A_126 = arith.constant 0 : i32
      %dma_wait3A_127 = tpu.memref_slice %arg6[%mul3A_63, %dma_wait3A_126] : memref<10240x16xf32, #tpu.memory_space<hbm>> -> memref<640x16xf32, #tpu.memory_space<hbm>>
      tpu.wait_dma2 semaphore(%run_scoped3A : memref<!tpu.dma_semaphore, #tpu.memory_space<semaphore_mem>>) src(%dma_wait3A_127 : memref<640x16xf32, #tpu.memory_space<hbm>>) dst(%dma_wait3A_125 : memref<640x16xf32, #tpu.memory_space<vmem_shared>>)
      tpu.yield
    }) : () -> ()
    %barrier3A = arith.constant 0 : index
    tpu.barrier barrier_id(%barrier3A)
    %dma_wait3A = tpu.memref_slice %arg3[%mul3A_4] : memref<327680xi32, #tpu.memory_space<hbm>> -> memref<20480xi32, #tpu.memory_space<hbm>>
    %dma_wait3A_66 = tpu.memref_slice %arg3[%mul3A_4] : memref<327680xi32, #tpu.memory_space<hbm>> -> memref<20480xi32, #tpu.memory_space<hbm>>
    tpu.wait_dma2 semaphore(%arg37 : memref<!tpu.dma_semaphore, #tpu.memory_space<semaphore_mem>>) src(%dma_wait3A_66 : memref<20480xi32, #tpu.memory_space<hbm>>) dst(%arg11 : memref<20480xi32, #tpu.memory_space<vmem>>)
    %scan3A = arith.constant 0 : i32
    %scan3A_67 = arith.constant 0 : i32
    %scan3A_68 = arith.constant 10 : i32
    %scan3A_69 = arith.addi %scan3A_67, %scan3A_68 : i32
    %scan3A_70 = arith.constant 1 : i32
    scf.for %scan3A_120 = %scan3A_67 to %scan3A_69 step %scan3A_70  : i32 {
      %mul3A_121 = arith.constant 2 : i32
      %mul3A_122 = arith.muli %scan3A_120, %mul3A_121 : i32
      %add3A_123 = arith.constant 0 : i32
      %add3A_124 = arith.addi %mul3A_122, %add3A_123 : i32
      %mul3A_125 = arith.constant 8 : i32
      %mul3A_126 = arith.muli %add3A_124, %mul3A_125 : i32
      %add3A_127 = arith.constant 0 : i32
      %add3A_128 = arith.addi %mul3A_126, %add3A_127 : i32
      %mul3A_129 = arith.constant 128 : i32
      %mul3A_130 = arith.muli %add3A_128, %mul3A_129 : i32
      %add3A_131 = arith.constant 0 : i32
      %add3A_132 = arith.addi %mul3A_130, %add3A_131 : i32
      %get3A = arith.index_cast %add3A_132 : i32 to index
      %get3A_133 = tpu.vector_load %arg11[%get3A] {strides = array<i32>} : memref<20480xi32, #tpu.memory_space<vmem>>, vector<16xi32>,
      %swap3A_134 = arith.constant 0 : i32
      %swap3A_135 = arith.index_cast %swap3A_134 : i32 to index
      %swap3A_136 = arith.constant 0 : index
      %swap3A_137 = tpu.vector_load %arg14[%swap3A_135, %swap3A_136] {strides = array<i32>} : memref<8x128xi32, #tpu.memory_space<vmem>>, vector<16xi32>,
      tpu.vector_store %arg14[%swap3A_135, %swap3A_136], %get3A_133 {strides = array<i32>} : memref<8x128xi32, #tpu.memory_space<vmem>>, vector<16xi32>,
      %mul3A_138 = arith.constant 2 : i32
      %mul3A_139 = arith.muli %scan3A_120, %mul3A_138 : i32
      %add3A_140 = arith.constant 0 : i32
      %add3A_141 = arith.addi %mul3A_139, %add3A_140 : i32
      %mul3A_142 = arith.constant 8 : i32
      %mul3A_143 = arith.muli %add3A_141, %mul3A_142 : i32
      %add3A_144 = arith.constant 0 : i32
      %add3A_145 = arith.addi %mul3A_143, %add3A_144 : i32
      %mul3A_146 = arith.constant 128 : i32
      %mul3A_147 = arith.muli %add3A_145, %mul3A_146 : i32
      %add3A_148 = arith.constant 16 : i32
      %add3A_149 = arith.addi %mul3A_147, %add3A_148 : i32
      %get3A_150 = arith.index_cast %add3A_149 : i32 to index
      %get3A_151 = tpu.vector_load %arg11[%get3A_150] {strides = array<i32>} : memref<20480xi32, #tpu.memory_space<vmem>>, vector<16xi32>,
      %swap3A_152 = arith.constant 0 : i32
      %swap3A_153 = arith.index_cast %swap3A_152 : i32 to index
      %swap3A_154 = arith.constant 16 : index
      %swap3A_155 = tpu.vector_load %arg14[%swap3A_153, %swap3A_154] {strides = array<i32>} : memref<8x128xi32, #tpu.memory_space<vmem>>, vector<16xi32>,
      tpu.vector_store %arg14[%swap3A_153, %swap3A_154], %get3A_151 {strides = array<i32>} : memref<8x128xi32, #tpu.memory_space<vmem>>, vector<16xi32>,
      %mul3A_156 = arith.constant 2 : i32
      %mul3A_157 = arith.muli %scan3A_120, %mul3A_156 : i32
      %add3A_158 = arith.constant 0 : i32
      %add3A_159 = arith.addi %mul3A_157, %add3A_158 : i32
      %mul3A_160 = arith.constant 8 : i32
      %mul3A_161 = arith.muli %add3A_159, %mul3A_160 : i32
      %add3A_162 = arith.constant 0 : i32
      %add3A_163 = arith.addi %mul3A_161, %add3A_162 : i32
      %mul3A_164 = arith.constant 128 : i32
      %mul3A_165 = arith.muli %add3A_163, %mul3A_164 : i32
      %add3A_166 = arith.constant 32 : i32
      %add3A_167 = arith.addi %mul3A_165, %add3A_166 : i32
      %get3A_168 = arith.index_cast %add3A_167 : i32 to index
      %get3A_169 = tpu.vector_load %arg11[%get3A_168] {strides = array<i32>} : memref<20480xi32, #tpu.memory_space<vmem>>, vector<16xi32>,
      %swap3A_170 = arith.constant 0 : i32
      %swap3A_171 = arith.index_cast %swap3A_170 : i32 to index
      %swap3A_172 = arith.constant 32 : index
      %swap3A_173 = tpu.vector_load %arg14[%swap3A_171, %swap3A_172] {strides = array<i32>} : memref<8x128xi32, #tpu.memory_space<vmem>>, vector<16xi32>,
      tpu.vector_store %arg14[%swap3A_171, %swap3A_172], %get3A_169 {strides = array<i32>} : memref<8x128xi32, #tpu.memory_space<vmem>>, vector<16xi32>,
      %mul3A_174 = arith.constant 2 : i32
      %mul3A_175 = arith.muli %scan3A_120, %mul3A_174 : i32
      %add3A_176 = arith.constant 0 : i32
      %add3A_177 = arith.addi %mul3A_175, %add3A_176 : i32
      %mul3A_178 = arith.constant 8 : i32
      %mul3A_179 = arith.muli %add3A_177, %mul3A_178 : i32
      %add3A_180 = arith.constant 0 : i32
      %add3A_181 = arith.addi %mul3A_179, %add3A_180 : i32
      %mul3A_182 = arith.constant 128 : i32
      %mul3A_183 = arith.muli %add3A_181, %mul3A_182 : i32
      %add3A_184 = arith.constant 48 : i32
      %add3A_185 = arith.addi %mul3A_183, %add3A_184 : i32
      %get3A_186 = arith.index_cast %add3A_185 : i32 to index
      %get3A_187 = tpu.vector_load %arg11[%get3A_186] {strides = array<i32>} : memref<20480xi32, #tpu.memory_space<vmem>>, vector<16xi32>,
      %swap3A_188 = arith.constant 0 : i32
      %swap3A_189 = arith.index_cast %swap3A_188 : i32 to index
      %swap3A_190 = arith.constant 48 : index
      %swap3A_191 = tpu.vector_load %arg14[%swap3A_189, %swap3A_190] {strides = array<i32>} : memref<8x128xi32, #tpu.memory_space<vmem>>, vector<16xi32>,
      tpu.vector_store %arg14[%swap3A_189, %swap3A_190], %get3A_187 {strides = array<i32>} : memref<8x128xi32, #tpu.memory_space<vmem>>, vector<16xi32>,
      %mul3A_192 = arith.constant 2 : i32
      %mul3A_193 = arith.muli %scan3A_120, %mul3A_192 : i32
      %add3A_194 = arith.constant 0 : i32
      %add3A_195 = arith.addi %mul3A_193, %add3A_194 : i32
      %mul3A_196 = arith.constant 8 : i32
      %mul3A_197 = arith.muli %add3A_195, %mul3A_196 : i32
      %add3A_198 = arith.constant 0 : i32
      %add3A_199 = arith.addi %mul3A_197, %add3A_198 : i32
      %mul3A_200 = arith.constant 128 : i32
      %mul3A_201 = arith.muli %add3A_199, %mul3A_200 : i32
      %add3A_202 = arith.constant 64 : i32
      %add3A_203 = arith.addi %mul3A_201, %add3A_202 : i32
      %get3A_204 = arith.index_cast %add3A_203 : i32 to index
      %get3A_205 = tpu.vector_load %arg11[%get3A_204] {strides = array<i32>} : memref<20480xi32, #tpu.memory_space<vmem>>, vector<16xi32>,
      %swap3A_206 = arith.constant 0 : i32
      %swap3A_207 = arith.index_cast %swap3A_206 : i32 to index
      %swap3A_208 = arith.constant 64 : index
      %swap3A_209 = tpu.vector_load %arg14[%swap3A_207, %swap3A_208] {strides = array<i32>} : memref<8x128xi32, #tpu.memory_space<vmem>>, vector<16xi32>,
      tpu.vector_store %arg14[%swap3A_207, %swap3A_208], %get3A_205 {strides = array<i32>} : memref<8x128xi32, #tpu.memory_space<vmem>>, vector<16xi32>,
      %mul3A_210 = arith.constant 2 : i32
      %mul3A_211 = arith.muli %scan3A_120, %mul3A_210 : i32
      %add3A_212 = arith.constant 0 : i32
      %add3A_213 = arith.addi %mul3A_211, %add3A_212 : i32
      %mul3A_214 = arith.constant 8 : i32
      %mul3A_215 = arith.muli %add3A_213, %mul3A_214 : i32
      %add3A_216 = arith.constant 0 : i32
      %add3A_217 = arith.addi %mul3A_215, %add3A_216 : i32
      %mul3A_218 = arith.constant 128 : i32
      %mul3A_219 = arith.muli %add3A_217, %mul3A_218 : i32
      %add3A_220 = arith.constant 80 : i32
      %add3A_221 = arith.addi %mul3A_219, %add3A_220 : i32
      %get3A_222 = arith.index_cast %add3A_221 : i32 to index
      %get3A_223 = tpu.vector_load %arg11[%get3A_222] {strides = array<i32>} : memref<20480xi32, #tpu.memory_space<vmem>>, vector<16xi32>,
      %swap3A_224 = arith.constant 0 : i32
      %swap3A_225 = arith.index_cast %swap3A_224 : i32 to index
      %swap3A_226 = arith.constant 80 : index
      %swap3A_227 = tpu.vector_load %arg14[%swap3A_225, %swap3A_226] {strides = array<i32>} : memref<8x128xi32, #tpu.memory_space<vmem>>, vector<16xi32>,
      tpu.vector_store %arg14[%swap3A_225, %swap3A_226], %get3A_223 {strides = array<i32>} : memref<8x128xi32, #tpu.memory_space<vmem>>, vector<16xi32>,
      %mul3A_228 = arith.constant 2 : i32
      %mul3A_229 = arith.muli %scan3A_120, %mul3A_228 : i32
      %add3A_230 = arith.constant 0 : i32
      %add3A_231 = arith.addi %mul3A_229, %add3A_230 : i32
      %mul3A_232 = arith.constant 8 : i32
      %mul3A_233 = arith.muli %add3A_231, %mul3A_232 : i32
      %add3A_234 = arith.constant 0 : i32
      %add3A_235 = arith.addi %mul3A_233, %add3A_234 : i32
      %mul3A_236 = arith.constant 128 : i32
      %mul3A_237 = arith.muli %add3A_235, %mul3A_236 : i32
      %add3A_238 = arith.constant 96 : i32
      %add3A_239 = arith.addi %mul3A_237, %add3A_238 : i32
      %get3A_240 = arith.index_cast %add3A_239 : i32 to index
      %get3A_241 = tpu.vector_load %arg11[%get3A_240] {strides = array<i32>} : memref<20480xi32, #tpu.memory_space<vmem>>, vector<16xi32>,
      %swap3A_242 = arith.constant 0 : i32
      %swap3A_243 = arith.index_cast %swap3A_242 : i32 to index
      %swap3A_244 = arith.constant 96 : index
      %swap3A_245 = tpu.vector_load %arg14[%swap3A_243, %swap3A_244] {strides = array<i32>} : memref<8x128xi32, #tpu.memory_space<vmem>>, vector<16xi32>,
      tpu.vector_store %arg14[%swap3A_243, %swap3A_244], %get3A_241 {strides = array<i32>} : memref<8x128xi32, #tpu.memory_space<vmem>>, vector<16xi32>,
      %mul3A_246 = arith.constant 2 : i32
      %mul3A_247 = arith.muli %scan3A_120, %mul3A_246 : i32
      %add3A_248 = arith.constant 0 : i32
      %add3A_249 = arith.addi %mul3A_247, %add3A_248 : i32
      %mul3A_250 = arith.constant 8 : i32
      %mul3A_251 = arith.muli %add3A_249, %mul3A_250 : i32
      %add3A_252 = arith.constant 0 : i32
      %add3A_253 = arith.addi %mul3A_251, %add3A_252 : i32
      %mul3A_254 = arith.constant 128 : i32
      %mul3A_255 = arith.muli %add3A_253, %mul3A_254 : i32
      %add3A_256 = arith.constant 112 : i32
      %add3A_257 = arith.addi %mul3A_255, %add3A_256 : i32
      %get3A_258 = arith.index_cast %add3A_257 : i32 to index
      %get3A_259 = tpu.vector_load %arg11[%get3A_258] {strides = array<i32>} : memref<20480xi32, #tpu.memory_space<vmem>>, vector<16xi32>,
      %swap3A_260 = arith.constant 0 : i32
      %swap3A_261 = arith.index_cast %swap3A_260 : i32 to index
      %swap3A_262 = arith.constant 112 : index
      %swap3A_263 = tpu.vector_load %arg14[%swap3A_261, %swap3A_262] {strides = array<i32>} : memref<8x128xi32, #tpu.memory_space<vmem>>, vector<16xi32>,
      tpu.vector_store %arg14[%swap3A_261, %swap3A_262], %get3A_259 {strides = array<i32>} : memref<8x128xi32, #tpu.memory_space<vmem>>, vector<16xi32>,
      %mul3A_264 = arith.constant 2 : i32
      %mul3A_265 = arith.muli %scan3A_120, %mul3A_264 : i32
      %add3A_266 = arith.constant 0 : i32
      %add3A_267 = arith.addi %mul3A_265, %add3A_266 : i32
      %mul3A_268 = arith.constant 8 : i32
      %mul3A_269 = arith.muli %add3A_267, %mul3A_268 : i32
      %add3A_270 = arith.constant 1 : i32
      %add3A_271 = arith.addi %mul3A_269, %add3A_270 : i32
      %mul3A_272 = arith.constant 128 : i32
      %mul3A_273 = arith.muli %add3A_271, %mul3A_272 : i32
      %add3A_274 = arith.constant 0 : i32
      %add3A_275 = arith.addi %mul3A_273, %add3A_274 : i32
      %get3A_276 = arith.index_cast %add3A_275 : i32 to index
      %get3A_277 = tpu.vector_load %arg11[%get3A_276] {strides = array<i32>} : memref<20480xi32, #tpu.memory_space<vmem>>, vector<16xi32>,
      %swap3A_278 = arith.constant 1 : i32
      %swap3A_279 = arith.index_cast %swap3A_278 : i32 to index
      %swap3A_280 = arith.constant 0 : index
      %swap3A_281 = tpu.vector_load %arg14[%swap3A_279, %swap3A_280] {strides = array<i32>} : memref<8x128xi32, #tpu.memory_space<vmem>>, vector<16xi32>,
      tpu.vector_store %arg14[%swap3A_279, %swap3A_280], %get3A_277 {strides = array<i32>} : memref<8x128xi32, #tpu.memory_space<vmem>>, vector<16xi32>,
      %mul3A_282 = arith.constant 2 : i32
      %mul3A_283 = arith.muli %scan3A_120, %mul3A_282 : i32
      %add3A_284 = arith.constant 0 : i32
      %add3A_285 = arith.addi %mul3A_283, %add3A_284 : i32
      %mul3A_286 = arith.constant 8 : i32
      %mul3A_287 = arith.muli %add3A_285, %mul3A_286 : i32
      %add3A_288 = arith.constant 1 : i32
      %add3A_289 = arith.addi %mul3A_287, %add3A_288 : i32
      %mul3A_290 = arith.constant 128 : i32
      %mul3A_291 = arith.muli %add3A_289, %mul3A_290 : i32
      %add3A_292 = arith.constant 16 : i32
      %add3A_293 = arith.addi %mul3A_291, %add3A_292 : i32
      %get3A_294 = arith.index_cast %add3A_293 : i32 to index
      %get3A_295 = tpu.vector_load %arg11[%get3A_294] {strides = array<i32>} : memref<20480xi32, #tpu.memory_space<vmem>>, vector<16xi32>,
      %swap3A_296 = arith.constant 1 : i32
      %swap3A_297 = arith.index_cast %swap3A_296 : i32 to index
      %swap3A_298 = arith.constant 16 : index
      %swap3A_299 = tpu.vector_load %arg14[%swap3A_297, %swap3A_298] {strides = array<i32>} : memref<8x128xi32, #tpu.memory_space<vmem>>, vector<16xi32>,
      tpu.vector_store %arg14[%swap3A_297, %swap3A_298], %get3A_295 {strides = array<i32>} : memref<8x128xi32, #tpu.memory_space<vmem>>, vector<16xi32>,
      %mul3A_300 = arith.constant 2 : i32
      %mul3A_301 = arith.muli %scan3A_120, %mul3A_300 : i32
      %add3A_302 = arith.constant 0 : i32
      %add3A_303 = arith.addi %mul3A_301, %add3A_302 : i32
      %mul3A_304 = arith.constant 8 : i32
      %mul3A_305 = arith.muli %add3A_303, %mul3A_304 : i32
      %add3A_306 = arith.constant 1 : i32
      %add3A_307 = arith.addi %mul3A_305, %add3A_306 : i32
      %mul3A_308 = arith.constant 128 : i32
      %mul3A_309 = arith.muli %add3A_307, %mul3A_308 : i32
      %add3A_310 = arith.constant 32 : i32
      %add3A_311 = arith.addi %mul3A_309, %add3A_310 : i32
      %get3A_312 = arith.index_cast %add3A_311 : i32 to index
      %get3A_313 = tpu.vector_load %arg11[%get3A_312] {strides = array<i32>} : memref<20480xi32, #tpu.memory_space<vmem>>, vector<16xi32>,
      %swap3A_314 = arith.constant 1 : i32
      %swap3A_315 = arith.index_cast %swap3A_314 : i32 to index
      %swap3A_316 = arith.constant 32 : index
      %swap3A_317 = tpu.vector_load %arg14[%swap3A_315, %swap3A_316] {strides = array<i32>} : memref<8x128xi32, #tpu.memory_space<vmem>>, vector<16xi32>,
      tpu.vector_store %arg14[%swap3A_315, %swap3A_316], %get3A_313 {strides = array<i32>} : memref<8x128xi32, #tpu.memory_space<vmem>>, vector<16xi32>,
      %mul3A_318 = arith.constant 2 : i32
      %mul3A_319 = arith.muli %scan3A_120, %mul3A_318 : i32
      %add3A_320 = arith.constant 0 : i32
      %add3A_321 = arith.addi %mul3A_319, %add3A_320 : i32
      %mul3A_322 = arith.constant 8 : i32
      %mul3A_323 = arith.muli %add3A_321, %mul3A_322 : i32
      %add3A_324 = arith.constant 1 : i32
      %add3A_325 = arith.addi %mul3A_323, %add3A_324 : i32
      %mul3A_326 = arith.constant 128 : i32
      %mul3A_327 = arith.muli %add3A_325, %mul3A_326 : i32
      %add3A_328 = arith.constant 48 : i32
      %add3A_329 = arith.addi %mul3A_327, %add3A_328 : i32
      %get3A_330 = arith.index_cast %add3A_329 : i32 to index
      %get3A_331 = tpu.vector_load %arg11[%get3A_330] {strides = array<i32>} : memref<20480xi32, #tpu.memory_space<vmem>>, vector<16xi32>,
      %swap3A_332 = arith.constant 1 : i32
      %swap3A_333 = arith.index_cast %swap3A_332 : i32 to index
      %swap3A_334 = arith.constant 48 : index
      %swap3A_335 = tpu.vector_load %arg14[%swap3A_333, %swap3A_334] {strides = array<i32>} : memref<8x128xi32, #tpu.memory_space<vmem>>, vector<16xi32>,
      tpu.vector_store %arg14[%swap3A_333, %swap3A_334], %get3A_331 {strides = array<i32>} : memref<8x128xi32, #tpu.memory_space<vmem>>, vector<16xi32>,
      %mul3A_336 = arith.constant 2 : i32
      %mul3A_337 = arith.muli %scan3A_120, %mul3A_336 : i32
      %add3A_338 = arith.constant 0 : i32
      %add3A_339 = arith.addi %mul3A_337, %add3A_338 : i32
      %mul3A_340 = arith.constant 8 : i32
      %mul3A_341 = arith.muli %add3A_339, %mul3A_340 : i32
      %add3A_342 = arith.constant 1 : i32
      %add3A_343 = arith.addi %mul3A_341, %add3A_342 : i32
      %mul3A_344 = arith.constant 128 : i32
      %mul3A_345 = arith.muli %add3A_343, %mul3A_344 : i32
      %add3A_346 = arith.constant 64 : i32
      %add3A_347 = arith.addi %mul3A_345, %add3A_346 : i32
      %get3A_348 = arith.index_cast %add3A_347 : i32 to index
      %get3A_349 = tpu.vector_load %arg11[%get3A_348] {strides = array<i32>} : memref<20480xi32, #tpu.memory_space<vmem>>, vector<16xi32>,
      %swap3A_350 = arith.constant 1 : i32
      %swap3A_351 = arith.index_cast %swap3A_350 : i32 to index
      %swap3A_352 = arith.constant 64 : index
      %swap3A_353 = tpu.vector_load %arg14[%swap3A_351, %swap3A_352] {strides = array<i32>} : memref<8x128xi32, #tpu.memory_space<vmem>>, vector<16xi32>,
      tpu.vector_store %arg14[%swap3A_351, %swap3A_352], %get3A_349 {strides = array<i32>} : memref<8x128xi32, #tpu.memory_space<vmem>>, vector<16xi32>,
      %mul3A_354 = arith.constant 2 : i32
      %mul3A_355 = arith.muli %scan3A_120, %mul3A_354 : i32
      %add3A_356 = arith.constant 0 : i32
      %add3A_357 = arith.addi %mul3A_355, %add3A_356 : i32
      %mul3A_358 = arith.constant 8 : i32
      %mul3A_359 = arith.muli %add3A_357, %mul3A_358 : i32
      %add3A_360 = arith.constant 1 : i32
      %add3A_361 = arith.addi %mul3A_359, %add3A_360 : i32
      %mul3A_362 = arith.constant 128 : i32
      %mul3A_363 = arith.muli %add3A_361, %mul3A_362 : i32
      %add3A_364 = arith.constant 80 : i32
      %add3A_365 = arith.addi %mul3A_363, %add3A_364 : i32
      %get3A_366 = arith.index_cast %add3A_365 : i32 to index
      %get3A_367 = tpu.vector_load %arg11[%get3A_366] {strides = array<i32>} : memref<20480xi32, #tpu.memory_space<vmem>>, vector<16xi32>,
      %swap3A_368 = arith.constant 1 : i32
      %swap3A_369 = arith.index_cast %swap3A_368 : i32 to index
      %swap3A_370 = arith.constant 80 : index
      %swap3A_371 = tpu.vector_load %arg14[%swap3A_369, %swap3A_370] {strides = array<i32>} : memref<8x128xi32, #tpu.memory_space<vmem>>, vector<16xi32>,
      tpu.vector_store %arg14[%swap3A_369, %swap3A_370], %get3A_367 {strides = array<i32>} : memref<8x128xi32, #tpu.memory_space<vmem>>, vector<16xi32>,
      %mul3A_372 = arith.constant 2 : i32
      %mul3A_373 = arith.muli %scan3A_120, %mul3A_372 : i32
      %add3A_374 = arith.constant 0 : i32
      %add3A_375 = arith.addi %mul3A_373, %add3A_374 : i32
      %mul3A_376 = arith.constant 8 : i32
      %mul3A_377 = arith.muli %add3A_375, %mul3A_376 : i32
      %add3A_378 = arith.constant 1 : i32
      %add3A_379 = arith.addi %mul3A_377, %add3A_378 : i32
      %mul3A_380 = arith.constant 128 : i32
      %mul3A_381 = arith.muli %add3A_379, %mul3A_380 : i32
      %add3A_382 = arith.constant 96 : i32
      %add3A_383 = arith.addi %mul3A_381, %add3A_382 : i32
      %get3A_384 = arith.index_cast %add3A_383 : i32 to index
      %get3A_385 = tpu.vector_load %arg11[%get3A_384] {strides = array<i32>} : memref<20480xi32, #tpu.memory_space<vmem>>, vector<16xi32>,
      %swap3A_386 = arith.constant 1 : i32
      %swap3A_387 = arith.index_cast %swap3A_386 : i32 to index
      %swap3A_388 = arith.constant 96 : index
      %swap3A_389 = tpu.vector_load %arg14[%swap3A_387, %swap3A_388] {strides = array<i32>} : memref<8x128xi32, #tpu.memory_space<vmem>>, vector<16xi32>,
      tpu.vector_store %arg14[%swap3A_387, %swap3A_388], %get3A_385 {strides = array<i32>} : memref<8x128xi32, #tpu.memory_space<vmem>>, vector<16xi32>,
      %mul3A_390 = arith.constant 2 : i32
      %mul3A_391 = arith.muli %scan3A_120, %mul3A_390 : i32
      %add3A_392 = arith.constant 0 : i32
      %add3A_393 = arith.addi %mul3A_391, %add3A_392 : i32
      %mul3A_394 = arith.constant 8 : i32
      %mul3A_395 = arith.muli %add3A_393, %mul3A_394 : i32
      %add3A_396 = arith.constant 1 : i32
      %add3A_397 = arith.addi %mul3A_395, %add3A_396 : i32
      %mul3A_398 = arith.constant 128 : i32
      %mul3A_399 = arith.muli %add3A_397, %mul3A_398 : i32
      %add3A_400 = arith.constant 112 : i32
      %add3A_401 = arith.addi %mul3A_399, %add3A_400 : i32
      %get3A_402 = arith.index_cast %add3A_401 : i32 to index
      %get3A_403 = tpu.vector_load %arg11[%get3A_402] {strides = array<i32>} : memref<20480xi32, #tpu.memory_space<vmem>>, vector<16xi32>,
      %swap3A_404 = arith.constant 1 : i32
      %swap3A_405 = arith.index_cast %swap3A_404 : i32 to index
      %swap3A_406 = arith.constant 112 : index
      %swap3A_407 = tpu.vector_load %arg14[%swap3A_405, %swap3A_406] {strides = array<i32>} : memref<8x128xi32, #tpu.memory_space<vmem>>, vector<16xi32>,
      tpu.vector_store %arg14[%swap3A_405, %swap3A_406], %get3A_403 {strides = array<i32>} : memref<8x128xi32, #tpu.memory_space<vmem>>, vector<16xi32>,
      %mul3A_408 = arith.constant 2 : i32
      %mul3A_409 = arith.muli %scan3A_120, %mul3A_408 : i32
      %add3A_410 = arith.constant 0 : i32
      %add3A_411 = arith.addi %mul3A_409, %add3A_410 : i32
      %mul3A_412 = arith.constant 8 : i32
      %mul3A_413 = arith.muli %add3A_411, %mul3A_412 : i32
      %add3A_414 = arith.constant 2 : i32
      %add3A_415 = arith.addi %mul3A_413, %add3A_414 : i32
      %mul3A_416 = arith.constant 128 : i32
      %mul3A_417 = arith.muli %add3A_415, %mul3A_416 : i32
      %add3A_418 = arith.constant 0 : i32
      %add3A_419 = arith.addi %mul3A_417, %add3A_418 : i32
      %get3A_420 = arith.index_cast %add3A_419 : i32 to index
      %get3A_421 = tpu.vector_load %arg11[%get3A_420] {strides = array<i32>} : memref<20480xi32, #tpu.memory_space<vmem>>, vector<16xi32>,
      %swap3A_422 = arith.constant 2 : i32
      %swap3A_423 = arith.index_cast %swap3A_422 : i32 to index
      %swap3A_424 = arith.constant 0 : index
      %swap3A_425 = tpu.vector_load %arg14[%swap3A_423, %swap3A_424] {strides = array<i32>} : memref<8x128xi32, #tpu.memory_space<vmem>>, vector<16xi32>,
      tpu.vector_store %arg14[%swap3A_423, %swap3A_424], %get3A_421 {strides = array<i32>} : memref<8x128xi32, #tpu.memory_space<vmem>>, vector<16xi32>,
      %mul3A_426 = arith.constant 2 : i32
      %mul3A_427 = arith.muli %scan3A_120, %mul3A_426 : i32
      %add3A_428 = arith.constant 0 : i32
      %add3A_429 = arith.addi %mul3A_427, %add3A_428 : i32
      %mul3A_430 = arith.constant 8 : i32
      %mul3A_431 = arith.muli %add3A_429, %mul3A_430 : i32
      %add3A_432 = arith.constant 2 : i32
      %add3A_433 = arith.addi %mul3A_431, %add3A_432 : i32
      %mul3A_434 = arith.constant 128 : i32
      %mul3A_435 = arith.muli %add3A_433, %mul3A_434 : i32
      %add3A_436 = arith.constant 16 : i32
      %add3A_437 = arith.addi %mul3A_435, %add3A_436 : i32
      %get3A_438 = arith.index_cast %add3A_437 : i32 to index
      %get3A_439 = tpu.vector_load %arg11[%get3A_438] {strides = array<i32>} : memref<20480xi32, #tpu.memory_space<vmem>>, vector<16xi32>,
      %swap3A_440 = arith.constant 2 : i32
      %swap3A_441 = arith.index_cast %swap3A_440 : i32 to index
      %swap3A_442 = arith.constant 16 : index
      %swap3A_443 = tpu.vector_load %arg14[%swap3A_441, %swap3A_442] {strides = array<i32>} : memref<8x128xi32, #tpu.memory_space<vmem>>, vector<16xi32>,
      tpu.vector_store %arg14[%swap3A_441, %swap3A_442], %get3A_439 {strides = array<i32>} : memref<8x128xi32, #tpu.memory_space<vmem>>, vector<16xi32>,
      %mul3A_444 = arith.constant 2 : i32
      %mul3A_445 = arith.muli %scan3A_120, %mul3A_444 : i32
      %add3A_446 = arith.constant 0 : i32
      %add3A_447 = arith.addi %mul3A_445, %add3A_446 : i32
      %mul3A_448 = arith.constant 8 : i32
      %mul3A_449 = arith.muli %add3A_447, %mul3A_448 : i32
      %add3A_450 = arith.constant 2 : i32
      %add3A_451 = arith.addi %mul3A_449, %add3A_450 : i32
      %mul3A_452 = arith.constant 128 : i32
      %mul3A_453 = arith.muli %add3A_451, %mul3A_452 : i32
      %add3A_454 = arith.constant 32 : i32
      %add3A_455 = arith.addi %mul3A_453, %add3A_454 : i32
      %get3A_456 = arith.index_cast %add3A_455 : i32 to index
      %get3A_457 = tpu.vector_load %arg11[%get3A_456] {strides = array<i32>} : memref<20480xi32, #tpu.memory_space<vmem>>, vector<16xi32>,
      %swap3A_458 = arith.constant 2 : i32
      %swap3A_459 = arith.index_cast %swap3A_458 : i32 to index
      %swap3A_460 = arith.constant 32 : index
      %swap3A_461 = tpu.vector_load %arg14[%swap3A_459, %swap3A_460] {strides = array<i32>} : memref<8x128xi32, #tpu.memory_space<vmem>>, vector<16xi32>,
      tpu.vector_store %arg14[%swap3A_459, %swap3A_460], %get3A_457 {strides = array<i32>} : memref<8x128xi32, #tpu.memory_space<vmem>>, vector<16xi32>,
      %mul3A_462 = arith.constant 2 : i32
      %mul3A_463 = arith.muli %scan3A_120, %mul3A_462 : i32
      %add3A_464 = arith.constant 0 : i32
      %add3A_465 = arith.addi %mul3A_463, %add3A_464 : i32
      %mul3A_466 = arith.constant 8 : i32
      %mul3A_467 = arith.muli %add3A_465, %mul3A_466 : i32
      %add3A_468 = arith.constant 2 : i32
      %add3A_469 = arith.addi %mul3A_467, %add3A_468 : i32
      %mul3A_470 = arith.constant 128 : i32
      %mul3A_471 = arith.muli %add3A_469, %mul3A_470 : i32
      %add3A_472 = arith.constant 48 : i32
      %add3A_473 = arith.addi %mul3A_471, %add3A_472 : i32
      %get3A_474 = arith.index_cast %add3A_473 : i32 to index
      %get3A_475 = tpu.vector_load %arg11[%get3A_474] {strides = array<i32>} : memref<20480xi32, #tpu.memory_space<vmem>>, vector<16xi32>,
      %swap3A_476 = arith.constant 2 : i32
      %swap3A_477 = arith.index_cast %swap3A_476 : i32 to index
      %swap3A_478 = arith.constant 48 : index
      %swap3A_479 = tpu.vector_load %arg14[%swap3A_477, %swap3A_478] {strides = array<i32>} : memref<8x128xi32, #tpu.memory_space<vmem>>, vector<16xi32>,
      tpu.vector_store %arg14[%swap3A_477, %swap3A_478], %get3A_475 {strides = array<i32>} : memref<8x128xi32, #tpu.memory_space<vmem>>, vector<16xi32>,
      %mul3A_480 = arith.constant 2 : i32
      %mul3A_481 = arith.muli %scan3A_120, %mul3A_480 : i32
      %add3A_482 = arith.constant 0 : i32
      %add3A_483 = arith.addi %mul3A_481, %add3A_482 : i32
      %mul3A_484 = arith.constant 8 : i32
      %mul3A_485 = arith.muli %add3A_483, %mul3A_484 : i32
      %add3A_486 = arith.constant 2 : i32
      %add3A_487 = arith.addi %mul3A_485, %add3A_486 : i32
      %mul3A_488 = arith.constant 128 : i32
      %mul3A_489 = arith.muli %add3A_487, %mul3A_488 : i32
      %add3A_490 = arith.constant 64 : i32
      %add3A_491 = arith.addi %mul3A_489, %add3A_490 : i32
      %get3A_492 = arith.index_cast %add3A_491 : i32 to index
      %get3A_493 = tpu.vector_load %arg11[%get3A_492] {strides = array<i32>} : memref<20480xi32, #tpu.memory_space<vmem>>, vector<16xi32>,
      %swap3A_494 = arith.constant 2 : i32
      %swap3A_495 = arith.index_cast %swap3A_494 : i32 to index
      %swap3A_496 = arith.constant 64 : index
      %swap3A_497 = tpu.vector_load %arg14[%swap3A_495, %swap3A_496] {strides = array<i32>} : memref<8x128xi32, #tpu.memory_space<vmem>>, vector<16xi32>,
      tpu.vector_store %arg14[%swap3A_495, %swap3A_496], %get3A_493 {strides = array<i32>} : memref<8x128xi32, #tpu.memory_space<vmem>>, vector<16xi32>,
      %mul3A_498 = arith.constant 2 : i32
      %mul3A_499 = arith.muli %scan3A_120, %mul3A_498 : i32
      %add3A_500 = arith.constant 0 : i32
      %add3A_501 = arith.addi %mul3A_499, %add3A_500 : i32
      %mul3A_502 = arith.constant 8 : i32
      %mul3A_503 = arith.muli %add3A_501, %mul3A_502 : i32
      %add3A_504 = arith.constant 2 : i32
      %add3A_505 = arith.addi %mul3A_503, %add3A_504 : i32
      %mul3A_506 = arith.constant 128 : i32
      %mul3A_507 = arith.muli %add3A_505, %mul3A_506 : i32
      %add3A_508 = arith.constant 80 : i32
      %add3A_509 = arith.addi %mul3A_507, %add3A_508 : i32
      %get3A_510 = arith.index_cast %add3A_509 : i32 to index
      %get3A_511 = tpu.vector_load %arg11[%get3A_510] {strides = array<i32>} : memref<20480xi32, #tpu.memory_space<vmem>>, vector<16xi32>,
      %swap3A_512 = arith.constant 2 : i32
      %swap3A_513 = arith.index_cast %swap3A_512 : i32 to index
      %swap3A_514 = arith.constant 80 : index
      %swap3A_515 = tpu.vector_load %arg14[%swap3A_513, %swap3A_514] {strides = array<i32>} : memref<8x128xi32, #tpu.memory_space<vmem>>, vector<16xi32>,
      tpu.vector_store %arg14[%swap3A_513, %swap3A_514], %get3A_511 {strides = array<i32>} : memref<8x128xi32, #tpu.memory_space<vmem>>, vector<16xi32>,
      %mul3A_516 = arith.constant 2 : i32
      %mul3A_517 = arith.muli %scan3A_120, %mul3A_516 : i32
      %add3A_518 = arith.constant 0 : i32
      %add3A_519 = arith.addi %mul3A_517, %add3A_518 : i32
      %mul3A_520 = arith.constant 8 : i32
      %mul3A_521 = arith.muli %add3A_519, %mul3A_520 : i32
      %add3A_522 = arith.constant 2 : i32
      %add3A_523 = arith.addi %mul3A_521, %add3A_522 : i32
      %mul3A_524 = arith.constant 128 : i32
      %mul3A_525 = arith.muli %add3A_523, %mul3A_524 : i32
      %add3A_526 = arith.constant 96 : i32
      %add3A_527 = arith.addi %mul3A_525, %add3A_526 : i32
      %get3A_528 = arith.index_cast %add3A_527 : i32 to index
      %get3A_529 = tpu.vector_load %arg11[%get3A_528] {strides = array<i32>} : memref<20480xi32, #tpu.memory_space<vmem>>, vector<16xi32>,
      %swap3A_530 = arith.constant 2 : i32
      %swap3A_531 = arith.index_cast %swap3A_530 : i32 to index
      %swap3A_532 = arith.constant 96 : index
      %swap3A_533 = tpu.vector_load %arg14[%swap3A_531, %swap3A_532] {strides = array<i32>} : memref<8x128xi32, #tpu.memory_space<vmem>>, vector<16xi32>,
      tpu.vector_store %arg14[%swap3A_531, %swap3A_532], %get3A_529 {strides = array<i32>} : memref<8x128xi32, #tpu.memory_space<vmem>>, vector<16xi32>,
      %mul3A_534 = arith.constant 2 : i32
      %mul3A_535 = arith.muli %scan3A_120, %mul3A_534 : i32
      %add3A_536 = arith.constant 0 : i32
      %add3A_537 = arith.addi %mul3A_535, %add3A_536 : i32
      %mul3A_538 = arith.constant 8 : i32
      %mul3A_539 = arith.muli %add3A_537, %mul3A_538 : i32
      %add3A_540 = arith.constant 2 : i32
      %add3A_541 = arith.addi %mul3A_539, %add3A_540 : i32
      %mul3A_542 = arith.constant 128 : i32
      %mul3A_543 = arith.muli %add3A_541, %mul3A_542 : i32
      %add3A_544 = arith.constant 112 : i32
      %add3A_545 = arith.addi %mul3A_543, %add3A_544 : i32
      %get3A_546 = arith.index_cast %add3A_545 : i32 to index
      %get3A_547 = tpu.vector_load %arg11[%get3A_546] {strides = array<i32>} : memref<20480xi32, #tpu.memory_space<vmem>>, vector<16xi32>,
      %swap3A_548 = arith.constant 2 : i32
      %swap3A_549 = arith.index_cast %swap3A_548 : i32 to index
      %swap3A_550 = arith.constant 112 : index
      %swap3A_551 = tpu.vector_load %arg14[%swap3A_549, %swap3A_550] {strides = array<i32>} : memref<8x128xi32, #tpu.memory_space<vmem>>, vector<16xi32>,
      tpu.vector_store %arg14[%swap3A_549, %swap3A_550], %get3A_547 {strides = array<i32>} : memref<8x128xi32, #tpu.memory_space<vmem>>, vector<16xi32>,
      %mul3A_552 = arith.constant 2 : i32
      %mul3A_553 = arith.muli %scan3A_120, %mul3A_552 : i32
      %add3A_554 = arith.constant 0 : i32
      %add3A_555 = arith.addi %mul3A_553, %add3A_554 : i32
      %mul3A_556 = arith.constant 8 : i32
      %mul3A_557 = arith.muli %add3A_555, %mul3A_556 : i32
      %add3A_558 = arith.constant 3 : i32
      %add3A_559 = arith.addi %mul3A_557, %add3A_558 : i32
      %mul3A_560 = arith.constant 128 : i32
      %mul3A_561 = arith.muli %add3A_559, %mul3A_560 : i32
      %add3A_562 = arith.constant 0 : i32
      %add3A_563 = arith.addi %mul3A_561, %add3A_562 : i32
      %get3A_564 = arith.index_cast %add3A_563 : i32 to index
      %get3A_565 = tpu.vector_load %arg11[%get3A_564] {strides = array<i32>} : memref<20480xi32, #tpu.memory_space<vmem>>, vector<16xi32>,
      %swap3A_566 = arith.constant 3 : i32
      %swap3A_567 = arith.index_cast %swap3A_566 : i32 to index
      %swap3A_568 = arith.constant 0 : index
      %swap3A_569 = tpu.vector_load %arg14[%swap3A_567, %swap3A_568] {strides = array<i32>} : memref<8x128xi32, #tpu.memory_space<vmem>>, vector<16xi32>,
      tpu.vector_store %arg14[%swap3A_567, %swap3A_568], %get3A_565 {strides = array<i32>} : memref<8x128xi32, #tpu.memory_space<vmem>>, vector<16xi32>,
      %mul3A_570 = arith.constant 2 : i32
      %mul3A_571 = arith.muli %scan3A_120, %mul3A_570 : i32
      %add3A_572 = arith.constant 0 : i32
      %add3A_573 = arith.addi %mul3A_571, %add3A_572 : i32
      %mul3A_574 = arith.constant 8 : i32
      %mul3A_575 = arith.muli %add3A_573, %mul3A_574 : i32
      %add3A_576 = arith.constant 3 : i32
      %add3A_577 = arith.addi %mul3A_575, %add3A_576 : i32
      %mul3A_578 = arith.constant 128 : i32
      %mul3A_579 = arith.muli %add3A_577, %mul3A_578 : i32
      %add3A_580 = arith.constant 16 : i32
      %add3A_581 = arith.addi %mul3A_579, %add3A_580 : i32
      %get3A_582 = arith.index_cast %add3A_581 : i32 to index
      %get3A_583 = tpu.vector_load %arg11[%get3A_582] {strides = array<i32>} : memref<20480xi32, #tpu.memory_space<vmem>>, vector<16xi32>,
      %swap3A_584 = arith.constant 3 : i32
      %swap3A_585 = arith.index_cast %swap3A_584 : i32 to index
      %swap3A_586 = arith.constant 16 : index
      %swap3A_587 = tpu.vector_load %arg14[%swap3A_585, %swap3A_586] {strides = array<i32>} : memref<8x128xi32, #tpu.memory_space<vmem>>, vector<16xi32>,
      tpu.vector_store %arg14[%swap3A_585, %swap3A_586], %get3A_583 {strides = array<i32>} : memref<8x128xi32, #tpu.memory_space<vmem>>, vector<16xi32>,
      %mul3A_588 = arith.constant 2 : i32
      %mul3A_589 = arith.muli %scan3A_120, %mul3A_588 : i32
      %add3A_590 = arith.constant 0 : i32
      %add3A_591 = arith.addi %mul3A_589, %add3A_590 : i32
      %mul3A_592 = arith.constant 8 : i32
      %mul3A_593 = arith.muli %add3A_591, %mul3A_592 : i32
      %add3A_594 = arith.constant 3 : i32
      %add3A_595 = arith.addi %mul3A_593, %add3A_594 : i32
      %mul3A_596 = arith.constant 128 : i32
      %mul3A_597 = arith.muli %add3A_595, %mul3A_596 : i32
      %add3A_598 = arith.constant 32 : i32
      %add3A_599 = arith.addi %mul3A_597, %add3A_598 : i32
      %get3A_600 = arith.index_cast %add3A_599 : i32 to index
      %get3A_601 = tpu.vector_load %arg11[%get3A_600] {strides = array<i32>} : memref<20480xi32, #tpu.memory_space<vmem>>, vector<16xi32>,
      %swap3A_602 = arith.constant 3 : i32
      %swap3A_603 = arith.index_cast %swap3A_602 : i32 to index
      %swap3A_604 = arith.constant 32 : index
      %swap3A_605 = tpu.vector_load %arg14[%swap3A_603, %swap3A_604] {strides = array<i32>} : memref<8x128xi32, #tpu.memory_space<vmem>>, vector<16xi32>,
      tpu.vector_store %arg14[%swap3A_603, %swap3A_604], %get3A_601 {strides = array<i32>} : memref<8x128xi32, #tpu.memory_space<vmem>>, vector<16xi32>,
      %mul3A_606 = arith.constant 2 : i32
      %mul3A_607 = arith.muli %scan3A_120, %mul3A_606 : i32
      %add3A_608 = arith.constant 0 : i32
      %add3A_609 = arith.addi %mul3A_607, %add3A_608 : i32
      %mul3A_610 = arith.constant 8 : i32
      %mul3A_611 = arith.muli %add3A_609, %mul3A_610 : i32
      %add3A_612 = arith.constant 3 : i32
      %add3A_613 = arith.addi %mul3A_611, %add3A_612 : i32
      %mul3A_614 = arith.constant 128 : i32
      %mul3A_615 = arith.muli %add3A_613, %mul3A_614 : i32
      %add3A_616 = arith.constant 48 : i32
      %add3A_617 = arith.addi %mul3A_615, %add3A_616 : i32
      %get3A_618 = arith.index_cast %add3A_617 : i32 to index
      %get3A_619 = tpu.vector_load %arg11[%get3A_618] {strides = array<i32>} : memref<20480xi32, #tpu.memory_space<vmem>>, vector<16xi32>,
      %swap3A_620 = arith.constant 3 : i32
      %swap3A_621 = arith.index_cast %swap3A_620 : i32 to index
      %swap3A_622 = arith.constant 48 : index
      %swap3A_623 = tpu.vector_load %arg14[%swap3A_621, %swap3A_622] {strides = array<i32>} : memref<8x128xi32, #tpu.memory_space<vmem>>, vector<16xi32>,
      tpu.vector_store %arg14[%swap3A_621, %swap3A_622], %get3A_619 {strides = array<i32>} : memref<8x128xi32, #tpu.memory_space<vmem>>, vector<16xi32>,
      %mul3A_624 = arith.constant 2 : i32
      %mul3A_625 = arith.muli %scan3A_120, %mul3A_624 : i32
      %add3A_626 = arith.constant 0 : i32
      %add3A_627 = arith.addi %mul3A_625, %add3A_626 : i32
      %mul3A_628 = arith.constant 8 : i32
      %mul3A_629 = arith.muli %add3A_627, %mul3A_628 : i32
      %add3A_630 = arith.constant 3 : i32
      %add3A_631 = arith.addi %mul3A_629, %add3A_630 : i32
      %mul3A_632 = arith.constant 128 : i32
      %mul3A_633 = arith.muli %add3A_631, %mul3A_632 : i32
      %add3A_634 = arith.constant 64 : i32
      %add3A_635 = arith.addi %mul3A_633, %add3A_634 : i32
      %get3A_636 = arith.index_cast %add3A_635 : i32 to index
      %get3A_637 = tpu.vector_load %arg11[%get3A_636] {strides = array<i32>} : memref<20480xi32, #tpu.memory_space<vmem>>, vector<16xi32>,
      %swap3A_638 = arith.constant 3 : i32
      %swap3A_639 = arith.index_cast %swap3A_638 : i32 to index
      %swap3A_640 = arith.constant 64 : index
      %swap3A_641 = tpu.vector_load %arg14[%swap3A_639, %swap3A_640] {strides = array<i32>} : memref<8x128xi32, #tpu.memory_space<vmem>>, vector<16xi32>,
      tpu.vector_store %arg14[%swap3A_639, %swap3A_640], %get3A_637 {strides = array<i32>} : memref<8x128xi32, #tpu.memory_space<vmem>>, vector<16xi32>,
      %mul3A_642 = arith.constant 2 : i32
      %mul3A_643 = arith.muli %scan3A_120, %mul3A_642 : i32
      %add3A_644 = arith.constant 0 : i32
      %add3A_645 = arith.addi %mul3A_643, %add3A_644 : i32
      %mul3A_646 = arith.constant 8 : i32
      %mul3A_647 = arith.muli %add3A_645, %mul3A_646 : i32
      %add3A_648 = arith.constant 3 : i32
      %add3A_649 = arith.addi %mul3A_647, %add3A_648 : i32
      %mul3A_650 = arith.constant 128 : i32
      %mul3A_651 = arith.muli %add3A_649, %mul3A_650 : i32
      %add3A_652 = arith.constant 80 : i32
      %add3A_653 = arith.addi %mul3A_651, %add3A_652 : i32
      %get3A_654 = arith.index_cast %add3A_653 : i32 to index
      %get3A_655 = tpu.vector_load %arg11[%get3A_654] {strides = array<i32>} : memref<20480xi32, #tpu.memory_space<vmem>>, vector<16xi32>,
      %swap3A_656 = arith.constant 3 : i32
      %swap3A_657 = arith.index_cast %swap3A_656 : i32 to index
      %swap3A_658 = arith.constant 80 : index
      %swap3A_659 = tpu.vector_load %arg14[%swap3A_657, %swap3A_658] {strides = array<i32>} : memref<8x128xi32, #tpu.memory_space<vmem>>, vector<16xi32>,
      tpu.vector_store %arg14[%swap3A_657, %swap3A_658], %get3A_655 {strides = array<i32>} : memref<8x128xi32, #tpu.memory_space<vmem>>, vector<16xi32>,
      %mul3A_660 = arith.constant 2 : i32
      %mul3A_661 = arith.muli %scan3A_120, %mul3A_660 : i32
      %add3A_662 = arith.constant 0 : i32
      %add3A_663 = arith.addi %mul3A_661, %add3A_662 : i32
      %mul3A_664 = arith.constant 8 : i32
      %mul3A_665 = arith.muli %add3A_663, %mul3A_664 : i32
      %add3A_666 = arith.constant 3 : i32
      %add3A_667 = arith.addi %mul3A_665, %add3A_666 : i32
      %mul3A_668 = arith.constant 128 : i32
      %mul3A_669 = arith.muli %add3A_667, %mul3A_668 : i32
      %add3A_670 = arith.constant 96 : i32
      %add3A_671 = arith.addi %mul3A_669, %add3A_670 : i32
      %get3A_672 = arith.index_cast %add3A_671 : i32 to index
      %get3A_673 = tpu.vector_load %arg11[%get3A_672] {strides = array<i32>} : memref<20480xi32, #tpu.memory_space<vmem>>, vector<16xi32>,
      %swap3A_674 = arith.constant 3 : i32
      %swap3A_675 = arith.index_cast %swap3A_674 : i32 to index
      %swap3A_676 = arith.constant 96 : index
      %swap3A_677 = tpu.vector_load %arg14[%swap3A_675, %swap3A_676] {strides = array<i32>} : memref<8x128xi32, #tpu.memory_space<vmem>>, vector<16xi32>,
      tpu.vector_store %arg14[%swap3A_675, %swap3A_676], %get3A_673 {strides = array<i32>} : memref<8x128xi32, #tpu.memory_space<vmem>>, vector<16xi32>,
      %mul3A_678 = arith.constant 2 : i32
      %mul3A_679 = arith.muli %scan3A_120, %mul3A_678 : i32
      %add3A_680 = arith.constant 0 : i32
      %add3A_681 = arith.addi %mul3A_679, %add3A_680 : i32
      %mul3A_682 = arith.constant 8 : i32
      %mul3A_683 = arith.muli %add3A_681, %mul3A_682 : i32
      %add3A_684 = arith.constant 3 : i32
      %add3A_685 = arith.addi %mul3A_683, %add3A_684 : i32
      %mul3A_686 = arith.constant 128 : i32
      %mul3A_687 = arith.muli %add3A_685, %mul3A_686 : i32
      %add3A_688 = arith.constant 112 : i32
      %add3A_689 = arith.addi %mul3A_687, %add3A_688 : i32
      %get3A_690 = arith.index_cast %add3A_689 : i32 to index
      %get3A_691 = tpu.vector_load %arg11[%get3A_690] {strides = array<i32>} : memref<20480xi32, #tpu.memory_space<vmem>>, vector<16xi32>,
      %swap3A_692 = arith.constant 3 : i32
      %swap3A_693 = arith.index_cast %swap3A_692 : i32 to index
      %swap3A_694 = arith.constant 112 : index
      %swap3A_695 = tpu.vector_load %arg14[%swap3A_693, %swap3A_694] {strides = array<i32>} : memref<8x128xi32, #tpu.memory_space<vmem>>, vector<16xi32>,
      tpu.vector_store %arg14[%swap3A_693, %swap3A_694], %get3A_691 {strides = array<i32>} : memref<8x128xi32, #tpu.memory_space<vmem>>, vector<16xi32>,
      %mul3A_696 = arith.constant 2 : i32
      %mul3A_697 = arith.muli %scan3A_120, %mul3A_696 : i32
      %add3A_698 = arith.constant 0 : i32
      %add3A_699 = arith.addi %mul3A_697, %add3A_698 : i32
      %mul3A_700 = arith.constant 8 : i32
      %mul3A_701 = arith.muli %add3A_699, %mul3A_700 : i32
      %add3A_702 = arith.constant 4 : i32
      %add3A_703 = arith.addi %mul3A_701, %add3A_702 : i32
      %mul3A_704 = arith.constant 128 : i32
      %mul3A_705 = arith.muli %add3A_703, %mul3A_704 : i32
      %add3A_706 = arith.constant 0 : i32
      %add3A_707 = arith.addi %mul3A_705, %add3A_706 : i32
      %get3A_708 = arith.index_cast %add3A_707 : i32 to index
      %get3A_709 = tpu.vector_load %arg11[%get3A_708] {strides = array<i32>} : memref<20480xi32, #tpu.memory_space<vmem>>, vector<16xi32>,
      %swap3A_710 = arith.constant 4 : i32
      %swap3A_711 = arith.index_cast %swap3A_710 : i32 to index
      %swap3A_712 = arith.constant 0 : index
      %swap3A_713 = tpu.vector_load %arg14[%swap3A_711, %swap3A_712] {strides = array<i32>} : memref<8x128xi32, #tpu.memory_space<vmem>>, vector<16xi32>,
      tpu.vector_store %arg14[%swap3A_711, %swap3A_712], %get3A_709 {strides = array<i32>} : memref<8x128xi32, #tpu.memory_space<vmem>>, vector<16xi32>,
      %mul3A_714 = arith.constant 2 : i32
      %mul3A_715 = arith.muli %scan3A_120, %mul3A_714 : i32
      %add3A_716 = arith.constant 0 : i32
      %add3A_717 = arith.addi %mul3A_715, %add3A_716 : i32
      %mul3A_718 = arith.constant 8 : i32
      %mul3A_719 = arith.muli %add3A_717, %mul3A_718 : i32
      %add3A_720 = arith.constant 4 : i32
      %add3A_721 = arith.addi %mul3A_719, %add3A_720 : i32
      %mul3A_722 = arith.constant 128 : i32
      %mul3A_723 = arith.muli %add3A_721, %mul3A_722 : i32
      %add3A_724 = arith.constant 16 : i32
      %add3A_725 = arith.addi %mul3A_723, %add3A_724 : i32
      %get3A_726 = arith.index_cast %add3A_725 : i32 to index
      %get3A_727 = tpu.vector_load %arg11[%get3A_726] {strides = array<i32>} : memref<20480xi32, #tpu.memory_space<vmem>>, vector<16xi32>,
      %swap3A_728 = arith.constant 4 : i32
      %swap3A_729 = arith.index_cast %swap3A_728 : i32 to index
      %swap3A_730 = arith.constant 16 : index
      %swap3A_731 = tpu.vector_load %arg14[%swap3A_729, %swap3A_730] {strides = array<i32>} : memref<8x128xi32, #tpu.memory_space<vmem>>, vector<16xi32>,
      tpu.vector_store %arg14[%swap3A_729, %swap3A_730], %get3A_727 {strides = array<i32>} : memref<8x128xi32, #tpu.memory_space<vmem>>, vector<16xi32>,
      %mul3A_732 = arith.constant 2 : i32
      %mul3A_733 = arith.muli %scan3A_120, %mul3A_732 : i32
      %add3A_734 = arith.constant 0 : i32
      %add3A_735 = arith.addi %mul3A_733, %add3A_734 : i32
      %mul3A_736 = arith.constant 8 : i32
      %mul3A_737 = arith.muli %add3A_735, %mul3A_736 : i32
      %add3A_738 = arith.constant 4 : i32
      %add3A_739 = arith.addi %mul3A_737, %add3A_738 : i32
      %mul3A_740 = arith.constant 128 : i32
      %mul3A_741 = arith.muli %add3A_739, %mul3A_740 : i32
      %add3A_742 = arith.constant 32 : i32
      %add3A_743 = arith.addi %mul3A_741, %add3A_742 : i32
      %get3A_744 = arith.index_cast %add3A_743 : i32 to index
      %get3A_745 = tpu.vector_load %arg11[%get3A_744] {strides = array<i32>} : memref<20480xi32, #tpu.memory_space<vmem>>, vector<16xi32>,
      %swap3A_746 = arith.constant 4 : i32
      %swap3A_747 = arith.index_cast %swap3A_746 : i32 to index
      %swap3A_748 = arith.constant 32 : index
      %swap3A_749 = tpu.vector_load %arg14[%swap3A_747, %swap3A_748] {strides = array<i32>} : memref<8x128xi32, #tpu.memory_space<vmem>>, vector<16xi32>,
      tpu.vector_store %arg14[%swap3A_747, %swap3A_748], %get3A_745 {strides = array<i32>} : memref<8x128xi32, #tpu.memory_space<vmem>>, vector<16xi32>,
      %mul3A_750 = arith.constant 2 : i32
      %mul3A_751 = arith.muli %scan3A_120, %mul3A_750 : i32
      %add3A_752 = arith.constant 0 : i32
      %add3A_753 = arith.addi %mul3A_751, %add3A_752 : i32
      %mul3A_754 = arith.constant 8 : i32
      %mul3A_755 = arith.muli %add3A_753, %mul3A_754 : i32
      %add3A_756 = arith.constant 4 : i32
      %add3A_757 = arith.addi %mul3A_755, %add3A_756 : i32
      %mul3A_758 = arith.constant 128 : i32
      %mul3A_759 = arith.muli %add3A_757, %mul3A_758 : i32
      %add3A_760 = arith.constant 48 : i32
      %add3A_761 = arith.addi %mul3A_759, %add3A_760 : i32
      %get3A_762 = arith.index_cast %add3A_761 : i32 to index
      %get3A_763 = tpu.vector_load %arg11[%get3A_762] {strides = array<i32>} : memref<20480xi32, #tpu.memory_space<vmem>>, vector<16xi32>,
      %swap3A_764 = arith.constant 4 : i32
      %swap3A_765 = arith.index_cast %swap3A_764 : i32 to index
      %swap3A_766 = arith.constant 48 : index
      %swap3A_767 = tpu.vector_load %arg14[%swap3A_765, %swap3A_766] {strides = array<i32>} : memref<8x128xi32, #tpu.memory_space<vmem>>, vector<16xi32>,
      tpu.vector_store %arg14[%swap3A_765, %swap3A_766], %get3A_763 {strides = array<i32>} : memref<8x128xi32, #tpu.memory_space<vmem>>, vector<16xi32>,
      %mul3A_768 = arith.constant 2 : i32
      %mul3A_769 = arith.muli %scan3A_120, %mul3A_768 : i32
      %add3A_770 = arith.constant 0 : i32
      %add3A_771 = arith.addi %mul3A_769, %add3A_770 : i32
      %mul3A_772 = arith.constant 8 : i32
      %mul3A_773 = arith.muli %add3A_771, %mul3A_772 : i32
      %add3A_774 = arith.constant 4 : i32
      %add3A_775 = arith.addi %mul3A_773, %add3A_774 : i32
      %mul3A_776 = arith.constant 128 : i32
      %mul3A_777 = arith.muli %add3A_775, %mul3A_776 : i32
      %add3A_778 = arith.constant 64 : i32
      %add3A_779 = arith.addi %mul3A_777, %add3A_778 : i32
      %get3A_780 = arith.index_cast %add3A_779 : i32 to index
      %get3A_781 = tpu.vector_load %arg11[%get3A_780] {strides = array<i32>} : memref<20480xi32, #tpu.memory_space<vmem>>, vector<16xi32>,
      %swap3A_782 = arith.constant 4 : i32
      %swap3A_783 = arith.index_cast %swap3A_782 : i32 to index
      %swap3A_784 = arith.constant 64 : index
      %swap3A_785 = tpu.vector_load %arg14[%swap3A_783, %swap3A_784] {strides = array<i32>} : memref<8x128xi32, #tpu.memory_space<vmem>>, vector<16xi32>,
      tpu.vector_store %arg14[%swap3A_783, %swap3A_784], %get3A_781 {strides = array<i32>} : memref<8x128xi32, #tpu.memory_space<vmem>>, vector<16xi32>,
      %mul3A_786 = arith.constant 2 : i32
      %mul3A_787 = arith.muli %scan3A_120, %mul3A_786 : i32
      %add3A_788 = arith.constant 0 : i32
      %add3A_789 = arith.addi %mul3A_787, %add3A_788 : i32
      %mul3A_790 = arith.constant 8 : i32
      %mul3A_791 = arith.muli %add3A_789, %mul3A_790 : i32
      %add3A_792 = arith.constant 4 : i32
      %add3A_793 = arith.addi %mul3A_791, %add3A_792 : i32
      %mul3A_794 = arith.constant 128 : i32
      %mul3A_795 = arith.muli %add3A_793, %mul3A_794 : i32
      %add3A_796 = arith.constant 80 : i32
      %add3A_797 = arith.addi %mul3A_795, %add3A_796 : i32
      %get3A_798 = arith.index_cast %add3A_797 : i32 to index
      %get3A_799 = tpu.vector_load %arg11[%get3A_798] {strides = array<i32>} : memref<20480xi32, #tpu.memory_space<vmem>>, vector<16xi32>,
      %swap3A_800 = arith.constant 4 : i32
      %swap3A_801 = arith.index_cast %swap3A_800 : i32 to index
      %swap3A_802 = arith.constant 80 : index
      %swap3A_803 = tpu.vector_load %arg14[%swap3A_801, %swap3A_802] {strides = array<i32>} : memref<8x128xi32, #tpu.memory_space<vmem>>, vector<16xi32>,
      tpu.vector_store %arg14[%swap3A_801, %swap3A_802], %get3A_799 {strides = array<i32>} : memref<8x128xi32, #tpu.memory_space<vmem>>, vector<16xi32>,
      %mul3A_804 = arith.constant 2 : i32
      %mul3A_805 = arith.muli %scan3A_120, %mul3A_804 : i32
      %add3A_806 = arith.constant 0 : i32
      %add3A_807 = arith.addi %mul3A_805, %add3A_806 : i32
      %mul3A_808 = arith.constant 8 : i32
      %mul3A_809 = arith.muli %add3A_807, %mul3A_808 : i32
      %add3A_810 = arith.constant 4 : i32
      %add3A_811 = arith.addi %mul3A_809, %add3A_810 : i32
      %mul3A_812 = arith.constant 128 : i32
      %mul3A_813 = arith.muli %add3A_811, %mul3A_812 : i32
      %add3A_814 = arith.constant 96 : i32
      %add3A_815 = arith.addi %mul3A_813, %add3A_814 : i32
      %get3A_816 = arith.index_cast %add3A_815 : i32 to index
      %get3A_817 = tpu.vector_load %arg11[%get3A_816] {strides = array<i32>} : memref<20480xi32, #tpu.memory_space<vmem>>, vector<16xi32>,
      %swap3A_818 = arith.constant 4 : i32
      %swap3A_819 = arith.index_cast %swap3A_818 : i32 to index
      %swap3A_820 = arith.constant 96 : index
      %swap3A_821 = tpu.vector_load %arg14[%swap3A_819, %swap3A_820] {strides = array<i32>} : memref<8x128xi32, #tpu.memory_space<vmem>>, vector<16xi32>,
      tpu.vector_store %arg14[%swap3A_819, %swap3A_820], %get3A_817 {strides = array<i32>} : memref<8x128xi32, #tpu.memory_space<vmem>>, vector<16xi32>,
      %mul3A_822 = arith.constant 2 : i32
      %mul3A_823 = arith.muli %scan3A_120, %mul3A_822 : i32
      %add3A_824 = arith.constant 0 : i32
      %add3A_825 = arith.addi %mul3A_823, %add3A_824 : i32
      %mul3A_826 = arith.constant 8 : i32
      %mul3A_827 = arith.muli %add3A_825, %mul3A_826 : i32
      %add3A_828 = arith.constant 4 : i32
      %add3A_829 = arith.addi %mul3A_827, %add3A_828 : i32
      %mul3A_830 = arith.constant 128 : i32
      %mul3A_831 = arith.muli %add3A_829, %mul3A_830 : i32
      %add3A_832 = arith.constant 112 : i32
      %add3A_833 = arith.addi %mul3A_831, %add3A_832 : i32
      %get3A_834 = arith.index_cast %add3A_833 : i32 to index
      %get3A_835 = tpu.vector_load %arg11[%get3A_834] {strides = array<i32>} : memref<20480xi32, #tpu.memory_space<vmem>>, vector<16xi32>,
      %swap3A_836 = arith.constant 4 : i32
      %swap3A_837 = arith.index_cast %swap3A_836 : i32 to index
      %swap3A_838 = arith.constant 112 : index
      %swap3A_839 = tpu.vector_load %arg14[%swap3A_837, %swap3A_838] {strides = array<i32>} : memref<8x128xi32, #tpu.memory_space<vmem>>, vector<16xi32>,
      tpu.vector_store %arg14[%swap3A_837, %swap3A_838], %get3A_835 {strides = array<i32>} : memref<8x128xi32, #tpu.memory_space<vmem>>, vector<16xi32>,
      %mul3A_840 = arith.constant 2 : i32
      %mul3A_841 = arith.muli %scan3A_120, %mul3A_840 : i32
      %add3A_842 = arith.constant 0 : i32
      %add3A_843 = arith.addi %mul3A_841, %add3A_842 : i32
      %mul3A_844 = arith.constant 8 : i32
      %mul3A_845 = arith.muli %add3A_843, %mul3A_844 : i32
      %add3A_846 = arith.constant 5 : i32
      %add3A_847 = arith.addi %mul3A_845, %add3A_846 : i32
      %mul3A_848 = arith.constant 128 : i32
      %mul3A_849 = arith.muli %add3A_847, %mul3A_848 : i32
      %add3A_850 = arith.constant 0 : i32
      %add3A_851 = arith.addi %mul3A_849, %add3A_850 : i32
      %get3A_852 = arith.index_cast %add3A_851 : i32 to index
      %get3A_853 = tpu.vector_load %arg11[%get3A_852] {strides = array<i32>} : memref<20480xi32, #tpu.memory_space<vmem>>, vector<16xi32>,
      %swap3A_854 = arith.constant 5 : i32
      %swap3A_855 = arith.index_cast %swap3A_854 : i32 to index
      %swap3A_856 = arith.constant 0 : index
      %swap3A_857 = tpu.vector_load %arg14[%swap3A_855, %swap3A_856] {strides = array<i32>} : memref<8x128xi32, #tpu.memory_space<vmem>>, vector<16xi32>,
      tpu.vector_store %arg14[%swap3A_855, %swap3A_856], %get3A_853 {strides = array<i32>} : memref<8x128xi32, #tpu.memory_space<vmem>>, vector<16xi32>,
      %mul3A_858 = arith.constant 2 : i32
      %mul3A_859 = arith.muli %scan3A_120, %mul3A_858 : i32
      %add3A_860 = arith.constant 0 : i32
      %add3A_861 = arith.addi %mul3A_859, %add3A_860 : i32
      %mul3A_862 = arith.constant 8 : i32
      %mul3A_863 = arith.muli %add3A_861, %mul3A_862 : i32
      %add3A_864 = arith.constant 5 : i32
      %add3A_865 = arith.addi %mul3A_863, %add3A_864 : i32
      %mul3A_866 = arith.constant 128 : i32
      %mul3A_867 = arith.muli %add3A_865, %mul3A_866 : i32
      %add3A_868 = arith.constant 16 : i32
      %add3A_869 = arith.addi %mul3A_867, %add3A_868 : i32
      %get3A_870 = arith.index_cast %add3A_869 : i32 to index
      %get3A_871 = tpu.vector_load %arg11[%get3A_870] {strides = array<i32>} : memref<20480xi32, #tpu.memory_space<vmem>>, vector<16xi32>,
      %swap3A_872 = arith.constant 5 : i32
      %swap3A_873 = arith.index_cast %swap3A_872 : i32 to index
      %swap3A_874 = arith.constant 16 : index
      %swap3A_875 = tpu.vector_load %arg14[%swap3A_873, %swap3A_874] {strides = array<i32>} : memref<8x128xi32, #tpu.memory_space<vmem>>, vector<16xi32>,
      tpu.vector_store %arg14[%swap3A_873, %swap3A_874], %get3A_871 {strides = array<i32>} : memref<8x128xi32, #tpu.memory_space<vmem>>, vector<16xi32>,
      %mul3A_876 = arith.constant 2 : i32
      %mul3A_877 = arith.muli %scan3A_120, %mul3A_876 : i32
      %add3A_878 = arith.constant 0 : i32
      %add3A_879 = arith.addi %mul3A_877, %add3A_878 : i32
      %mul3A_880 = arith.constant 8 : i32
      %mul3A_881 = arith.muli %add3A_879, %mul3A_880 : i32
      %add3A_882 = arith.constant 5 : i32
      %add3A_883 = arith.addi %mul3A_881, %add3A_882 : i32
      %mul3A_884 = arith.constant 128 : i32
      %mul3A_885 = arith.muli %add3A_883, %mul3A_884 : i32
      %add3A_886 = arith.constant 32 : i32
      %add3A_887 = arith.addi %mul3A_885, %add3A_886 : i32
      %get3A_888 = arith.index_cast %add3A_887 : i32 to index
      %get3A_889 = tpu.vector_load %arg11[%get3A_888] {strides = array<i32>} : memref<20480xi32, #tpu.memory_space<vmem>>, vector<16xi32>,
      %swap3A_890 = arith.constant 5 : i32
      %swap3A_891 = arith.index_cast %swap3A_890 : i32 to index
      %swap3A_892 = arith.constant 32 : index
      %swap3A_893 = tpu.vector_load %arg14[%swap3A_891, %swap3A_892] {strides = array<i32>} : memref<8x128xi32, #tpu.memory_space<vmem>>, vector<16xi32>,
      tpu.vector_store %arg14[%swap3A_891, %swap3A_892], %get3A_889 {strides = array<i32>} : memref<8x128xi32, #tpu.memory_space<vmem>>, vector<16xi32>,
      %mul3A_894 = arith.constant 2 : i32
      %mul3A_895 = arith.muli %scan3A_120, %mul3A_894 : i32
      %add3A_896 = arith.constant 0 : i32
      %add3A_897 = arith.addi %mul3A_895, %add3A_896 : i32
      %mul3A_898 = arith.constant 8 : i32
      %mul3A_899 = arith.muli %add3A_897, %mul3A_898 : i32
      %add3A_900 = arith.constant 5 : i32
      %add3A_901 = arith.addi %mul3A_899, %add3A_900 : i32
      %mul3A_902 = arith.constant 128 : i32
      %mul3A_903 = arith.muli %add3A_901, %mul3A_902 : i32
      %add3A_904 = arith.constant 48 : i32
      %add3A_905 = arith.addi %mul3A_903, %add3A_904 : i32
      %get3A_906 = arith.index_cast %add3A_905 : i32 to index
      %get3A_907 = tpu.vector_load %arg11[%get3A_906] {strides = array<i32>} : memref<20480xi32, #tpu.memory_space<vmem>>, vector<16xi32>,
      %swap3A_908 = arith.constant 5 : i32
      %swap3A_909 = arith.index_cast %swap3A_908 : i32 to index
      %swap3A_910 = arith.constant 48 : index
      %swap3A_911 = tpu.vector_load %arg14[%swap3A_909, %swap3A_910] {strides = array<i32>} : memref<8x128xi32, #tpu.memory_space<vmem>>, vector<16xi32>,
      tpu.vector_store %arg14[%swap3A_909, %swap3A_910], %get3A_907 {strides = array<i32>} : memref<8x128xi32, #tpu.memory_space<vmem>>, vector<16xi32>,
      %mul3A_912 = arith.constant 2 : i32
      %mul3A_913 = arith.muli %scan3A_120, %mul3A_912 : i32
      %add3A_914 = arith.constant 0 : i32
      %add3A_915 = arith.addi %mul3A_913, %add3A_914 : i32
      %mul3A_916 = arith.constant 8 : i32
      %mul3A_917 = arith.muli %add3A_915, %mul3A_916 : i32
      %add3A_918 = arith.constant 5 : i32
      %add3A_919 = arith.addi %mul3A_917, %add3A_918 : i32
      %mul3A_920 = arith.constant 128 : i32
      %mul3A_921 = arith.muli %add3A_919, %mul3A_920 : i32
      %add3A_922 = arith.constant 64 : i32
      %add3A_923 = arith.addi %mul3A_921, %add3A_922 : i32
      %get3A_924 = arith.index_cast %add3A_923 : i32 to index
      %get3A_925 = tpu.vector_load %arg11[%get3A_924] {strides = array<i32>} : memref<20480xi32, #tpu.memory_space<vmem>>, vector<16xi32>,
      %swap3A_926 = arith.constant 5 : i32
      %swap3A_927 = arith.index_cast %swap3A_926 : i32 to index
      %swap3A_928 = arith.constant 64 : index
      %swap3A_929 = tpu.vector_load %arg14[%swap3A_927, %swap3A_928] {strides = array<i32>} : memref<8x128xi32, #tpu.memory_space<vmem>>, vector<16xi32>,
      tpu.vector_store %arg14[%swap3A_927, %swap3A_928], %get3A_925 {strides = array<i32>} : memref<8x128xi32, #tpu.memory_space<vmem>>, vector<16xi32>,
      %mul3A_930 = arith.constant 2 : i32
      %mul3A_931 = arith.muli %scan3A_120, %mul3A_930 : i32
      %add3A_932 = arith.constant 0 : i32
      %add3A_933 = arith.addi %mul3A_931, %add3A_932 : i32
      %mul3A_934 = arith.constant 8 : i32
      %mul3A_935 = arith.muli %add3A_933, %mul3A_934 : i32
      %add3A_936 = arith.constant 5 : i32
      %add3A_937 = arith.addi %mul3A_935, %add3A_936 : i32
      %mul3A_938 = arith.constant 128 : i32
      %mul3A_939 = arith.muli %add3A_937, %mul3A_938 : i32
      %add3A_940 = arith.constant 80 : i32
      %add3A_941 = arith.addi %mul3A_939, %add3A_940 : i32
      %get3A_942 = arith.index_cast %add3A_941 : i32 to index
      %get3A_943 = tpu.vector_load %arg11[%get3A_942] {strides = array<i32>} : memref<20480xi32, #tpu.memory_space<vmem>>, vector<16xi32>,
      %swap3A_944 = arith.constant 5 : i32
      %swap3A_945 = arith.index_cast %swap3A_944 : i32 to index
      %swap3A_946 = arith.constant 80 : index
      %swap3A_947 = tpu.vector_load %arg14[%swap3A_945, %swap3A_946] {strides = array<i32>} : memref<8x128xi32, #tpu.memory_space<vmem>>, vector<16xi32>,
      tpu.vector_store %arg14[%swap3A_945, %swap3A_946], %get3A_943 {strides = array<i32>} : memref<8x128xi32, #tpu.memory_space<vmem>>, vector<16xi32>,
      %mul3A_948 = arith.constant 2 : i32
      %mul3A_949 = arith.muli %scan3A_120, %mul3A_948 : i32
      %add3A_950 = arith.constant 0 : i32
      %add3A_951 = arith.addi %mul3A_949, %add3A_950 : i32
      %mul3A_952 = arith.constant 8 : i32
      %mul3A_953 = arith.muli %add3A_951, %mul3A_952 : i32
      %add3A_954 = arith.constant 5 : i32
      %add3A_955 = arith.addi %mul3A_953, %add3A_954 : i32
      %mul3A_956 = arith.constant 128 : i32
      %mul3A_957 = arith.muli %add3A_955, %mul3A_956 : i32
      %add3A_958 = arith.constant 96 : i32
      %add3A_959 = arith.addi %mul3A_957, %add3A_958 : i32
      %get3A_960 = arith.index_cast %add3A_959 : i32 to index
      %get3A_961 = tpu.vector_load %arg11[%get3A_960] {strides = array<i32>} : memref<20480xi32, #tpu.memory_space<vmem>>, vector<16xi32>,
      %swap3A_962 = arith.constant 5 : i32
      %swap3A_963 = arith.index_cast %swap3A_962 : i32 to index
      %swap3A_964 = arith.constant 96 : index
      %swap3A_965 = tpu.vector_load %arg14[%swap3A_963, %swap3A_964] {strides = array<i32>} : memref<8x128xi32, #tpu.memory_space<vmem>>, vector<16xi32>,
      tpu.vector_store %arg14[%swap3A_963, %swap3A_964], %get3A_961 {strides = array<i32>} : memref<8x128xi32, #tpu.memory_space<vmem>>, vector<16xi32>,
      %mul3A_966 = arith.constant 2 : i32
      %mul3A_967 = arith.muli %scan3A_120, %mul3A_966 : i32
      %add3A_968 = arith.constant 0 : i32
      %add3A_969 = arith.addi %mul3A_967, %add3A_968 : i32
      %mul3A_970 = arith.constant 8 : i32
      %mul3A_971 = arith.muli %add3A_969, %mul3A_970 : i32
      %add3A_972 = arith.constant 5 : i32
      %add3A_973 = arith.addi %mul3A_971, %add3A_972 : i32
      %mul3A_974 = arith.constant 128 : i32
      %mul3A_975 = arith.muli %add3A_973, %mul3A_974 : i32
      %add3A_976 = arith.constant 112 : i32
      %add3A_977 = arith.addi %mul3A_975, %add3A_976 : i32
      %get3A_978 = arith.index_cast %add3A_977 : i32 to index
      %get3A_979 = tpu.vector_load %arg11[%get3A_978] {strides = array<i32>} : memref<20480xi32, #tpu.memory_space<vmem>>, vector<16xi32>,
      %swap3A_980 = arith.constant 5 : i32
      %swap3A_981 = arith.index_cast %swap3A_980 : i32 to index
      %swap3A_982 = arith.constant 112 : index
      %swap3A_983 = tpu.vector_load %arg14[%swap3A_981, %swap3A_982] {strides = array<i32>} : memref<8x128xi32, #tpu.memory_space<vmem>>, vector<16xi32>,
      tpu.vector_store %arg14[%swap3A_981, %swap3A_982], %get3A_979 {strides = array<i32>} : memref<8x128xi32, #tpu.memory_space<vmem>>, vector<16xi32>,
      %mul3A_984 = arith.constant 2 : i32
      %mul3A_985 = arith.muli %scan3A_120, %mul3A_984 : i32
      %add3A_986 = arith.constant 0 : i32
      %add3A_987 = arith.addi %mul3A_985, %add3A_986 : i32
      %mul3A_988 = arith.constant 8 : i32
      %mul3A_989 = arith.muli %add3A_987, %mul3A_988 : i32
      %add3A_990 = arith.constant 6 : i32
      %add3A_991 = arith.addi %mul3A_989, %add3A_990 : i32
      %mul3A_992 = arith.constant 128 : i32
      %mul3A_993 = arith.muli %add3A_991, %mul3A_992 : i32
      %add3A_994 = arith.constant 0 : i32
      %add3A_995 = arith.addi %mul3A_993, %add3A_994 : i32
      %get3A_996 = arith.index_cast %add3A_995 : i32 to index
      %get3A_997 = tpu.vector_load %arg11[%get3A_996] {strides = array<i32>} : memref<20480xi32, #tpu.memory_space<vmem>>, vector<16xi32>,
      %swap3A_998 = arith.constant 6 : i32
      %swap3A_999 = arith.index_cast %swap3A_998 : i32 to index
      %swap3A_1000 = arith.constant 0 : index
      %swap3A_1001 = tpu.vector_load %arg14[%swap3A_999, %swap3A_1000] {strides = array<i32>} : memref<8x128xi32, #tpu.memory_space<vmem>>, vector<16xi32>,
      tpu.vector_store %arg14[%swap3A_999, %swap3A_1000], %get3A_997 {strides = array<i32>} : memref<8x128xi32, #tpu.memory_space<vmem>>, vector<16xi32>,
      %mul3A_1002 = arith.constant 2 : i32
      %mul3A_1003 = arith.muli %scan3A_120, %mul3A_1002 : i32
      %add3A_1004 = arith.constant 0 : i32
      %add3A_1005 = arith.addi %mul3A_1003, %add3A_1004 : i32
      %mul3A_1006 = arith.constant 8 : i32
      %mul3A_1007 = arith.muli %add3A_1005, %mul3A_1006 : i32
      %add3A_1008 = arith.constant 6 : i32
      %add3A_1009 = arith.addi %mul3A_1007, %add3A_1008 : i32
      %mul3A_1010 = arith.constant 128 : i32
      %mul3A_1011 = arith.muli %add3A_1009, %mul3A_1010 : i32
      %add3A_1012 = arith.constant 16 : i32
      %add3A_1013 = arith.addi %mul3A_1011, %add3A_1012 : i32
      %get3A_1014 = arith.index_cast %add3A_1013 : i32 to index
      %get3A_1015 = tpu.vector_load %arg11[%get3A_1014] {strides = array<i32>} : memref<20480xi32, #tpu.memory_space<vmem>>, vector<16xi32>,
      %swap3A_1016 = arith.constant 6 : i32
      %swap3A_1017 = arith.index_cast %swap3A_1016 : i32 to index
      %swap3A_1018 = arith.constant 16 : index
      %swap3A_1019 = tpu.vector_load %arg14[%swap3A_1017, %swap3A_1018] {strides = array<i32>} : memref<8x128xi32, #tpu.memory_space<vmem>>, vector<16xi32>,
      tpu.vector_store %arg14[%swap3A_1017, %swap3A_1018], %get3A_1015 {strides = array<i32>} : memref<8x128xi32, #tpu.memory_space<vmem>>, vector<16xi32>,
      %mul3A_1020 = arith.constant 2 : i32
      %mul3A_1021 = arith.muli %scan3A_120, %mul3A_1020 : i32
      %add3A_1022 = arith.constant 0 : i32
      %add3A_1023 = arith.addi %mul3A_1021, %add3A_1022 : i32
      %mul3A_1024 = arith.constant 8 : i32
      %mul3A_1025 = arith.muli %add3A_1023, %mul3A_1024 : i32
      %add3A_1026 = arith.constant 6 : i32
      %add3A_1027 = arith.addi %mul3A_1025, %add3A_1026 : i32
      %mul3A_1028 = arith.constant 128 : i32
      %mul3A_1029 = arith.muli %add3A_1027, %mul3A_1028 : i32
      %add3A_1030 = arith.constant 32 : i32
      %add3A_1031 = arith.addi %mul3A_1029, %add3A_1030 : i32
      %get3A_1032 = arith.index_cast %add3A_1031 : i32 to index
      %get3A_1033 = tpu.vector_load %arg11[%get3A_1032] {strides = array<i32>} : memref<20480xi32, #tpu.memory_space<vmem>>, vector<16xi32>,
      %swap3A_1034 = arith.constant 6 : i32
      %swap3A_1035 = arith.index_cast %swap3A_1034 : i32 to index
      %swap3A_1036 = arith.constant 32 : index
      %swap3A_1037 = tpu.vector_load %arg14[%swap3A_1035, %swap3A_1036] {strides = array<i32>} : memref<8x128xi32, #tpu.memory_space<vmem>>, vector<16xi32>,
      tpu.vector_store %arg14[%swap3A_1035, %swap3A_1036], %get3A_1033 {strides = array<i32>} : memref<8x128xi32, #tpu.memory_space<vmem>>, vector<16xi32>,
      %mul3A_1038 = arith.constant 2 : i32
      %mul3A_1039 = arith.muli %scan3A_120, %mul3A_1038 : i32
      %add3A_1040 = arith.constant 0 : i32
      %add3A_1041 = arith.addi %mul3A_1039, %add3A_1040 : i32
      %mul3A_1042 = arith.constant 8 : i32
      %mul3A_1043 = arith.muli %add3A_1041, %mul3A_1042 : i32
      %add3A_1044 = arith.constant 6 : i32
      %add3A_1045 = arith.addi %mul3A_1043, %add3A_1044 : i32
      %mul3A_1046 = arith.constant 128 : i32
      %mul3A_1047 = arith.muli %add3A_1045, %mul3A_1046 : i32
      %add3A_1048 = arith.constant 48 : i32
      %add3A_1049 = arith.addi %mul3A_1047, %add3A_1048 : i32
      %get3A_1050 = arith.index_cast %add3A_1049 : i32 to index
      %get3A_1051 = tpu.vector_load %arg11[%get3A_1050] {strides = array<i32>} : memref<20480xi32, #tpu.memory_space<vmem>>, vector<16xi32>,
      %swap3A_1052 = arith.constant 6 : i32
      %swap3A_1053 = arith.index_cast %swap3A_1052 : i32 to index
      %swap3A_1054 = arith.constant 48 : index
      %swap3A_1055 = tpu.vector_load %arg14[%swap3A_1053, %swap3A_1054] {strides = array<i32>} : memref<8x128xi32, #tpu.memory_space<vmem>>, vector<16xi32>,
      tpu.vector_store %arg14[%swap3A_1053, %swap3A_1054], %get3A_1051 {strides = array<i32>} : memref<8x128xi32, #tpu.memory_space<vmem>>, vector<16xi32>,
      %mul3A_1056 = arith.constant 2 : i32
      %mul3A_1057 = arith.muli %scan3A_120, %mul3A_1056 : i32
      %add3A_1058 = arith.constant 0 : i32
      %add3A_1059 = arith.addi %mul3A_1057, %add3A_1058 : i32
      %mul3A_1060 = arith.constant 8 : i32
      %mul3A_1061 = arith.muli %add3A_1059, %mul3A_1060 : i32
      %add3A_1062 = arith.constant 6 : i32
      %add3A_1063 = arith.addi %mul3A_1061, %add3A_1062 : i32
      %mul3A_1064 = arith.constant 128 : i32
      %mul3A_1065 = arith.muli %add3A_1063, %mul3A_1064 : i32
      %add3A_1066 = arith.constant 64 : i32
      %add3A_1067 = arith.addi %mul3A_1065, %add3A_1066 : i32
      %get3A_1068 = arith.index_cast %add3A_1067 : i32 to index
      %get3A_1069 = tpu.vector_load %arg11[%get3A_1068] {strides = array<i32>} : memref<20480xi32, #tpu.memory_space<vmem>>, vector<16xi32>,
      %swap3A_1070 = arith.constant 6 : i32
      %swap3A_1071 = arith.index_cast %swap3A_1070 : i32 to index
      %swap3A_1072 = arith.constant 64 : index
      %swap3A_1073 = tpu.vector_load %arg14[%swap3A_1071, %swap3A_1072] {strides = array<i32>} : memref<8x128xi32, #tpu.memory_space<vmem>>, vector<16xi32>,
      tpu.vector_store %arg14[%swap3A_1071, %swap3A_1072], %get3A_1069 {strides = array<i32>} : memref<8x128xi32, #tpu.memory_space<vmem>>, vector<16xi32>,
      %mul3A_1074 = arith.constant 2 : i32
      %mul3A_1075 = arith.muli %scan3A_120, %mul3A_1074 : i32
      %add3A_1076 = arith.constant 0 : i32
      %add3A_1077 = arith.addi %mul3A_1075, %add3A_1076 : i32
      %mul3A_1078 = arith.constant 8 : i32
      %mul3A_1079 = arith.muli %add3A_1077, %mul3A_1078 : i32
      %add3A_1080 = arith.constant 6 : i32
      %add3A_1081 = arith.addi %mul3A_1079, %add3A_1080 : i32
      %mul3A_1082 = arith.constant 128 : i32
      %mul3A_1083 = arith.muli %add3A_1081, %mul3A_1082 : i32
      %add3A_1084 = arith.constant 80 : i32
      %add3A_1085 = arith.addi %mul3A_1083, %add3A_1084 : i32
      %get3A_1086 = arith.index_cast %add3A_1085 : i32 to index
      %get3A_1087 = tpu.vector_load %arg11[%get3A_1086] {strides = array<i32>} : memref<20480xi32, #tpu.memory_space<vmem>>, vector<16xi32>,
      %swap3A_1088 = arith.constant 6 : i32
      %swap3A_1089 = arith.index_cast %swap3A_1088 : i32 to index
      %swap3A_1090 = arith.constant 80 : index
      %swap3A_1091 = tpu.vector_load %arg14[%swap3A_1089, %swap3A_1090] {strides = array<i32>} : memref<8x128xi32, #tpu.memory_space<vmem>>, vector<16xi32>,
      tpu.vector_store %arg14[%swap3A_1089, %swap3A_1090], %get3A_1087 {strides = array<i32>} : memref<8x128xi32, #tpu.memory_space<vmem>>, vector<16xi32>,
      %mul3A_1092 = arith.constant 2 : i32
      %mul3A_1093 = arith.muli %scan3A_120, %mul3A_1092 : i32
      %add3A_1094 = arith.constant 0 : i32
      %add3A_1095 = arith.addi %mul3A_1093, %add3A_1094 : i32
      %mul3A_1096 = arith.constant 8 : i32
      %mul3A_1097 = arith.muli %add3A_1095, %mul3A_1096 : i32
      %add3A_1098 = arith.constant 6 : i32
      %add3A_1099 = arith.addi %mul3A_1097, %add3A_1098 : i32
      %mul3A_1100 = arith.constant 128 : i32
      %mul3A_1101 = arith.muli %add3A_1099, %mul3A_1100 : i32
      %add3A_1102 = arith.constant 96 : i32
      %add3A_1103 = arith.addi %mul3A_1101, %add3A_1102 : i32
      %get3A_1104 = arith.index_cast %add3A_1103 : i32 to index
      %get3A_1105 = tpu.vector_load %arg11[%get3A_1104] {strides = array<i32>} : memref<20480xi32, #tpu.memory_space<vmem>>, vector<16xi32>,
      %swap3A_1106 = arith.constant 6 : i32
      %swap3A_1107 = arith.index_cast %swap3A_1106 : i32 to index
      %swap3A_1108 = arith.constant 96 : index
      %swap3A_1109 = tpu.vector_load %arg14[%swap3A_1107, %swap3A_1108] {strides = array<i32>} : memref<8x128xi32, #tpu.memory_space<vmem>>, vector<16xi32>,
      tpu.vector_store %arg14[%swap3A_1107, %swap3A_1108], %get3A_1105 {strides = array<i32>} : memref<8x128xi32, #tpu.memory_space<vmem>>, vector<16xi32>,
      %mul3A_1110 = arith.constant 2 : i32
      %mul3A_1111 = arith.muli %scan3A_120, %mul3A_1110 : i32
      %add3A_1112 = arith.constant 0 : i32
      %add3A_1113 = arith.addi %mul3A_1111, %add3A_1112 : i32
      %mul3A_1114 = arith.constant 8 : i32
      %mul3A_1115 = arith.muli %add3A_1113, %mul3A_1114 : i32
      %add3A_1116 = arith.constant 6 : i32
      %add3A_1117 = arith.addi %mul3A_1115, %add3A_1116 : i32
      %mul3A_1118 = arith.constant 128 : i32
      %mul3A_1119 = arith.muli %add3A_1117, %mul3A_1118 : i32
      %add3A_1120 = arith.constant 112 : i32
      %add3A_1121 = arith.addi %mul3A_1119, %add3A_1120 : i32
      %get3A_1122 = arith.index_cast %add3A_1121 : i32 to index
      %get3A_1123 = tpu.vector_load %arg11[%get3A_1122] {strides = array<i32>} : memref<20480xi32, #tpu.memory_space<vmem>>, vector<16xi32>,
      %swap3A_1124 = arith.constant 6 : i32
      %swap3A_1125 = arith.index_cast %swap3A_1124 : i32 to index
      %swap3A_1126 = arith.constant 112 : index
      %swap3A_1127 = tpu.vector_load %arg14[%swap3A_1125, %swap3A_1126] {strides = array<i32>} : memref<8x128xi32, #tpu.memory_space<vmem>>, vector<16xi32>,
      tpu.vector_store %arg14[%swap3A_1125, %swap3A_1126], %get3A_1123 {strides = array<i32>} : memref<8x128xi32, #tpu.memory_space<vmem>>, vector<16xi32>,
      %mul3A_1128 = arith.constant 2 : i32
      %mul3A_1129 = arith.muli %scan3A_120, %mul3A_1128 : i32
      %add3A_1130 = arith.constant 0 : i32
      %add3A_1131 = arith.addi %mul3A_1129, %add3A_1130 : i32
      %mul3A_1132 = arith.constant 8 : i32
      %mul3A_1133 = arith.muli %add3A_1131, %mul3A_1132 : i32
      %add3A_1134 = arith.constant 7 : i32
      %add3A_1135 = arith.addi %mul3A_1133, %add3A_1134 : i32
      %mul3A_1136 = arith.constant 128 : i32
      %mul3A_1137 = arith.muli %add3A_1135, %mul3A_1136 : i32
      %add3A_1138 = arith.constant 0 : i32
      %add3A_1139 = arith.addi %mul3A_1137, %add3A_1138 : i32
      %get3A_1140 = arith.index_cast %add3A_1139 : i32 to index
      %get3A_1141 = tpu.vector_load %arg11[%get3A_1140] {strides = array<i32>} : memref<20480xi32, #tpu.memory_space<vmem>>, vector<16xi32>,
      %swap3A_1142 = arith.constant 7 : i32
      %swap3A_1143 = arith.index_cast %swap3A_1142 : i32 to index
      %swap3A_1144 = arith.constant 0 : index
      %swap3A_1145 = tpu.vector_load %arg14[%swap3A_1143, %swap3A_1144] {strides = array<i32>} : memref<8x128xi32, #tpu.memory_space<vmem>>, vector<16xi32>,
      tpu.vector_store %arg14[%swap3A_1143, %swap3A_1144], %get3A_1141 {strides = array<i32>} : memref<8x128xi32, #tpu.memory_space<vmem>>, vector<16xi32>,
      %mul3A_1146 = arith.constant 2 : i32
      %mul3A_1147 = arith.muli %scan3A_120, %mul3A_1146 : i32
      %add3A_1148 = arith.constant 0 : i32
      %add3A_1149 = arith.addi %mul3A_1147, %add3A_1148 : i32
      %mul3A_1150 = arith.constant 8 : i32
      %mul3A_1151 = arith.muli %add3A_1149, %mul3A_1150 : i32
      %add3A_1152 = arith.constant 7 : i32
      %add3A_1153 = arith.addi %mul3A_1151, %add3A_1152 : i32
      %mul3A_1154 = arith.constant 128 : i32
      %mul3A_1155 = arith.muli %add3A_1153, %mul3A_1154 : i32
      %add3A_1156 = arith.constant 16 : i32
      %add3A_1157 = arith.addi %mul3A_1155, %add3A_1156 : i32
      %get3A_1158 = arith.index_cast %add3A_1157 : i32 to index
      %get3A_1159 = tpu.vector_load %arg11[%get3A_1158] {strides = array<i32>} : memref<20480xi32, #tpu.memory_space<vmem>>, vector<16xi32>,
      %swap3A_1160 = arith.constant 7 : i32
      %swap3A_1161 = arith.index_cast %swap3A_1160 : i32 to index
      %swap3A_1162 = arith.constant 16 : index
      %swap3A_1163 = tpu.vector_load %arg14[%swap3A_1161, %swap3A_1162] {strides = array<i32>} : memref<8x128xi32, #tpu.memory_space<vmem>>, vector<16xi32>,
      tpu.vector_store %arg14[%swap3A_1161, %swap3A_1162], %get3A_1159 {strides = array<i32>} : memref<8x128xi32, #tpu.memory_space<vmem>>, vector<16xi32>,
      %mul3A_1164 = arith.constant 2 : i32
      %mul3A_1165 = arith.muli %scan3A_120, %mul3A_1164 : i32
      %add3A_1166 = arith.constant 0 : i32
      %add3A_1167 = arith.addi %mul3A_1165, %add3A_1166 : i32
      %mul3A_1168 = arith.constant 8 : i32
      %mul3A_1169 = arith.muli %add3A_1167, %mul3A_1168 : i32
      %add3A_1170 = arith.constant 7 : i32
      %add3A_1171 = arith.addi %mul3A_1169, %add3A_1170 : i32
      %mul3A_1172 = arith.constant 128 : i32
      %mul3A_1173 = arith.muli %add3A_1171, %mul3A_1172 : i32
      %add3A_1174 = arith.constant 32 : i32
      %add3A_1175 = arith.addi %mul3A_1173, %add3A_1174 : i32
      %get3A_1176 = arith.index_cast %add3A_1175 : i32 to index
      %get3A_1177 = tpu.vector_load %arg11[%get3A_1176] {strides = array<i32>} : memref<20480xi32, #tpu.memory_space<vmem>>, vector<16xi32>,
      %swap3A_1178 = arith.constant 7 : i32
      %swap3A_1179 = arith.index_cast %swap3A_1178 : i32 to index
      %swap3A_1180 = arith.constant 32 : index
      %swap3A_1181 = tpu.vector_load %arg14[%swap3A_1179, %swap3A_1180] {strides = array<i32>} : memref<8x128xi32, #tpu.memory_space<vmem>>, vector<16xi32>,
      tpu.vector_store %arg14[%swap3A_1179, %swap3A_1180], %get3A_1177 {strides = array<i32>} : memref<8x128xi32, #tpu.memory_space<vmem>>, vector<16xi32>,
      %mul3A_1182 = arith.constant 2 : i32
      %mul3A_1183 = arith.muli %scan3A_120, %mul3A_1182 : i32
      %add3A_1184 = arith.constant 0 : i32
      %add3A_1185 = arith.addi %mul3A_1183, %add3A_1184 : i32
      %mul3A_1186 = arith.constant 8 : i32
      %mul3A_1187 = arith.muli %add3A_1185, %mul3A_1186 : i32
      %add3A_1188 = arith.constant 7 : i32
      %add3A_1189 = arith.addi %mul3A_1187, %add3A_1188 : i32
      %mul3A_1190 = arith.constant 128 : i32
      %mul3A_1191 = arith.muli %add3A_1189, %mul3A_1190 : i32
      %add3A_1192 = arith.constant 48 : i32
      %add3A_1193 = arith.addi %mul3A_1191, %add3A_1192 : i32
      %get3A_1194 = arith.index_cast %add3A_1193 : i32 to index
      %get3A_1195 = tpu.vector_load %arg11[%get3A_1194] {strides = array<i32>} : memref<20480xi32, #tpu.memory_space<vmem>>, vector<16xi32>,
      %swap3A_1196 = arith.constant 7 : i32
      %swap3A_1197 = arith.index_cast %swap3A_1196 : i32 to index
      %swap3A_1198 = arith.constant 48 : index
      %swap3A_1199 = tpu.vector_load %arg14[%swap3A_1197, %swap3A_1198] {strides = array<i32>} : memref<8x128xi32, #tpu.memory_space<vmem>>, vector<16xi32>,
      tpu.vector_store %arg14[%swap3A_1197, %swap3A_1198], %get3A_1195 {strides = array<i32>} : memref<8x128xi32, #tpu.memory_space<vmem>>, vector<16xi32>,
      %mul3A_1200 = arith.constant 2 : i32
      %mul3A_1201 = arith.muli %scan3A_120, %mul3A_1200 : i32
      %add3A_1202 = arith.constant 0 : i32
      %add3A_1203 = arith.addi %mul3A_1201, %add3A_1202 : i32
      %mul3A_1204 = arith.constant 8 : i32
      %mul3A_1205 = arith.muli %add3A_1203, %mul3A_1204 : i32
      %add3A_1206 = arith.constant 7 : i32
      %add3A_1207 = arith.addi %mul3A_1205, %add3A_1206 : i32
      %mul3A_1208 = arith.constant 128 : i32
      %mul3A_1209 = arith.muli %add3A_1207, %mul3A_1208 : i32
      %add3A_1210 = arith.constant 64 : i32
      %add3A_1211 = arith.addi %mul3A_1209, %add3A_1210 : i32
      %get3A_1212 = arith.index_cast %add3A_1211 : i32 to index
      %get3A_1213 = tpu.vector_load %arg11[%get3A_1212] {strides = array<i32>} : memref<20480xi32, #tpu.memory_space<vmem>>, vector<16xi32>,
      %swap3A_1214 = arith.constant 7 : i32
      %swap3A_1215 = arith.index_cast %swap3A_1214 : i32 to index
      %swap3A_1216 = arith.constant 64 : index
      %swap3A_1217 = tpu.vector_load %arg14[%swap3A_1215, %swap3A_1216] {strides = array<i32>} : memref<8x128xi32, #tpu.memory_space<vmem>>, vector<16xi32>,
      tpu.vector_store %arg14[%swap3A_1215, %swap3A_1216], %get3A_1213 {strides = array<i32>} : memref<8x128xi32, #tpu.memory_space<vmem>>, vector<16xi32>,
      %mul3A_1218 = arith.constant 2 : i32
      %mul3A_1219 = arith.muli %scan3A_120, %mul3A_1218 : i32
      %add3A_1220 = arith.constant 0 : i32
      %add3A_1221 = arith.addi %mul3A_1219, %add3A_1220 : i32
      %mul3A_1222 = arith.constant 8 : i32
      %mul3A_1223 = arith.muli %add3A_1221, %mul3A_1222 : i32
      %add3A_1224 = arith.constant 7 : i32
      %add3A_1225 = arith.addi %mul3A_1223, %add3A_1224 : i32
      %mul3A_1226 = arith.constant 128 : i32
      %mul3A_1227 = arith.muli %add3A_1225, %mul3A_1226 : i32
      %add3A_1228 = arith.constant 80 : i32
      %add3A_1229 = arith.addi %mul3A_1227, %add3A_1228 : i32
      %get3A_1230 = arith.index_cast %add3A_1229 : i32 to index
      %get3A_1231 = tpu.vector_load %arg11[%get3A_1230] {strides = array<i32>} : memref<20480xi32, #tpu.memory_space<vmem>>, vector<16xi32>,
      %swap3A_1232 = arith.constant 7 : i32
      %swap3A_1233 = arith.index_cast %swap3A_1232 : i32 to index
      %swap3A_1234 = arith.constant 80 : index
      %swap3A_1235 = tpu.vector_load %arg14[%swap3A_1233, %swap3A_1234] {strides = array<i32>} : memref<8x128xi32, #tpu.memory_space<vmem>>, vector<16xi32>,
      tpu.vector_store %arg14[%swap3A_1233, %swap3A_1234], %get3A_1231 {strides = array<i32>} : memref<8x128xi32, #tpu.memory_space<vmem>>, vector<16xi32>,
      %mul3A_1236 = arith.constant 2 : i32
      %mul3A_1237 = arith.muli %scan3A_120, %mul3A_1236 : i32
      %add3A_1238 = arith.constant 0 : i32
      %add3A_1239 = arith.addi %mul3A_1237, %add3A_1238 : i32
      %mul3A_1240 = arith.constant 8 : i32
      %mul3A_1241 = arith.muli %add3A_1239, %mul3A_1240 : i32
      %add3A_1242 = arith.constant 7 : i32
      %add3A_1243 = arith.addi %mul3A_1241, %add3A_1242 : i32
      %mul3A_1244 = arith.constant 128 : i32
      %mul3A_1245 = arith.muli %add3A_1243, %mul3A_1244 : i32
      %add3A_1246 = arith.constant 96 : i32
      %add3A_1247 = arith.addi %mul3A_1245, %add3A_1246 : i32
      %get3A_1248 = arith.index_cast %add3A_1247 : i32 to index
      %get3A_1249 = tpu.vector_load %arg11[%get3A_1248] {strides = array<i32>} : memref<20480xi32, #tpu.memory_space<vmem>>, vector<16xi32>,
      %swap3A_1250 = arith.constant 7 : i32
      %swap3A_1251 = arith.index_cast %swap3A_1250 : i32 to index
      %swap3A_1252 = arith.constant 96 : index
      %swap3A_1253 = tpu.vector_load %arg14[%swap3A_1251, %swap3A_1252] {strides = array<i32>} : memref<8x128xi32, #tpu.memory_space<vmem>>, vector<16xi32>,
      tpu.vector_store %arg14[%swap3A_1251, %swap3A_1252], %get3A_1249 {strides = array<i32>} : memref<8x128xi32, #tpu.memory_space<vmem>>, vector<16xi32>,
      %mul3A_1254 = arith.constant 2 : i32
      %mul3A_1255 = arith.muli %scan3A_120, %mul3A_1254 : i32
      %add3A_1256 = arith.constant 0 : i32
      %add3A_1257 = arith.addi %mul3A_1255, %add3A_1256 : i32
      %mul3A_1258 = arith.constant 8 : i32
      %mul3A_1259 = arith.muli %add3A_1257, %mul3A_1258 : i32
      %add3A_1260 = arith.constant 7 : i32
      %add3A_1261 = arith.addi %mul3A_1259, %add3A_1260 : i32
      %mul3A_1262 = arith.constant 128 : i32
      %mul3A_1263 = arith.muli %add3A_1261, %mul3A_1262 : i32
      %add3A_1264 = arith.constant 112 : i32
      %add3A_1265 = arith.addi %mul3A_1263, %add3A_1264 : i32
      %get3A_1266 = arith.index_cast %add3A_1265 : i32 to index
      %get3A_1267 = tpu.vector_load %arg11[%get3A_1266] {strides = array<i32>} : memref<20480xi32, #tpu.memory_space<vmem>>, vector<16xi32>,
      %swap3A_1268 = arith.constant 7 : i32
      %swap3A_1269 = arith.index_cast %swap3A_1268 : i32 to index
      %swap3A_1270 = arith.constant 112 : index
      %swap3A_1271 = tpu.vector_load %arg14[%swap3A_1269, %swap3A_1270] {strides = array<i32>} : memref<8x128xi32, #tpu.memory_space<vmem>>, vector<16xi32>,
      tpu.vector_store %arg14[%swap3A_1269, %swap3A_1270], %get3A_1267 {strides = array<i32>} : memref<8x128xi32, #tpu.memory_space<vmem>>, vector<16xi32>,
      %dma_start3A_1272 = arith.constant 0 : i32
      %dma_start3A_1273 = arith.constant 0 : i32
      %dma_start3A_1274 = tpu.memref_slice %arg14[%dma_start3A_1272, %dma_start3A_1273] : memref<8x128xi32, #tpu.memory_space<vmem>> -> memref<1x128xi32, #tpu.memory_space<vmem>>
      %dma_start3A_1275 = tpu.memref_squeeze %dma_start3A_1274 : memref<1x128xi32, #tpu.memory_space<vmem>> -> memref<128xi32, #tpu.memory_space<vmem>>
      %dma_start3A_1276 = arith.constant 0 : i32
      %dma_start3A_1277 = tpu.memref_slice %arg27[%dma_start3A_1276] : memref<10240xf32, #tpu.memory_space<vmem_shared>> -> memref<10240xf32, #tpu.memory_space<vmem_shared>>
      tpu.enqueue_indirect_dma source(%arg24 : memref<128xf32, #tpu.memory_space<vmem>>) target(%dma_start3A_1277 : memref<10240xf32, #tpu.memory_space<vmem_shared>>) offsets(%dma_start3A_1275 : memref<128xi32, #tpu.memory_space<vmem>>) semaphore(%arg36 : memref<!tpu.dma_semaphore, #tpu.memory_space<semaphore_mem>>) {add = true}
      %dma_start3A_1278 = arith.constant 1 : i32
      %dma_start3A_1279 = arith.constant 0 : i32
      %dma_start3A_1280 = tpu.memref_slice %arg14[%dma_start3A_1278, %dma_start3A_1279] : memref<8x128xi32, #tpu.memory_space<vmem>> -> memref<1x128xi32, #tpu.memory_space<vmem>>
      %dma_start3A_1281 = tpu.memref_squeeze %dma_start3A_1280 : memref<1x128xi32, #tpu.memory_space<vmem>> -> memref<128xi32, #tpu.memory_space<vmem>>
      %dma_start3A_1282 = arith.constant 0 : i32
      %dma_start3A_1283 = tpu.memref_slice %arg27[%dma_start3A_1282] : memref<10240xf32, #tpu.memory_space<vmem_shared>> -> memref<10240xf32, #tpu.memory_space<vmem_shared>>
      tpu.enqueue_indirect_dma source(%arg24 : memref<128xf32, #tpu.memory_space<vmem>>) target(%dma_start3A_1283 : memref<10240xf32, #tpu.memory_space<vmem_shared>>) offsets(%dma_start3A_1281 : memref<128xi32, #tpu.memory_space<vmem>>) semaphore(%arg36 : memref<!tpu.dma_semaphore, #tpu.memory_space<semaphore_mem>>) {add = true}
      %dma_start3A_1284 = arith.constant 2 : i32
      %dma_start3A_1285 = arith.constant 0 : i32
      %dma_start3A_1286 = tpu.memref_slice %arg14[%dma_start3A_1284, %dma_start3A_1285] : memref<8x128xi32, #tpu.memory_space<vmem>> -> memref<1x128xi32, #tpu.memory_space<vmem>>
      %dma_start3A_1287 = tpu.memref_squeeze %dma_start3A_1286 : memref<1x128xi32, #tpu.memory_space<vmem>> -> memref<128xi32, #tpu.memory_space<vmem>>
      %dma_start3A_1288 = arith.constant 0 : i32
      %dma_start3A_1289 = tpu.memref_slice %arg27[%dma_start3A_1288] : memref<10240xf32, #tpu.memory_space<vmem_shared>> -> memref<10240xf32, #tpu.memory_space<vmem_shared>>
      tpu.enqueue_indirect_dma source(%arg24 : memref<128xf32, #tpu.memory_space<vmem>>) target(%dma_start3A_1289 : memref<10240xf32, #tpu.memory_space<vmem_shared>>) offsets(%dma_start3A_1287 : memref<128xi32, #tpu.memory_space<vmem>>) semaphore(%arg36 : memref<!tpu.dma_semaphore, #tpu.memory_space<semaphore_mem>>) {add = true}
      %dma_start3A_1290 = arith.constant 3 : i32
      %dma_start3A_1291 = arith.constant 0 : i32
      %dma_start3A_1292 = tpu.memref_slice %arg14[%dma_start3A_1290, %dma_start3A_1291] : memref<8x128xi32, #tpu.memory_space<vmem>> -> memref<1x128xi32, #tpu.memory_space<vmem>>
      %dma_start3A_1293 = tpu.memref_squeeze %dma_start3A_1292 : memref<1x128xi32, #tpu.memory_space<vmem>> -> memref<128xi32, #tpu.memory_space<vmem>>
      %dma_start3A_1294 = arith.constant 0 : i32
      %dma_start3A_1295 = tpu.memref_slice %arg27[%dma_start3A_1294] : memref<10240xf32, #tpu.memory_space<vmem_shared>> -> memref<10240xf32, #tpu.memory_space<vmem_shared>>
      tpu.enqueue_indirect_dma source(%arg24 : memref<128xf32, #tpu.memory_space<vmem>>) target(%dma_start3A_1295 : memref<10240xf32, #tpu.memory_space<vmem_shared>>) offsets(%dma_start3A_1293 : memref<128xi32, #tpu.memory_space<vmem>>) semaphore(%arg36 : memref<!tpu.dma_semaphore, #tpu.memory_space<semaphore_mem>>) {add = true}
      %dma_start3A_1296 = arith.constant 4 : i32
      %dma_start3A_1297 = arith.constant 0 : i32
      %dma_start3A_1298 = tpu.memref_slice %arg14[%dma_start3A_1296, %dma_start3A_1297] : memref<8x128xi32, #tpu.memory_space<vmem>> -> memref<1x128xi32, #tpu.memory_space<vmem>>
      %dma_start3A_1299 = tpu.memref_squeeze %dma_start3A_1298 : memref<1x128xi32, #tpu.memory_space<vmem>> -> memref<128xi32, #tpu.memory_space<vmem>>
      %dma_start3A_1300 = arith.constant 0 : i32
      %dma_start3A_1301 = tpu.memref_slice %arg27[%dma_start3A_1300] : memref<10240xf32, #tpu.memory_space<vmem_shared>> -> memref<10240xf32, #tpu.memory_space<vmem_shared>>
      tpu.enqueue_indirect_dma source(%arg24 : memref<128xf32, #tpu.memory_space<vmem>>) target(%dma_start3A_1301 : memref<10240xf32, #tpu.memory_space<vmem_shared>>) offsets(%dma_start3A_1299 : memref<128xi32, #tpu.memory_space<vmem>>) semaphore(%arg36 : memref<!tpu.dma_semaphore, #tpu.memory_space<semaphore_mem>>) {add = true}
      %dma_start3A_1302 = arith.constant 5 : i32
      %dma_start3A_1303 = arith.constant 0 : i32
      %dma_start3A_1304 = tpu.memref_slice %arg14[%dma_start3A_1302, %dma_start3A_1303] : memref<8x128xi32, #tpu.memory_space<vmem>> -> memref<1x128xi32, #tpu.memory_space<vmem>>
      %dma_start3A_1305 = tpu.memref_squeeze %dma_start3A_1304 : memref<1x128xi32, #tpu.memory_space<vmem>> -> memref<128xi32, #tpu.memory_space<vmem>>
      %dma_start3A_1306 = arith.constant 0 : i32
      %dma_start3A_1307 = tpu.memref_slice %arg27[%dma_start3A_1306] : memref<10240xf32, #tpu.memory_space<vmem_shared>> -> memref<10240xf32, #tpu.memory_space<vmem_shared>>
      tpu.enqueue_indirect_dma source(%arg24 : memref<128xf32, #tpu.memory_space<vmem>>) target(%dma_start3A_1307 : memref<10240xf32, #tpu.memory_space<vmem_shared>>) offsets(%dma_start3A_1305 : memref<128xi32, #tpu.memory_space<vmem>>) semaphore(%arg36 : memref<!tpu.dma_semaphore, #tpu.memory_space<semaphore_mem>>) {add = true}
      %dma_start3A_1308 = arith.constant 6 : i32
      %dma_start3A_1309 = arith.constant 0 : i32
      %dma_start3A_1310 = tpu.memref_slice %arg14[%dma_start3A_1308, %dma_start3A_1309] : memref<8x128xi32, #tpu.memory_space<vmem>> -> memref<1x128xi32, #tpu.memory_space<vmem>>
      %dma_start3A_1311 = tpu.memref_squeeze %dma_start3A_1310 : memref<1x128xi32, #tpu.memory_space<vmem>> -> memref<128xi32, #tpu.memory_space<vmem>>
      %dma_start3A_1312 = arith.constant 0 : i32
      %dma_start3A_1313 = tpu.memref_slice %arg27[%dma_start3A_1312] : memref<10240xf32, #tpu.memory_space<vmem_shared>> -> memref<10240xf32, #tpu.memory_space<vmem_shared>>
      tpu.enqueue_indirect_dma source(%arg24 : memref<128xf32, #tpu.memory_space<vmem>>) target(%dma_start3A_1313 : memref<10240xf32, #tpu.memory_space<vmem_shared>>) offsets(%dma_start3A_1311 : memref<128xi32, #tpu.memory_space<vmem>>) semaphore(%arg36 : memref<!tpu.dma_semaphore, #tpu.memory_space<semaphore_mem>>) {add = true}
      %dma_start3A_1314 = arith.constant 7 : i32
      %dma_start3A_1315 = arith.constant 0 : i32
      %dma_start3A_1316 = tpu.memref_slice %arg14[%dma_start3A_1314, %dma_start3A_1315] : memref<8x128xi32, #tpu.memory_space<vmem>> -> memref<1x128xi32, #tpu.memory_space<vmem>>
      %dma_start3A_1317 = tpu.memref_squeeze %dma_start3A_1316 : memref<1x128xi32, #tpu.memory_space<vmem>> -> memref<128xi32, #tpu.memory_space<vmem>>
      %dma_start3A_1318 = arith.constant 0 : i32
      %dma_start3A_1319 = tpu.memref_slice %arg27[%dma_start3A_1318] : memref<10240xf32, #tpu.memory_space<vmem_shared>> -> memref<10240xf32, #tpu.memory_space<vmem_shared>>
      tpu.enqueue_indirect_dma source(%arg24 : memref<128xf32, #tpu.memory_space<vmem>>) target(%dma_start3A_1319 : memref<10240xf32, #tpu.memory_space<vmem_shared>>) offsets(%dma_start3A_1317 : memref<128xi32, #tpu.memory_space<vmem>>) semaphore(%arg36 : memref<!tpu.dma_semaphore, #tpu.memory_space<semaphore_mem>>) {add = true}
      %mul3A_1320 = arith.constant 2 : i32
      %mul3A_1321 = arith.muli %scan3A_120, %mul3A_1320 : i32
      %add3A_1322 = arith.constant 1 : i32
      %add3A_1323 = arith.addi %mul3A_1321, %add3A_1322 : i32
      %mul3A_1324 = arith.constant 8 : i32
      %mul3A_1325 = arith.muli %add3A_1323, %mul3A_1324 : i32
      %add3A_1326 = arith.constant 0 : i32
      %add3A_1327 = arith.addi %mul3A_1325, %add3A_1326 : i32
      %mul3A_1328 = arith.constant 128 : i32
      %mul3A_1329 = arith.muli %add3A_1327, %mul3A_1328 : i32
      %add3A_1330 = arith.constant 0 : i32
      %add3A_1331 = arith.addi %mul3A_1329, %add3A_1330 : i32
      %get3A_1332 = arith.index_cast %add3A_1331 : i32 to index
      %get3A_1333 = tpu.vector_load %arg11[%get3A_1332] {strides = array<i32>} : memref<20480xi32, #tpu.memory_space<vmem>>, vector<16xi32>,
      %swap3A_1334 = arith.constant 0 : i32
      %swap3A_1335 = arith.index_cast %swap3A_1334 : i32 to index
      %swap3A_1336 = arith.constant 0 : index
      %swap3A_1337 = tpu.vector_load %arg15[%swap3A_1335, %swap3A_1336] {strides = array<i32>} : memref<8x128xi32, #tpu.memory_space<vmem>>, vector<16xi32>,
      tpu.vector_store %arg15[%swap3A_1335, %swap3A_1336], %get3A_1333 {strides = array<i32>} : memref<8x128xi32, #tpu.memory_space<vmem>>, vector<16xi32>,
      %mul3A_1338 = arith.constant 2 : i32
      %mul3A_1339 = arith.muli %scan3A_120, %mul3A_1338 : i32
      %add3A_1340 = arith.constant 1 : i32
      %add3A_1341 = arith.addi %mul3A_1339, %add3A_1340 : i32
      %mul3A_1342 = arith.constant 8 : i32
      %mul3A_1343 = arith.muli %add3A_1341, %mul3A_1342 : i32
      %add3A_1344 = arith.constant 0 : i32
      %add3A_1345 = arith.addi %mul3A_1343, %add3A_1344 : i32
      %mul3A_1346 = arith.constant 128 : i32
      %mul3A_1347 = arith.muli %add3A_1345, %mul3A_1346 : i32
      %add3A_1348 = arith.constant 16 : i32
      %add3A_1349 = arith.addi %mul3A_1347, %add3A_1348 : i32
      %get3A_1350 = arith.index_cast %add3A_1349 : i32 to index
      %get3A_1351 = tpu.vector_load %arg11[%get3A_1350] {strides = array<i32>} : memref<20480xi32, #tpu.memory_space<vmem>>, vector<16xi32>,
      %swap3A_1352 = arith.constant 0 : i32
      %swap3A_1353 = arith.index_cast %swap3A_1352 : i32 to index
      %swap3A_1354 = arith.constant 16 : index
      %swap3A_1355 = tpu.vector_load %arg15[%swap3A_1353, %swap3A_1354] {strides = array<i32>} : memref<8x128xi32, #tpu.memory_space<vmem>>, vector<16xi32>,
      tpu.vector_store %arg15[%swap3A_1353, %swap3A_1354], %get3A_1351 {strides = array<i32>} : memref<8x128xi32, #tpu.memory_space<vmem>>, vector<16xi32>,
      %mul3A_1356 = arith.constant 2 : i32
      %mul3A_1357 = arith.muli %scan3A_120, %mul3A_1356 : i32
      %add3A_1358 = arith.constant 1 : i32
      %add3A_1359 = arith.addi %mul3A_1357, %add3A_1358 : i32
      %mul3A_1360 = arith.constant 8 : i32
      %mul3A_1361 = arith.muli %add3A_1359, %mul3A_1360 : i32
      %add3A_1362 = arith.constant 0 : i32
      %add3A_1363 = arith.addi %mul3A_1361, %add3A_1362 : i32
      %mul3A_1364 = arith.constant 128 : i32
      %mul3A_1365 = arith.muli %add3A_1363, %mul3A_1364 : i32
      %add3A_1366 = arith.constant 32 : i32
      %add3A_1367 = arith.addi %mul3A_1365, %add3A_1366 : i32
      %get3A_1368 = arith.index_cast %add3A_1367 : i32 to index
      %get3A_1369 = tpu.vector_load %arg11[%get3A_1368] {strides = array<i32>} : memref<20480xi32, #tpu.memory_space<vmem>>, vector<16xi32>,
      %swap3A_1370 = arith.constant 0 : i32
      %swap3A_1371 = arith.index_cast %swap3A_1370 : i32 to index
      %swap3A_1372 = arith.constant 32 : index
      %swap3A_1373 = tpu.vector_load %arg15[%swap3A_1371, %swap3A_1372] {strides = array<i32>} : memref<8x128xi32, #tpu.memory_space<vmem>>, vector<16xi32>,
      tpu.vector_store %arg15[%swap3A_1371, %swap3A_1372], %get3A_1369 {strides = array<i32>} : memref<8x128xi32, #tpu.memory_space<vmem>>, vector<16xi32>,
      %mul3A_1374 = arith.constant 2 : i32
      %mul3A_1375 = arith.muli %scan3A_120, %mul3A_1374 : i32
      %add3A_1376 = arith.constant 1 : i32
      %add3A_1377 = arith.addi %mul3A_1375, %add3A_1376 : i32
      %mul3A_1378 = arith.constant 8 : i32
      %mul3A_1379 = arith.muli %add3A_1377, %mul3A_1378 : i32
      %add3A_1380 = arith.constant 0 : i32
      %add3A_1381 = arith.addi %mul3A_1379, %add3A_1380 : i32
      %mul3A_1382 = arith.constant 128 : i32
      %mul3A_1383 = arith.muli %add3A_1381, %mul3A_1382 : i32
      %add3A_1384 = arith.constant 48 : i32
      %add3A_1385 = arith.addi %mul3A_1383, %add3A_1384 : i32
      %get3A_1386 = arith.index_cast %add3A_1385 : i32 to index
      %get3A_1387 = tpu.vector_load %arg11[%get3A_1386] {strides = array<i32>} : memref<20480xi32, #tpu.memory_space<vmem>>, vector<16xi32>,
      %swap3A_1388 = arith.constant 0 : i32
      %swap3A_1389 = arith.index_cast %swap3A_1388 : i32 to index
      %swap3A_1390 = arith.constant 48 : index
      %swap3A_1391 = tpu.vector_load %arg15[%swap3A_1389, %swap3A_1390] {strides = array<i32>} : memref<8x128xi32, #tpu.memory_space<vmem>>, vector<16xi32>,
      tpu.vector_store %arg15[%swap3A_1389, %swap3A_1390], %get3A_1387 {strides = array<i32>} : memref<8x128xi32, #tpu.memory_space<vmem>>, vector<16xi32>,
      %mul3A_1392 = arith.constant 2 : i32
      %mul3A_1393 = arith.muli %scan3A_120, %mul3A_1392 : i32
      %add3A_1394 = arith.constant 1 : i32
      %add3A_1395 = arith.addi %mul3A_1393, %add3A_1394 : i32
      %mul3A_1396 = arith.constant 8 : i32
      %mul3A_1397 = arith.muli %add3A_1395, %mul3A_1396 : i32
      %add3A_1398 = arith.constant 0 : i32
      %add3A_1399 = arith.addi %mul3A_1397, %add3A_1398 : i32
      %mul3A_1400 = arith.constant 128 : i32
      %mul3A_1401 = arith.muli %add3A_1399, %mul3A_1400 : i32
      %add3A_1402 = arith.constant 64 : i32
      %add3A_1403 = arith.addi %mul3A_1401, %add3A_1402 : i32
      %get3A_1404 = arith.index_cast %add3A_1403 : i32 to index
      %get3A_1405 = tpu.vector_load %arg11[%get3A_1404] {strides = array<i32>} : memref<20480xi32, #tpu.memory_space<vmem>>, vector<16xi32>,
      %swap3A_1406 = arith.constant 0 : i32
      %swap3A_1407 = arith.index_cast %swap3A_1406 : i32 to index
      %swap3A_1408 = arith.constant 64 : index
      %swap3A_1409 = tpu.vector_load %arg15[%swap3A_1407, %swap3A_1408] {strides = array<i32>} : memref<8x128xi32, #tpu.memory_space<vmem>>, vector<16xi32>,
      tpu.vector_store %arg15[%swap3A_1407, %swap3A_1408], %get3A_1405 {strides = array<i32>} : memref<8x128xi32, #tpu.memory_space<vmem>>, vector<16xi32>,
      %mul3A_1410 = arith.constant 2 : i32
      %mul3A_1411 = arith.muli %scan3A_120, %mul3A_1410 : i32
      %add3A_1412 = arith.constant 1 : i32
      %add3A_1413 = arith.addi %mul3A_1411, %add3A_1412 : i32
      %mul3A_1414 = arith.constant 8 : i32
      %mul3A_1415 = arith.muli %add3A_1413, %mul3A_1414 : i32
      %add3A_1416 = arith.constant 0 : i32
      %add3A_1417 = arith.addi %mul3A_1415, %add3A_1416 : i32
      %mul3A_1418 = arith.constant 128 : i32
      %mul3A_1419 = arith.muli %add3A_1417, %mul3A_1418 : i32
      %add3A_1420 = arith.constant 80 : i32
      %add3A_1421 = arith.addi %mul3A_1419, %add3A_1420 : i32
      %get3A_1422 = arith.index_cast %add3A_1421 : i32 to index
      %get3A_1423 = tpu.vector_load %arg11[%get3A_1422] {strides = array<i32>} : memref<20480xi32, #tpu.memory_space<vmem>>, vector<16xi32>,
      %swap3A_1424 = arith.constant 0 : i32
      %swap3A_1425 = arith.index_cast %swap3A_1424 : i32 to index
      %swap3A_1426 = arith.constant 80 : index
      %swap3A_1427 = tpu.vector_load %arg15[%swap3A_1425, %swap3A_1426] {strides = array<i32>} : memref<8x128xi32, #tpu.memory_space<vmem>>, vector<16xi32>,
      tpu.vector_store %arg15[%swap3A_1425, %swap3A_1426], %get3A_1423 {strides = array<i32>} : memref<8x128xi32, #tpu.memory_space<vmem>>, vector<16xi32>,
      %mul3A_1428 = arith.constant 2 : i32
      %mul3A_1429 = arith.muli %scan3A_120, %mul3A_1428 : i32
      %add3A_1430 = arith.constant 1 : i32
      %add3A_1431 = arith.addi %mul3A_1429, %add3A_1430 : i32
      %mul3A_1432 = arith.constant 8 : i32
      %mul3A_1433 = arith.muli %add3A_1431, %mul3A_1432 : i32
      %add3A_1434 = arith.constant 0 : i32
      %add3A_1435 = arith.addi %mul3A_1433, %add3A_1434 : i32
      %mul3A_1436 = arith.constant 128 : i32
      %mul3A_1437 = arith.muli %add3A_1435, %mul3A_1436 : i32
      %add3A_1438 = arith.constant 96 : i32
      %add3A_1439 = arith.addi %mul3A_1437, %add3A_1438 : i32
      %get3A_1440 = arith.index_cast %add3A_1439 : i32 to index
      %get3A_1441 = tpu.vector_load %arg11[%get3A_1440] {strides = array<i32>} : memref<20480xi32, #tpu.memory_space<vmem>>, vector<16xi32>,
      %swap3A_1442 = arith.constant 0 : i32
      %swap3A_1443 = arith.index_cast %swap3A_1442 : i32 to index
      %swap3A_1444 = arith.constant 96 : index
      %swap3A_1445 = tpu.vector_load %arg15[%swap3A_1443, %swap3A_1444] {strides = array<i32>} : memref<8x128xi32, #tpu.memory_space<vmem>>, vector<16xi32>,
      tpu.vector_store %arg15[%swap3A_1443, %swap3A_1444], %get3A_1441 {strides = array<i32>} : memref<8x128xi32, #tpu.memory_space<vmem>>, vector<16xi32>,
      %mul3A_1446 = arith.constant 2 : i32
      %mul3A_1447 = arith.muli %scan3A_120, %mul3A_1446 : i32
      %add3A_1448 = arith.constant 1 : i32
      %add3A_1449 = arith.addi %mul3A_1447, %add3A_1448 : i32
      %mul3A_1450 = arith.constant 8 : i32
      %mul3A_1451 = arith.muli %add3A_1449, %mul3A_1450 : i32
      %add3A_1452 = arith.constant 0 : i32
      %add3A_1453 = arith.addi %mul3A_1451, %add3A_1452 : i32
      %mul3A_1454 = arith.constant 128 : i32
      %mul3A_1455 = arith.muli %add3A_1453, %mul3A_1454 : i32
      %add3A_1456 = arith.constant 112 : i32
      %add3A_1457 = arith.addi %mul3A_1455, %add3A_1456 : i32
      %get3A_1458 = arith.index_cast %add3A_1457 : i32 to index
      %get3A_1459 = tpu.vector_load %arg11[%get3A_1458] {strides = array<i32>} : memref<20480xi32, #tpu.memory_space<vmem>>, vector<16xi32>,
      %swap3A_1460 = arith.constant 0 : i32
      %swap3A_1461 = arith.index_cast %swap3A_1460 : i32 to index
      %swap3A_1462 = arith.constant 112 : index
      %swap3A_1463 = tpu.vector_load %arg15[%swap3A_1461, %swap3A_1462] {strides = array<i32>} : memref<8x128xi32, #tpu.memory_space<vmem>>, vector<16xi32>,
      tpu.vector_store %arg15[%swap3A_1461, %swap3A_1462], %get3A_1459 {strides = array<i32>} : memref<8x128xi32, #tpu.memory_space<vmem>>, vector<16xi32>,
      %mul3A_1464 = arith.constant 2 : i32
      %mul3A_1465 = arith.muli %scan3A_120, %mul3A_1464 : i32
      %add3A_1466 = arith.constant 1 : i32
      %add3A_1467 = arith.addi %mul3A_1465, %add3A_1466 : i32
      %mul3A_1468 = arith.constant 8 : i32
      %mul3A_1469 = arith.muli %add3A_1467, %mul3A_1468 : i32
      %add3A_1470 = arith.constant 1 : i32
      %add3A_1471 = arith.addi %mul3A_1469, %add3A_1470 : i32
      %mul3A_1472 = arith.constant 128 : i32
      %mul3A_1473 = arith.muli %add3A_1471, %mul3A_1472 : i32
      %add3A_1474 = arith.constant 0 : i32
      %add3A_1475 = arith.addi %mul3A_1473, %add3A_1474 : i32
      %get3A_1476 = arith.index_cast %add3A_1475 : i32 to index
      %get3A_1477 = tpu.vector_load %arg11[%get3A_1476] {strides = array<i32>} : memref<20480xi32, #tpu.memory_space<vmem>>, vector<16xi32>,
      %swap3A_1478 = arith.constant 1 : i32
      %swap3A_1479 = arith.index_cast %swap3A_1478 : i32 to index
      %swap3A_1480 = arith.constant 0 : index
      %swap3A_1481 = tpu.vector_load %arg15[%swap3A_1479, %swap3A_1480] {strides = array<i32>} : memref<8x128xi32, #tpu.memory_space<vmem>>, vector<16xi32>,
      tpu.vector_store %arg15[%swap3A_1479, %swap3A_1480], %get3A_1477 {strides = array<i32>} : memref<8x128xi32, #tpu.memory_space<vmem>>, vector<16xi32>,
      %mul3A_1482 = arith.constant 2 : i32
      %mul3A_1483 = arith.muli %scan3A_120, %mul3A_1482 : i32
      %add3A_1484 = arith.constant 1 : i32
      %add3A_1485 = arith.addi %mul3A_1483, %add3A_1484 : i32
      %mul3A_1486 = arith.constant 8 : i32
      %mul3A_1487 = arith.muli %add3A_1485, %mul3A_1486 : i32
      %add3A_1488 = arith.constant 1 : i32
      %add3A_1489 = arith.addi %mul3A_1487, %add3A_1488 : i32
      %mul3A_1490 = arith.constant 128 : i32
      %mul3A_1491 = arith.muli %add3A_1489, %mul3A_1490 : i32
      %add3A_1492 = arith.constant 16 : i32
      %add3A_1493 = arith.addi %mul3A_1491, %add3A_1492 : i32
      %get3A_1494 = arith.index_cast %add3A_1493 : i32 to index
      %get3A_1495 = tpu.vector_load %arg11[%get3A_1494] {strides = array<i32>} : memref<20480xi32, #tpu.memory_space<vmem>>, vector<16xi32>,
      %swap3A_1496 = arith.constant 1 : i32
      %swap3A_1497 = arith.index_cast %swap3A_1496 : i32 to index
      %swap3A_1498 = arith.constant 16 : index
      %swap3A_1499 = tpu.vector_load %arg15[%swap3A_1497, %swap3A_1498] {strides = array<i32>} : memref<8x128xi32, #tpu.memory_space<vmem>>, vector<16xi32>,
      tpu.vector_store %arg15[%swap3A_1497, %swap3A_1498], %get3A_1495 {strides = array<i32>} : memref<8x128xi32, #tpu.memory_space<vmem>>, vector<16xi32>,
      %mul3A_1500 = arith.constant 2 : i32
      %mul3A_1501 = arith.muli %scan3A_120, %mul3A_1500 : i32
      %add3A_1502 = arith.constant 1 : i32
      %add3A_1503 = arith.addi %mul3A_1501, %add3A_1502 : i32
      %mul3A_1504 = arith.constant 8 : i32
      %mul3A_1505 = arith.muli %add3A_1503, %mul3A_1504 : i32
      %add3A_1506 = arith.constant 1 : i32
      %add3A_1507 = arith.addi %mul3A_1505, %add3A_1506 : i32
      %mul3A_1508 = arith.constant 128 : i32
      %mul3A_1509 = arith.muli %add3A_1507, %mul3A_1508 : i32
      %add3A_1510 = arith.constant 32 : i32
      %add3A_1511 = arith.addi %mul3A_1509, %add3A_1510 : i32
      %get3A_1512 = arith.index_cast %add3A_1511 : i32 to index
      %get3A_1513 = tpu.vector_load %arg11[%get3A_1512] {strides = array<i32>} : memref<20480xi32, #tpu.memory_space<vmem>>, vector<16xi32>,
      %swap3A_1514 = arith.constant 1 : i32
      %swap3A_1515 = arith.index_cast %swap3A_1514 : i32 to index
      %swap3A_1516 = arith.constant 32 : index
      %swap3A_1517 = tpu.vector_load %arg15[%swap3A_1515, %swap3A_1516] {strides = array<i32>} : memref<8x128xi32, #tpu.memory_space<vmem>>, vector<16xi32>,
      tpu.vector_store %arg15[%swap3A_1515, %swap3A_1516], %get3A_1513 {strides = array<i32>} : memref<8x128xi32, #tpu.memory_space<vmem>>, vector<16xi32>,
      %mul3A_1518 = arith.constant 2 : i32
      %mul3A_1519 = arith.muli %scan3A_120, %mul3A_1518 : i32
      %add3A_1520 = arith.constant 1 : i32
      %add3A_1521 = arith.addi %mul3A_1519, %add3A_1520 : i32
      %mul3A_1522 = arith.constant 8 : i32
      %mul3A_1523 = arith.muli %add3A_1521, %mul3A_1522 : i32
      %add3A_1524 = arith.constant 1 : i32
      %add3A_1525 = arith.addi %mul3A_1523, %add3A_1524 : i32
      %mul3A_1526 = arith.constant 128 : i32
      %mul3A_1527 = arith.muli %add3A_1525, %mul3A_1526 : i32
      %add3A_1528 = arith.constant 48 : i32
      %add3A_1529 = arith.addi %mul3A_1527, %add3A_1528 : i32
      %get3A_1530 = arith.index_cast %add3A_1529 : i32 to index
      %get3A_1531 = tpu.vector_load %arg11[%get3A_1530] {strides = array<i32>} : memref<20480xi32, #tpu.memory_space<vmem>>, vector<16xi32>,
      %swap3A_1532 = arith.constant 1 : i32
      %swap3A_1533 = arith.index_cast %swap3A_1532 : i32 to index
      %swap3A_1534 = arith.constant 48 : index
      %swap3A_1535 = tpu.vector_load %arg15[%swap3A_1533, %swap3A_1534] {strides = array<i32>} : memref<8x128xi32, #tpu.memory_space<vmem>>, vector<16xi32>,
      tpu.vector_store %arg15[%swap3A_1533, %swap3A_1534], %get3A_1531 {strides = array<i32>} : memref<8x128xi32, #tpu.memory_space<vmem>>, vector<16xi32>,
      %mul3A_1536 = arith.constant 2 : i32
      %mul3A_1537 = arith.muli %scan3A_120, %mul3A_1536 : i32
      %add3A_1538 = arith.constant 1 : i32
      %add3A_1539 = arith.addi %mul3A_1537, %add3A_1538 : i32
      %mul3A_1540 = arith.constant 8 : i32
      %mul3A_1541 = arith.muli %add3A_1539, %mul3A_1540 : i32
      %add3A_1542 = arith.constant 1 : i32
      %add3A_1543 = arith.addi %mul3A_1541, %add3A_1542 : i32
      %mul3A_1544 = arith.constant 128 : i32
      %mul3A_1545 = arith.muli %add3A_1543, %mul3A_1544 : i32
      %add3A_1546 = arith.constant 64 : i32
      %add3A_1547 = arith.addi %mul3A_1545, %add3A_1546 : i32
      %get3A_1548 = arith.index_cast %add3A_1547 : i32 to index
      %get3A_1549 = tpu.vector_load %arg11[%get3A_1548] {strides = array<i32>} : memref<20480xi32, #tpu.memory_space<vmem>>, vector<16xi32>,
      %swap3A_1550 = arith.constant 1 : i32
      %swap3A_1551 = arith.index_cast %swap3A_1550 : i32 to index
      %swap3A_1552 = arith.constant 64 : index
      %swap3A_1553 = tpu.vector_load %arg15[%swap3A_1551, %swap3A_1552] {strides = array<i32>} : memref<8x128xi32, #tpu.memory_space<vmem>>, vector<16xi32>,
      tpu.vector_store %arg15[%swap3A_1551, %swap3A_1552], %get3A_1549 {strides = array<i32>} : memref<8x128xi32, #tpu.memory_space<vmem>>, vector<16xi32>,
      %mul3A_1554 = arith.constant 2 : i32
      %mul3A_1555 = arith.muli %scan3A_120, %mul3A_1554 : i32
      %add3A_1556 = arith.constant 1 : i32
      %add3A_1557 = arith.addi %mul3A_1555, %add3A_1556 : i32
      %mul3A_1558 = arith.constant 8 : i32
      %mul3A_1559 = arith.muli %add3A_1557, %mul3A_1558 : i32
      %add3A_1560 = arith.constant 1 : i32
      %add3A_1561 = arith.addi %mul3A_1559, %add3A_1560 : i32
      %mul3A_1562 = arith.constant 128 : i32
      %mul3A_1563 = arith.muli %add3A_1561, %mul3A_1562 : i32
      %add3A_1564 = arith.constant 80 : i32
      %add3A_1565 = arith.addi %mul3A_1563, %add3A_1564 : i32
      %get3A_1566 = arith.index_cast %add3A_1565 : i32 to index
      %get3A_1567 = tpu.vector_load %arg11[%get3A_1566] {strides = array<i32>} : memref<20480xi32, #tpu.memory_space<vmem>>, vector<16xi32>,
      %swap3A_1568 = arith.constant 1 : i32
      %swap3A_1569 = arith.index_cast %swap3A_1568 : i32 to index
      %swap3A_1570 = arith.constant 80 : index
      %swap3A_1571 = tpu.vector_load %arg15[%swap3A_1569, %swap3A_1570] {strides = array<i32>} : memref<8x128xi32, #tpu.memory_space<vmem>>, vector<16xi32>,
      tpu.vector_store %arg15[%swap3A_1569, %swap3A_1570], %get3A_1567 {strides = array<i32>} : memref<8x128xi32, #tpu.memory_space<vmem>>, vector<16xi32>,
      %mul3A_1572 = arith.constant 2 : i32
      %mul3A_1573 = arith.muli %scan3A_120, %mul3A_1572 : i32
      %add3A_1574 = arith.constant 1 : i32
      %add3A_1575 = arith.addi %mul3A_1573, %add3A_1574 : i32
      %mul3A_1576 = arith.constant 8 : i32
      %mul3A_1577 = arith.muli %add3A_1575, %mul3A_1576 : i32
      %add3A_1578 = arith.constant 1 : i32
      %add3A_1579 = arith.addi %mul3A_1577, %add3A_1578 : i32
      %mul3A_1580 = arith.constant 128 : i32
      %mul3A_1581 = arith.muli %add3A_1579, %mul3A_1580 : i32
      %add3A_1582 = arith.constant 96 : i32
      %add3A_1583 = arith.addi %mul3A_1581, %add3A_1582 : i32
      %get3A_1584 = arith.index_cast %add3A_1583 : i32 to index
      %get3A_1585 = tpu.vector_load %arg11[%get3A_1584] {strides = array<i32>} : memref<20480xi32, #tpu.memory_space<vmem>>, vector<16xi32>,
      %swap3A_1586 = arith.constant 1 : i32
      %swap3A_1587 = arith.index_cast %swap3A_1586 : i32 to index
      %swap3A_1588 = arith.constant 96 : index
      %swap3A_1589 = tpu.vector_load %arg15[%swap3A_1587, %swap3A_1588] {strides = array<i32>} : memref<8x128xi32, #tpu.memory_space<vmem>>, vector<16xi32>,
      tpu.vector_store %arg15[%swap3A_1587, %swap3A_1588], %get3A_1585 {strides = array<i32>} : memref<8x128xi32, #tpu.memory_space<vmem>>, vector<16xi32>,
      %mul3A_1590 = arith.constant 2 : i32
      %mul3A_1591 = arith.muli %scan3A_120, %mul3A_1590 : i32
      %add3A_1592 = arith.constant 1 : i32
      %add3A_1593 = arith.addi %mul3A_1591, %add3A_1592 : i32
      %mul3A_1594 = arith.constant 8 : i32
      %mul3A_1595 = arith.muli %add3A_1593, %mul3A_1594 : i32
      %add3A_1596 = arith.constant 1 : i32
      %add3A_1597 = arith.addi %mul3A_1595, %add3A_1596 : i32
      %mul3A_1598 = arith.constant 128 : i32
      %mul3A_1599 = arith.muli %add3A_1597, %mul3A_1598 : i32
      %add3A_1600 = arith.constant 112 : i32
      %add3A_1601 = arith.addi %mul3A_1599, %add3A_1600 : i32
      %get3A_1602 = arith.index_cast %add3A_1601 : i32 to index
      %get3A_1603 = tpu.vector_load %arg11[%get3A_1602] {strides = array<i32>} : memref<20480xi32, #tpu.memory_space<vmem>>, vector<16xi32>,
      %swap3A_1604 = arith.constant 1 : i32
      %swap3A_1605 = arith.index_cast %swap3A_1604 : i32 to index
      %swap3A_1606 = arith.constant 112 : index
      %swap3A_1607 = tpu.vector_load %arg15[%swap3A_1605, %swap3A_1606] {strides = array<i32>} : memref<8x128xi32, #tpu.memory_space<vmem>>, vector<16xi32>,
      tpu.vector_store %arg15[%swap3A_1605, %swap3A_1606], %get3A_1603 {strides = array<i32>} : memref<8x128xi32, #tpu.memory_space<vmem>>, vector<16xi32>,
      %mul3A_1608 = arith.constant 2 : i32
      %mul3A_1609 = arith.muli %scan3A_120, %mul3A_1608 : i32
      %add3A_1610 = arith.constant 1 : i32
      %add3A_1611 = arith.addi %mul3A_1609, %add3A_1610 : i32
      %mul3A_1612 = arith.constant 8 : i32
      %mul3A_1613 = arith.muli %add3A_1611, %mul3A_1612 : i32
      %add3A_1614 = arith.constant 2 : i32
      %add3A_1615 = arith.addi %mul3A_1613, %add3A_1614 : i32
      %mul3A_1616 = arith.constant 128 : i32
      %mul3A_1617 = arith.muli %add3A_1615, %mul3A_1616 : i32
      %add3A_1618 = arith.constant 0 : i32
      %add3A_1619 = arith.addi %mul3A_1617, %add3A_1618 : i32
      %get3A_1620 = arith.index_cast %add3A_1619 : i32 to index
      %get3A_1621 = tpu.vector_load %arg11[%get3A_1620] {strides = array<i32>} : memref<20480xi32, #tpu.memory_space<vmem>>, vector<16xi32>,
      %swap3A_1622 = arith.constant 2 : i32
      %swap3A_1623 = arith.index_cast %swap3A_1622 : i32 to index
      %swap3A_1624 = arith.constant 0 : index
      %swap3A_1625 = tpu.vector_load %arg15[%swap3A_1623, %swap3A_1624] {strides = array<i32>} : memref<8x128xi32, #tpu.memory_space<vmem>>, vector<16xi32>,
      tpu.vector_store %arg15[%swap3A_1623, %swap3A_1624], %get3A_1621 {strides = array<i32>} : memref<8x128xi32, #tpu.memory_space<vmem>>, vector<16xi32>,
      %mul3A_1626 = arith.constant 2 : i32
      %mul3A_1627 = arith.muli %scan3A_120, %mul3A_1626 : i32
      %add3A_1628 = arith.constant 1 : i32
      %add3A_1629 = arith.addi %mul3A_1627, %add3A_1628 : i32
      %mul3A_1630 = arith.constant 8 : i32
      %mul3A_1631 = arith.muli %add3A_1629, %mul3A_1630 : i32
      %add3A_1632 = arith.constant 2 : i32
      %add3A_1633 = arith.addi %mul3A_1631, %add3A_1632 : i32
      %mul3A_1634 = arith.constant 128 : i32
      %mul3A_1635 = arith.muli %add3A_1633, %mul3A_1634 : i32
      %add3A_1636 = arith.constant 16 : i32
      %add3A_1637 = arith.addi %mul3A_1635, %add3A_1636 : i32
      %get3A_1638 = arith.index_cast %add3A_1637 : i32 to index
      %get3A_1639 = tpu.vector_load %arg11[%get3A_1638] {strides = array<i32>} : memref<20480xi32, #tpu.memory_space<vmem>>, vector<16xi32>,
      %swap3A_1640 = arith.constant 2 : i32
      %swap3A_1641 = arith.index_cast %swap3A_1640 : i32 to index
      %swap3A_1642 = arith.constant 16 : index
      %swap3A_1643 = tpu.vector_load %arg15[%swap3A_1641, %swap3A_1642] {strides = array<i32>} : memref<8x128xi32, #tpu.memory_space<vmem>>, vector<16xi32>,
      tpu.vector_store %arg15[%swap3A_1641, %swap3A_1642], %get3A_1639 {strides = array<i32>} : memref<8x128xi32, #tpu.memory_space<vmem>>, vector<16xi32>,
      %mul3A_1644 = arith.constant 2 : i32
      %mul3A_1645 = arith.muli %scan3A_120, %mul3A_1644 : i32
      %add3A_1646 = arith.constant 1 : i32
      %add3A_1647 = arith.addi %mul3A_1645, %add3A_1646 : i32
      %mul3A_1648 = arith.constant 8 : i32
      %mul3A_1649 = arith.muli %add3A_1647, %mul3A_1648 : i32
      %add3A_1650 = arith.constant 2 : i32
      %add3A_1651 = arith.addi %mul3A_1649, %add3A_1650 : i32
      %mul3A_1652 = arith.constant 128 : i32
      %mul3A_1653 = arith.muli %add3A_1651, %mul3A_1652 : i32
      %add3A_1654 = arith.constant 32 : i32
      %add3A_1655 = arith.addi %mul3A_1653, %add3A_1654 : i32
      %get3A_1656 = arith.index_cast %add3A_1655 : i32 to index
      %get3A_1657 = tpu.vector_load %arg11[%get3A_1656] {strides = array<i32>} : memref<20480xi32, #tpu.memory_space<vmem>>, vector<16xi32>,
      %swap3A_1658 = arith.constant 2 : i32
      %swap3A_1659 = arith.index_cast %swap3A_1658 : i32 to index
      %swap3A_1660 = arith.constant 32 : index
      %swap3A_1661 = tpu.vector_load %arg15[%swap3A_1659, %swap3A_1660] {strides = array<i32>} : memref<8x128xi32, #tpu.memory_space<vmem>>, vector<16xi32>,
      tpu.vector_store %arg15[%swap3A_1659, %swap3A_1660], %get3A_1657 {strides = array<i32>} : memref<8x128xi32, #tpu.memory_space<vmem>>, vector<16xi32>,
      %mul3A_1662 = arith.constant 2 : i32
      %mul3A_1663 = arith.muli %scan3A_120, %mul3A_1662 : i32
      %add3A_1664 = arith.constant 1 : i32
      %add3A_1665 = arith.addi %mul3A_1663, %add3A_1664 : i32
      %mul3A_1666 = arith.constant 8 : i32
      %mul3A_1667 = arith.muli %add3A_1665, %mul3A_1666 : i32
      %add3A_1668 = arith.constant 2 : i32
      %add3A_1669 = arith.addi %mul3A_1667, %add3A_1668 : i32
      %mul3A_1670 = arith.constant 128 : i32
      %mul3A_1671 = arith.muli %add3A_1669, %mul3A_1670 : i32
      %add3A_1672 = arith.constant 48 : i32
      %add3A_1673 = arith.addi %mul3A_1671, %add3A_1672 : i32
      %get3A_1674 = arith.index_cast %add3A_1673 : i32 to index
      %get3A_1675 = tpu.vector_load %arg11[%get3A_1674] {strides = array<i32>} : memref<20480xi32, #tpu.memory_space<vmem>>, vector<16xi32>,
      %swap3A_1676 = arith.constant 2 : i32
      %swap3A_1677 = arith.index_cast %swap3A_1676 : i32 to index
      %swap3A_1678 = arith.constant 48 : index
      %swap3A_1679 = tpu.vector_load %arg15[%swap3A_1677, %swap3A_1678] {strides = array<i32>} : memref<8x128xi32, #tpu.memory_space<vmem>>, vector<16xi32>,
      tpu.vector_store %arg15[%swap3A_1677, %swap3A_1678], %get3A_1675 {strides = array<i32>} : memref<8x128xi32, #tpu.memory_space<vmem>>, vector<16xi32>,
      %mul3A_1680 = arith.constant 2 : i32
      %mul3A_1681 = arith.muli %scan3A_120, %mul3A_1680 : i32
      %add3A_1682 = arith.constant 1 : i32
      %add3A_1683 = arith.addi %mul3A_1681, %add3A_1682 : i32
      %mul3A_1684 = arith.constant 8 : i32
      %mul3A_1685 = arith.muli %add3A_1683, %mul3A_1684 : i32
      %add3A_1686 = arith.constant 2 : i32
      %add3A_1687 = arith.addi %mul3A_1685, %add3A_1686 : i32
      %mul3A_1688 = arith.constant 128 : i32
      %mul3A_1689 = arith.muli %add3A_1687, %mul3A_1688 : i32
      %add3A_1690 = arith.constant 64 : i32
      %add3A_1691 = arith.addi %mul3A_1689, %add3A_1690 : i32
      %get3A_1692 = arith.index_cast %add3A_1691 : i32 to index
      %get3A_1693 = tpu.vector_load %arg11[%get3A_1692] {strides = array<i32>} : memref<20480xi32, #tpu.memory_space<vmem>>, vector<16xi32>,
      %swap3A_1694 = arith.constant 2 : i32
      %swap3A_1695 = arith.index_cast %swap3A_1694 : i32 to index
      %swap3A_1696 = arith.constant 64 : index
      %swap3A_1697 = tpu.vector_load %arg15[%swap3A_1695, %swap3A_1696] {strides = array<i32>} : memref<8x128xi32, #tpu.memory_space<vmem>>, vector<16xi32>,
      tpu.vector_store %arg15[%swap3A_1695, %swap3A_1696], %get3A_1693 {strides = array<i32>} : memref<8x128xi32, #tpu.memory_space<vmem>>, vector<16xi32>,
      %mul3A_1698 = arith.constant 2 : i32
      %mul3A_1699 = arith.muli %scan3A_120, %mul3A_1698 : i32
      %add3A_1700 = arith.constant 1 : i32
      %add3A_1701 = arith.addi %mul3A_1699, %add3A_1700 : i32
      %mul3A_1702 = arith.constant 8 : i32
      %mul3A_1703 = arith.muli %add3A_1701, %mul3A_1702 : i32
      %add3A_1704 = arith.constant 2 : i32
      %add3A_1705 = arith.addi %mul3A_1703, %add3A_1704 : i32
      %mul3A_1706 = arith.constant 128 : i32
      %mul3A_1707 = arith.muli %add3A_1705, %mul3A_1706 : i32
      %add3A_1708 = arith.constant 80 : i32
      %add3A_1709 = arith.addi %mul3A_1707, %add3A_1708 : i32
      %get3A_1710 = arith.index_cast %add3A_1709 : i32 to index
      %get3A_1711 = tpu.vector_load %arg11[%get3A_1710] {strides = array<i32>} : memref<20480xi32, #tpu.memory_space<vmem>>, vector<16xi32>,
      %swap3A_1712 = arith.constant 2 : i32
      %swap3A_1713 = arith.index_cast %swap3A_1712 : i32 to index
      %swap3A_1714 = arith.constant 80 : index
      %swap3A_1715 = tpu.vector_load %arg15[%swap3A_1713, %swap3A_1714] {strides = array<i32>} : memref<8x128xi32, #tpu.memory_space<vmem>>, vector<16xi32>,
      tpu.vector_store %arg15[%swap3A_1713, %swap3A_1714], %get3A_1711 {strides = array<i32>} : memref<8x128xi32, #tpu.memory_space<vmem>>, vector<16xi32>,
      %mul3A_1716 = arith.constant 2 : i32
      %mul3A_1717 = arith.muli %scan3A_120, %mul3A_1716 : i32
      %add3A_1718 = arith.constant 1 : i32
      %add3A_1719 = arith.addi %mul3A_1717, %add3A_1718 : i32
      %mul3A_1720 = arith.constant 8 : i32
      %mul3A_1721 = arith.muli %add3A_1719, %mul3A_1720 : i32
      %add3A_1722 = arith.constant 2 : i32
      %add3A_1723 = arith.addi %mul3A_1721, %add3A_1722 : i32
      %mul3A_1724 = arith.constant 128 : i32
      %mul3A_1725 = arith.muli %add3A_1723, %mul3A_1724 : i32
      %add3A_1726 = arith.constant 96 : i32
      %add3A_1727 = arith.addi %mul3A_1725, %add3A_1726 : i32
      %get3A_1728 = arith.index_cast %add3A_1727 : i32 to index
      %get3A_1729 = tpu.vector_load %arg11[%get3A_1728] {strides = array<i32>} : memref<20480xi32, #tpu.memory_space<vmem>>, vector<16xi32>,
      %swap3A_1730 = arith.constant 2 : i32
      %swap3A_1731 = arith.index_cast %swap3A_1730 : i32 to index
      %swap3A_1732 = arith.constant 96 : index
      %swap3A_1733 = tpu.vector_load %arg15[%swap3A_1731, %swap3A_1732] {strides = array<i32>} : memref<8x128xi32, #tpu.memory_space<vmem>>, vector<16xi32>,
      tpu.vector_store %arg15[%swap3A_1731, %swap3A_1732], %get3A_1729 {strides = array<i32>} : memref<8x128xi32, #tpu.memory_space<vmem>>, vector<16xi32>,
      %mul3A_1734 = arith.constant 2 : i32
      %mul3A_1735 = arith.muli %scan3A_120, %mul3A_1734 : i32
      %add3A_1736 = arith.constant 1 : i32
      %add3A_1737 = arith.addi %mul3A_1735, %add3A_1736 : i32
      %mul3A_1738 = arith.constant 8 : i32
      %mul3A_1739 = arith.muli %add3A_1737, %mul3A_1738 : i32
      %add3A_1740 = arith.constant 2 : i32
      %add3A_1741 = arith.addi %mul3A_1739, %add3A_1740 : i32
      %mul3A_1742 = arith.constant 128 : i32
      %mul3A_1743 = arith.muli %add3A_1741, %mul3A_1742 : i32
      %add3A_1744 = arith.constant 112 : i32
      %add3A_1745 = arith.addi %mul3A_1743, %add3A_1744 : i32
      %get3A_1746 = arith.index_cast %add3A_1745 : i32 to index
      %get3A_1747 = tpu.vector_load %arg11[%get3A_1746] {strides = array<i32>} : memref<20480xi32, #tpu.memory_space<vmem>>, vector<16xi32>,
      %swap3A_1748 = arith.constant 2 : i32
      %swap3A_1749 = arith.index_cast %swap3A_1748 : i32 to index
      %swap3A_1750 = arith.constant 112 : index
      %swap3A_1751 = tpu.vector_load %arg15[%swap3A_1749, %swap3A_1750] {strides = array<i32>} : memref<8x128xi32, #tpu.memory_space<vmem>>, vector<16xi32>,
      tpu.vector_store %arg15[%swap3A_1749, %swap3A_1750], %get3A_1747 {strides = array<i32>} : memref<8x128xi32, #tpu.memory_space<vmem>>, vector<16xi32>,
      %mul3A_1752 = arith.constant 2 : i32
      %mul3A_1753 = arith.muli %scan3A_120, %mul3A_1752 : i32
      %add3A_1754 = arith.constant 1 : i32
      %add3A_1755 = arith.addi %mul3A_1753, %add3A_1754 : i32
      %mul3A_1756 = arith.constant 8 : i32
      %mul3A_1757 = arith.muli %add3A_1755, %mul3A_1756 : i32
      %add3A_1758 = arith.constant 3 : i32
      %add3A_1759 = arith.addi %mul3A_1757, %add3A_1758 : i32
      %mul3A_1760 = arith.constant 128 : i32
      %mul3A_1761 = arith.muli %add3A_1759, %mul3A_1760 : i32
      %add3A_1762 = arith.constant 0 : i32
      %add3A_1763 = arith.addi %mul3A_1761, %add3A_1762 : i32
      %get3A_1764 = arith.index_cast %add3A_1763 : i32 to index
      %get3A_1765 = tpu.vector_load %arg11[%get3A_1764] {strides = array<i32>} : memref<20480xi32, #tpu.memory_space<vmem>>, vector<16xi32>,
      %swap3A_1766 = arith.constant 3 : i32
      %swap3A_1767 = arith.index_cast %swap3A_1766 : i32 to index
      %swap3A_1768 = arith.constant 0 : index
      %swap3A_1769 = tpu.vector_load %arg15[%swap3A_1767, %swap3A_1768] {strides = array<i32>} : memref<8x128xi32, #tpu.memory_space<vmem>>, vector<16xi32>,
      tpu.vector_store %arg15[%swap3A_1767, %swap3A_1768], %get3A_1765 {strides = array<i32>} : memref<8x128xi32, #tpu.memory_space<vmem>>, vector<16xi32>,
      %mul3A_1770 = arith.constant 2 : i32
      %mul3A_1771 = arith.muli %scan3A_120, %mul3A_1770 : i32
      %add3A_1772 = arith.constant 1 : i32
      %add3A_1773 = arith.addi %mul3A_1771, %add3A_1772 : i32
      %mul3A_1774 = arith.constant 8 : i32
      %mul3A_1775 = arith.muli %add3A_1773, %mul3A_1774 : i32
      %add3A_1776 = arith.constant 3 : i32
      %add3A_1777 = arith.addi %mul3A_1775, %add3A_1776 : i32
      %mul3A_1778 = arith.constant 128 : i32
      %mul3A_1779 = arith.muli %add3A_1777, %mul3A_1778 : i32
      %add3A_1780 = arith.constant 16 : i32
      %add3A_1781 = arith.addi %mul3A_1779, %add3A_1780 : i32
      %get3A_1782 = arith.index_cast %add3A_1781 : i32 to index
      %get3A_1783 = tpu.vector_load %arg11[%get3A_1782] {strides = array<i32>} : memref<20480xi32, #tpu.memory_space<vmem>>, vector<16xi32>,
      %swap3A_1784 = arith.constant 3 : i32
      %swap3A_1785 = arith.index_cast %swap3A_1784 : i32 to index
      %swap3A_1786 = arith.constant 16 : index
      %swap3A_1787 = tpu.vector_load %arg15[%swap3A_1785, %swap3A_1786] {strides = array<i32>} : memref<8x128xi32, #tpu.memory_space<vmem>>, vector<16xi32>,
      tpu.vector_store %arg15[%swap3A_1785, %swap3A_1786], %get3A_1783 {strides = array<i32>} : memref<8x128xi32, #tpu.memory_space<vmem>>, vector<16xi32>,
      %mul3A_1788 = arith.constant 2 : i32
      %mul3A_1789 = arith.muli %scan3A_120, %mul3A_1788 : i32
      %add3A_1790 = arith.constant 1 : i32
      %add3A_1791 = arith.addi %mul3A_1789, %add3A_1790 : i32
      %mul3A_1792 = arith.constant 8 : i32
      %mul3A_1793 = arith.muli %add3A_1791, %mul3A_1792 : i32
      %add3A_1794 = arith.constant 3 : i32
      %add3A_1795 = arith.addi %mul3A_1793, %add3A_1794 : i32
      %mul3A_1796 = arith.constant 128 : i32
      %mul3A_1797 = arith.muli %add3A_1795, %mul3A_1796 : i32
      %add3A_1798 = arith.constant 32 : i32
      %add3A_1799 = arith.addi %mul3A_1797, %add3A_1798 : i32
      %get3A_1800 = arith.index_cast %add3A_1799 : i32 to index
      %get3A_1801 = tpu.vector_load %arg11[%get3A_1800] {strides = array<i32>} : memref<20480xi32, #tpu.memory_space<vmem>>, vector<16xi32>,
      %swap3A_1802 = arith.constant 3 : i32
      %swap3A_1803 = arith.index_cast %swap3A_1802 : i32 to index
      %swap3A_1804 = arith.constant 32 : index
      %swap3A_1805 = tpu.vector_load %arg15[%swap3A_1803, %swap3A_1804] {strides = array<i32>} : memref<8x128xi32, #tpu.memory_space<vmem>>, vector<16xi32>,
      tpu.vector_store %arg15[%swap3A_1803, %swap3A_1804], %get3A_1801 {strides = array<i32>} : memref<8x128xi32, #tpu.memory_space<vmem>>, vector<16xi32>,
      %mul3A_1806 = arith.constant 2 : i32
      %mul3A_1807 = arith.muli %scan3A_120, %mul3A_1806 : i32
      %add3A_1808 = arith.constant 1 : i32
      %add3A_1809 = arith.addi %mul3A_1807, %add3A_1808 : i32
      %mul3A_1810 = arith.constant 8 : i32
      %mul3A_1811 = arith.muli %add3A_1809, %mul3A_1810 : i32
      %add3A_1812 = arith.constant 3 : i32
      %add3A_1813 = arith.addi %mul3A_1811, %add3A_1812 : i32
      %mul3A_1814 = arith.constant 128 : i32
      %mul3A_1815 = arith.muli %add3A_1813, %mul3A_1814 : i32
      %add3A_1816 = arith.constant 48 : i32
      %add3A_1817 = arith.addi %mul3A_1815, %add3A_1816 : i32
      %get3A_1818 = arith.index_cast %add3A_1817 : i32 to index
      %get3A_1819 = tpu.vector_load %arg11[%get3A_1818] {strides = array<i32>} : memref<20480xi32, #tpu.memory_space<vmem>>, vector<16xi32>,
      %swap3A_1820 = arith.constant 3 : i32
      %swap3A_1821 = arith.index_cast %swap3A_1820 : i32 to index
      %swap3A_1822 = arith.constant 48 : index
      %swap3A_1823 = tpu.vector_load %arg15[%swap3A_1821, %swap3A_1822] {strides = array<i32>} : memref<8x128xi32, #tpu.memory_space<vmem>>, vector<16xi32>,
      tpu.vector_store %arg15[%swap3A_1821, %swap3A_1822], %get3A_1819 {strides = array<i32>} : memref<8x128xi32, #tpu.memory_space<vmem>>, vector<16xi32>,
      %mul3A_1824 = arith.constant 2 : i32
      %mul3A_1825 = arith.muli %scan3A_120, %mul3A_1824 : i32
      %add3A_1826 = arith.constant 1 : i32
      %add3A_1827 = arith.addi %mul3A_1825, %add3A_1826 : i32
      %mul3A_1828 = arith.constant 8 : i32
      %mul3A_1829 = arith.muli %add3A_1827, %mul3A_1828 : i32
      %add3A_1830 = arith.constant 3 : i32
      %add3A_1831 = arith.addi %mul3A_1829, %add3A_1830 : i32
      %mul3A_1832 = arith.constant 128 : i32
      %mul3A_1833 = arith.muli %add3A_1831, %mul3A_1832 : i32
      %add3A_1834 = arith.constant 64 : i32
      %add3A_1835 = arith.addi %mul3A_1833, %add3A_1834 : i32
      %get3A_1836 = arith.index_cast %add3A_1835 : i32 to index
      %get3A_1837 = tpu.vector_load %arg11[%get3A_1836] {strides = array<i32>} : memref<20480xi32, #tpu.memory_space<vmem>>, vector<16xi32>,
      %swap3A_1838 = arith.constant 3 : i32
      %swap3A_1839 = arith.index_cast %swap3A_1838 : i32 to index
      %swap3A_1840 = arith.constant 64 : index
      %swap3A_1841 = tpu.vector_load %arg15[%swap3A_1839, %swap3A_1840] {strides = array<i32>} : memref<8x128xi32, #tpu.memory_space<vmem>>, vector<16xi32>,
      tpu.vector_store %arg15[%swap3A_1839, %swap3A_1840], %get3A_1837 {strides = array<i32>} : memref<8x128xi32, #tpu.memory_space<vmem>>, vector<16xi32>,
      %mul3A_1842 = arith.constant 2 : i32
      %mul3A_1843 = arith.muli %scan3A_120, %mul3A_1842 : i32
      %add3A_1844 = arith.constant 1 : i32
      %add3A_1845 = arith.addi %mul3A_1843, %add3A_1844 : i32
      %mul3A_1846 = arith.constant 8 : i32
      %mul3A_1847 = arith.muli %add3A_1845, %mul3A_1846 : i32
      %add3A_1848 = arith.constant 3 : i32
      %add3A_1849 = arith.addi %mul3A_1847, %add3A_1848 : i32
      %mul3A_1850 = arith.constant 128 : i32
      %mul3A_1851 = arith.muli %add3A_1849, %mul3A_1850 : i32
      %add3A_1852 = arith.constant 80 : i32
      %add3A_1853 = arith.addi %mul3A_1851, %add3A_1852 : i32
      %get3A_1854 = arith.index_cast %add3A_1853 : i32 to index
      %get3A_1855 = tpu.vector_load %arg11[%get3A_1854] {strides = array<i32>} : memref<20480xi32, #tpu.memory_space<vmem>>, vector<16xi32>,
      %swap3A_1856 = arith.constant 3 : i32
      %swap3A_1857 = arith.index_cast %swap3A_1856 : i32 to index
      %swap3A_1858 = arith.constant 80 : index
      %swap3A_1859 = tpu.vector_load %arg15[%swap3A_1857, %swap3A_1858] {strides = array<i32>} : memref<8x128xi32, #tpu.memory_space<vmem>>, vector<16xi32>,
      tpu.vector_store %arg15[%swap3A_1857, %swap3A_1858], %get3A_1855 {strides = array<i32>} : memref<8x128xi32, #tpu.memory_space<vmem>>, vector<16xi32>,
      %mul3A_1860 = arith.constant 2 : i32
      %mul3A_1861 = arith.muli %scan3A_120, %mul3A_1860 : i32
      %add3A_1862 = arith.constant 1 : i32
      %add3A_1863 = arith.addi %mul3A_1861, %add3A_1862 : i32
      %mul3A_1864 = arith.constant 8 : i32
      %mul3A_1865 = arith.muli %add3A_1863, %mul3A_1864 : i32
      %add3A_1866 = arith.constant 3 : i32
      %add3A_1867 = arith.addi %mul3A_1865, %add3A_1866 : i32
      %mul3A_1868 = arith.constant 128 : i32
      %mul3A_1869 = arith.muli %add3A_1867, %mul3A_1868 : i32
      %add3A_1870 = arith.constant 96 : i32
      %add3A_1871 = arith.addi %mul3A_1869, %add3A_1870 : i32
      %get3A_1872 = arith.index_cast %add3A_1871 : i32 to index
      %get3A_1873 = tpu.vector_load %arg11[%get3A_1872] {strides = array<i32>} : memref<20480xi32, #tpu.memory_space<vmem>>, vector<16xi32>,
      %swap3A_1874 = arith.constant 3 : i32
      %swap3A_1875 = arith.index_cast %swap3A_1874 : i32 to index
      %swap3A_1876 = arith.constant 96 : index
      %swap3A_1877 = tpu.vector_load %arg15[%swap3A_1875, %swap3A_1876] {strides = array<i32>} : memref<8x128xi32, #tpu.memory_space<vmem>>, vector<16xi32>,
      tpu.vector_store %arg15[%swap3A_1875, %swap3A_1876], %get3A_1873 {strides = array<i32>} : memref<8x128xi32, #tpu.memory_space<vmem>>, vector<16xi32>,
      %mul3A_1878 = arith.constant 2 : i32
      %mul3A_1879 = arith.muli %scan3A_120, %mul3A_1878 : i32
      %add3A_1880 = arith.constant 1 : i32
      %add3A_1881 = arith.addi %mul3A_1879, %add3A_1880 : i32
      %mul3A_1882 = arith.constant 8 : i32
      %mul3A_1883 = arith.muli %add3A_1881, %mul3A_1882 : i32
      %add3A_1884 = arith.constant 3 : i32
      %add3A_1885 = arith.addi %mul3A_1883, %add3A_1884 : i32
      %mul3A_1886 = arith.constant 128 : i32
      %mul3A_1887 = arith.muli %add3A_1885, %mul3A_1886 : i32
      %add3A_1888 = arith.constant 112 : i32
      %add3A_1889 = arith.addi %mul3A_1887, %add3A_1888 : i32
      %get3A_1890 = arith.index_cast %add3A_1889 : i32 to index
      %get3A_1891 = tpu.vector_load %arg11[%get3A_1890] {strides = array<i32>} : memref<20480xi32, #tpu.memory_space<vmem>>, vector<16xi32>,
      %swap3A_1892 = arith.constant 3 : i32
      %swap3A_1893 = arith.index_cast %swap3A_1892 : i32 to index
      %swap3A_1894 = arith.constant 112 : index
      %swap3A_1895 = tpu.vector_load %arg15[%swap3A_1893, %swap3A_1894] {strides = array<i32>} : memref<8x128xi32, #tpu.memory_space<vmem>>, vector<16xi32>,
      tpu.vector_store %arg15[%swap3A_1893, %swap3A_1894], %get3A_1891 {strides = array<i32>} : memref<8x128xi32, #tpu.memory_space<vmem>>, vector<16xi32>,
      %mul3A_1896 = arith.constant 2 : i32
      %mul3A_1897 = arith.muli %scan3A_120, %mul3A_1896 : i32
      %add3A_1898 = arith.constant 1 : i32
      %add3A_1899 = arith.addi %mul3A_1897, %add3A_1898 : i32
      %mul3A_1900 = arith.constant 8 : i32
      %mul3A_1901 = arith.muli %add3A_1899, %mul3A_1900 : i32
      %add3A_1902 = arith.constant 4 : i32
      %add3A_1903 = arith.addi %mul3A_1901, %add3A_1902 : i32
      %mul3A_1904 = arith.constant 128 : i32
      %mul3A_1905 = arith.muli %add3A_1903, %mul3A_1904 : i32
      %add3A_1906 = arith.constant 0 : i32
      %add3A_1907 = arith.addi %mul3A_1905, %add3A_1906 : i32
      %get3A_1908 = arith.index_cast %add3A_1907 : i32 to index
      %get3A_1909 = tpu.vector_load %arg11[%get3A_1908] {strides = array<i32>} : memref<20480xi32, #tpu.memory_space<vmem>>, vector<16xi32>,
      %swap3A_1910 = arith.constant 4 : i32
      %swap3A_1911 = arith.index_cast %swap3A_1910 : i32 to index
      %swap3A_1912 = arith.constant 0 : index
      %swap3A_1913 = tpu.vector_load %arg15[%swap3A_1911, %swap3A_1912] {strides = array<i32>} : memref<8x128xi32, #tpu.memory_space<vmem>>, vector<16xi32>,
      tpu.vector_store %arg15[%swap3A_1911, %swap3A_1912], %get3A_1909 {strides = array<i32>} : memref<8x128xi32, #tpu.memory_space<vmem>>, vector<16xi32>,
      %mul3A_1914 = arith.constant 2 : i32
      %mul3A_1915 = arith.muli %scan3A_120, %mul3A_1914 : i32
      %add3A_1916 = arith.constant 1 : i32
      %add3A_1917 = arith.addi %mul3A_1915, %add3A_1916 : i32
      %mul3A_1918 = arith.constant 8 : i32
      %mul3A_1919 = arith.muli %add3A_1917, %mul3A_1918 : i32
      %add3A_1920 = arith.constant 4 : i32
      %add3A_1921 = arith.addi %mul3A_1919, %add3A_1920 : i32
      %mul3A_1922 = arith.constant 128 : i32
      %mul3A_1923 = arith.muli %add3A_1921, %mul3A_1922 : i32
      %add3A_1924 = arith.constant 16 : i32
      %add3A_1925 = arith.addi %mul3A_1923, %add3A_1924 : i32
      %get3A_1926 = arith.index_cast %add3A_1925 : i32 to index
      %get3A_1927 = tpu.vector_load %arg11[%get3A_1926] {strides = array<i32>} : memref<20480xi32, #tpu.memory_space<vmem>>, vector<16xi32>,
      %swap3A_1928 = arith.constant 4 : i32
      %swap3A_1929 = arith.index_cast %swap3A_1928 : i32 to index
      %swap3A_1930 = arith.constant 16 : index
      %swap3A_1931 = tpu.vector_load %arg15[%swap3A_1929, %swap3A_1930] {strides = array<i32>} : memref<8x128xi32, #tpu.memory_space<vmem>>, vector<16xi32>,
      tpu.vector_store %arg15[%swap3A_1929, %swap3A_1930], %get3A_1927 {strides = array<i32>} : memref<8x128xi32, #tpu.memory_space<vmem>>, vector<16xi32>,
      %mul3A_1932 = arith.constant 2 : i32
      %mul3A_1933 = arith.muli %scan3A_120, %mul3A_1932 : i32
      %add3A_1934 = arith.constant 1 : i32
      %add3A_1935 = arith.addi %mul3A_1933, %add3A_1934 : i32
      %mul3A_1936 = arith.constant 8 : i32
      %mul3A_1937 = arith.muli %add3A_1935, %mul3A_1936 : i32
      %add3A_1938 = arith.constant 4 : i32
      %add3A_1939 = arith.addi %mul3A_1937, %add3A_1938 : i32
      %mul3A_1940 = arith.constant 128 : i32
      %mul3A_1941 = arith.muli %add3A_1939, %mul3A_1940 : i32
      %add3A_1942 = arith.constant 32 : i32
      %add3A_1943 = arith.addi %mul3A_1941, %add3A_1942 : i32
      %get3A_1944 = arith.index_cast %add3A_1943 : i32 to index
      %get3A_1945 = tpu.vector_load %arg11[%get3A_1944] {strides = array<i32>} : memref<20480xi32, #tpu.memory_space<vmem>>, vector<16xi32>,
      %swap3A_1946 = arith.constant 4 : i32
      %swap3A_1947 = arith.index_cast %swap3A_1946 : i32 to index
      %swap3A_1948 = arith.constant 32 : index
      %swap3A_1949 = tpu.vector_load %arg15[%swap3A_1947, %swap3A_1948] {strides = array<i32>} : memref<8x128xi32, #tpu.memory_space<vmem>>, vector<16xi32>,
      tpu.vector_store %arg15[%swap3A_1947, %swap3A_1948], %get3A_1945 {strides = array<i32>} : memref<8x128xi32, #tpu.memory_space<vmem>>, vector<16xi32>,
      %mul3A_1950 = arith.constant 2 : i32
      %mul3A_1951 = arith.muli %scan3A_120, %mul3A_1950 : i32
      %add3A_1952 = arith.constant 1 : i32
      %add3A_1953 = arith.addi %mul3A_1951, %add3A_1952 : i32
      %mul3A_1954 = arith.constant 8 : i32
      %mul3A_1955 = arith.muli %add3A_1953, %mul3A_1954 : i32
      %add3A_1956 = arith.constant 4 : i32
      %add3A_1957 = arith.addi %mul3A_1955, %add3A_1956 : i32
      %mul3A_1958 = arith.constant 128 : i32
      %mul3A_1959 = arith.muli %add3A_1957, %mul3A_1958 : i32
      %add3A_1960 = arith.constant 48 : i32
      %add3A_1961 = arith.addi %mul3A_1959, %add3A_1960 : i32
      %get3A_1962 = arith.index_cast %add3A_1961 : i32 to index
      %get3A_1963 = tpu.vector_load %arg11[%get3A_1962] {strides = array<i32>} : memref<20480xi32, #tpu.memory_space<vmem>>, vector<16xi32>,
      %swap3A_1964 = arith.constant 4 : i32
      %swap3A_1965 = arith.index_cast %swap3A_1964 : i32 to index
      %swap3A_1966 = arith.constant 48 : index
      %swap3A_1967 = tpu.vector_load %arg15[%swap3A_1965, %swap3A_1966] {strides = array<i32>} : memref<8x128xi32, #tpu.memory_space<vmem>>, vector<16xi32>,
      tpu.vector_store %arg15[%swap3A_1965, %swap3A_1966], %get3A_1963 {strides = array<i32>} : memref<8x128xi32, #tpu.memory_space<vmem>>, vector<16xi32>,
      %mul3A_1968 = arith.constant 2 : i32
      %mul3A_1969 = arith.muli %scan3A_120, %mul3A_1968 : i32
      %add3A_1970 = arith.constant 1 : i32
      %add3A_1971 = arith.addi %mul3A_1969, %add3A_1970 : i32
      %mul3A_1972 = arith.constant 8 : i32
      %mul3A_1973 = arith.muli %add3A_1971, %mul3A_1972 : i32
      %add3A_1974 = arith.constant 4 : i32
      %add3A_1975 = arith.addi %mul3A_1973, %add3A_1974 : i32
      %mul3A_1976 = arith.constant 128 : i32
      %mul3A_1977 = arith.muli %add3A_1975, %mul3A_1976 : i32
      %add3A_1978 = arith.constant 64 : i32
      %add3A_1979 = arith.addi %mul3A_1977, %add3A_1978 : i32
      %get3A_1980 = arith.index_cast %add3A_1979 : i32 to index
      %get3A_1981 = tpu.vector_load %arg11[%get3A_1980] {strides = array<i32>} : memref<20480xi32, #tpu.memory_space<vmem>>, vector<16xi32>,
      %swap3A_1982 = arith.constant 4 : i32
      %swap3A_1983 = arith.index_cast %swap3A_1982 : i32 to index
      %swap3A_1984 = arith.constant 64 : index
      %swap3A_1985 = tpu.vector_load %arg15[%swap3A_1983, %swap3A_1984] {strides = array<i32>} : memref<8x128xi32, #tpu.memory_space<vmem>>, vector<16xi32>,
      tpu.vector_store %arg15[%swap3A_1983, %swap3A_1984], %get3A_1981 {strides = array<i32>} : memref<8x128xi32, #tpu.memory_space<vmem>>, vector<16xi32>,
      %mul3A_1986 = arith.constant 2 : i32
      %mul3A_1987 = arith.muli %scan3A_120, %mul3A_1986 : i32
      %add3A_1988 = arith.constant 1 : i32
      %add3A_1989 = arith.addi %mul3A_1987, %add3A_1988 : i32
      %mul3A_1990 = arith.constant 8 : i32
      %mul3A_1991 = arith.muli %add3A_1989, %mul3A_1990 : i32
      %add3A_1992 = arith.constant 4 : i32
      %add3A_1993 = arith.addi %mul3A_1991, %add3A_1992 : i32
      %mul3A_1994 = arith.constant 128 : i32
      %mul3A_1995 = arith.muli %add3A_1993, %mul3A_1994 : i32
      %add3A_1996 = arith.constant 80 : i32
      %add3A_1997 = arith.addi %mul3A_1995, %add3A_1996 : i32
      %get3A_1998 = arith.index_cast %add3A_1997 : i32 to index
      %get3A_1999 = tpu.vector_load %arg11[%get3A_1998] {strides = array<i32>} : memref<20480xi32, #tpu.memory_space<vmem>>, vector<16xi32>,
      %swap3A_2000 = arith.constant 4 : i32
      %swap3A_2001 = arith.index_cast %swap3A_2000 : i32 to index
      %swap3A_2002 = arith.constant 80 : index
      %swap3A_2003 = tpu.vector_load %arg15[%swap3A_2001, %swap3A_2002] {strides = array<i32>} : memref<8x128xi32, #tpu.memory_space<vmem>>, vector<16xi32>,
      tpu.vector_store %arg15[%swap3A_2001, %swap3A_2002], %get3A_1999 {strides = array<i32>} : memref<8x128xi32, #tpu.memory_space<vmem>>, vector<16xi32>,
      %mul3A_2004 = arith.constant 2 : i32
      %mul3A_2005 = arith.muli %scan3A_120, %mul3A_2004 : i32
      %add3A_2006 = arith.constant 1 : i32
      %add3A_2007 = arith.addi %mul3A_2005, %add3A_2006 : i32
      %mul3A_2008 = arith.constant 8 : i32
      %mul3A_2009 = arith.muli %add3A_2007, %mul3A_2008 : i32
      %add3A_2010 = arith.constant 4 : i32
      %add3A_2011 = arith.addi %mul3A_2009, %add3A_2010 : i32
      %mul3A_2012 = arith.constant 128 : i32
      %mul3A_2013 = arith.muli %add3A_2011, %mul3A_2012 : i32
      %add3A_2014 = arith.constant 96 : i32
      %add3A_2015 = arith.addi %mul3A_2013, %add3A_2014 : i32
      %get3A_2016 = arith.index_cast %add3A_2015 : i32 to index
      %get3A_2017 = tpu.vector_load %arg11[%get3A_2016] {strides = array<i32>} : memref<20480xi32, #tpu.memory_space<vmem>>, vector<16xi32>,
      %swap3A_2018 = arith.constant 4 : i32
      %swap3A_2019 = arith.index_cast %swap3A_2018 : i32 to index
      %swap3A_2020 = arith.constant 96 : index
      %swap3A_2021 = tpu.vector_load %arg15[%swap3A_2019, %swap3A_2020] {strides = array<i32>} : memref<8x128xi32, #tpu.memory_space<vmem>>, vector<16xi32>,
      tpu.vector_store %arg15[%swap3A_2019, %swap3A_2020], %get3A_2017 {strides = array<i32>} : memref<8x128xi32, #tpu.memory_space<vmem>>, vector<16xi32>,
      %mul3A_2022 = arith.constant 2 : i32
      %mul3A_2023 = arith.muli %scan3A_120, %mul3A_2022 : i32
      %add3A_2024 = arith.constant 1 : i32
      %add3A_2025 = arith.addi %mul3A_2023, %add3A_2024 : i32
      %mul3A_2026 = arith.constant 8 : i32
      %mul3A_2027 = arith.muli %add3A_2025, %mul3A_2026 : i32
      %add3A_2028 = arith.constant 4 : i32
      %add3A_2029 = arith.addi %mul3A_2027, %add3A_2028 : i32
      %mul3A_2030 = arith.constant 128 : i32
      %mul3A_2031 = arith.muli %add3A_2029, %mul3A_2030 : i32
      %add3A_2032 = arith.constant 112 : i32
      %add3A_2033 = arith.addi %mul3A_2031, %add3A_2032 : i32
      %get3A_2034 = arith.index_cast %add3A_2033 : i32 to index
      %get3A_2035 = tpu.vector_load %arg11[%get3A_2034] {strides = array<i32>} : memref<20480xi32, #tpu.memory_space<vmem>>, vector<16xi32>,
      %swap3A_2036 = arith.constant 4 : i32
      %swap3A_2037 = arith.index_cast %swap3A_2036 : i32 to index
      %swap3A_2038 = arith.constant 112 : index
      %swap3A_2039 = tpu.vector_load %arg15[%swap3A_2037, %swap3A_2038] {strides = array<i32>} : memref<8x128xi32, #tpu.memory_space<vmem>>, vector<16xi32>,
      tpu.vector_store %arg15[%swap3A_2037, %swap3A_2038], %get3A_2035 {strides = array<i32>} : memref<8x128xi32, #tpu.memory_space<vmem>>, vector<16xi32>,
      %mul3A_2040 = arith.constant 2 : i32
      %mul3A_2041 = arith.muli %scan3A_120, %mul3A_2040 : i32
      %add3A_2042 = arith.constant 1 : i32
      %add3A_2043 = arith.addi %mul3A_2041, %add3A_2042 : i32
      %mul3A_2044 = arith.constant 8 : i32
      %mul3A_2045 = arith.muli %add3A_2043, %mul3A_2044 : i32
      %add3A_2046 = arith.constant 5 : i32
      %add3A_2047 = arith.addi %mul3A_2045, %add3A_2046 : i32
      %mul3A_2048 = arith.constant 128 : i32
      %mul3A_2049 = arith.muli %add3A_2047, %mul3A_2048 : i32
      %add3A_2050 = arith.constant 0 : i32
      %add3A_2051 = arith.addi %mul3A_2049, %add3A_2050 : i32
      %get3A_2052 = arith.index_cast %add3A_2051 : i32 to index
      %get3A_2053 = tpu.vector_load %arg11[%get3A_2052] {strides = array<i32>} : memref<20480xi32, #tpu.memory_space<vmem>>, vector<16xi32>,
      %swap3A_2054 = arith.constant 5 : i32
      %swap3A_2055 = arith.index_cast %swap3A_2054 : i32 to index
      %swap3A_2056 = arith.constant 0 : index
      %swap3A_2057 = tpu.vector_load %arg15[%swap3A_2055, %swap3A_2056] {strides = array<i32>} : memref<8x128xi32, #tpu.memory_space<vmem>>, vector<16xi32>,
      tpu.vector_store %arg15[%swap3A_2055, %swap3A_2056], %get3A_2053 {strides = array<i32>} : memref<8x128xi32, #tpu.memory_space<vmem>>, vector<16xi32>,
      %mul3A_2058 = arith.constant 2 : i32
      %mul3A_2059 = arith.muli %scan3A_120, %mul3A_2058 : i32
      %add3A_2060 = arith.constant 1 : i32
      %add3A_2061 = arith.addi %mul3A_2059, %add3A_2060 : i32
      %mul3A_2062 = arith.constant 8 : i32
      %mul3A_2063 = arith.muli %add3A_2061, %mul3A_2062 : i32
      %add3A_2064 = arith.constant 5 : i32
      %add3A_2065 = arith.addi %mul3A_2063, %add3A_2064 : i32
      %mul3A_2066 = arith.constant 128 : i32
      %mul3A_2067 = arith.muli %add3A_2065, %mul3A_2066 : i32
      %add3A_2068 = arith.constant 16 : i32
      %add3A_2069 = arith.addi %mul3A_2067, %add3A_2068 : i32
      %get3A_2070 = arith.index_cast %add3A_2069 : i32 to index
      %get3A_2071 = tpu.vector_load %arg11[%get3A_2070] {strides = array<i32>} : memref<20480xi32, #tpu.memory_space<vmem>>, vector<16xi32>,
      %swap3A_2072 = arith.constant 5 : i32
      %swap3A_2073 = arith.index_cast %swap3A_2072 : i32 to index
      %swap3A_2074 = arith.constant 16 : index
      %swap3A_2075 = tpu.vector_load %arg15[%swap3A_2073, %swap3A_2074] {strides = array<i32>} : memref<8x128xi32, #tpu.memory_space<vmem>>, vector<16xi32>,
      tpu.vector_store %arg15[%swap3A_2073, %swap3A_2074], %get3A_2071 {strides = array<i32>} : memref<8x128xi32, #tpu.memory_space<vmem>>, vector<16xi32>,
      %mul3A_2076 = arith.constant 2 : i32
      %mul3A_2077 = arith.muli %scan3A_120, %mul3A_2076 : i32
      %add3A_2078 = arith.constant 1 : i32
      %add3A_2079 = arith.addi %mul3A_2077, %add3A_2078 : i32
      %mul3A_2080 = arith.constant 8 : i32
      %mul3A_2081 = arith.muli %add3A_2079, %mul3A_2080 : i32
      %add3A_2082 = arith.constant 5 : i32
      %add3A_2083 = arith.addi %mul3A_2081, %add3A_2082 : i32
      %mul3A_2084 = arith.constant 128 : i32
      %mul3A_2085 = arith.muli %add3A_2083, %mul3A_2084 : i32
      %add3A_2086 = arith.constant 32 : i32
      %add3A_2087 = arith.addi %mul3A_2085, %add3A_2086 : i32
      %get3A_2088 = arith.index_cast %add3A_2087 : i32 to index
      %get3A_2089 = tpu.vector_load %arg11[%get3A_2088] {strides = array<i32>} : memref<20480xi32, #tpu.memory_space<vmem>>, vector<16xi32>,
      %swap3A_2090 = arith.constant 5 : i32
      %swap3A_2091 = arith.index_cast %swap3A_2090 : i32 to index
      %swap3A_2092 = arith.constant 32 : index
      %swap3A_2093 = tpu.vector_load %arg15[%swap3A_2091, %swap3A_2092] {strides = array<i32>} : memref<8x128xi32, #tpu.memory_space<vmem>>, vector<16xi32>,
      tpu.vector_store %arg15[%swap3A_2091, %swap3A_2092], %get3A_2089 {strides = array<i32>} : memref<8x128xi32, #tpu.memory_space<vmem>>, vector<16xi32>,
      %mul3A_2094 = arith.constant 2 : i32
      %mul3A_2095 = arith.muli %scan3A_120, %mul3A_2094 : i32
      %add3A_2096 = arith.constant 1 : i32
      %add3A_2097 = arith.addi %mul3A_2095, %add3A_2096 : i32
      %mul3A_2098 = arith.constant 8 : i32
      %mul3A_2099 = arith.muli %add3A_2097, %mul3A_2098 : i32
      %add3A_2100 = arith.constant 5 : i32
      %add3A_2101 = arith.addi %mul3A_2099, %add3A_2100 : i32
      %mul3A_2102 = arith.constant 128 : i32
      %mul3A_2103 = arith.muli %add3A_2101, %mul3A_2102 : i32
      %add3A_2104 = arith.constant 48 : i32
      %add3A_2105 = arith.addi %mul3A_2103, %add3A_2104 : i32
      %get3A_2106 = arith.index_cast %add3A_2105 : i32 to index
      %get3A_2107 = tpu.vector_load %arg11[%get3A_2106] {strides = array<i32>} : memref<20480xi32, #tpu.memory_space<vmem>>, vector<16xi32>,
      %swap3A_2108 = arith.constant 5 : i32
      %swap3A_2109 = arith.index_cast %swap3A_2108 : i32 to index
      %swap3A_2110 = arith.constant 48 : index
      %swap3A_2111 = tpu.vector_load %arg15[%swap3A_2109, %swap3A_2110] {strides = array<i32>} : memref<8x128xi32, #tpu.memory_space<vmem>>, vector<16xi32>,
      tpu.vector_store %arg15[%swap3A_2109, %swap3A_2110], %get3A_2107 {strides = array<i32>} : memref<8x128xi32, #tpu.memory_space<vmem>>, vector<16xi32>,
      %mul3A_2112 = arith.constant 2 : i32
      %mul3A_2113 = arith.muli %scan3A_120, %mul3A_2112 : i32
      %add3A_2114 = arith.constant 1 : i32
      %add3A_2115 = arith.addi %mul3A_2113, %add3A_2114 : i32
      %mul3A_2116 = arith.constant 8 : i32
      %mul3A_2117 = arith.muli %add3A_2115, %mul3A_2116 : i32
      %add3A_2118 = arith.constant 5 : i32
      %add3A_2119 = arith.addi %mul3A_2117, %add3A_2118 : i32
      %mul3A_2120 = arith.constant 128 : i32
      %mul3A_2121 = arith.muli %add3A_2119, %mul3A_2120 : i32
      %add3A_2122 = arith.constant 64 : i32
      %add3A_2123 = arith.addi %mul3A_2121, %add3A_2122 : i32
      %get3A_2124 = arith.index_cast %add3A_2123 : i32 to index
      %get3A_2125 = tpu.vector_load %arg11[%get3A_2124] {strides = array<i32>} : memref<20480xi32, #tpu.memory_space<vmem>>, vector<16xi32>,
      %swap3A_2126 = arith.constant 5 : i32
      %swap3A_2127 = arith.index_cast %swap3A_2126 : i32 to index
      %swap3A_2128 = arith.constant 64 : index
      %swap3A_2129 = tpu.vector_load %arg15[%swap3A_2127, %swap3A_2128] {strides = array<i32>} : memref<8x128xi32, #tpu.memory_space<vmem>>, vector<16xi32>,
      tpu.vector_store %arg15[%swap3A_2127, %swap3A_2128], %get3A_2125 {strides = array<i32>} : memref<8x128xi32, #tpu.memory_space<vmem>>, vector<16xi32>,
      %mul3A_2130 = arith.constant 2 : i32
      %mul3A_2131 = arith.muli %scan3A_120, %mul3A_2130 : i32
      %add3A_2132 = arith.constant 1 : i32
      %add3A_2133 = arith.addi %mul3A_2131, %add3A_2132 : i32
      %mul3A_2134 = arith.constant 8 : i32
      %mul3A_2135 = arith.muli %add3A_2133, %mul3A_2134 : i32
      %add3A_2136 = arith.constant 5 : i32
      %add3A_2137 = arith.addi %mul3A_2135, %add3A_2136 : i32
      %mul3A_2138 = arith.constant 128 : i32
      %mul3A_2139 = arith.muli %add3A_2137, %mul3A_2138 : i32
      %add3A_2140 = arith.constant 80 : i32
      %add3A_2141 = arith.addi %mul3A_2139, %add3A_2140 : i32
      %get3A_2142 = arith.index_cast %add3A_2141 : i32 to index
      %get3A_2143 = tpu.vector_load %arg11[%get3A_2142] {strides = array<i32>} : memref<20480xi32, #tpu.memory_space<vmem>>, vector<16xi32>,
      %swap3A_2144 = arith.constant 5 : i32
      %swap3A_2145 = arith.index_cast %swap3A_2144 : i32 to index
      %swap3A_2146 = arith.constant 80 : index
      %swap3A_2147 = tpu.vector_load %arg15[%swap3A_2145, %swap3A_2146] {strides = array<i32>} : memref<8x128xi32, #tpu.memory_space<vmem>>, vector<16xi32>,
      tpu.vector_store %arg15[%swap3A_2145, %swap3A_2146], %get3A_2143 {strides = array<i32>} : memref<8x128xi32, #tpu.memory_space<vmem>>, vector<16xi32>,
      %mul3A_2148 = arith.constant 2 : i32
      %mul3A_2149 = arith.muli %scan3A_120, %mul3A_2148 : i32
      %add3A_2150 = arith.constant 1 : i32
      %add3A_2151 = arith.addi %mul3A_2149, %add3A_2150 : i32
      %mul3A_2152 = arith.constant 8 : i32
      %mul3A_2153 = arith.muli %add3A_2151, %mul3A_2152 : i32
      %add3A_2154 = arith.constant 5 : i32
      %add3A_2155 = arith.addi %mul3A_2153, %add3A_2154 : i32
      %mul3A_2156 = arith.constant 128 : i32
      %mul3A_2157 = arith.muli %add3A_2155, %mul3A_2156 : i32
      %add3A_2158 = arith.constant 96 : i32
      %add3A_2159 = arith.addi %mul3A_2157, %add3A_2158 : i32
      %get3A_2160 = arith.index_cast %add3A_2159 : i32 to index
      %get3A_2161 = tpu.vector_load %arg11[%get3A_2160] {strides = array<i32>} : memref<20480xi32, #tpu.memory_space<vmem>>, vector<16xi32>,
      %swap3A_2162 = arith.constant 5 : i32
      %swap3A_2163 = arith.index_cast %swap3A_2162 : i32 to index
      %swap3A_2164 = arith.constant 96 : index
      %swap3A_2165 = tpu.vector_load %arg15[%swap3A_2163, %swap3A_2164] {strides = array<i32>} : memref<8x128xi32, #tpu.memory_space<vmem>>, vector<16xi32>,
      tpu.vector_store %arg15[%swap3A_2163, %swap3A_2164], %get3A_2161 {strides = array<i32>} : memref<8x128xi32, #tpu.memory_space<vmem>>, vector<16xi32>,
      %mul3A_2166 = arith.constant 2 : i32
      %mul3A_2167 = arith.muli %scan3A_120, %mul3A_2166 : i32
      %add3A_2168 = arith.constant 1 : i32
      %add3A_2169 = arith.addi %mul3A_2167, %add3A_2168 : i32
      %mul3A_2170 = arith.constant 8 : i32
      %mul3A_2171 = arith.muli %add3A_2169, %mul3A_2170 : i32
      %add3A_2172 = arith.constant 5 : i32
      %add3A_2173 = arith.addi %mul3A_2171, %add3A_2172 : i32
      %mul3A_2174 = arith.constant 128 : i32
      %mul3A_2175 = arith.muli %add3A_2173, %mul3A_2174 : i32
      %add3A_2176 = arith.constant 112 : i32
      %add3A_2177 = arith.addi %mul3A_2175, %add3A_2176 : i32
      %get3A_2178 = arith.index_cast %add3A_2177 : i32 to index
      %get3A_2179 = tpu.vector_load %arg11[%get3A_2178] {strides = array<i32>} : memref<20480xi32, #tpu.memory_space<vmem>>, vector<16xi32>,
      %swap3A_2180 = arith.constant 5 : i32
      %swap3A_2181 = arith.index_cast %swap3A_2180 : i32 to index
      %swap3A_2182 = arith.constant 112 : index
      %swap3A_2183 = tpu.vector_load %arg15[%swap3A_2181, %swap3A_2182] {strides = array<i32>} : memref<8x128xi32, #tpu.memory_space<vmem>>, vector<16xi32>,
      tpu.vector_store %arg15[%swap3A_2181, %swap3A_2182], %get3A_2179 {strides = array<i32>} : memref<8x128xi32, #tpu.memory_space<vmem>>, vector<16xi32>,
      %mul3A_2184 = arith.constant 2 : i32
      %mul3A_2185 = arith.muli %scan3A_120, %mul3A_2184 : i32
      %add3A_2186 = arith.constant 1 : i32
      %add3A_2187 = arith.addi %mul3A_2185, %add3A_2186 : i32
      %mul3A_2188 = arith.constant 8 : i32
      %mul3A_2189 = arith.muli %add3A_2187, %mul3A_2188 : i32
      %add3A_2190 = arith.constant 6 : i32
      %add3A_2191 = arith.addi %mul3A_2189, %add3A_2190 : i32
      %mul3A_2192 = arith.constant 128 : i32
      %mul3A_2193 = arith.muli %add3A_2191, %mul3A_2192 : i32
      %add3A_2194 = arith.constant 0 : i32
      %add3A_2195 = arith.addi %mul3A_2193, %add3A_2194 : i32
      %get3A_2196 = arith.index_cast %add3A_2195 : i32 to index
      %get3A_2197 = tpu.vector_load %arg11[%get3A_2196] {strides = array<i32>} : memref<20480xi32, #tpu.memory_space<vmem>>, vector<16xi32>,
      %swap3A_2198 = arith.constant 6 : i32
      %swap3A_2199 = arith.index_cast %swap3A_2198 : i32 to index
      %swap3A_2200 = arith.constant 0 : index
      %swap3A_2201 = tpu.vector_load %arg15[%swap3A_2199, %swap3A_2200] {strides = array<i32>} : memref<8x128xi32, #tpu.memory_space<vmem>>, vector<16xi32>,
      tpu.vector_store %arg15[%swap3A_2199, %swap3A_2200], %get3A_2197 {strides = array<i32>} : memref<8x128xi32, #tpu.memory_space<vmem>>, vector<16xi32>,
      %mul3A_2202 = arith.constant 2 : i32
      %mul3A_2203 = arith.muli %scan3A_120, %mul3A_2202 : i32
      %add3A_2204 = arith.constant 1 : i32
      %add3A_2205 = arith.addi %mul3A_2203, %add3A_2204 : i32
      %mul3A_2206 = arith.constant 8 : i32
      %mul3A_2207 = arith.muli %add3A_2205, %mul3A_2206 : i32
      %add3A_2208 = arith.constant 6 : i32
      %add3A_2209 = arith.addi %mul3A_2207, %add3A_2208 : i32
      %mul3A_2210 = arith.constant 128 : i32
      %mul3A_2211 = arith.muli %add3A_2209, %mul3A_2210 : i32
      %add3A_2212 = arith.constant 16 : i32
      %add3A_2213 = arith.addi %mul3A_2211, %add3A_2212 : i32
      %get3A_2214 = arith.index_cast %add3A_2213 : i32 to index
      %get3A_2215 = tpu.vector_load %arg11[%get3A_2214] {strides = array<i32>} : memref<20480xi32, #tpu.memory_space<vmem>>, vector<16xi32>,
      %swap3A_2216 = arith.constant 6 : i32
      %swap3A_2217 = arith.index_cast %swap3A_2216 : i32 to index
      %swap3A_2218 = arith.constant 16 : index
      %swap3A_2219 = tpu.vector_load %arg15[%swap3A_2217, %swap3A_2218] {strides = array<i32>} : memref<8x128xi32, #tpu.memory_space<vmem>>, vector<16xi32>,
      tpu.vector_store %arg15[%swap3A_2217, %swap3A_2218], %get3A_2215 {strides = array<i32>} : memref<8x128xi32, #tpu.memory_space<vmem>>, vector<16xi32>,
      %mul3A_2220 = arith.constant 2 : i32
      %mul3A_2221 = arith.muli %scan3A_120, %mul3A_2220 : i32
      %add3A_2222 = arith.constant 1 : i32
      %add3A_2223 = arith.addi %mul3A_2221, %add3A_2222 : i32
      %mul3A_2224 = arith.constant 8 : i32
      %mul3A_2225 = arith.muli %add3A_2223, %mul3A_2224 : i32
      %add3A_2226 = arith.constant 6 : i32
      %add3A_2227 = arith.addi %mul3A_2225, %add3A_2226 : i32
      %mul3A_2228 = arith.constant 128 : i32
      %mul3A_2229 = arith.muli %add3A_2227, %mul3A_2228 : i32
      %add3A_2230 = arith.constant 32 : i32
      %add3A_2231 = arith.addi %mul3A_2229, %add3A_2230 : i32
      %get3A_2232 = arith.index_cast %add3A_2231 : i32 to index
      %get3A_2233 = tpu.vector_load %arg11[%get3A_2232] {strides = array<i32>} : memref<20480xi32, #tpu.memory_space<vmem>>, vector<16xi32>,
      %swap3A_2234 = arith.constant 6 : i32
      %swap3A_2235 = arith.index_cast %swap3A_2234 : i32 to index
      %swap3A_2236 = arith.constant 32 : index
      %swap3A_2237 = tpu.vector_load %arg15[%swap3A_2235, %swap3A_2236] {strides = array<i32>} : memref<8x128xi32, #tpu.memory_space<vmem>>, vector<16xi32>,
      tpu.vector_store %arg15[%swap3A_2235, %swap3A_2236], %get3A_2233 {strides = array<i32>} : memref<8x128xi32, #tpu.memory_space<vmem>>, vector<16xi32>,
      %mul3A_2238 = arith.constant 2 : i32
      %mul3A_2239 = arith.muli %scan3A_120, %mul3A_2238 : i32
      %add3A_2240 = arith.constant 1 : i32
      %add3A_2241 = arith.addi %mul3A_2239, %add3A_2240 : i32
      %mul3A_2242 = arith.constant 8 : i32
      %mul3A_2243 = arith.muli %add3A_2241, %mul3A_2242 : i32
      %add3A_2244 = arith.constant 6 : i32
      %add3A_2245 = arith.addi %mul3A_2243, %add3A_2244 : i32
      %mul3A_2246 = arith.constant 128 : i32
      %mul3A_2247 = arith.muli %add3A_2245, %mul3A_2246 : i32
      %add3A_2248 = arith.constant 48 : i32
      %add3A_2249 = arith.addi %mul3A_2247, %add3A_2248 : i32
      %get3A_2250 = arith.index_cast %add3A_2249 : i32 to index
      %get3A_2251 = tpu.vector_load %arg11[%get3A_2250] {strides = array<i32>} : memref<20480xi32, #tpu.memory_space<vmem>>, vector<16xi32>,
      %swap3A_2252 = arith.constant 6 : i32
      %swap3A_2253 = arith.index_cast %swap3A_2252 : i32 to index
      %swap3A_2254 = arith.constant 48 : index
      %swap3A_2255 = tpu.vector_load %arg15[%swap3A_2253, %swap3A_2254] {strides = array<i32>} : memref<8x128xi32, #tpu.memory_space<vmem>>, vector<16xi32>,
      tpu.vector_store %arg15[%swap3A_2253, %swap3A_2254], %get3A_2251 {strides = array<i32>} : memref<8x128xi32, #tpu.memory_space<vmem>>, vector<16xi32>,
      %mul3A_2256 = arith.constant 2 : i32
      %mul3A_2257 = arith.muli %scan3A_120, %mul3A_2256 : i32
      %add3A_2258 = arith.constant 1 : i32
      %add3A_2259 = arith.addi %mul3A_2257, %add3A_2258 : i32
      %mul3A_2260 = arith.constant 8 : i32
      %mul3A_2261 = arith.muli %add3A_2259, %mul3A_2260 : i32
      %add3A_2262 = arith.constant 6 : i32
      %add3A_2263 = arith.addi %mul3A_2261, %add3A_2262 : i32
      %mul3A_2264 = arith.constant 128 : i32
      %mul3A_2265 = arith.muli %add3A_2263, %mul3A_2264 : i32
      %add3A_2266 = arith.constant 64 : i32
      %add3A_2267 = arith.addi %mul3A_2265, %add3A_2266 : i32
      %get3A_2268 = arith.index_cast %add3A_2267 : i32 to index
      %get3A_2269 = tpu.vector_load %arg11[%get3A_2268] {strides = array<i32>} : memref<20480xi32, #tpu.memory_space<vmem>>, vector<16xi32>,
      %swap3A_2270 = arith.constant 6 : i32
      %swap3A_2271 = arith.index_cast %swap3A_2270 : i32 to index
      %swap3A_2272 = arith.constant 64 : index
      %swap3A_2273 = tpu.vector_load %arg15[%swap3A_2271, %swap3A_2272] {strides = array<i32>} : memref<8x128xi32, #tpu.memory_space<vmem>>, vector<16xi32>,
      tpu.vector_store %arg15[%swap3A_2271, %swap3A_2272], %get3A_2269 {strides = array<i32>} : memref<8x128xi32, #tpu.memory_space<vmem>>, vector<16xi32>,
      %mul3A_2274 = arith.constant 2 : i32
      %mul3A_2275 = arith.muli %scan3A_120, %mul3A_2274 : i32
      %add3A_2276 = arith.constant 1 : i32
      %add3A_2277 = arith.addi %mul3A_2275, %add3A_2276 : i32
      %mul3A_2278 = arith.constant 8 : i32
      %mul3A_2279 = arith.muli %add3A_2277, %mul3A_2278 : i32
      %add3A_2280 = arith.constant 6 : i32
      %add3A_2281 = arith.addi %mul3A_2279, %add3A_2280 : i32
      %mul3A_2282 = arith.constant 128 : i32
      %mul3A_2283 = arith.muli %add3A_2281, %mul3A_2282 : i32
      %add3A_2284 = arith.constant 80 : i32
      %add3A_2285 = arith.addi %mul3A_2283, %add3A_2284 : i32
      %get3A_2286 = arith.index_cast %add3A_2285 : i32 to index
      %get3A_2287 = tpu.vector_load %arg11[%get3A_2286] {strides = array<i32>} : memref<20480xi32, #tpu.memory_space<vmem>>, vector<16xi32>,
      %swap3A_2288 = arith.constant 6 : i32
      %swap3A_2289 = arith.index_cast %swap3A_2288 : i32 to index
      %swap3A_2290 = arith.constant 80 : index
      %swap3A_2291 = tpu.vector_load %arg15[%swap3A_2289, %swap3A_2290] {strides = array<i32>} : memref<8x128xi32, #tpu.memory_space<vmem>>, vector<16xi32>,
      tpu.vector_store %arg15[%swap3A_2289, %swap3A_2290], %get3A_2287 {strides = array<i32>} : memref<8x128xi32, #tpu.memory_space<vmem>>, vector<16xi32>,
      %mul3A_2292 = arith.constant 2 : i32
      %mul3A_2293 = arith.muli %scan3A_120, %mul3A_2292 : i32
      %add3A_2294 = arith.constant 1 : i32
      %add3A_2295 = arith.addi %mul3A_2293, %add3A_2294 : i32
      %mul3A_2296 = arith.constant 8 : i32
      %mul3A_2297 = arith.muli %add3A_2295, %mul3A_2296 : i32
      %add3A_2298 = arith.constant 6 : i32
      %add3A_2299 = arith.addi %mul3A_2297, %add3A_2298 : i32
      %mul3A_2300 = arith.constant 128 : i32
      %mul3A_2301 = arith.muli %add3A_2299, %mul3A_2300 : i32
      %add3A_2302 = arith.constant 96 : i32
      %add3A_2303 = arith.addi %mul3A_2301, %add3A_2302 : i32
      %get3A_2304 = arith.index_cast %add3A_2303 : i32 to index
      %get3A_2305 = tpu.vector_load %arg11[%get3A_2304] {strides = array<i32>} : memref<20480xi32, #tpu.memory_space<vmem>>, vector<16xi32>,
      %swap3A_2306 = arith.constant 6 : i32
      %swap3A_2307 = arith.index_cast %swap3A_2306 : i32 to index
      %swap3A_2308 = arith.constant 96 : index
      %swap3A_2309 = tpu.vector_load %arg15[%swap3A_2307, %swap3A_2308] {strides = array<i32>} : memref<8x128xi32, #tpu.memory_space<vmem>>, vector<16xi32>,
      tpu.vector_store %arg15[%swap3A_2307, %swap3A_2308], %get3A_2305 {strides = array<i32>} : memref<8x128xi32, #tpu.memory_space<vmem>>, vector<16xi32>,
      %mul3A_2310 = arith.constant 2 : i32
      %mul3A_2311 = arith.muli %scan3A_120, %mul3A_2310 : i32
      %add3A_2312 = arith.constant 1 : i32
      %add3A_2313 = arith.addi %mul3A_2311, %add3A_2312 : i32
      %mul3A_2314 = arith.constant 8 : i32
      %mul3A_2315 = arith.muli %add3A_2313, %mul3A_2314 : i32
      %add3A_2316 = arith.constant 6 : i32
      %add3A_2317 = arith.addi %mul3A_2315, %add3A_2316 : i32
      %mul3A_2318 = arith.constant 128 : i32
      %mul3A_2319 = arith.muli %add3A_2317, %mul3A_2318 : i32
      %add3A_2320 = arith.constant 112 : i32
      %add3A_2321 = arith.addi %mul3A_2319, %add3A_2320 : i32
      %get3A_2322 = arith.index_cast %add3A_2321 : i32 to index
      %get3A_2323 = tpu.vector_load %arg11[%get3A_2322] {strides = array<i32>} : memref<20480xi32, #tpu.memory_space<vmem>>, vector<16xi32>,
      %swap3A_2324 = arith.constant 6 : i32
      %swap3A_2325 = arith.index_cast %swap3A_2324 : i32 to index
      %swap3A_2326 = arith.constant 112 : index
      %swap3A_2327 = tpu.vector_load %arg15[%swap3A_2325, %swap3A_2326] {strides = array<i32>} : memref<8x128xi32, #tpu.memory_space<vmem>>, vector<16xi32>,
      tpu.vector_store %arg15[%swap3A_2325, %swap3A_2326], %get3A_2323 {strides = array<i32>} : memref<8x128xi32, #tpu.memory_space<vmem>>, vector<16xi32>,
      %mul3A_2328 = arith.constant 2 : i32
      %mul3A_2329 = arith.muli %scan3A_120, %mul3A_2328 : i32
      %add3A_2330 = arith.constant 1 : i32
      %add3A_2331 = arith.addi %mul3A_2329, %add3A_2330 : i32
      %mul3A_2332 = arith.constant 8 : i32
      %mul3A_2333 = arith.muli %add3A_2331, %mul3A_2332 : i32
      %add3A_2334 = arith.constant 7 : i32
      %add3A_2335 = arith.addi %mul3A_2333, %add3A_2334 : i32
      %mul3A_2336 = arith.constant 128 : i32
      %mul3A_2337 = arith.muli %add3A_2335, %mul3A_2336 : i32
      %add3A_2338 = arith.constant 0 : i32
      %add3A_2339 = arith.addi %mul3A_2337, %add3A_2338 : i32
      %get3A_2340 = arith.index_cast %add3A_2339 : i32 to index
      %get3A_2341 = tpu.vector_load %arg11[%get3A_2340] {strides = array<i32>} : memref<20480xi32, #tpu.memory_space<vmem>>, vector<16xi32>,
      %swap3A_2342 = arith.constant 7 : i32
      %swap3A_2343 = arith.index_cast %swap3A_2342 : i32 to index
      %swap3A_2344 = arith.constant 0 : index
      %swap3A_2345 = tpu.vector_load %arg15[%swap3A_2343, %swap3A_2344] {strides = array<i32>} : memref<8x128xi32, #tpu.memory_space<vmem>>, vector<16xi32>,
      tpu.vector_store %arg15[%swap3A_2343, %swap3A_2344], %get3A_2341 {strides = array<i32>} : memref<8x128xi32, #tpu.memory_space<vmem>>, vector<16xi32>,
      %mul3A_2346 = arith.constant 2 : i32
      %mul3A_2347 = arith.muli %scan3A_120, %mul3A_2346 : i32
      %add3A_2348 = arith.constant 1 : i32
      %add3A_2349 = arith.addi %mul3A_2347, %add3A_2348 : i32
      %mul3A_2350 = arith.constant 8 : i32
      %mul3A_2351 = arith.muli %add3A_2349, %mul3A_2350 : i32
      %add3A_2352 = arith.constant 7 : i32
      %add3A_2353 = arith.addi %mul3A_2351, %add3A_2352 : i32
      %mul3A_2354 = arith.constant 128 : i32
      %mul3A_2355 = arith.muli %add3A_2353, %mul3A_2354 : i32
      %add3A_2356 = arith.constant 16 : i32
      %add3A_2357 = arith.addi %mul3A_2355, %add3A_2356 : i32
      %get3A_2358 = arith.index_cast %add3A_2357 : i32 to index
      %get3A_2359 = tpu.vector_load %arg11[%get3A_2358] {strides = array<i32>} : memref<20480xi32, #tpu.memory_space<vmem>>, vector<16xi32>,
      %swap3A_2360 = arith.constant 7 : i32
      %swap3A_2361 = arith.index_cast %swap3A_2360 : i32 to index
      %swap3A_2362 = arith.constant 16 : index
      %swap3A_2363 = tpu.vector_load %arg15[%swap3A_2361, %swap3A_2362] {strides = array<i32>} : memref<8x128xi32, #tpu.memory_space<vmem>>, vector<16xi32>,
      tpu.vector_store %arg15[%swap3A_2361, %swap3A_2362], %get3A_2359 {strides = array<i32>} : memref<8x128xi32, #tpu.memory_space<vmem>>, vector<16xi32>,
      %mul3A_2364 = arith.constant 2 : i32
      %mul3A_2365 = arith.muli %scan3A_120, %mul3A_2364 : i32
      %add3A_2366 = arith.constant 1 : i32
      %add3A_2367 = arith.addi %mul3A_2365, %add3A_2366 : i32
      %mul3A_2368 = arith.constant 8 : i32
      %mul3A_2369 = arith.muli %add3A_2367, %mul3A_2368 : i32
      %add3A_2370 = arith.constant 7 : i32
      %add3A_2371 = arith.addi %mul3A_2369, %add3A_2370 : i32
      %mul3A_2372 = arith.constant 128 : i32
      %mul3A_2373 = arith.muli %add3A_2371, %mul3A_2372 : i32
      %add3A_2374 = arith.constant 32 : i32
      %add3A_2375 = arith.addi %mul3A_2373, %add3A_2374 : i32
      %get3A_2376 = arith.index_cast %add3A_2375 : i32 to index
      %get3A_2377 = tpu.vector_load %arg11[%get3A_2376] {strides = array<i32>} : memref<20480xi32, #tpu.memory_space<vmem>>, vector<16xi32>,
      %swap3A_2378 = arith.constant 7 : i32
      %swap3A_2379 = arith.index_cast %swap3A_2378 : i32 to index
      %swap3A_2380 = arith.constant 32 : index
      %swap3A_2381 = tpu.vector_load %arg15[%swap3A_2379, %swap3A_2380] {strides = array<i32>} : memref<8x128xi32, #tpu.memory_space<vmem>>, vector<16xi32>,
      tpu.vector_store %arg15[%swap3A_2379, %swap3A_2380], %get3A_2377 {strides = array<i32>} : memref<8x128xi32, #tpu.memory_space<vmem>>, vector<16xi32>,
      %mul3A_2382 = arith.constant 2 : i32
      %mul3A_2383 = arith.muli %scan3A_120, %mul3A_2382 : i32
      %add3A_2384 = arith.constant 1 : i32
      %add3A_2385 = arith.addi %mul3A_2383, %add3A_2384 : i32
      %mul3A_2386 = arith.constant 8 : i32
      %mul3A_2387 = arith.muli %add3A_2385, %mul3A_2386 : i32
      %add3A_2388 = arith.constant 7 : i32
      %add3A_2389 = arith.addi %mul3A_2387, %add3A_2388 : i32
      %mul3A_2390 = arith.constant 128 : i32
      %mul3A_2391 = arith.muli %add3A_2389, %mul3A_2390 : i32
      %add3A_2392 = arith.constant 48 : i32
      %add3A_2393 = arith.addi %mul3A_2391, %add3A_2392 : i32
      %get3A_2394 = arith.index_cast %add3A_2393 : i32 to index
      %get3A_2395 = tpu.vector_load %arg11[%get3A_2394] {strides = array<i32>} : memref<20480xi32, #tpu.memory_space<vmem>>, vector<16xi32>,
      %swap3A_2396 = arith.constant 7 : i32
      %swap3A_2397 = arith.index_cast %swap3A_2396 : i32 to index
      %swap3A_2398 = arith.constant 48 : index
      %swap3A_2399 = tpu.vector_load %arg15[%swap3A_2397, %swap3A_2398] {strides = array<i32>} : memref<8x128xi32, #tpu.memory_space<vmem>>, vector<16xi32>,
      tpu.vector_store %arg15[%swap3A_2397, %swap3A_2398], %get3A_2395 {strides = array<i32>} : memref<8x128xi32, #tpu.memory_space<vmem>>, vector<16xi32>,
      %mul3A_2400 = arith.constant 2 : i32
      %mul3A_2401 = arith.muli %scan3A_120, %mul3A_2400 : i32
      %add3A_2402 = arith.constant 1 : i32
      %add3A_2403 = arith.addi %mul3A_2401, %add3A_2402 : i32
      %mul3A_2404 = arith.constant 8 : i32
      %mul3A_2405 = arith.muli %add3A_2403, %mul3A_2404 : i32
      %add3A_2406 = arith.constant 7 : i32
      %add3A_2407 = arith.addi %mul3A_2405, %add3A_2406 : i32
      %mul3A_2408 = arith.constant 128 : i32
      %mul3A_2409 = arith.muli %add3A_2407, %mul3A_2408 : i32
      %add3A_2410 = arith.constant 64 : i32
      %add3A_2411 = arith.addi %mul3A_2409, %add3A_2410 : i32
      %get3A_2412 = arith.index_cast %add3A_2411 : i32 to index
      %get3A_2413 = tpu.vector_load %arg11[%get3A_2412] {strides = array<i32>} : memref<20480xi32, #tpu.memory_space<vmem>>, vector<16xi32>,
      %swap3A_2414 = arith.constant 7 : i32
      %swap3A_2415 = arith.index_cast %swap3A_2414 : i32 to index
      %swap3A_2416 = arith.constant 64 : index
      %swap3A_2417 = tpu.vector_load %arg15[%swap3A_2415, %swap3A_2416] {strides = array<i32>} : memref<8x128xi32, #tpu.memory_space<vmem>>, vector<16xi32>,
      tpu.vector_store %arg15[%swap3A_2415, %swap3A_2416], %get3A_2413 {strides = array<i32>} : memref<8x128xi32, #tpu.memory_space<vmem>>, vector<16xi32>,
      %mul3A_2418 = arith.constant 2 : i32
      %mul3A_2419 = arith.muli %scan3A_120, %mul3A_2418 : i32
      %add3A_2420 = arith.constant 1 : i32
      %add3A_2421 = arith.addi %mul3A_2419, %add3A_2420 : i32
      %mul3A_2422 = arith.constant 8 : i32
      %mul3A_2423 = arith.muli %add3A_2421, %mul3A_2422 : i32
      %add3A_2424 = arith.constant 7 : i32
      %add3A_2425 = arith.addi %mul3A_2423, %add3A_2424 : i32
      %mul3A_2426 = arith.constant 128 : i32
      %mul3A_2427 = arith.muli %add3A_2425, %mul3A_2426 : i32
      %add3A_2428 = arith.constant 80 : i32
      %add3A_2429 = arith.addi %mul3A_2427, %add3A_2428 : i32
      %get3A_2430 = arith.index_cast %add3A_2429 : i32 to index
      %get3A_2431 = tpu.vector_load %arg11[%get3A_2430] {strides = array<i32>} : memref<20480xi32, #tpu.memory_space<vmem>>, vector<16xi32>,
      %swap3A_2432 = arith.constant 7 : i32
      %swap3A_2433 = arith.index_cast %swap3A_2432 : i32 to index
      %swap3A_2434 = arith.constant 80 : index
      %swap3A_2435 = tpu.vector_load %arg15[%swap3A_2433, %swap3A_2434] {strides = array<i32>} : memref<8x128xi32, #tpu.memory_space<vmem>>, vector<16xi32>,
      tpu.vector_store %arg15[%swap3A_2433, %swap3A_2434], %get3A_2431 {strides = array<i32>} : memref<8x128xi32, #tpu.memory_space<vmem>>, vector<16xi32>,
      %mul3A_2436 = arith.constant 2 : i32
      %mul3A_2437 = arith.muli %scan3A_120, %mul3A_2436 : i32
      %add3A_2438 = arith.constant 1 : i32
      %add3A_2439 = arith.addi %mul3A_2437, %add3A_2438 : i32
      %mul3A_2440 = arith.constant 8 : i32
      %mul3A_2441 = arith.muli %add3A_2439, %mul3A_2440 : i32
      %add3A_2442 = arith.constant 7 : i32
      %add3A_2443 = arith.addi %mul3A_2441, %add3A_2442 : i32
      %mul3A_2444 = arith.constant 128 : i32
      %mul3A_2445 = arith.muli %add3A_2443, %mul3A_2444 : i32
      %add3A_2446 = arith.constant 96 : i32
      %add3A_2447 = arith.addi %mul3A_2445, %add3A_2446 : i32
      %get3A_2448 = arith.index_cast %add3A_2447 : i32 to index
      %get3A_2449 = tpu.vector_load %arg11[%get3A_2448] {strides = array<i32>} : memref<20480xi32, #tpu.memory_space<vmem>>, vector<16xi32>,
      %swap3A_2450 = arith.constant 7 : i32
      %swap3A_2451 = arith.index_cast %swap3A_2450 : i32 to index
      %swap3A_2452 = arith.constant 96 : index
      %swap3A_2453 = tpu.vector_load %arg15[%swap3A_2451, %swap3A_2452] {strides = array<i32>} : memref<8x128xi32, #tpu.memory_space<vmem>>, vector<16xi32>,
      tpu.vector_store %arg15[%swap3A_2451, %swap3A_2452], %get3A_2449 {strides = array<i32>} : memref<8x128xi32, #tpu.memory_space<vmem>>, vector<16xi32>,
      %mul3A_2454 = arith.constant 2 : i32
      %mul3A_2455 = arith.muli %scan3A_120, %mul3A_2454 : i32
      %add3A_2456 = arith.constant 1 : i32
      %add3A_2457 = arith.addi %mul3A_2455, %add3A_2456 : i32
      %mul3A_2458 = arith.constant 8 : i32
      %mul3A_2459 = arith.muli %add3A_2457, %mul3A_2458 : i32
      %add3A_2460 = arith.constant 7 : i32
      %add3A_2461 = arith.addi %mul3A_2459, %add3A_2460 : i32
      %mul3A_2462 = arith.constant 128 : i32
      %mul3A_2463 = arith.muli %add3A_2461, %mul3A_2462 : i32
      %add3A_2464 = arith.constant 112 : i32
      %add3A_2465 = arith.addi %mul3A_2463, %add3A_2464 : i32
      %get3A_2466 = arith.index_cast %add3A_2465 : i32 to index
      %get3A_2467 = tpu.vector_load %arg11[%get3A_2466] {strides = array<i32>} : memref<20480xi32, #tpu.memory_space<vmem>>, vector<16xi32>,
      %swap3A_2468 = arith.constant 7 : i32
      %swap3A_2469 = arith.index_cast %swap3A_2468 : i32 to index
      %swap3A_2470 = arith.constant 112 : index
      %swap3A_2471 = tpu.vector_load %arg15[%swap3A_2469, %swap3A_2470] {strides = array<i32>} : memref<8x128xi32, #tpu.memory_space<vmem>>, vector<16xi32>,
      tpu.vector_store %arg15[%swap3A_2469, %swap3A_2470], %get3A_2467 {strides = array<i32>} : memref<8x128xi32, #tpu.memory_space<vmem>>, vector<16xi32>,
      %dma_start3A_2472 = arith.constant 0 : i32
      %dma_start3A_2473 = arith.constant 0 : i32
      %dma_start3A_2474 = tpu.memref_slice %arg15[%dma_start3A_2472, %dma_start3A_2473] : memref<8x128xi32, #tpu.memory_space<vmem>> -> memref<1x128xi32, #tpu.memory_space<vmem>>
      %dma_start3A_2475 = tpu.memref_squeeze %dma_start3A_2474 : memref<1x128xi32, #tpu.memory_space<vmem>> -> memref<128xi32, #tpu.memory_space<vmem>>
      %dma_start3A_2476 = arith.constant 0 : i32
      %dma_start3A_2477 = tpu.memref_slice %arg27[%dma_start3A_2476] : memref<10240xf32, #tpu.memory_space<vmem_shared>> -> memref<10240xf32, #tpu.memory_space<vmem_shared>>
      tpu.enqueue_indirect_dma source(%arg24 : memref<128xf32, #tpu.memory_space<vmem>>) target(%dma_start3A_2477 : memref<10240xf32, #tpu.memory_space<vmem_shared>>) offsets(%dma_start3A_2475 : memref<128xi32, #tpu.memory_space<vmem>>) semaphore(%arg36 : memref<!tpu.dma_semaphore, #tpu.memory_space<semaphore_mem>>) {add = true}
      %dma_start3A_2478 = arith.constant 1 : i32
      %dma_start3A_2479 = arith.constant 0 : i32
      %dma_start3A_2480 = tpu.memref_slice %arg15[%dma_start3A_2478, %dma_start3A_2479] : memref<8x128xi32, #tpu.memory_space<vmem>> -> memref<1x128xi32, #tpu.memory_space<vmem>>
      %dma_start3A_2481 = tpu.memref_squeeze %dma_start3A_2480 : memref<1x128xi32, #tpu.memory_space<vmem>> -> memref<128xi32, #tpu.memory_space<vmem>>
      %dma_start3A_2482 = arith.constant 0 : i32
      %dma_start3A_2483 = tpu.memref_slice %arg27[%dma_start3A_2482] : memref<10240xf32, #tpu.memory_space<vmem_shared>> -> memref<10240xf32, #tpu.memory_space<vmem_shared>>
      tpu.enqueue_indirect_dma source(%arg24 : memref<128xf32, #tpu.memory_space<vmem>>) target(%dma_start3A_2483 : memref<10240xf32, #tpu.memory_space<vmem_shared>>) offsets(%dma_start3A_2481 : memref<128xi32, #tpu.memory_space<vmem>>) semaphore(%arg36 : memref<!tpu.dma_semaphore, #tpu.memory_space<semaphore_mem>>) {add = true}
      %dma_start3A_2484 = arith.constant 2 : i32
      %dma_start3A_2485 = arith.constant 0 : i32
      %dma_start3A_2486 = tpu.memref_slice %arg15[%dma_start3A_2484, %dma_start3A_2485] : memref<8x128xi32, #tpu.memory_space<vmem>> -> memref<1x128xi32, #tpu.memory_space<vmem>>
      %dma_start3A_2487 = tpu.memref_squeeze %dma_start3A_2486 : memref<1x128xi32, #tpu.memory_space<vmem>> -> memref<128xi32, #tpu.memory_space<vmem>>
      %dma_start3A_2488 = arith.constant 0 : i32
      %dma_start3A_2489 = tpu.memref_slice %arg27[%dma_start3A_2488] : memref<10240xf32, #tpu.memory_space<vmem_shared>> -> memref<10240xf32, #tpu.memory_space<vmem_shared>>
      tpu.enqueue_indirect_dma source(%arg24 : memref<128xf32, #tpu.memory_space<vmem>>) target(%dma_start3A_2489 : memref<10240xf32, #tpu.memory_space<vmem_shared>>) offsets(%dma_start3A_2487 : memref<128xi32, #tpu.memory_space<vmem>>) semaphore(%arg36 : memref<!tpu.dma_semaphore, #tpu.memory_space<semaphore_mem>>) {add = true}
      %dma_start3A_2490 = arith.constant 3 : i32
      %dma_start3A_2491 = arith.constant 0 : i32
      %dma_start3A_2492 = tpu.memref_slice %arg15[%dma_start3A_2490, %dma_start3A_2491] : memref<8x128xi32, #tpu.memory_space<vmem>> -> memref<1x128xi32, #tpu.memory_space<vmem>>
      %dma_start3A_2493 = tpu.memref_squeeze %dma_start3A_2492 : memref<1x128xi32, #tpu.memory_space<vmem>> -> memref<128xi32, #tpu.memory_space<vmem>>
      %dma_start3A_2494 = arith.constant 0 : i32
      %dma_start3A_2495 = tpu.memref_slice %arg27[%dma_start3A_2494] : memref<10240xf32, #tpu.memory_space<vmem_shared>> -> memref<10240xf32, #tpu.memory_space<vmem_shared>>
      tpu.enqueue_indirect_dma source(%arg24 : memref<128xf32, #tpu.memory_space<vmem>>) target(%dma_start3A_2495 : memref<10240xf32, #tpu.memory_space<vmem_shared>>) offsets(%dma_start3A_2493 : memref<128xi32, #tpu.memory_space<vmem>>) semaphore(%arg36 : memref<!tpu.dma_semaphore, #tpu.memory_space<semaphore_mem>>) {add = true}
      %dma_start3A_2496 = arith.constant 4 : i32
      %dma_start3A_2497 = arith.constant 0 : i32
      %dma_start3A_2498 = tpu.memref_slice %arg15[%dma_start3A_2496, %dma_start3A_2497] : memref<8x128xi32, #tpu.memory_space<vmem>> -> memref<1x128xi32, #tpu.memory_space<vmem>>
      %dma_start3A_2499 = tpu.memref_squeeze %dma_start3A_2498 : memref<1x128xi32, #tpu.memory_space<vmem>> -> memref<128xi32, #tpu.memory_space<vmem>>
      %dma_start3A_2500 = arith.constant 0 : i32
      %dma_start3A_2501 = tpu.memref_slice %arg27[%dma_start3A_2500] : memref<10240xf32, #tpu.memory_space<vmem_shared>> -> memref<10240xf32, #tpu.memory_space<vmem_shared>>
      tpu.enqueue_indirect_dma source(%arg24 : memref<128xf32, #tpu.memory_space<vmem>>) target(%dma_start3A_2501 : memref<10240xf32, #tpu.memory_space<vmem_shared>>) offsets(%dma_start3A_2499 : memref<128xi32, #tpu.memory_space<vmem>>) semaphore(%arg36 : memref<!tpu.dma_semaphore, #tpu.memory_space<semaphore_mem>>) {add = true}
      %dma_start3A_2502 = arith.constant 5 : i32
      %dma_start3A_2503 = arith.constant 0 : i32
      %dma_start3A_2504 = tpu.memref_slice %arg15[%dma_start3A_2502, %dma_start3A_2503] : memref<8x128xi32, #tpu.memory_space<vmem>> -> memref<1x128xi32, #tpu.memory_space<vmem>>
      %dma_start3A_2505 = tpu.memref_squeeze %dma_start3A_2504 : memref<1x128xi32, #tpu.memory_space<vmem>> -> memref<128xi32, #tpu.memory_space<vmem>>
      %dma_start3A_2506 = arith.constant 0 : i32
      %dma_start3A_2507 = tpu.memref_slice %arg27[%dma_start3A_2506] : memref<10240xf32, #tpu.memory_space<vmem_shared>> -> memref<10240xf32, #tpu.memory_space<vmem_shared>>
      tpu.enqueue_indirect_dma source(%arg24 : memref<128xf32, #tpu.memory_space<vmem>>) target(%dma_start3A_2507 : memref<10240xf32, #tpu.memory_space<vmem_shared>>) offsets(%dma_start3A_2505 : memref<128xi32, #tpu.memory_space<vmem>>) semaphore(%arg36 : memref<!tpu.dma_semaphore, #tpu.memory_space<semaphore_mem>>) {add = true}
      %dma_start3A_2508 = arith.constant 6 : i32
      %dma_start3A_2509 = arith.constant 0 : i32
      %dma_start3A_2510 = tpu.memref_slice %arg15[%dma_start3A_2508, %dma_start3A_2509] : memref<8x128xi32, #tpu.memory_space<vmem>> -> memref<1x128xi32, #tpu.memory_space<vmem>>
      %dma_start3A_2511 = tpu.memref_squeeze %dma_start3A_2510 : memref<1x128xi32, #tpu.memory_space<vmem>> -> memref<128xi32, #tpu.memory_space<vmem>>
      %dma_start3A_2512 = arith.constant 0 : i32
      %dma_start3A_2513 = tpu.memref_slice %arg27[%dma_start3A_2512] : memref<10240xf32, #tpu.memory_space<vmem_shared>> -> memref<10240xf32, #tpu.memory_space<vmem_shared>>
      tpu.enqueue_indirect_dma source(%arg24 : memref<128xf32, #tpu.memory_space<vmem>>) target(%dma_start3A_2513 : memref<10240xf32, #tpu.memory_space<vmem_shared>>) offsets(%dma_start3A_2511 : memref<128xi32, #tpu.memory_space<vmem>>) semaphore(%arg36 : memref<!tpu.dma_semaphore, #tpu.memory_space<semaphore_mem>>) {add = true}
      %dma_start3A_2514 = arith.constant 7 : i32
      %dma_start3A_2515 = arith.constant 0 : i32
      %dma_start3A_2516 = tpu.memref_slice %arg15[%dma_start3A_2514, %dma_start3A_2515] : memref<8x128xi32, #tpu.memory_space<vmem>> -> memref<1x128xi32, #tpu.memory_space<vmem>>
      %dma_start3A_2517 = tpu.memref_squeeze %dma_start3A_2516 : memref<1x128xi32, #tpu.memory_space<vmem>> -> memref<128xi32, #tpu.memory_space<vmem>>
      %dma_start3A_2518 = arith.constant 0 : i32
      %dma_start3A_2519 = tpu.memref_slice %arg27[%dma_start3A_2518] : memref<10240xf32, #tpu.memory_space<vmem_shared>> -> memref<10240xf32, #tpu.memory_space<vmem_shared>>
      tpu.enqueue_indirect_dma source(%arg24 : memref<128xf32, #tpu.memory_space<vmem>>) target(%dma_start3A_2519 : memref<10240xf32, #tpu.memory_space<vmem_shared>>) offsets(%dma_start3A_2517 : memref<128xi32, #tpu.memory_space<vmem>>) semaphore(%arg36 : memref<!tpu.dma_semaphore, #tpu.memory_space<semaphore_mem>>) {add = true}
      %dma_wait3A_2520 = arith.constant 0 : i32
      %dma_wait3A_2521 = arith.constant 0 : i32
      %dma_wait3A_2522 = tpu.memref_slice %arg14[%dma_wait3A_2520, %dma_wait3A_2521] : memref<8x128xi32, #tpu.memory_space<vmem>> -> memref<1x128xi32, #tpu.memory_space<vmem>>
      %dma_wait3A_2523 = tpu.memref_squeeze %dma_wait3A_2522 : memref<1x128xi32, #tpu.memory_space<vmem>> -> memref<128xi32, #tpu.memory_space<vmem>>
      %dma_wait3A_2524 = arith.constant 0 : i32
      %dma_wait3A_2525 = tpu.memref_slice %arg27[%dma_wait3A_2524] : memref<10240xf32, #tpu.memory_space<vmem_shared>> -> memref<10240xf32, #tpu.memory_space<vmem_shared>>
      tpu.wait_indirect_dma semaphore(%arg36 : memref<!tpu.dma_semaphore, #tpu.memory_space<semaphore_mem>>) src(%arg24 : memref<128xf32, #tpu.memory_space<vmem>>) dst(%dma_wait3A_2525 : memref<10240xf32, #tpu.memory_space<vmem_shared>>)
      %dma_wait3A_2526 = arith.constant 1 : i32
      %dma_wait3A_2527 = arith.constant 0 : i32
      %dma_wait3A_2528 = tpu.memref_slice %arg14[%dma_wait3A_2526, %dma_wait3A_2527] : memref<8x128xi32, #tpu.memory_space<vmem>> -> memref<1x128xi32, #tpu.memory_space<vmem>>
      %dma_wait3A_2529 = tpu.memref_squeeze %dma_wait3A_2528 : memref<1x128xi32, #tpu.memory_space<vmem>> -> memref<128xi32, #tpu.memory_space<vmem>>
      %dma_wait3A_2530 = arith.constant 0 : i32
      %dma_wait3A_2531 = tpu.memref_slice %arg27[%dma_wait3A_2530] : memref<10240xf32, #tpu.memory_space<vmem_shared>> -> memref<10240xf32, #tpu.memory_space<vmem_shared>>
      tpu.wait_indirect_dma semaphore(%arg36 : memref<!tpu.dma_semaphore, #tpu.memory_space<semaphore_mem>>) src(%arg24 : memref<128xf32, #tpu.memory_space<vmem>>) dst(%dma_wait3A_2531 : memref<10240xf32, #tpu.memory_space<vmem_shared>>)
      %dma_wait3A_2532 = arith.constant 2 : i32
      %dma_wait3A_2533 = arith.constant 0 : i32
      %dma_wait3A_2534 = tpu.memref_slice %arg14[%dma_wait3A_2532, %dma_wait3A_2533] : memref<8x128xi32, #tpu.memory_space<vmem>> -> memref<1x128xi32, #tpu.memory_space<vmem>>
      %dma_wait3A_2535 = tpu.memref_squeeze %dma_wait3A_2534 : memref<1x128xi32, #tpu.memory_space<vmem>> -> memref<128xi32, #tpu.memory_space<vmem>>
      %dma_wait3A_2536 = arith.constant 0 : i32
      %dma_wait3A_2537 = tpu.memref_slice %arg27[%dma_wait3A_2536] : memref<10240xf32, #tpu.memory_space<vmem_shared>> -> memref<10240xf32, #tpu.memory_space<vmem_shared>>
      tpu.wait_indirect_dma semaphore(%arg36 : memref<!tpu.dma_semaphore, #tpu.memory_space<semaphore_mem>>) src(%arg24 : memref<128xf32, #tpu.memory_space<vmem>>) dst(%dma_wait3A_2537 : memref<10240xf32, #tpu.memory_space<vmem_shared>>)
      %dma_wait3A_2538 = arith.constant 3 : i32
      %dma_wait3A_2539 = arith.constant 0 : i32
      %dma_wait3A_2540 = tpu.memref_slice %arg14[%dma_wait3A_2538, %dma_wait3A_2539] : memref<8x128xi32, #tpu.memory_space<vmem>> -> memref<1x128xi32, #tpu.memory_space<vmem>>
      %dma_wait3A_2541 = tpu.memref_squeeze %dma_wait3A_2540 : memref<1x128xi32, #tpu.memory_space<vmem>> -> memref<128xi32, #tpu.memory_space<vmem>>
      %dma_wait3A_2542 = arith.constant 0 : i32
      %dma_wait3A_2543 = tpu.memref_slice %arg27[%dma_wait3A_2542] : memref<10240xf32, #tpu.memory_space<vmem_shared>> -> memref<10240xf32, #tpu.memory_space<vmem_shared>>
      tpu.wait_indirect_dma semaphore(%arg36 : memref<!tpu.dma_semaphore, #tpu.memory_space<semaphore_mem>>) src(%arg24 : memref<128xf32, #tpu.memory_space<vmem>>) dst(%dma_wait3A_2543 : memref<10240xf32, #tpu.memory_space<vmem_shared>>)
      %dma_wait3A_2544 = arith.constant 4 : i32
      %dma_wait3A_2545 = arith.constant 0 : i32
      %dma_wait3A_2546 = tpu.memref_slice %arg14[%dma_wait3A_2544, %dma_wait3A_2545] : memref<8x128xi32, #tpu.memory_space<vmem>> -> memref<1x128xi32, #tpu.memory_space<vmem>>
      %dma_wait3A_2547 = tpu.memref_squeeze %dma_wait3A_2546 : memref<1x128xi32, #tpu.memory_space<vmem>> -> memref<128xi32, #tpu.memory_space<vmem>>
      %dma_wait3A_2548 = arith.constant 0 : i32
      %dma_wait3A_2549 = tpu.memref_slice %arg27[%dma_wait3A_2548] : memref<10240xf32, #tpu.memory_space<vmem_shared>> -> memref<10240xf32, #tpu.memory_space<vmem_shared>>
      tpu.wait_indirect_dma semaphore(%arg36 : memref<!tpu.dma_semaphore, #tpu.memory_space<semaphore_mem>>) src(%arg24 : memref<128xf32, #tpu.memory_space<vmem>>) dst(%dma_wait3A_2549 : memref<10240xf32, #tpu.memory_space<vmem_shared>>)
      %dma_wait3A_2550 = arith.constant 5 : i32
      %dma_wait3A_2551 = arith.constant 0 : i32
      %dma_wait3A_2552 = tpu.memref_slice %arg14[%dma_wait3A_2550, %dma_wait3A_2551] : memref<8x128xi32, #tpu.memory_space<vmem>> -> memref<1x128xi32, #tpu.memory_space<vmem>>
      %dma_wait3A_2553 = tpu.memref_squeeze %dma_wait3A_2552 : memref<1x128xi32, #tpu.memory_space<vmem>> -> memref<128xi32, #tpu.memory_space<vmem>>
      %dma_wait3A_2554 = arith.constant 0 : i32
      %dma_wait3A_2555 = tpu.memref_slice %arg27[%dma_wait3A_2554] : memref<10240xf32, #tpu.memory_space<vmem_shared>> -> memref<10240xf32, #tpu.memory_space<vmem_shared>>
      tpu.wait_indirect_dma semaphore(%arg36 : memref<!tpu.dma_semaphore, #tpu.memory_space<semaphore_mem>>) src(%arg24 : memref<128xf32, #tpu.memory_space<vmem>>) dst(%dma_wait3A_2555 : memref<10240xf32, #tpu.memory_space<vmem_shared>>)
      %dma_wait3A_2556 = arith.constant 6 : i32
      %dma_wait3A_2557 = arith.constant 0 : i32
      %dma_wait3A_2558 = tpu.memref_slice %arg14[%dma_wait3A_2556, %dma_wait3A_2557] : memref<8x128xi32, #tpu.memory_space<vmem>> -> memref<1x128xi32, #tpu.memory_space<vmem>>
      %dma_wait3A_2559 = tpu.memref_squeeze %dma_wait3A_2558 : memref<1x128xi32, #tpu.memory_space<vmem>> -> memref<128xi32, #tpu.memory_space<vmem>>
      %dma_wait3A_2560 = arith.constant 0 : i32
      %dma_wait3A_2561 = tpu.memref_slice %arg27[%dma_wait3A_2560] : memref<10240xf32, #tpu.memory_space<vmem_shared>> -> memref<10240xf32, #tpu.memory_space<vmem_shared>>
      tpu.wait_indirect_dma semaphore(%arg36 : memref<!tpu.dma_semaphore, #tpu.memory_space<semaphore_mem>>) src(%arg24 : memref<128xf32, #tpu.memory_space<vmem>>) dst(%dma_wait3A_2561 : memref<10240xf32, #tpu.memory_space<vmem_shared>>)
      %dma_wait3A_2562 = arith.constant 7 : i32
      %dma_wait3A_2563 = arith.constant 0 : i32
      %dma_wait3A_2564 = tpu.memref_slice %arg14[%dma_wait3A_2562, %dma_wait3A_2563] : memref<8x128xi32, #tpu.memory_space<vmem>> -> memref<1x128xi32, #tpu.memory_space<vmem>>
      %dma_wait3A_2565 = tpu.memref_squeeze %dma_wait3A_2564 : memref<1x128xi32, #tpu.memory_space<vmem>> -> memref<128xi32, #tpu.memory_space<vmem>>
      %dma_wait3A_2566 = arith.constant 0 : i32
      %dma_wait3A_2567 = tpu.memref_slice %arg27[%dma_wait3A_2566] : memref<10240xf32, #tpu.memory_space<vmem_shared>> -> memref<10240xf32, #tpu.memory_space<vmem_shared>>
      tpu.wait_indirect_dma semaphore(%arg36 : memref<!tpu.dma_semaphore, #tpu.memory_space<semaphore_mem>>) src(%arg24 : memref<128xf32, #tpu.memory_space<vmem>>) dst(%dma_wait3A_2567 : memref<10240xf32, #tpu.memory_space<vmem_shared>>)
      %dma_wait3A_2568 = arith.constant 0 : i32
      %dma_wait3A_2569 = arith.constant 0 : i32
      %dma_wait3A_2570 = tpu.memref_slice %arg15[%dma_wait3A_2568, %dma_wait3A_2569] : memref<8x128xi32, #tpu.memory_space<vmem>> -> memref<1x128xi32, #tpu.memory_space<vmem>>
      %dma_wait3A_2571 = tpu.memref_squeeze %dma_wait3A_2570 : memref<1x128xi32, #tpu.memory_space<vmem>> -> memref<128xi32, #tpu.memory_space<vmem>>
      %dma_wait3A_2572 = arith.constant 0 : i32
      %dma_wait3A_2573 = tpu.memref_slice %arg27[%dma_wait3A_2572] : memref<10240xf32, #tpu.memory_space<vmem_shared>> -> memref<10240xf32, #tpu.memory_space<vmem_shared>>
      tpu.wait_indirect_dma semaphore(%arg36 : memref<!tpu.dma_semaphore, #tpu.memory_space<semaphore_mem>>) src(%arg24 : memref<128xf32, #tpu.memory_space<vmem>>) dst(%dma_wait3A_2573 : memref<10240xf32, #tpu.memory_space<vmem_shared>>)
      %dma_wait3A_2574 = arith.constant 1 : i32
      %dma_wait3A_2575 = arith.constant 0 : i32
      %dma_wait3A_2576 = tpu.memref_slice %arg15[%dma_wait3A_2574, %dma_wait3A_2575] : memref<8x128xi32, #tpu.memory_space<vmem>> -> memref<1x128xi32, #tpu.memory_space<vmem>>
      %dma_wait3A_2577 = tpu.memref_squeeze %dma_wait3A_2576 : memref<1x128xi32, #tpu.memory_space<vmem>> -> memref<128xi32, #tpu.memory_space<vmem>>
      %dma_wait3A_2578 = arith.constant 0 : i32
      %dma_wait3A_2579 = tpu.memref_slice %arg27[%dma_wait3A_2578] : memref<10240xf32, #tpu.memory_space<vmem_shared>> -> memref<10240xf32, #tpu.memory_space<vmem_shared>>
      tpu.wait_indirect_dma semaphore(%arg36 : memref<!tpu.dma_semaphore, #tpu.memory_space<semaphore_mem>>) src(%arg24 : memref<128xf32, #tpu.memory_space<vmem>>) dst(%dma_wait3A_2579 : memref<10240xf32, #tpu.memory_space<vmem_shared>>)
      %dma_wait3A_2580 = arith.constant 2 : i32
      %dma_wait3A_2581 = arith.constant 0 : i32
      %dma_wait3A_2582 = tpu.memref_slice %arg15[%dma_wait3A_2580, %dma_wait3A_2581] : memref<8x128xi32, #tpu.memory_space<vmem>> -> memref<1x128xi32, #tpu.memory_space<vmem>>
      %dma_wait3A_2583 = tpu.memref_squeeze %dma_wait3A_2582 : memref<1x128xi32, #tpu.memory_space<vmem>> -> memref<128xi32, #tpu.memory_space<vmem>>
      %dma_wait3A_2584 = arith.constant 0 : i32
      %dma_wait3A_2585 = tpu.memref_slice %arg27[%dma_wait3A_2584] : memref<10240xf32, #tpu.memory_space<vmem_shared>> -> memref<10240xf32, #tpu.memory_space<vmem_shared>>
      tpu.wait_indirect_dma semaphore(%arg36 : memref<!tpu.dma_semaphore, #tpu.memory_space<semaphore_mem>>) src(%arg24 : memref<128xf32, #tpu.memory_space<vmem>>) dst(%dma_wait3A_2585 : memref<10240xf32, #tpu.memory_space<vmem_shared>>)
      %dma_wait3A_2586 = arith.constant 3 : i32
      %dma_wait3A_2587 = arith.constant 0 : i32
      %dma_wait3A_2588 = tpu.memref_slice %arg15[%dma_wait3A_2586, %dma_wait3A_2587] : memref<8x128xi32, #tpu.memory_space<vmem>> -> memref<1x128xi32, #tpu.memory_space<vmem>>
      %dma_wait3A_2589 = tpu.memref_squeeze %dma_wait3A_2588 : memref<1x128xi32, #tpu.memory_space<vmem>> -> memref<128xi32, #tpu.memory_space<vmem>>
      %dma_wait3A_2590 = arith.constant 0 : i32
      %dma_wait3A_2591 = tpu.memref_slice %arg27[%dma_wait3A_2590] : memref<10240xf32, #tpu.memory_space<vmem_shared>> -> memref<10240xf32, #tpu.memory_space<vmem_shared>>
      tpu.wait_indirect_dma semaphore(%arg36 : memref<!tpu.dma_semaphore, #tpu.memory_space<semaphore_mem>>) src(%arg24 : memref<128xf32, #tpu.memory_space<vmem>>) dst(%dma_wait3A_2591 : memref<10240xf32, #tpu.memory_space<vmem_shared>>)
      %dma_wait3A_2592 = arith.constant 4 : i32
      %dma_wait3A_2593 = arith.constant 0 : i32
      %dma_wait3A_2594 = tpu.memref_slice %arg15[%dma_wait3A_2592, %dma_wait3A_2593] : memref<8x128xi32, #tpu.memory_space<vmem>> -> memref<1x128xi32, #tpu.memory_space<vmem>>
      %dma_wait3A_2595 = tpu.memref_squeeze %dma_wait3A_2594 : memref<1x128xi32, #tpu.memory_space<vmem>> -> memref<128xi32, #tpu.memory_space<vmem>>
      %dma_wait3A_2596 = arith.constant 0 : i32
      %dma_wait3A_2597 = tpu.memref_slice %arg27[%dma_wait3A_2596] : memref<10240xf32, #tpu.memory_space<vmem_shared>> -> memref<10240xf32, #tpu.memory_space<vmem_shared>>
      tpu.wait_indirect_dma semaphore(%arg36 : memref<!tpu.dma_semaphore, #tpu.memory_space<semaphore_mem>>) src(%arg24 : memref<128xf32, #tpu.memory_space<vmem>>) dst(%dma_wait3A_2597 : memref<10240xf32, #tpu.memory_space<vmem_shared>>)
      %dma_wait3A_2598 = arith.constant 5 : i32
      %dma_wait3A_2599 = arith.constant 0 : i32
      %dma_wait3A_2600 = tpu.memref_slice %arg15[%dma_wait3A_2598, %dma_wait3A_2599] : memref<8x128xi32, #tpu.memory_space<vmem>> -> memref<1x128xi32, #tpu.memory_space<vmem>>
      %dma_wait3A_2601 = tpu.memref_squeeze %dma_wait3A_2600 : memref<1x128xi32, #tpu.memory_space<vmem>> -> memref<128xi32, #tpu.memory_space<vmem>>
      %dma_wait3A_2602 = arith.constant 0 : i32
      %dma_wait3A_2603 = tpu.memref_slice %arg27[%dma_wait3A_2602] : memref<10240xf32, #tpu.memory_space<vmem_shared>> -> memref<10240xf32, #tpu.memory_space<vmem_shared>>
      tpu.wait_indirect_dma semaphore(%arg36 : memref<!tpu.dma_semaphore, #tpu.memory_space<semaphore_mem>>) src(%arg24 : memref<128xf32, #tpu.memory_space<vmem>>) dst(%dma_wait3A_2603 : memref<10240xf32, #tpu.memory_space<vmem_shared>>)
      %dma_wait3A_2604 = arith.constant 6 : i32
      %dma_wait3A_2605 = arith.constant 0 : i32
      %dma_wait3A_2606 = tpu.memref_slice %arg15[%dma_wait3A_2604, %dma_wait3A_2605] : memref<8x128xi32, #tpu.memory_space<vmem>> -> memref<1x128xi32, #tpu.memory_space<vmem>>
      %dma_wait3A_2607 = tpu.memref_squeeze %dma_wait3A_2606 : memref<1x128xi32, #tpu.memory_space<vmem>> -> memref<128xi32, #tpu.memory_space<vmem>>
      %dma_wait3A_2608 = arith.constant 0 : i32
      %dma_wait3A_2609 = tpu.memref_slice %arg27[%dma_wait3A_2608] : memref<10240xf32, #tpu.memory_space<vmem_shared>> -> memref<10240xf32, #tpu.memory_space<vmem_shared>>
      tpu.wait_indirect_dma semaphore(%arg36 : memref<!tpu.dma_semaphore, #tpu.memory_space<semaphore_mem>>) src(%arg24 : memref<128xf32, #tpu.memory_space<vmem>>) dst(%dma_wait3A_2609 : memref<10240xf32, #tpu.memory_space<vmem_shared>>)
      %dma_wait3A_2610 = arith.constant 7 : i32
      %dma_wait3A_2611 = arith.constant 0 : i32
      %dma_wait3A_2612 = tpu.memref_slice %arg15[%dma_wait3A_2610, %dma_wait3A_2611] : memref<8x128xi32, #tpu.memory_space<vmem>> -> memref<1x128xi32, #tpu.memory_space<vmem>>
      %dma_wait3A_2613 = tpu.memref_squeeze %dma_wait3A_2612 : memref<1x128xi32, #tpu.memory_space<vmem>> -> memref<128xi32, #tpu.memory_space<vmem>>
      %dma_wait3A_2614 = arith.constant 0 : i32
      %dma_wait3A_2615 = tpu.memref_slice %arg27[%dma_wait3A_2614] : memref<10240xf32, #tpu.memory_space<vmem_shared>> -> memref<10240xf32, #tpu.memory_space<vmem_shared>>
      tpu.wait_indirect_dma semaphore(%arg36 : memref<!tpu.dma_semaphore, #tpu.memory_space<semaphore_mem>>) src(%arg24 : memref<128xf32, #tpu.memory_space<vmem>>) dst(%dma_wait3A_2615 : memref<10240xf32, #tpu.memory_space<vmem_shared>>)
    }
    %scan3A_71 = arith.constant 10 : i32
    %barrier3A_72 = arith.constant 0 : index
    tpu.barrier barrier_id(%barrier3A_72)
    %mul3A_73 = arith.constant 640 : i32
    %mul3A_74 = arith.muli %arg1, %mul3A_73 : i32
    "tpu.region"() ({
      %run_scoped3A = tpu.sem_alloc : memref<!tpu.dma_semaphore, #tpu.memory_space<semaphore_mem>>
      %dma_start3A_120 = arith.constant 0 : i32
      %dma_start3A_121 = tpu.memref_slice %arg25[%dma_start3A_120] : memref<656xf32, #tpu.memory_space<vmem>> -> memref<640xf32, #tpu.memory_space<vmem>>
      %dma_start3A_122 = tpu.memref_slice %arg27[%mul3A_74] : memref<10240xf32, #tpu.memory_space<vmem_shared>> -> memref<640xf32, #tpu.memory_space<vmem_shared>>
      %dma_start3A_123 = arith.constant 0 : i32
      %dma_start3A_124 = tpu.memref_slice %arg25[%dma_start3A_123] : memref<656xf32, #tpu.memory_space<vmem>> -> memref<640xf32, #tpu.memory_space<vmem>>
      %dma_start3A_125 = tpu.memref_slice %arg27[%mul3A_74] : memref<10240xf32, #tpu.memory_space<vmem_shared>> -> memref<640xf32, #tpu.memory_space<vmem_shared>>
      tpu.enqueue_dma source(%dma_start3A_125 : memref<640xf32, #tpu.memory_space<vmem_shared>>) target(%dma_start3A_124 : memref<640xf32, #tpu.memory_space<vmem>>) target_semaphore(%run_scoped3A : memref<!tpu.dma_semaphore, #tpu.memory_space<semaphore_mem>>)
      %dma_wait3A_126 = arith.constant 0 : i32
      %dma_wait3A_127 = tpu.memref_slice %arg25[%dma_wait3A_126] : memref<656xf32, #tpu.memory_space<vmem>> -> memref<640xf32, #tpu.memory_space<vmem>>
      %dma_wait3A_128 = tpu.memref_slice %arg27[%mul3A_74] : memref<10240xf32, #tpu.memory_space<vmem_shared>> -> memref<640xf32, #tpu.memory_space<vmem_shared>>
      %dma_wait3A_129 = arith.constant 0 : i32
      %dma_wait3A_130 = tpu.memref_slice %arg25[%dma_wait3A_129] : memref<656xf32, #tpu.memory_space<vmem>> -> memref<640xf32, #tpu.memory_space<vmem>>
      %dma_wait3A_131 = tpu.memref_slice %arg27[%mul3A_74] : memref<10240xf32, #tpu.memory_space<vmem_shared>> -> memref<640xf32, #tpu.memory_space<vmem_shared>>
      tpu.wait_dma2 semaphore(%run_scoped3A : memref<!tpu.dma_semaphore, #tpu.memory_space<semaphore_mem>>) src(%dma_wait3A_131 : memref<640xf32, #tpu.memory_space<vmem_shared>>) dst(%dma_wait3A_130 : memref<640xf32, #tpu.memory_space<vmem>>)
      tpu.yield
    }) : () -> ()
    %dma_wait3A_75 = arith.constant 0 : i32
    %dma_wait3A_76 = tpu.memref_slice %arg4[%mul3A_19, %dma_wait3A_75] : memref<10240x16xf32, #tpu.memory_space<hbm>> -> memref<640x16xf32, #tpu.memory_space<hbm>>
    %dma_wait3A_77 = arith.constant 0 : i32
    %dma_wait3A_78 = tpu.memref_slice %arg4[%mul3A_19, %dma_wait3A_77] : memref<10240x16xf32, #tpu.memory_space<hbm>> -> memref<640x16xf32, #tpu.memory_space<hbm>>
    tpu.wait_dma2 semaphore(%arg38 : memref<!tpu.dma_semaphore, #tpu.memory_space<semaphore_mem>>) src(%dma_wait3A_78 : memref<640x16xf32, #tpu.memory_space<hbm>>) dst(%arg26 : memref<640x16xf32, #tpu.memory_space<vmem>>)
    %dma_wait3A_79 = tpu.memref_slice %arg2[%mul3A_9] : memref<327680xi32, #tpu.memory_space<hbm>> -> memref<10240xi32, #tpu.memory_space<hbm>>
    %dma_wait3A_80 = tpu.memref_slice %arg2[%mul3A_9] : memref<327680xi32, #tpu.memory_space<hbm>> -> memref<10240xi32, #tpu.memory_space<hbm>>
    tpu.wait_dma2 semaphore(%arg38 : memref<!tpu.dma_semaphore, #tpu.memory_space<semaphore_mem>>) src(%dma_wait3A_80 : memref<10240xi32, #tpu.memory_space<hbm>>) dst(%arg12 : memref<10240xi32, #tpu.memory_space<vmem>>)
    %dma_wait3A_81 = tpu.memref_slice %arg3[%mul3A_15] : memref<327680xi32, #tpu.memory_space<hbm>> -> memref<10240xi32, #tpu.memory_space<hbm>>
    %dma_wait3A_82 = tpu.memref_slice %arg3[%mul3A_15] : memref<327680xi32, #tpu.memory_space<hbm>> -> memref<10240xi32, #tpu.memory_space<hbm>>
    tpu.wait_dma2 semaphore(%arg38 : memref<!tpu.dma_semaphore, #tpu.memory_space<semaphore_mem>>) src(%dma_wait3A_82 : memref<10240xi32, #tpu.memory_space<hbm>>) dst(%arg13 : memref<10240xi32, #tpu.memory_space<vmem>>)
    %scan3A_83 = arith.constant 0 : i32
    %scan3A_84 = arith.constant 0 : i32
    %scan3A_85 = arith.constant 40 : i32
    %scan3A_86 = arith.addi %scan3A_84, %scan3A_85 : i32
    %scan3A_87 = arith.constant 1 : i32
    scf.for %scan3A_120 = %scan3A_84 to %scan3A_86 step %scan3A_87  : i32 {
      %mul3A_121 = arith.constant 16 : i32
      %mul3A_122 = arith.muli %scan3A_120, %mul3A_121 : i32
      %get3A = arith.index_cast %mul3A_122 : i32 to index
      %get3A_123 = tpu.vector_load %arg25[%get3A] {strides = array<i32>} : memref<656xf32, #tpu.memory_space<vmem>>, vector<16xf32>,
      %add3A_124 = arith.constant 1.000000e+00 : f32
      %add3A_125 = vector.broadcast %add3A_124 : f32 to vector<16xf32>
      %add3A_126 = arith.addf %get3A_123, %add3A_125 : vector<16xf32>
      %bitcast3A = vector.bitcast %add3A_126 : vector<16xf32> to vector<16xi32>
      %shift_right_logical3A = arith.constant 1 : i32
      %shift_right_logical3A_127 = vector.broadcast %shift_right_logical3A : i32 to vector<16xi32>
      %shift_right_logical3A_128 = arith.shrui %bitcast3A, %shift_right_logical3A_127 : vector<16xi32>
      %sub3A = arith.constant 1597463007 : i32
      %sub3A_129 = vector.broadcast %sub3A : i32 to vector<16xi32>
      %sub3A_130 = arith.subi %sub3A_129, %shift_right_logical3A_128 : vector<16xi32>
      %bitcast3A_131 = vector.bitcast %sub3A_130 : vector<16xi32> to vector<16xf32>
      %mul3A_132 = arith.constant 5.000000e-01 : f32
      %mul3A_133 = vector.broadcast %mul3A_132 : f32 to vector<16xf32>
      %mul3A_134 = arith.mulf %mul3A_133, %add3A_126 : vector<16xf32>
      %mul3A_135 = arith.mulf %mul3A_134, %bitcast3A_131 : vector<16xf32>
      %mul3A_136 = arith.mulf %mul3A_135, %bitcast3A_131 : vector<16xf32>
      %sub3A_137 = arith.constant 1.500000e+00 : f32
      %sub3A_138 = vector.broadcast %sub3A_137 : f32 to vector<16xf32>
      %sub3A_139 = arith.subf %sub3A_138, %mul3A_136 : vector<16xf32>
      %mul3A_140 = arith.mulf %bitcast3A_131, %sub3A_139 : vector<16xf32>
      %mul3A_141 = arith.constant 5.000000e-01 : f32
      %mul3A_142 = vector.broadcast %mul3A_141 : f32 to vector<16xf32>
      %mul3A_143 = arith.mulf %mul3A_142, %add3A_126 : vector<16xf32>
      %mul3A_144 = arith.mulf %mul3A_143, %mul3A_140 : vector<16xf32>
      %mul3A_145 = arith.mulf %mul3A_144, %mul3A_140 : vector<16xf32>
      %sub3A_146 = arith.constant 1.500000e+00 : f32
      %sub3A_147 = vector.broadcast %sub3A_146 : f32 to vector<16xf32>
      %sub3A_148 = arith.subf %sub3A_147, %mul3A_145 : vector<16xf32>
      %mul3A_149 = arith.mulf %mul3A_140, %sub3A_148 : vector<16xf32>
      %mul3A_150 = arith.constant 5.000000e-01 : f32
      %mul3A_151 = vector.broadcast %mul3A_150 : f32 to vector<16xf32>
      %mul3A_152 = arith.mulf %mul3A_151, %add3A_126 : vector<16xf32>
      %mul3A_153 = arith.mulf %mul3A_152, %mul3A_149 : vector<16xf32>
      %mul3A_154 = arith.mulf %mul3A_153, %mul3A_149 : vector<16xf32>
      %sub3A_155 = arith.constant 1.500000e+00 : f32
      %sub3A_156 = vector.broadcast %sub3A_155 : f32 to vector<16xf32>
      %sub3A_157 = arith.subf %sub3A_156, %mul3A_154 : vector<16xf32>
      %mul3A_158 = arith.mulf %mul3A_149, %sub3A_157 : vector<16xf32>
      %mul3A_159 = arith.constant 16 : i32
      %mul3A_160 = arith.muli %scan3A_120, %mul3A_159 : i32
      %swap3A_161 = arith.index_cast %mul3A_160 : i32 to index
      %swap3A_162 = tpu.vector_load %arg25[%swap3A_161] {strides = array<i32>} : memref<656xf32, #tpu.memory_space<vmem>>, vector<16xf32>,
      tpu.vector_store %arg25[%swap3A_161], %mul3A_158 {strides = array<i32>} : memref<656xf32, #tpu.memory_space<vmem>>, vector<16xf32>,
    }
    %scan3A_88 = arith.constant 40 : i32
    %scan3A_89 = arith.constant 0 : i32
    %scan3A_90 = arith.constant 0 : i32
    %scan3A_91 = arith.constant 40 : i32
    %scan3A_92 = arith.addi %scan3A_90, %scan3A_91 : i32
    %scan3A_93 = arith.constant 1 : i32
    scf.for %scan3A_120 = %scan3A_90 to %scan3A_92 step %scan3A_93  : i32 {
      %mul3A_121 = arith.constant 16 : i32
      %mul3A_122 = arith.muli %scan3A_120, %mul3A_121 : i32
      %get3A = arith.index_cast %mul3A_122 : i32 to index
      %get3A_123 = tpu.vector_load %arg25[%get3A] {strides = array<i32>} : memref<656xf32, #tpu.memory_space<vmem>>, vector<16xf32>,
      %add3A_124 = arith.constant 0 : i32
      %add3A_125 = arith.addi %mul3A_122, %add3A_124 : i32
      %get3A_126 = arith.index_cast %add3A_125 : i32 to index
      %get3A_127 = arith.constant 0 : index
      %get3A_128 = tpu.vector_load %arg26[%get3A_126, %get3A_127] {strides = array<i32>} : memref<640x16xf32, #tpu.memory_space<vmem>>, vector<16xf32>,
      %slice3A = vector.extract_strided_slice %get3A_123 {offsets = [0], sizes = [1], strides = [1]} : vector<16xf32> to vector<1xf32>
      %squeeze3A = vector.extract %slice3A[0] : f32 from vector<1xf32>
      %mul3A_129 = vector.broadcast %squeeze3A : f32 to vector<16xf32>
      %mul3A_130 = arith.mulf %get3A_128, %mul3A_129 : vector<16xf32>
      %add3A_131 = arith.constant 0 : i32
      %add3A_132 = arith.addi %mul3A_122, %add3A_131 : i32
      %swap3A_133 = arith.index_cast %add3A_132 : i32 to index
      %swap3A_134 = arith.constant 0 : index
      %swap3A_135 = tpu.vector_load %arg26[%swap3A_133, %swap3A_134] {strides = array<i32>} : memref<640x16xf32, #tpu.memory_space<vmem>>, vector<16xf32>,
      tpu.vector_store %arg26[%swap3A_133, %swap3A_134], %mul3A_130 {strides = array<i32>} : memref<640x16xf32, #tpu.memory_space<vmem>>, vector<16xf32>,
      %add3A_136 = arith.constant 1 : i32
      %add3A_137 = arith.addi %mul3A_122, %add3A_136 : i32
      %get3A_138 = arith.index_cast %add3A_137 : i32 to index
      %get3A_139 = arith.constant 0 : index
      %get3A_140 = tpu.vector_load %arg26[%get3A_138, %get3A_139] {strides = array<i32>} : memref<640x16xf32, #tpu.memory_space<vmem>>, vector<16xf32>,
      %slice3A_141 = vector.extract_strided_slice %get3A_123 {offsets = [1], sizes = [1], strides = [1]} : vector<16xf32> to vector<1xf32>
      %squeeze3A_142 = vector.extract %slice3A_141[0] : f32 from vector<1xf32>
      %mul3A_143 = vector.broadcast %squeeze3A_142 : f32 to vector<16xf32>
      %mul3A_144 = arith.mulf %get3A_140, %mul3A_143 : vector<16xf32>
      %add3A_145 = arith.constant 1 : i32
      %add3A_146 = arith.addi %mul3A_122, %add3A_145 : i32
      %swap3A_147 = arith.index_cast %add3A_146 : i32 to index
      %swap3A_148 = arith.constant 0 : index
      %swap3A_149 = tpu.vector_load %arg26[%swap3A_147, %swap3A_148] {strides = array<i32>} : memref<640x16xf32, #tpu.memory_space<vmem>>, vector<16xf32>,
      tpu.vector_store %arg26[%swap3A_147, %swap3A_148], %mul3A_144 {strides = array<i32>} : memref<640x16xf32, #tpu.memory_space<vmem>>, vector<16xf32>,
      %add3A_150 = arith.constant 2 : i32
      %add3A_151 = arith.addi %mul3A_122, %add3A_150 : i32
      %get3A_152 = arith.index_cast %add3A_151 : i32 to index
      %get3A_153 = arith.constant 0 : index
      %get3A_154 = tpu.vector_load %arg26[%get3A_152, %get3A_153] {strides = array<i32>} : memref<640x16xf32, #tpu.memory_space<vmem>>, vector<16xf32>,
      %slice3A_155 = vector.extract_strided_slice %get3A_123 {offsets = [2], sizes = [1], strides = [1]} : vector<16xf32> to vector<1xf32>
      %squeeze3A_156 = vector.extract %slice3A_155[0] : f32 from vector<1xf32>
      %mul3A_157 = vector.broadcast %squeeze3A_156 : f32 to vector<16xf32>
      %mul3A_158 = arith.mulf %get3A_154, %mul3A_157 : vector<16xf32>
      %add3A_159 = arith.constant 2 : i32
      %add3A_160 = arith.addi %mul3A_122, %add3A_159 : i32
      %swap3A_161 = arith.index_cast %add3A_160 : i32 to index
      %swap3A_162 = arith.constant 0 : index
      %swap3A_163 = tpu.vector_load %arg26[%swap3A_161, %swap3A_162] {strides = array<i32>} : memref<640x16xf32, #tpu.memory_space<vmem>>, vector<16xf32>,
      tpu.vector_store %arg26[%swap3A_161, %swap3A_162], %mul3A_158 {strides = array<i32>} : memref<640x16xf32, #tpu.memory_space<vmem>>, vector<16xf32>,
      %add3A_164 = arith.constant 3 : i32
      %add3A_165 = arith.addi %mul3A_122, %add3A_164 : i32
      %get3A_166 = arith.index_cast %add3A_165 : i32 to index
      %get3A_167 = arith.constant 0 : index
      %get3A_168 = tpu.vector_load %arg26[%get3A_166, %get3A_167] {strides = array<i32>} : memref<640x16xf32, #tpu.memory_space<vmem>>, vector<16xf32>,
      %slice3A_169 = vector.extract_strided_slice %get3A_123 {offsets = [3], sizes = [1], strides = [1]} : vector<16xf32> to vector<1xf32>
      %squeeze3A_170 = vector.extract %slice3A_169[0] : f32 from vector<1xf32>
      %mul3A_171 = vector.broadcast %squeeze3A_170 : f32 to vector<16xf32>
      %mul3A_172 = arith.mulf %get3A_168, %mul3A_171 : vector<16xf32>
      %add3A_173 = arith.constant 3 : i32
      %add3A_174 = arith.addi %mul3A_122, %add3A_173 : i32
      %swap3A_175 = arith.index_cast %add3A_174 : i32 to index
      %swap3A_176 = arith.constant 0 : index
      %swap3A_177 = tpu.vector_load %arg26[%swap3A_175, %swap3A_176] {strides = array<i32>} : memref<640x16xf32, #tpu.memory_space<vmem>>, vector<16xf32>,
      tpu.vector_store %arg26[%swap3A_175, %swap3A_176], %mul3A_172 {strides = array<i32>} : memref<640x16xf32, #tpu.memory_space<vmem>>, vector<16xf32>,
      %add3A_178 = arith.constant 4 : i32
      %add3A_179 = arith.addi %mul3A_122, %add3A_178 : i32
      %get3A_180 = arith.index_cast %add3A_179 : i32 to index
      %get3A_181 = arith.constant 0 : index
      %get3A_182 = tpu.vector_load %arg26[%get3A_180, %get3A_181] {strides = array<i32>} : memref<640x16xf32, #tpu.memory_space<vmem>>, vector<16xf32>,
      %slice3A_183 = vector.extract_strided_slice %get3A_123 {offsets = [4], sizes = [1], strides = [1]} : vector<16xf32> to vector<1xf32>
      %squeeze3A_184 = vector.extract %slice3A_183[0] : f32 from vector<1xf32>
      %mul3A_185 = vector.broadcast %squeeze3A_184 : f32 to vector<16xf32>
      %mul3A_186 = arith.mulf %get3A_182, %mul3A_185 : vector<16xf32>
      %add3A_187 = arith.constant 4 : i32
      %add3A_188 = arith.addi %mul3A_122, %add3A_187 : i32
      %swap3A_189 = arith.index_cast %add3A_188 : i32 to index
      %swap3A_190 = arith.constant 0 : index
      %swap3A_191 = tpu.vector_load %arg26[%swap3A_189, %swap3A_190] {strides = array<i32>} : memref<640x16xf32, #tpu.memory_space<vmem>>, vector<16xf32>,
      tpu.vector_store %arg26[%swap3A_189, %swap3A_190], %mul3A_186 {strides = array<i32>} : memref<640x16xf32, #tpu.memory_space<vmem>>, vector<16xf32>,
      %add3A_192 = arith.constant 5 : i32
      %add3A_193 = arith.addi %mul3A_122, %add3A_192 : i32
      %get3A_194 = arith.index_cast %add3A_193 : i32 to index
      %get3A_195 = arith.constant 0 : index
      %get3A_196 = tpu.vector_load %arg26[%get3A_194, %get3A_195] {strides = array<i32>} : memref<640x16xf32, #tpu.memory_space<vmem>>, vector<16xf32>,
      %slice3A_197 = vector.extract_strided_slice %get3A_123 {offsets = [5], sizes = [1], strides = [1]} : vector<16xf32> to vector<1xf32>
      %squeeze3A_198 = vector.extract %slice3A_197[0] : f32 from vector<1xf32>
      %mul3A_199 = vector.broadcast %squeeze3A_198 : f32 to vector<16xf32>
      %mul3A_200 = arith.mulf %get3A_196, %mul3A_199 : vector<16xf32>
      %add3A_201 = arith.constant 5 : i32
      %add3A_202 = arith.addi %mul3A_122, %add3A_201 : i32
      %swap3A_203 = arith.index_cast %add3A_202 : i32 to index
      %swap3A_204 = arith.constant 0 : index
      %swap3A_205 = tpu.vector_load %arg26[%swap3A_203, %swap3A_204] {strides = array<i32>} : memref<640x16xf32, #tpu.memory_space<vmem>>, vector<16xf32>,
      tpu.vector_store %arg26[%swap3A_203, %swap3A_204], %mul3A_200 {strides = array<i32>} : memref<640x16xf32, #tpu.memory_space<vmem>>, vector<16xf32>,
      %add3A_206 = arith.constant 6 : i32
      %add3A_207 = arith.addi %mul3A_122, %add3A_206 : i32
      %get3A_208 = arith.index_cast %add3A_207 : i32 to index
      %get3A_209 = arith.constant 0 : index
      %get3A_210 = tpu.vector_load %arg26[%get3A_208, %get3A_209] {strides = array<i32>} : memref<640x16xf32, #tpu.memory_space<vmem>>, vector<16xf32>,
      %slice3A_211 = vector.extract_strided_slice %get3A_123 {offsets = [6], sizes = [1], strides = [1]} : vector<16xf32> to vector<1xf32>
      %squeeze3A_212 = vector.extract %slice3A_211[0] : f32 from vector<1xf32>
      %mul3A_213 = vector.broadcast %squeeze3A_212 : f32 to vector<16xf32>
      %mul3A_214 = arith.mulf %get3A_210, %mul3A_213 : vector<16xf32>
      %add3A_215 = arith.constant 6 : i32
      %add3A_216 = arith.addi %mul3A_122, %add3A_215 : i32
      %swap3A_217 = arith.index_cast %add3A_216 : i32 to index
      %swap3A_218 = arith.constant 0 : index
      %swap3A_219 = tpu.vector_load %arg26[%swap3A_217, %swap3A_218] {strides = array<i32>} : memref<640x16xf32, #tpu.memory_space<vmem>>, vector<16xf32>,
      tpu.vector_store %arg26[%swap3A_217, %swap3A_218], %mul3A_214 {strides = array<i32>} : memref<640x16xf32, #tpu.memory_space<vmem>>, vector<16xf32>,
      %add3A_220 = arith.constant 7 : i32
      %add3A_221 = arith.addi %mul3A_122, %add3A_220 : i32
      %get3A_222 = arith.index_cast %add3A_221 : i32 to index
      %get3A_223 = arith.constant 0 : index
      %get3A_224 = tpu.vector_load %arg26[%get3A_222, %get3A_223] {strides = array<i32>} : memref<640x16xf32, #tpu.memory_space<vmem>>, vector<16xf32>,
      %slice3A_225 = vector.extract_strided_slice %get3A_123 {offsets = [7], sizes = [1], strides = [1]} : vector<16xf32> to vector<1xf32>
      %squeeze3A_226 = vector.extract %slice3A_225[0] : f32 from vector<1xf32>
      %mul3A_227 = vector.broadcast %squeeze3A_226 : f32 to vector<16xf32>
      %mul3A_228 = arith.mulf %get3A_224, %mul3A_227 : vector<16xf32>
      %add3A_229 = arith.constant 7 : i32
      %add3A_230 = arith.addi %mul3A_122, %add3A_229 : i32
      %swap3A_231 = arith.index_cast %add3A_230 : i32 to index
      %swap3A_232 = arith.constant 0 : index
      %swap3A_233 = tpu.vector_load %arg26[%swap3A_231, %swap3A_232] {strides = array<i32>} : memref<640x16xf32, #tpu.memory_space<vmem>>, vector<16xf32>,
      tpu.vector_store %arg26[%swap3A_231, %swap3A_232], %mul3A_228 {strides = array<i32>} : memref<640x16xf32, #tpu.memory_space<vmem>>, vector<16xf32>,
      %add3A_234 = arith.constant 8 : i32
      %add3A_235 = arith.addi %mul3A_122, %add3A_234 : i32
      %get3A_236 = arith.index_cast %add3A_235 : i32 to index
      %get3A_237 = arith.constant 0 : index
      %get3A_238 = tpu.vector_load %arg26[%get3A_236, %get3A_237] {strides = array<i32>} : memref<640x16xf32, #tpu.memory_space<vmem>>, vector<16xf32>,
      %slice3A_239 = vector.extract_strided_slice %get3A_123 {offsets = [8], sizes = [1], strides = [1]} : vector<16xf32> to vector<1xf32>
      %squeeze3A_240 = vector.extract %slice3A_239[0] : f32 from vector<1xf32>
      %mul3A_241 = vector.broadcast %squeeze3A_240 : f32 to vector<16xf32>
      %mul3A_242 = arith.mulf %get3A_238, %mul3A_241 : vector<16xf32>
      %add3A_243 = arith.constant 8 : i32
      %add3A_244 = arith.addi %mul3A_122, %add3A_243 : i32
      %swap3A_245 = arith.index_cast %add3A_244 : i32 to index
      %swap3A_246 = arith.constant 0 : index
      %swap3A_247 = tpu.vector_load %arg26[%swap3A_245, %swap3A_246] {strides = array<i32>} : memref<640x16xf32, #tpu.memory_space<vmem>>, vector<16xf32>,
      tpu.vector_store %arg26[%swap3A_245, %swap3A_246], %mul3A_242 {strides = array<i32>} : memref<640x16xf32, #tpu.memory_space<vmem>>, vector<16xf32>,
      %add3A_248 = arith.constant 9 : i32
      %add3A_249 = arith.addi %mul3A_122, %add3A_248 : i32
      %get3A_250 = arith.index_cast %add3A_249 : i32 to index
      %get3A_251 = arith.constant 0 : index
      %get3A_252 = tpu.vector_load %arg26[%get3A_250, %get3A_251] {strides = array<i32>} : memref<640x16xf32, #tpu.memory_space<vmem>>, vector<16xf32>,
      %slice3A_253 = vector.extract_strided_slice %get3A_123 {offsets = [9], sizes = [1], strides = [1]} : vector<16xf32> to vector<1xf32>
      %squeeze3A_254 = vector.extract %slice3A_253[0] : f32 from vector<1xf32>
      %mul3A_255 = vector.broadcast %squeeze3A_254 : f32 to vector<16xf32>
      %mul3A_256 = arith.mulf %get3A_252, %mul3A_255 : vector<16xf32>
      %add3A_257 = arith.constant 9 : i32
      %add3A_258 = arith.addi %mul3A_122, %add3A_257 : i32
      %swap3A_259 = arith.index_cast %add3A_258 : i32 to index
      %swap3A_260 = arith.constant 0 : index
      %swap3A_261 = tpu.vector_load %arg26[%swap3A_259, %swap3A_260] {strides = array<i32>} : memref<640x16xf32, #tpu.memory_space<vmem>>, vector<16xf32>,
      tpu.vector_store %arg26[%swap3A_259, %swap3A_260], %mul3A_256 {strides = array<i32>} : memref<640x16xf32, #tpu.memory_space<vmem>>, vector<16xf32>,
      %add3A_262 = arith.constant 10 : i32
      %add3A_263 = arith.addi %mul3A_122, %add3A_262 : i32
      %get3A_264 = arith.index_cast %add3A_263 : i32 to index
      %get3A_265 = arith.constant 0 : index
      %get3A_266 = tpu.vector_load %arg26[%get3A_264, %get3A_265] {strides = array<i32>} : memref<640x16xf32, #tpu.memory_space<vmem>>, vector<16xf32>,
      %slice3A_267 = vector.extract_strided_slice %get3A_123 {offsets = [10], sizes = [1], strides = [1]} : vector<16xf32> to vector<1xf32>
      %squeeze3A_268 = vector.extract %slice3A_267[0] : f32 from vector<1xf32>
      %mul3A_269 = vector.broadcast %squeeze3A_268 : f32 to vector<16xf32>
      %mul3A_270 = arith.mulf %get3A_266, %mul3A_269 : vector<16xf32>
      %add3A_271 = arith.constant 10 : i32
      %add3A_272 = arith.addi %mul3A_122, %add3A_271 : i32
      %swap3A_273 = arith.index_cast %add3A_272 : i32 to index
      %swap3A_274 = arith.constant 0 : index
      %swap3A_275 = tpu.vector_load %arg26[%swap3A_273, %swap3A_274] {strides = array<i32>} : memref<640x16xf32, #tpu.memory_space<vmem>>, vector<16xf32>,
      tpu.vector_store %arg26[%swap3A_273, %swap3A_274], %mul3A_270 {strides = array<i32>} : memref<640x16xf32, #tpu.memory_space<vmem>>, vector<16xf32>,
      %add3A_276 = arith.constant 11 : i32
      %add3A_277 = arith.addi %mul3A_122, %add3A_276 : i32
      %get3A_278 = arith.index_cast %add3A_277 : i32 to index
      %get3A_279 = arith.constant 0 : index
      %get3A_280 = tpu.vector_load %arg26[%get3A_278, %get3A_279] {strides = array<i32>} : memref<640x16xf32, #tpu.memory_space<vmem>>, vector<16xf32>,
      %slice3A_281 = vector.extract_strided_slice %get3A_123 {offsets = [11], sizes = [1], strides = [1]} : vector<16xf32> to vector<1xf32>
      %squeeze3A_282 = vector.extract %slice3A_281[0] : f32 from vector<1xf32>
      %mul3A_283 = vector.broadcast %squeeze3A_282 : f32 to vector<16xf32>
      %mul3A_284 = arith.mulf %get3A_280, %mul3A_283 : vector<16xf32>
      %add3A_285 = arith.constant 11 : i32
      %add3A_286 = arith.addi %mul3A_122, %add3A_285 : i32
      %swap3A_287 = arith.index_cast %add3A_286 : i32 to index
      %swap3A_288 = arith.constant 0 : index
      %swap3A_289 = tpu.vector_load %arg26[%swap3A_287, %swap3A_288] {strides = array<i32>} : memref<640x16xf32, #tpu.memory_space<vmem>>, vector<16xf32>,
      tpu.vector_store %arg26[%swap3A_287, %swap3A_288], %mul3A_284 {strides = array<i32>} : memref<640x16xf32, #tpu.memory_space<vmem>>, vector<16xf32>,
      %add3A_290 = arith.constant 12 : i32
      %add3A_291 = arith.addi %mul3A_122, %add3A_290 : i32
      %get3A_292 = arith.index_cast %add3A_291 : i32 to index
      %get3A_293 = arith.constant 0 : index
      %get3A_294 = tpu.vector_load %arg26[%get3A_292, %get3A_293] {strides = array<i32>} : memref<640x16xf32, #tpu.memory_space<vmem>>, vector<16xf32>,
      %slice3A_295 = vector.extract_strided_slice %get3A_123 {offsets = [12], sizes = [1], strides = [1]} : vector<16xf32> to vector<1xf32>
      %squeeze3A_296 = vector.extract %slice3A_295[0] : f32 from vector<1xf32>
      %mul3A_297 = vector.broadcast %squeeze3A_296 : f32 to vector<16xf32>
      %mul3A_298 = arith.mulf %get3A_294, %mul3A_297 : vector<16xf32>
      %add3A_299 = arith.constant 12 : i32
      %add3A_300 = arith.addi %mul3A_122, %add3A_299 : i32
      %swap3A_301 = arith.index_cast %add3A_300 : i32 to index
      %swap3A_302 = arith.constant 0 : index
      %swap3A_303 = tpu.vector_load %arg26[%swap3A_301, %swap3A_302] {strides = array<i32>} : memref<640x16xf32, #tpu.memory_space<vmem>>, vector<16xf32>,
      tpu.vector_store %arg26[%swap3A_301, %swap3A_302], %mul3A_298 {strides = array<i32>} : memref<640x16xf32, #tpu.memory_space<vmem>>, vector<16xf32>,
      %add3A_304 = arith.constant 13 : i32
      %add3A_305 = arith.addi %mul3A_122, %add3A_304 : i32
      %get3A_306 = arith.index_cast %add3A_305 : i32 to index
      %get3A_307 = arith.constant 0 : index
      %get3A_308 = tpu.vector_load %arg26[%get3A_306, %get3A_307] {strides = array<i32>} : memref<640x16xf32, #tpu.memory_space<vmem>>, vector<16xf32>,
      %slice3A_309 = vector.extract_strided_slice %get3A_123 {offsets = [13], sizes = [1], strides = [1]} : vector<16xf32> to vector<1xf32>
      %squeeze3A_310 = vector.extract %slice3A_309[0] : f32 from vector<1xf32>
      %mul3A_311 = vector.broadcast %squeeze3A_310 : f32 to vector<16xf32>
      %mul3A_312 = arith.mulf %get3A_308, %mul3A_311 : vector<16xf32>
      %add3A_313 = arith.constant 13 : i32
      %add3A_314 = arith.addi %mul3A_122, %add3A_313 : i32
      %swap3A_315 = arith.index_cast %add3A_314 : i32 to index
      %swap3A_316 = arith.constant 0 : index
      %swap3A_317 = tpu.vector_load %arg26[%swap3A_315, %swap3A_316] {strides = array<i32>} : memref<640x16xf32, #tpu.memory_space<vmem>>, vector<16xf32>,
      tpu.vector_store %arg26[%swap3A_315, %swap3A_316], %mul3A_312 {strides = array<i32>} : memref<640x16xf32, #tpu.memory_space<vmem>>, vector<16xf32>,
      %add3A_318 = arith.constant 14 : i32
      %add3A_319 = arith.addi %mul3A_122, %add3A_318 : i32
      %get3A_320 = arith.index_cast %add3A_319 : i32 to index
      %get3A_321 = arith.constant 0 : index
      %get3A_322 = tpu.vector_load %arg26[%get3A_320, %get3A_321] {strides = array<i32>} : memref<640x16xf32, #tpu.memory_space<vmem>>, vector<16xf32>,
      %slice3A_323 = vector.extract_strided_slice %get3A_123 {offsets = [14], sizes = [1], strides = [1]} : vector<16xf32> to vector<1xf32>
      %squeeze3A_324 = vector.extract %slice3A_323[0] : f32 from vector<1xf32>
      %mul3A_325 = vector.broadcast %squeeze3A_324 : f32 to vector<16xf32>
      %mul3A_326 = arith.mulf %get3A_322, %mul3A_325 : vector<16xf32>
      %add3A_327 = arith.constant 14 : i32
      %add3A_328 = arith.addi %mul3A_122, %add3A_327 : i32
      %swap3A_329 = arith.index_cast %add3A_328 : i32 to index
      %swap3A_330 = arith.constant 0 : index
      %swap3A_331 = tpu.vector_load %arg26[%swap3A_329, %swap3A_330] {strides = array<i32>} : memref<640x16xf32, #tpu.memory_space<vmem>>, vector<16xf32>,
      tpu.vector_store %arg26[%swap3A_329, %swap3A_330], %mul3A_326 {strides = array<i32>} : memref<640x16xf32, #tpu.memory_space<vmem>>, vector<16xf32>,
      %add3A_332 = arith.constant 15 : i32
      %add3A_333 = arith.addi %mul3A_122, %add3A_332 : i32
      %get3A_334 = arith.index_cast %add3A_333 : i32 to index
      %get3A_335 = arith.constant 0 : index
      %get3A_336 = tpu.vector_load %arg26[%get3A_334, %get3A_335] {strides = array<i32>} : memref<640x16xf32, #tpu.memory_space<vmem>>, vector<16xf32>,
      %slice3A_337 = vector.extract_strided_slice %get3A_123 {offsets = [15], sizes = [1], strides = [1]} : vector<16xf32> to vector<1xf32>
      %squeeze3A_338 = vector.extract %slice3A_337[0] : f32 from vector<1xf32>
      %mul3A_339 = vector.broadcast %squeeze3A_338 : f32 to vector<16xf32>
      %mul3A_340 = arith.mulf %get3A_336, %mul3A_339 : vector<16xf32>
      %add3A_341 = arith.constant 15 : i32
      %add3A_342 = arith.addi %mul3A_122, %add3A_341 : i32
      %swap3A_343 = arith.index_cast %add3A_342 : i32 to index
      %swap3A_344 = arith.constant 0 : index
      %swap3A_345 = tpu.vector_load %arg26[%swap3A_343, %swap3A_344] {strides = array<i32>} : memref<640x16xf32, #tpu.memory_space<vmem>>, vector<16xf32>,
      tpu.vector_store %arg26[%swap3A_343, %swap3A_344], %mul3A_340 {strides = array<i32>} : memref<640x16xf32, #tpu.memory_space<vmem>>, vector<16xf32>,
    }
    %scan3A_94 = arith.constant 40 : i32
    %mul3A_95 = arith.constant 640 : i32
    %mul3A_96 = arith.muli %arg1, %mul3A_95 : i32
    "tpu.region"() ({
      %run_scoped3A = tpu.sem_alloc : memref<!tpu.dma_semaphore, #tpu.memory_space<semaphore_mem>>
      %dma_start3A_120 = arith.constant 0 : i32
      %dma_start3A_121 = tpu.memref_slice %arg25[%dma_start3A_120] : memref<656xf32, #tpu.memory_space<vmem>> -> memref<640xf32, #tpu.memory_space<vmem>>
      %dma_start3A_122 = tpu.memref_slice %arg28[%mul3A_96] : memref<10240xf32, #tpu.memory_space<vmem_shared>> -> memref<640xf32, #tpu.memory_space<vmem_shared>>
      %dma_start3A_123 = tpu.memref_slice %arg28[%mul3A_96] : memref<10240xf32, #tpu.memory_space<vmem_shared>> -> memref<640xf32, #tpu.memory_space<vmem_shared>>
      %dma_start3A_124 = arith.constant 0 : i32
      %dma_start3A_125 = tpu.memref_slice %arg25[%dma_start3A_124] : memref<656xf32, #tpu.memory_space<vmem>> -> memref<640xf32, #tpu.memory_space<vmem>>
      tpu.enqueue_dma source(%dma_start3A_125 : memref<640xf32, #tpu.memory_space<vmem>>) target(%dma_start3A_123 : memref<640xf32, #tpu.memory_space<vmem_shared>>) target_semaphore(%run_scoped3A : memref<!tpu.dma_semaphore, #tpu.memory_space<semaphore_mem>>)
      %dma_wait3A_126 = arith.constant 0 : i32
      %dma_wait3A_127 = tpu.memref_slice %arg25[%dma_wait3A_126] : memref<656xf32, #tpu.memory_space<vmem>> -> memref<640xf32, #tpu.memory_space<vmem>>
      %dma_wait3A_128 = tpu.memref_slice %arg28[%mul3A_96] : memref<10240xf32, #tpu.memory_space<vmem_shared>> -> memref<640xf32, #tpu.memory_space<vmem_shared>>
      %dma_wait3A_129 = tpu.memref_slice %arg28[%mul3A_96] : memref<10240xf32, #tpu.memory_space<vmem_shared>> -> memref<640xf32, #tpu.memory_space<vmem_shared>>
      %dma_wait3A_130 = arith.constant 0 : i32
      %dma_wait3A_131 = tpu.memref_slice %arg25[%dma_wait3A_130] : memref<656xf32, #tpu.memory_space<vmem>> -> memref<640xf32, #tpu.memory_space<vmem>>
      tpu.wait_dma2 semaphore(%run_scoped3A : memref<!tpu.dma_semaphore, #tpu.memory_space<semaphore_mem>>) src(%dma_wait3A_131 : memref<640xf32, #tpu.memory_space<vmem>>) dst(%dma_wait3A_129 : memref<640xf32, #tpu.memory_space<vmem_shared>>)
      tpu.yield
    }) : () -> ()
    %mul3A_97 = arith.constant 640 : i32
    %mul3A_98 = arith.muli %arg1, %mul3A_97 : i32
    "tpu.region"() ({
      %run_scoped3A = tpu.sem_alloc : memref<!tpu.dma_semaphore, #tpu.memory_space<semaphore_mem>>
      %dma_start3A_120 = arith.constant 0 : i32
      %dma_start3A_121 = tpu.memref_slice %arg29[%mul3A_98, %dma_start3A_120] : memref<10240x16xf32, #tpu.memory_space<vmem_shared>> -> memref<640x16xf32, #tpu.memory_space<vmem_shared>>
      %dma_start3A_122 = arith.constant 0 : i32
      %dma_start3A_123 = tpu.memref_slice %arg29[%mul3A_98, %dma_start3A_122] : memref<10240x16xf32, #tpu.memory_space<vmem_shared>> -> memref<640x16xf32, #tpu.memory_space<vmem_shared>>
      tpu.enqueue_dma source(%arg26 : memref<640x16xf32, #tpu.memory_space<vmem>>) target(%dma_start3A_123 : memref<640x16xf32, #tpu.memory_space<vmem_shared>>) target_semaphore(%run_scoped3A : memref<!tpu.dma_semaphore, #tpu.memory_space<semaphore_mem>>)
      %dma_wait3A_124 = arith.constant 0 : i32
      %dma_wait3A_125 = tpu.memref_slice %arg29[%mul3A_98, %dma_wait3A_124] : memref<10240x16xf32, #tpu.memory_space<vmem_shared>> -> memref<640x16xf32, #tpu.memory_space<vmem_shared>>
      %dma_wait3A_126 = arith.constant 0 : i32
      %dma_wait3A_127 = tpu.memref_slice %arg29[%mul3A_98, %dma_wait3A_126] : memref<10240x16xf32, #tpu.memory_space<vmem_shared>> -> memref<640x16xf32, #tpu.memory_space<vmem_shared>>
      tpu.wait_dma2 semaphore(%run_scoped3A : memref<!tpu.dma_semaphore, #tpu.memory_space<semaphore_mem>>) src(%arg26 : memref<640x16xf32, #tpu.memory_space<vmem>>) dst(%dma_wait3A_127 : memref<640x16xf32, #tpu.memory_space<vmem_shared>>)
      tpu.yield
    }) : () -> ()
    %eq3A = arith.constant 0 : i32
    %eq3A_99 = arith.cmpi eq, %arg0, %eq3A : i32
    %convert_element_type3A = arith.extui %eq3A_99 : i1 to i32
    %cond3A = arith.constant 0 : i32
    %cond3A_100 = arith.cmpi ne, %convert_element_type3A, %cond3A : i32
    scf.if %cond3A_100 {
      %mul3A_120 = arith.constant 640 : i32
      %mul3A_121 = arith.muli %arg1, %mul3A_120 : i32
      "tpu.region"() ({
        %run_scoped3A = tpu.sem_alloc : memref<!tpu.dma_semaphore, #tpu.memory_space<semaphore_mem>>
        %dma_start3A_124 = arith.constant 0 : i32
        %dma_start3A_125 = tpu.memref_slice %arg25[%dma_start3A_124] : memref<656xf32, #tpu.memory_space<vmem>> -> memref<640xf32, #tpu.memory_space<vmem>>
        %dma_start3A_126 = tpu.memref_slice %arg9[%mul3A_121] : memref<10240xf32, #tpu.memory_space<hbm>> -> memref<640xf32, #tpu.memory_space<hbm>>
        %dma_start3A_127 = tpu.memref_slice %arg9[%mul3A_121] : memref<10240xf32, #tpu.memory_space<hbm>> -> memref<640xf32, #tpu.memory_space<hbm>>
        %dma_start3A_128 = arith.constant 0 : i32
        %dma_start3A_129 = tpu.memref_slice %arg25[%dma_start3A_128] : memref<656xf32, #tpu.memory_space<vmem>> -> memref<640xf32, #tpu.memory_space<vmem>>
        tpu.enqueue_dma source(%dma_start3A_129 : memref<640xf32, #tpu.memory_space<vmem>>) target(%dma_start3A_127 : memref<640xf32, #tpu.memory_space<hbm>>) target_semaphore(%run_scoped3A : memref<!tpu.dma_semaphore, #tpu.memory_space<semaphore_mem>>)
        %dma_wait3A_130 = arith.constant 0 : i32
        %dma_wait3A_131 = tpu.memref_slice %arg25[%dma_wait3A_130] : memref<656xf32, #tpu.memory_space<vmem>> -> memref<640xf32, #tpu.memory_space<vmem>>
        %dma_wait3A_132 = tpu.memref_slice %arg9[%mul3A_121] : memref<10240xf32, #tpu.memory_space<hbm>> -> memref<640xf32, #tpu.memory_space<hbm>>
        %dma_wait3A_133 = tpu.memref_slice %arg9[%mul3A_121] : memref<10240xf32, #tpu.memory_space<hbm>> -> memref<640xf32, #tpu.memory_space<hbm>>
        %dma_wait3A_134 = arith.constant 0 : i32
        %dma_wait3A_135 = tpu.memref_slice %arg25[%dma_wait3A_134] : memref<656xf32, #tpu.memory_space<vmem>> -> memref<640xf32, #tpu.memory_space<vmem>>
        tpu.wait_dma2 semaphore(%run_scoped3A : memref<!tpu.dma_semaphore, #tpu.memory_space<semaphore_mem>>) src(%dma_wait3A_135 : memref<640xf32, #tpu.memory_space<vmem>>) dst(%dma_wait3A_133 : memref<640xf32, #tpu.memory_space<hbm>>)
        tpu.yield
      }) : () -> ()
      %mul3A_122 = arith.constant 640 : i32
      %mul3A_123 = arith.muli %arg1, %mul3A_122 : i32
      "tpu.region"() ({
        %run_scoped3A = tpu.sem_alloc : memref<!tpu.dma_semaphore, #tpu.memory_space<semaphore_mem>>
        %dma_start3A_124 = arith.constant 0 : i32
        %dma_start3A_125 = tpu.memref_slice %arg10[%mul3A_123, %dma_start3A_124] : memref<10240x16xf32, #tpu.memory_space<hbm>> -> memref<640x16xf32, #tpu.memory_space<hbm>>
        %dma_start3A_126 = arith.constant 0 : i32
        %dma_start3A_127 = tpu.memref_slice %arg10[%mul3A_123, %dma_start3A_126] : memref<10240x16xf32, #tpu.memory_space<hbm>> -> memref<640x16xf32, #tpu.memory_space<hbm>>
        tpu.enqueue_dma source(%arg26 : memref<640x16xf32, #tpu.memory_space<vmem>>) target(%dma_start3A_127 : memref<640x16xf32, #tpu.memory_space<hbm>>) target_semaphore(%run_scoped3A : memref<!tpu.dma_semaphore, #tpu.memory_space<semaphore_mem>>)
        %dma_wait3A_128 = arith.constant 0 : i32
        %dma_wait3A_129 = tpu.memref_slice %arg10[%mul3A_123, %dma_wait3A_128] : memref<10240x16xf32, #tpu.memory_space<hbm>> -> memref<640x16xf32, #tpu.memory_space<hbm>>
        %dma_wait3A_130 = arith.constant 0 : i32
        %dma_wait3A_131 = tpu.memref_slice %arg10[%mul3A_123, %dma_wait3A_130] : memref<10240x16xf32, #tpu.memory_space<hbm>> -> memref<640x16xf32, #tpu.memory_space<hbm>>
        tpu.wait_dma2 semaphore(%run_scoped3A : memref<!tpu.dma_semaphore, #tpu.memory_space<semaphore_mem>>) src(%arg26 : memref<640x16xf32, #tpu.memory_space<vmem>>) dst(%dma_wait3A_131 : memref<640x16xf32, #tpu.memory_space<hbm>>)
        tpu.yield
      }) : () -> ()
    } else {
    }
    %barrier3A_101 = arith.constant 0 : index
    tpu.barrier barrier_id(%barrier3A_101)
    %scan3A_102 = arith.constant 0 : i32
    %scan3A_103 = arith.constant 0 : i32
    %scan3A_104 = arith.constant 8 : i32
    %scan3A_105 = arith.addi %scan3A_103, %scan3A_104 : i32
    %scan3A_106 = arith.constant 1 : i32
    scf.for %scan3A_120 = %scan3A_103 to %scan3A_105 step %scan3A_106  : i32 {
      %mul3A_121 = arith.constant 2 : i32
      %mul3A_122 = arith.muli %scan3A_120, %mul3A_121 : i32
      %mul3A_123 = arith.constant 5 : i32
      %mul3A_124 = arith.muli %mul3A_122, %mul3A_123 : i32
      %mul3A_125 = arith.constant 128 : i32
      %mul3A_126 = arith.muli %mul3A_124, %mul3A_125 : i32
      %add3A_127 = arith.constant 640 : i32
      %add3A_128 = arith.addi %mul3A_126, %add3A_127 : i32
      %dma_start3A_129 = tpu.memref_slice %arg12[%mul3A_126] : memref<10240xi32, #tpu.memory_space<vmem>> -> memref<640xi32, #tpu.memory_space<vmem>>
      %dma_start3A_130 = arith.constant 0 : i32
      %dma_start3A_131 = arith.constant 0 : i32
      %dma_start3A_132 = tpu.memref_slice %arg29[%dma_start3A_130, %dma_start3A_131] : memref<10240x16xf32, #tpu.memory_space<vmem_shared>> -> memref<10240x16xf32, #tpu.memory_space<vmem_shared>>
      tpu.enqueue_indirect_dma source(%dma_start3A_132 : memref<10240x16xf32, #tpu.memory_space<vmem_shared>>) target(%arg20 : memref<640x16xf32, #tpu.memory_space<vmem>>) offsets(%dma_start3A_129 : memref<640xi32, #tpu.memory_space<vmem>>) semaphore(%arg32 : memref<!tpu.dma_semaphore, #tpu.memory_space<semaphore_mem>>)
      %dma_start3A_133 = tpu.memref_slice %arg13[%mul3A_126] : memref<10240xi32, #tpu.memory_space<vmem>> -> memref<640xi32, #tpu.memory_space<vmem>>
      %dma_start3A_134 = arith.constant 0 : i32
      %dma_start3A_135 = tpu.memref_slice %arg28[%dma_start3A_134] : memref<10240xf32, #tpu.memory_space<vmem_shared>> -> memref<10240xf32, #tpu.memory_space<vmem_shared>>
      tpu.enqueue_indirect_dma source(%dma_start3A_135 : memref<10240xf32, #tpu.memory_space<vmem_shared>>) target(%arg22 : memref<640xf32, #tpu.memory_space<vmem>>) offsets(%dma_start3A_133 : memref<640xi32, #tpu.memory_space<vmem>>) semaphore(%arg32 : memref<!tpu.dma_semaphore, #tpu.memory_space<semaphore_mem>>)
      %add3A_136 = arith.constant 0 : i32
      %add3A_137 = arith.addi %mul3A_126, %add3A_136 : i32
      %add3A_138 = arith.constant 0 : i32
      %add3A_139 = arith.addi %add3A_137, %add3A_138 : i32
      %get3A = arith.index_cast %add3A_139 : i32 to index
      %get3A_140 = tpu.vector_load %arg13[%get3A] {strides = array<i32>} : memref<10240xi32, #tpu.memory_space<vmem>>, vector<16xi32>,
      %swap3A_141 = arith.constant 0 : i32
      %swap3A_142 = arith.index_cast %swap3A_141 : i32 to index
      %swap3A_143 = arith.constant 0 : index
      %swap3A_144 = tpu.vector_load %arg17[%swap3A_142, %swap3A_143] {strides = array<i32>} : memref<5x128xi32, #tpu.memory_space<vmem>>, vector<16xi32>,
      tpu.vector_store %arg17[%swap3A_142, %swap3A_143], %get3A_140 {strides = array<i32>} : memref<5x128xi32, #tpu.memory_space<vmem>>, vector<16xi32>,
      %get3A_145 = arith.index_cast %add3A_139 : i32 to index
      %get3A_146 = tpu.vector_load %arg12[%get3A_145] {strides = array<i32>} : memref<10240xi32, #tpu.memory_space<vmem>>, vector<16xi32>,
      %swap3A_147 = arith.constant 0 : i32
      %swap3A_148 = arith.index_cast %swap3A_147 : i32 to index
      %swap3A_149 = arith.constant 0 : index
      %swap3A_150 = tpu.vector_load %arg16[%swap3A_148, %swap3A_149] {strides = array<i32>} : memref<5x128xi32, #tpu.memory_space<vmem>>, vector<16xi32>,
      tpu.vector_store %arg16[%swap3A_148, %swap3A_149], %get3A_146 {strides = array<i32>} : memref<5x128xi32, #tpu.memory_space<vmem>>, vector<16xi32>,
      %add3A_151 = arith.constant 0 : i32
      %add3A_152 = arith.addi %mul3A_126, %add3A_151 : i32
      %add3A_153 = arith.constant 16 : i32
      %add3A_154 = arith.addi %add3A_152, %add3A_153 : i32
      %get3A_155 = arith.index_cast %add3A_154 : i32 to index
      %get3A_156 = tpu.vector_load %arg13[%get3A_155] {strides = array<i32>} : memref<10240xi32, #tpu.memory_space<vmem>>, vector<16xi32>,
      %swap3A_157 = arith.constant 0 : i32
      %swap3A_158 = arith.index_cast %swap3A_157 : i32 to index
      %swap3A_159 = arith.constant 16 : index
      %swap3A_160 = tpu.vector_load %arg17[%swap3A_158, %swap3A_159] {strides = array<i32>} : memref<5x128xi32, #tpu.memory_space<vmem>>, vector<16xi32>,
      tpu.vector_store %arg17[%swap3A_158, %swap3A_159], %get3A_156 {strides = array<i32>} : memref<5x128xi32, #tpu.memory_space<vmem>>, vector<16xi32>,
      %get3A_161 = arith.index_cast %add3A_154 : i32 to index
      %get3A_162 = tpu.vector_load %arg12[%get3A_161] {strides = array<i32>} : memref<10240xi32, #tpu.memory_space<vmem>>, vector<16xi32>,
      %swap3A_163 = arith.constant 0 : i32
      %swap3A_164 = arith.index_cast %swap3A_163 : i32 to index
      %swap3A_165 = arith.constant 16 : index
      %swap3A_166 = tpu.vector_load %arg16[%swap3A_164, %swap3A_165] {strides = array<i32>} : memref<5x128xi32, #tpu.memory_space<vmem>>, vector<16xi32>,
      tpu.vector_store %arg16[%swap3A_164, %swap3A_165], %get3A_162 {strides = array<i32>} : memref<5x128xi32, #tpu.memory_space<vmem>>, vector<16xi32>,
      %add3A_167 = arith.constant 0 : i32
      %add3A_168 = arith.addi %mul3A_126, %add3A_167 : i32
      %add3A_169 = arith.constant 32 : i32
      %add3A_170 = arith.addi %add3A_168, %add3A_169 : i32
      %get3A_171 = arith.index_cast %add3A_170 : i32 to index
      %get3A_172 = tpu.vector_load %arg13[%get3A_171] {strides = array<i32>} : memref<10240xi32, #tpu.memory_space<vmem>>, vector<16xi32>,
      %swap3A_173 = arith.constant 0 : i32
      %swap3A_174 = arith.index_cast %swap3A_173 : i32 to index
      %swap3A_175 = arith.constant 32 : index
      %swap3A_176 = tpu.vector_load %arg17[%swap3A_174, %swap3A_175] {strides = array<i32>} : memref<5x128xi32, #tpu.memory_space<vmem>>, vector<16xi32>,
      tpu.vector_store %arg17[%swap3A_174, %swap3A_175], %get3A_172 {strides = array<i32>} : memref<5x128xi32, #tpu.memory_space<vmem>>, vector<16xi32>,
      %get3A_177 = arith.index_cast %add3A_170 : i32 to index
      %get3A_178 = tpu.vector_load %arg12[%get3A_177] {strides = array<i32>} : memref<10240xi32, #tpu.memory_space<vmem>>, vector<16xi32>,
      %swap3A_179 = arith.constant 0 : i32
      %swap3A_180 = arith.index_cast %swap3A_179 : i32 to index
      %swap3A_181 = arith.constant 32 : index
      %swap3A_182 = tpu.vector_load %arg16[%swap3A_180, %swap3A_181] {strides = array<i32>} : memref<5x128xi32, #tpu.memory_space<vmem>>, vector<16xi32>,
      tpu.vector_store %arg16[%swap3A_180, %swap3A_181], %get3A_178 {strides = array<i32>} : memref<5x128xi32, #tpu.memory_space<vmem>>, vector<16xi32>,
      %add3A_183 = arith.constant 0 : i32
      %add3A_184 = arith.addi %mul3A_126, %add3A_183 : i32
      %add3A_185 = arith.constant 48 : i32
      %add3A_186 = arith.addi %add3A_184, %add3A_185 : i32
      %get3A_187 = arith.index_cast %add3A_186 : i32 to index
      %get3A_188 = tpu.vector_load %arg13[%get3A_187] {strides = array<i32>} : memref<10240xi32, #tpu.memory_space<vmem>>, vector<16xi32>,
      %swap3A_189 = arith.constant 0 : i32
      %swap3A_190 = arith.index_cast %swap3A_189 : i32 to index
      %swap3A_191 = arith.constant 48 : index
      %swap3A_192 = tpu.vector_load %arg17[%swap3A_190, %swap3A_191] {strides = array<i32>} : memref<5x128xi32, #tpu.memory_space<vmem>>, vector<16xi32>,
      tpu.vector_store %arg17[%swap3A_190, %swap3A_191], %get3A_188 {strides = array<i32>} : memref<5x128xi32, #tpu.memory_space<vmem>>, vector<16xi32>,
      %get3A_193 = arith.index_cast %add3A_186 : i32 to index
      %get3A_194 = tpu.vector_load %arg12[%get3A_193] {strides = array<i32>} : memref<10240xi32, #tpu.memory_space<vmem>>, vector<16xi32>,
      %swap3A_195 = arith.constant 0 : i32
      %swap3A_196 = arith.index_cast %swap3A_195 : i32 to index
      %swap3A_197 = arith.constant 48 : index
      %swap3A_198 = tpu.vector_load %arg16[%swap3A_196, %swap3A_197] {strides = array<i32>} : memref<5x128xi32, #tpu.memory_space<vmem>>, vector<16xi32>,
      tpu.vector_store %arg16[%swap3A_196, %swap3A_197], %get3A_194 {strides = array<i32>} : memref<5x128xi32, #tpu.memory_space<vmem>>, vector<16xi32>,
      %add3A_199 = arith.constant 0 : i32
      %add3A_200 = arith.addi %mul3A_126, %add3A_199 : i32
      %add3A_201 = arith.constant 64 : i32
      %add3A_202 = arith.addi %add3A_200, %add3A_201 : i32
      %get3A_203 = arith.index_cast %add3A_202 : i32 to index
      %get3A_204 = tpu.vector_load %arg13[%get3A_203] {strides = array<i32>} : memref<10240xi32, #tpu.memory_space<vmem>>, vector<16xi32>,
      %swap3A_205 = arith.constant 0 : i32
      %swap3A_206 = arith.index_cast %swap3A_205 : i32 to index
      %swap3A_207 = arith.constant 64 : index
      %swap3A_208 = tpu.vector_load %arg17[%swap3A_206, %swap3A_207] {strides = array<i32>} : memref<5x128xi32, #tpu.memory_space<vmem>>, vector<16xi32>,
      tpu.vector_store %arg17[%swap3A_206, %swap3A_207], %get3A_204 {strides = array<i32>} : memref<5x128xi32, #tpu.memory_space<vmem>>, vector<16xi32>,
      %get3A_209 = arith.index_cast %add3A_202 : i32 to index
      %get3A_210 = tpu.vector_load %arg12[%get3A_209] {strides = array<i32>} : memref<10240xi32, #tpu.memory_space<vmem>>, vector<16xi32>,
      %swap3A_211 = arith.constant 0 : i32
      %swap3A_212 = arith.index_cast %swap3A_211 : i32 to index
      %swap3A_213 = arith.constant 64 : index
      %swap3A_214 = tpu.vector_load %arg16[%swap3A_212, %swap3A_213] {strides = array<i32>} : memref<5x128xi32, #tpu.memory_space<vmem>>, vector<16xi32>,
      tpu.vector_store %arg16[%swap3A_212, %swap3A_213], %get3A_210 {strides = array<i32>} : memref<5x128xi32, #tpu.memory_space<vmem>>, vector<16xi32>,
      %add3A_215 = arith.constant 0 : i32
      %add3A_216 = arith.addi %mul3A_126, %add3A_215 : i32
      %add3A_217 = arith.constant 80 : i32
      %add3A_218 = arith.addi %add3A_216, %add3A_217 : i32
      %get3A_219 = arith.index_cast %add3A_218 : i32 to index
      %get3A_220 = tpu.vector_load %arg13[%get3A_219] {strides = array<i32>} : memref<10240xi32, #tpu.memory_space<vmem>>, vector<16xi32>,
      %swap3A_221 = arith.constant 0 : i32
      %swap3A_222 = arith.index_cast %swap3A_221 : i32 to index
      %swap3A_223 = arith.constant 80 : index
      %swap3A_224 = tpu.vector_load %arg17[%swap3A_222, %swap3A_223] {strides = array<i32>} : memref<5x128xi32, #tpu.memory_space<vmem>>, vector<16xi32>,
      tpu.vector_store %arg17[%swap3A_222, %swap3A_223], %get3A_220 {strides = array<i32>} : memref<5x128xi32, #tpu.memory_space<vmem>>, vector<16xi32>,
      %get3A_225 = arith.index_cast %add3A_218 : i32 to index
      %get3A_226 = tpu.vector_load %arg12[%get3A_225] {strides = array<i32>} : memref<10240xi32, #tpu.memory_space<vmem>>, vector<16xi32>,
      %swap3A_227 = arith.constant 0 : i32
      %swap3A_228 = arith.index_cast %swap3A_227 : i32 to index
      %swap3A_229 = arith.constant 80 : index
      %swap3A_230 = tpu.vector_load %arg16[%swap3A_228, %swap3A_229] {strides = array<i32>} : memref<5x128xi32, #tpu.memory_space<vmem>>, vector<16xi32>,
      tpu.vector_store %arg16[%swap3A_228, %swap3A_229], %get3A_226 {strides = array<i32>} : memref<5x128xi32, #tpu.memory_space<vmem>>, vector<16xi32>,
      %add3A_231 = arith.constant 0 : i32
      %add3A_232 = arith.addi %mul3A_126, %add3A_231 : i32
      %add3A_233 = arith.constant 96 : i32
      %add3A_234 = arith.addi %add3A_232, %add3A_233 : i32
      %get3A_235 = arith.index_cast %add3A_234 : i32 to index
      %get3A_236 = tpu.vector_load %arg13[%get3A_235] {strides = array<i32>} : memref<10240xi32, #tpu.memory_space<vmem>>, vector<16xi32>,
      %swap3A_237 = arith.constant 0 : i32
      %swap3A_238 = arith.index_cast %swap3A_237 : i32 to index
      %swap3A_239 = arith.constant 96 : index
      %swap3A_240 = tpu.vector_load %arg17[%swap3A_238, %swap3A_239] {strides = array<i32>} : memref<5x128xi32, #tpu.memory_space<vmem>>, vector<16xi32>,
      tpu.vector_store %arg17[%swap3A_238, %swap3A_239], %get3A_236 {strides = array<i32>} : memref<5x128xi32, #tpu.memory_space<vmem>>, vector<16xi32>,
      %get3A_241 = arith.index_cast %add3A_234 : i32 to index
      %get3A_242 = tpu.vector_load %arg12[%get3A_241] {strides = array<i32>} : memref<10240xi32, #tpu.memory_space<vmem>>, vector<16xi32>,
      %swap3A_243 = arith.constant 0 : i32
      %swap3A_244 = arith.index_cast %swap3A_243 : i32 to index
      %swap3A_245 = arith.constant 96 : index
      %swap3A_246 = tpu.vector_load %arg16[%swap3A_244, %swap3A_245] {strides = array<i32>} : memref<5x128xi32, #tpu.memory_space<vmem>>, vector<16xi32>,
      tpu.vector_store %arg16[%swap3A_244, %swap3A_245], %get3A_242 {strides = array<i32>} : memref<5x128xi32, #tpu.memory_space<vmem>>, vector<16xi32>,
      %add3A_247 = arith.constant 0 : i32
      %add3A_248 = arith.addi %mul3A_126, %add3A_247 : i32
      %add3A_249 = arith.constant 112 : i32
      %add3A_250 = arith.addi %add3A_248, %add3A_249 : i32
      %get3A_251 = arith.index_cast %add3A_250 : i32 to index
      %get3A_252 = tpu.vector_load %arg13[%get3A_251] {strides = array<i32>} : memref<10240xi32, #tpu.memory_space<vmem>>, vector<16xi32>,
      %swap3A_253 = arith.constant 0 : i32
      %swap3A_254 = arith.index_cast %swap3A_253 : i32 to index
      %swap3A_255 = arith.constant 112 : index
      %swap3A_256 = tpu.vector_load %arg17[%swap3A_254, %swap3A_255] {strides = array<i32>} : memref<5x128xi32, #tpu.memory_space<vmem>>, vector<16xi32>,
      tpu.vector_store %arg17[%swap3A_254, %swap3A_255], %get3A_252 {strides = array<i32>} : memref<5x128xi32, #tpu.memory_space<vmem>>, vector<16xi32>,
      %get3A_257 = arith.index_cast %add3A_250 : i32 to index
      %get3A_258 = tpu.vector_load %arg12[%get3A_257] {strides = array<i32>} : memref<10240xi32, #tpu.memory_space<vmem>>, vector<16xi32>,
      %swap3A_259 = arith.constant 0 : i32
      %swap3A_260 = arith.index_cast %swap3A_259 : i32 to index
      %swap3A_261 = arith.constant 112 : index
      %swap3A_262 = tpu.vector_load %arg16[%swap3A_260, %swap3A_261] {strides = array<i32>} : memref<5x128xi32, #tpu.memory_space<vmem>>, vector<16xi32>,
      tpu.vector_store %arg16[%swap3A_260, %swap3A_261], %get3A_258 {strides = array<i32>} : memref<5x128xi32, #tpu.memory_space<vmem>>, vector<16xi32>,
      %add3A_263 = arith.constant 128 : i32
      %add3A_264 = arith.addi %mul3A_126, %add3A_263 : i32
      %add3A_265 = arith.constant 0 : i32
      %add3A_266 = arith.addi %add3A_264, %add3A_265 : i32
      %get3A_267 = arith.index_cast %add3A_266 : i32 to index
      %get3A_268 = tpu.vector_load %arg13[%get3A_267] {strides = array<i32>} : memref<10240xi32, #tpu.memory_space<vmem>>, vector<16xi32>,
      %swap3A_269 = arith.constant 1 : i32
      %swap3A_270 = arith.index_cast %swap3A_269 : i32 to index
      %swap3A_271 = arith.constant 0 : index
      %swap3A_272 = tpu.vector_load %arg17[%swap3A_270, %swap3A_271] {strides = array<i32>} : memref<5x128xi32, #tpu.memory_space<vmem>>, vector<16xi32>,
      tpu.vector_store %arg17[%swap3A_270, %swap3A_271], %get3A_268 {strides = array<i32>} : memref<5x128xi32, #tpu.memory_space<vmem>>, vector<16xi32>,
      %get3A_273 = arith.index_cast %add3A_266 : i32 to index
      %get3A_274 = tpu.vector_load %arg12[%get3A_273] {strides = array<i32>} : memref<10240xi32, #tpu.memory_space<vmem>>, vector<16xi32>,
      %swap3A_275 = arith.constant 1 : i32
      %swap3A_276 = arith.index_cast %swap3A_275 : i32 to index
      %swap3A_277 = arith.constant 0 : index
      %swap3A_278 = tpu.vector_load %arg16[%swap3A_276, %swap3A_277] {strides = array<i32>} : memref<5x128xi32, #tpu.memory_space<vmem>>, vector<16xi32>,
      tpu.vector_store %arg16[%swap3A_276, %swap3A_277], %get3A_274 {strides = array<i32>} : memref<5x128xi32, #tpu.memory_space<vmem>>, vector<16xi32>,
      %add3A_279 = arith.constant 128 : i32
      %add3A_280 = arith.addi %mul3A_126, %add3A_279 : i32
      %add3A_281 = arith.constant 16 : i32
      %add3A_282 = arith.addi %add3A_280, %add3A_281 : i32
      %get3A_283 = arith.index_cast %add3A_282 : i32 to index
      %get3A_284 = tpu.vector_load %arg13[%get3A_283] {strides = array<i32>} : memref<10240xi32, #tpu.memory_space<vmem>>, vector<16xi32>,
      %swap3A_285 = arith.constant 1 : i32
      %swap3A_286 = arith.index_cast %swap3A_285 : i32 to index
      %swap3A_287 = arith.constant 16 : index
      %swap3A_288 = tpu.vector_load %arg17[%swap3A_286, %swap3A_287] {strides = array<i32>} : memref<5x128xi32, #tpu.memory_space<vmem>>, vector<16xi32>,
      tpu.vector_store %arg17[%swap3A_286, %swap3A_287], %get3A_284 {strides = array<i32>} : memref<5x128xi32, #tpu.memory_space<vmem>>, vector<16xi32>,
      %get3A_289 = arith.index_cast %add3A_282 : i32 to index
      %get3A_290 = tpu.vector_load %arg12[%get3A_289] {strides = array<i32>} : memref<10240xi32, #tpu.memory_space<vmem>>, vector<16xi32>,
      %swap3A_291 = arith.constant 1 : i32
      %swap3A_292 = arith.index_cast %swap3A_291 : i32 to index
      %swap3A_293 = arith.constant 16 : index
      %swap3A_294 = tpu.vector_load %arg16[%swap3A_292, %swap3A_293] {strides = array<i32>} : memref<5x128xi32, #tpu.memory_space<vmem>>, vector<16xi32>,
      tpu.vector_store %arg16[%swap3A_292, %swap3A_293], %get3A_290 {strides = array<i32>} : memref<5x128xi32, #tpu.memory_space<vmem>>, vector<16xi32>,
      %add3A_295 = arith.constant 128 : i32
      %add3A_296 = arith.addi %mul3A_126, %add3A_295 : i32
      %add3A_297 = arith.constant 32 : i32
      %add3A_298 = arith.addi %add3A_296, %add3A_297 : i32
      %get3A_299 = arith.index_cast %add3A_298 : i32 to index
      %get3A_300 = tpu.vector_load %arg13[%get3A_299] {strides = array<i32>} : memref<10240xi32, #tpu.memory_space<vmem>>, vector<16xi32>,
      %swap3A_301 = arith.constant 1 : i32
      %swap3A_302 = arith.index_cast %swap3A_301 : i32 to index
      %swap3A_303 = arith.constant 32 : index
      %swap3A_304 = tpu.vector_load %arg17[%swap3A_302, %swap3A_303] {strides = array<i32>} : memref<5x128xi32, #tpu.memory_space<vmem>>, vector<16xi32>,
      tpu.vector_store %arg17[%swap3A_302, %swap3A_303], %get3A_300 {strides = array<i32>} : memref<5x128xi32, #tpu.memory_space<vmem>>, vector<16xi32>,
      %get3A_305 = arith.index_cast %add3A_298 : i32 to index
      %get3A_306 = tpu.vector_load %arg12[%get3A_305] {strides = array<i32>} : memref<10240xi32, #tpu.memory_space<vmem>>, vector<16xi32>,
      %swap3A_307 = arith.constant 1 : i32
      %swap3A_308 = arith.index_cast %swap3A_307 : i32 to index
      %swap3A_309 = arith.constant 32 : index
      %swap3A_310 = tpu.vector_load %arg16[%swap3A_308, %swap3A_309] {strides = array<i32>} : memref<5x128xi32, #tpu.memory_space<vmem>>, vector<16xi32>,
      tpu.vector_store %arg16[%swap3A_308, %swap3A_309], %get3A_306 {strides = array<i32>} : memref<5x128xi32, #tpu.memory_space<vmem>>, vector<16xi32>,
      %add3A_311 = arith.constant 128 : i32
      %add3A_312 = arith.addi %mul3A_126, %add3A_311 : i32
      %add3A_313 = arith.constant 48 : i32
      %add3A_314 = arith.addi %add3A_312, %add3A_313 : i32
      %get3A_315 = arith.index_cast %add3A_314 : i32 to index
      %get3A_316 = tpu.vector_load %arg13[%get3A_315] {strides = array<i32>} : memref<10240xi32, #tpu.memory_space<vmem>>, vector<16xi32>,
      %swap3A_317 = arith.constant 1 : i32
      %swap3A_318 = arith.index_cast %swap3A_317 : i32 to index
      %swap3A_319 = arith.constant 48 : index
      %swap3A_320 = tpu.vector_load %arg17[%swap3A_318, %swap3A_319] {strides = array<i32>} : memref<5x128xi32, #tpu.memory_space<vmem>>, vector<16xi32>,
      tpu.vector_store %arg17[%swap3A_318, %swap3A_319], %get3A_316 {strides = array<i32>} : memref<5x128xi32, #tpu.memory_space<vmem>>, vector<16xi32>,
      %get3A_321 = arith.index_cast %add3A_314 : i32 to index
      %get3A_322 = tpu.vector_load %arg12[%get3A_321] {strides = array<i32>} : memref<10240xi32, #tpu.memory_space<vmem>>, vector<16xi32>,
      %swap3A_323 = arith.constant 1 : i32
      %swap3A_324 = arith.index_cast %swap3A_323 : i32 to index
      %swap3A_325 = arith.constant 48 : index
      %swap3A_326 = tpu.vector_load %arg16[%swap3A_324, %swap3A_325] {strides = array<i32>} : memref<5x128xi32, #tpu.memory_space<vmem>>, vector<16xi32>,
      tpu.vector_store %arg16[%swap3A_324, %swap3A_325], %get3A_322 {strides = array<i32>} : memref<5x128xi32, #tpu.memory_space<vmem>>, vector<16xi32>,
      %add3A_327 = arith.constant 128 : i32
      %add3A_328 = arith.addi %mul3A_126, %add3A_327 : i32
      %add3A_329 = arith.constant 64 : i32
      %add3A_330 = arith.addi %add3A_328, %add3A_329 : i32
      %get3A_331 = arith.index_cast %add3A_330 : i32 to index
      %get3A_332 = tpu.vector_load %arg13[%get3A_331] {strides = array<i32>} : memref<10240xi32, #tpu.memory_space<vmem>>, vector<16xi32>,
      %swap3A_333 = arith.constant 1 : i32
      %swap3A_334 = arith.index_cast %swap3A_333 : i32 to index
      %swap3A_335 = arith.constant 64 : index
      %swap3A_336 = tpu.vector_load %arg17[%swap3A_334, %swap3A_335] {strides = array<i32>} : memref<5x128xi32, #tpu.memory_space<vmem>>, vector<16xi32>,
      tpu.vector_store %arg17[%swap3A_334, %swap3A_335], %get3A_332 {strides = array<i32>} : memref<5x128xi32, #tpu.memory_space<vmem>>, vector<16xi32>,
      %get3A_337 = arith.index_cast %add3A_330 : i32 to index
      %get3A_338 = tpu.vector_load %arg12[%get3A_337] {strides = array<i32>} : memref<10240xi32, #tpu.memory_space<vmem>>, vector<16xi32>,
      %swap3A_339 = arith.constant 1 : i32
      %swap3A_340 = arith.index_cast %swap3A_339 : i32 to index
      %swap3A_341 = arith.constant 64 : index
      %swap3A_342 = tpu.vector_load %arg16[%swap3A_340, %swap3A_341] {strides = array<i32>} : memref<5x128xi32, #tpu.memory_space<vmem>>, vector<16xi32>,
      tpu.vector_store %arg16[%swap3A_340, %swap3A_341], %get3A_338 {strides = array<i32>} : memref<5x128xi32, #tpu.memory_space<vmem>>, vector<16xi32>,
      %add3A_343 = arith.constant 128 : i32
      %add3A_344 = arith.addi %mul3A_126, %add3A_343 : i32
      %add3A_345 = arith.constant 80 : i32
      %add3A_346 = arith.addi %add3A_344, %add3A_345 : i32
      %get3A_347 = arith.index_cast %add3A_346 : i32 to index
      %get3A_348 = tpu.vector_load %arg13[%get3A_347] {strides = array<i32>} : memref<10240xi32, #tpu.memory_space<vmem>>, vector<16xi32>,
      %swap3A_349 = arith.constant 1 : i32
      %swap3A_350 = arith.index_cast %swap3A_349 : i32 to index
      %swap3A_351 = arith.constant 80 : index
      %swap3A_352 = tpu.vector_load %arg17[%swap3A_350, %swap3A_351] {strides = array<i32>} : memref<5x128xi32, #tpu.memory_space<vmem>>, vector<16xi32>,
      tpu.vector_store %arg17[%swap3A_350, %swap3A_351], %get3A_348 {strides = array<i32>} : memref<5x128xi32, #tpu.memory_space<vmem>>, vector<16xi32>,
      %get3A_353 = arith.index_cast %add3A_346 : i32 to index
      %get3A_354 = tpu.vector_load %arg12[%get3A_353] {strides = array<i32>} : memref<10240xi32, #tpu.memory_space<vmem>>, vector<16xi32>,
      %swap3A_355 = arith.constant 1 : i32
      %swap3A_356 = arith.index_cast %swap3A_355 : i32 to index
      %swap3A_357 = arith.constant 80 : index
      %swap3A_358 = tpu.vector_load %arg16[%swap3A_356, %swap3A_357] {strides = array<i32>} : memref<5x128xi32, #tpu.memory_space<vmem>>, vector<16xi32>,
      tpu.vector_store %arg16[%swap3A_356, %swap3A_357], %get3A_354 {strides = array<i32>} : memref<5x128xi32, #tpu.memory_space<vmem>>, vector<16xi32>,
      %add3A_359 = arith.constant 128 : i32
      %add3A_360 = arith.addi %mul3A_126, %add3A_359 : i32
      %add3A_361 = arith.constant 96 : i32
      %add3A_362 = arith.addi %add3A_360, %add3A_361 : i32
      %get3A_363 = arith.index_cast %add3A_362 : i32 to index
      %get3A_364 = tpu.vector_load %arg13[%get3A_363] {strides = array<i32>} : memref<10240xi32, #tpu.memory_space<vmem>>, vector<16xi32>,
      %swap3A_365 = arith.constant 1 : i32
      %swap3A_366 = arith.index_cast %swap3A_365 : i32 to index
      %swap3A_367 = arith.constant 96 : index
      %swap3A_368 = tpu.vector_load %arg17[%swap3A_366, %swap3A_367] {strides = array<i32>} : memref<5x128xi32, #tpu.memory_space<vmem>>, vector<16xi32>,
      tpu.vector_store %arg17[%swap3A_366, %swap3A_367], %get3A_364 {strides = array<i32>} : memref<5x128xi32, #tpu.memory_space<vmem>>, vector<16xi32>,
      %get3A_369 = arith.index_cast %add3A_362 : i32 to index
      %get3A_370 = tpu.vector_load %arg12[%get3A_369] {strides = array<i32>} : memref<10240xi32, #tpu.memory_space<vmem>>, vector<16xi32>,
      %swap3A_371 = arith.constant 1 : i32
      %swap3A_372 = arith.index_cast %swap3A_371 : i32 to index
      %swap3A_373 = arith.constant 96 : index
      %swap3A_374 = tpu.vector_load %arg16[%swap3A_372, %swap3A_373] {strides = array<i32>} : memref<5x128xi32, #tpu.memory_space<vmem>>, vector<16xi32>,
      tpu.vector_store %arg16[%swap3A_372, %swap3A_373], %get3A_370 {strides = array<i32>} : memref<5x128xi32, #tpu.memory_space<vmem>>, vector<16xi32>,
      %add3A_375 = arith.constant 128 : i32
      %add3A_376 = arith.addi %mul3A_126, %add3A_375 : i32
      %add3A_377 = arith.constant 112 : i32
      %add3A_378 = arith.addi %add3A_376, %add3A_377 : i32
      %get3A_379 = arith.index_cast %add3A_378 : i32 to index
      %get3A_380 = tpu.vector_load %arg13[%get3A_379] {strides = array<i32>} : memref<10240xi32, #tpu.memory_space<vmem>>, vector<16xi32>,
      %swap3A_381 = arith.constant 1 : i32
      %swap3A_382 = arith.index_cast %swap3A_381 : i32 to index
      %swap3A_383 = arith.constant 112 : index
      %swap3A_384 = tpu.vector_load %arg17[%swap3A_382, %swap3A_383] {strides = array<i32>} : memref<5x128xi32, #tpu.memory_space<vmem>>, vector<16xi32>,
      tpu.vector_store %arg17[%swap3A_382, %swap3A_383], %get3A_380 {strides = array<i32>} : memref<5x128xi32, #tpu.memory_space<vmem>>, vector<16xi32>,
      %get3A_385 = arith.index_cast %add3A_378 : i32 to index
      %get3A_386 = tpu.vector_load %arg12[%get3A_385] {strides = array<i32>} : memref<10240xi32, #tpu.memory_space<vmem>>, vector<16xi32>,
      %swap3A_387 = arith.constant 1 : i32
      %swap3A_388 = arith.index_cast %swap3A_387 : i32 to index
      %swap3A_389 = arith.constant 112 : index
      %swap3A_390 = tpu.vector_load %arg16[%swap3A_388, %swap3A_389] {strides = array<i32>} : memref<5x128xi32, #tpu.memory_space<vmem>>, vector<16xi32>,
      tpu.vector_store %arg16[%swap3A_388, %swap3A_389], %get3A_386 {strides = array<i32>} : memref<5x128xi32, #tpu.memory_space<vmem>>, vector<16xi32>,
      %add3A_391 = arith.constant 256 : i32
      %add3A_392 = arith.addi %mul3A_126, %add3A_391 : i32
      %add3A_393 = arith.constant 0 : i32
      %add3A_394 = arith.addi %add3A_392, %add3A_393 : i32
      %get3A_395 = arith.index_cast %add3A_394 : i32 to index
      %get3A_396 = tpu.vector_load %arg13[%get3A_395] {strides = array<i32>} : memref<10240xi32, #tpu.memory_space<vmem>>, vector<16xi32>,
      %swap3A_397 = arith.constant 2 : i32
      %swap3A_398 = arith.index_cast %swap3A_397 : i32 to index
      %swap3A_399 = arith.constant 0 : index
      %swap3A_400 = tpu.vector_load %arg17[%swap3A_398, %swap3A_399] {strides = array<i32>} : memref<5x128xi32, #tpu.memory_space<vmem>>, vector<16xi32>,
      tpu.vector_store %arg17[%swap3A_398, %swap3A_399], %get3A_396 {strides = array<i32>} : memref<5x128xi32, #tpu.memory_space<vmem>>, vector<16xi32>,
      %get3A_401 = arith.index_cast %add3A_394 : i32 to index
      %get3A_402 = tpu.vector_load %arg12[%get3A_401] {strides = array<i32>} : memref<10240xi32, #tpu.memory_space<vmem>>, vector<16xi32>,
      %swap3A_403 = arith.constant 2 : i32
      %swap3A_404 = arith.index_cast %swap3A_403 : i32 to index
      %swap3A_405 = arith.constant 0 : index
      %swap3A_406 = tpu.vector_load %arg16[%swap3A_404, %swap3A_405] {strides = array<i32>} : memref<5x128xi32, #tpu.memory_space<vmem>>, vector<16xi32>,
      tpu.vector_store %arg16[%swap3A_404, %swap3A_405], %get3A_402 {strides = array<i32>} : memref<5x128xi32, #tpu.memory_space<vmem>>, vector<16xi32>,
      %add3A_407 = arith.constant 256 : i32
      %add3A_408 = arith.addi %mul3A_126, %add3A_407 : i32
      %add3A_409 = arith.constant 16 : i32
      %add3A_410 = arith.addi %add3A_408, %add3A_409 : i32
      %get3A_411 = arith.index_cast %add3A_410 : i32 to index
      %get3A_412 = tpu.vector_load %arg13[%get3A_411] {strides = array<i32>} : memref<10240xi32, #tpu.memory_space<vmem>>, vector<16xi32>,
      %swap3A_413 = arith.constant 2 : i32
      %swap3A_414 = arith.index_cast %swap3A_413 : i32 to index
      %swap3A_415 = arith.constant 16 : index
      %swap3A_416 = tpu.vector_load %arg17[%swap3A_414, %swap3A_415] {strides = array<i32>} : memref<5x128xi32, #tpu.memory_space<vmem>>, vector<16xi32>,
      tpu.vector_store %arg17[%swap3A_414, %swap3A_415], %get3A_412 {strides = array<i32>} : memref<5x128xi32, #tpu.memory_space<vmem>>, vector<16xi32>,
      %get3A_417 = arith.index_cast %add3A_410 : i32 to index
      %get3A_418 = tpu.vector_load %arg12[%get3A_417] {strides = array<i32>} : memref<10240xi32, #tpu.memory_space<vmem>>, vector<16xi32>,
      %swap3A_419 = arith.constant 2 : i32
      %swap3A_420 = arith.index_cast %swap3A_419 : i32 to index
      %swap3A_421 = arith.constant 16 : index
      %swap3A_422 = tpu.vector_load %arg16[%swap3A_420, %swap3A_421] {strides = array<i32>} : memref<5x128xi32, #tpu.memory_space<vmem>>, vector<16xi32>,
      tpu.vector_store %arg16[%swap3A_420, %swap3A_421], %get3A_418 {strides = array<i32>} : memref<5x128xi32, #tpu.memory_space<vmem>>, vector<16xi32>,
      %add3A_423 = arith.constant 256 : i32
      %add3A_424 = arith.addi %mul3A_126, %add3A_423 : i32
      %add3A_425 = arith.constant 32 : i32
      %add3A_426 = arith.addi %add3A_424, %add3A_425 : i32
      %get3A_427 = arith.index_cast %add3A_426 : i32 to index
      %get3A_428 = tpu.vector_load %arg13[%get3A_427] {strides = array<i32>} : memref<10240xi32, #tpu.memory_space<vmem>>, vector<16xi32>,
      %swap3A_429 = arith.constant 2 : i32
      %swap3A_430 = arith.index_cast %swap3A_429 : i32 to index
      %swap3A_431 = arith.constant 32 : index
      %swap3A_432 = tpu.vector_load %arg17[%swap3A_430, %swap3A_431] {strides = array<i32>} : memref<5x128xi32, #tpu.memory_space<vmem>>, vector<16xi32>,
      tpu.vector_store %arg17[%swap3A_430, %swap3A_431], %get3A_428 {strides = array<i32>} : memref<5x128xi32, #tpu.memory_space<vmem>>, vector<16xi32>,
      %get3A_433 = arith.index_cast %add3A_426 : i32 to index
      %get3A_434 = tpu.vector_load %arg12[%get3A_433] {strides = array<i32>} : memref<10240xi32, #tpu.memory_space<vmem>>, vector<16xi32>,
      %swap3A_435 = arith.constant 2 : i32
      %swap3A_436 = arith.index_cast %swap3A_435 : i32 to index
      %swap3A_437 = arith.constant 32 : index
      %swap3A_438 = tpu.vector_load %arg16[%swap3A_436, %swap3A_437] {strides = array<i32>} : memref<5x128xi32, #tpu.memory_space<vmem>>, vector<16xi32>,
      tpu.vector_store %arg16[%swap3A_436, %swap3A_437], %get3A_434 {strides = array<i32>} : memref<5x128xi32, #tpu.memory_space<vmem>>, vector<16xi32>,
      %add3A_439 = arith.constant 256 : i32
      %add3A_440 = arith.addi %mul3A_126, %add3A_439 : i32
      %add3A_441 = arith.constant 48 : i32
      %add3A_442 = arith.addi %add3A_440, %add3A_441 : i32
      %get3A_443 = arith.index_cast %add3A_442 : i32 to index
      %get3A_444 = tpu.vector_load %arg13[%get3A_443] {strides = array<i32>} : memref<10240xi32, #tpu.memory_space<vmem>>, vector<16xi32>,
      %swap3A_445 = arith.constant 2 : i32
      %swap3A_446 = arith.index_cast %swap3A_445 : i32 to index
      %swap3A_447 = arith.constant 48 : index
      %swap3A_448 = tpu.vector_load %arg17[%swap3A_446, %swap3A_447] {strides = array<i32>} : memref<5x128xi32, #tpu.memory_space<vmem>>, vector<16xi32>,
      tpu.vector_store %arg17[%swap3A_446, %swap3A_447], %get3A_444 {strides = array<i32>} : memref<5x128xi32, #tpu.memory_space<vmem>>, vector<16xi32>,
      %get3A_449 = arith.index_cast %add3A_442 : i32 to index
      %get3A_450 = tpu.vector_load %arg12[%get3A_449] {strides = array<i32>} : memref<10240xi32, #tpu.memory_space<vmem>>, vector<16xi32>,
      %swap3A_451 = arith.constant 2 : i32
      %swap3A_452 = arith.index_cast %swap3A_451 : i32 to index
      %swap3A_453 = arith.constant 48 : index
      %swap3A_454 = tpu.vector_load %arg16[%swap3A_452, %swap3A_453] {strides = array<i32>} : memref<5x128xi32, #tpu.memory_space<vmem>>, vector<16xi32>,
      tpu.vector_store %arg16[%swap3A_452, %swap3A_453], %get3A_450 {strides = array<i32>} : memref<5x128xi32, #tpu.memory_space<vmem>>, vector<16xi32>,
      %add3A_455 = arith.constant 256 : i32
      %add3A_456 = arith.addi %mul3A_126, %add3A_455 : i32
      %add3A_457 = arith.constant 64 : i32
      %add3A_458 = arith.addi %add3A_456, %add3A_457 : i32
      %get3A_459 = arith.index_cast %add3A_458 : i32 to index
      %get3A_460 = tpu.vector_load %arg13[%get3A_459] {strides = array<i32>} : memref<10240xi32, #tpu.memory_space<vmem>>, vector<16xi32>,
      %swap3A_461 = arith.constant 2 : i32
      %swap3A_462 = arith.index_cast %swap3A_461 : i32 to index
      %swap3A_463 = arith.constant 64 : index
      %swap3A_464 = tpu.vector_load %arg17[%swap3A_462, %swap3A_463] {strides = array<i32>} : memref<5x128xi32, #tpu.memory_space<vmem>>, vector<16xi32>,
      tpu.vector_store %arg17[%swap3A_462, %swap3A_463], %get3A_460 {strides = array<i32>} : memref<5x128xi32, #tpu.memory_space<vmem>>, vector<16xi32>,
      %get3A_465 = arith.index_cast %add3A_458 : i32 to index
      %get3A_466 = tpu.vector_load %arg12[%get3A_465] {strides = array<i32>} : memref<10240xi32, #tpu.memory_space<vmem>>, vector<16xi32>,
      %swap3A_467 = arith.constant 2 : i32
      %swap3A_468 = arith.index_cast %swap3A_467 : i32 to index
      %swap3A_469 = arith.constant 64 : index
      %swap3A_470 = tpu.vector_load %arg16[%swap3A_468, %swap3A_469] {strides = array<i32>} : memref<5x128xi32, #tpu.memory_space<vmem>>, vector<16xi32>,
      tpu.vector_store %arg16[%swap3A_468, %swap3A_469], %get3A_466 {strides = array<i32>} : memref<5x128xi32, #tpu.memory_space<vmem>>, vector<16xi32>,
      %add3A_471 = arith.constant 256 : i32
      %add3A_472 = arith.addi %mul3A_126, %add3A_471 : i32
      %add3A_473 = arith.constant 80 : i32
      %add3A_474 = arith.addi %add3A_472, %add3A_473 : i32
      %get3A_475 = arith.index_cast %add3A_474 : i32 to index
      %get3A_476 = tpu.vector_load %arg13[%get3A_475] {strides = array<i32>} : memref<10240xi32, #tpu.memory_space<vmem>>, vector<16xi32>,
      %swap3A_477 = arith.constant 2 : i32
      %swap3A_478 = arith.index_cast %swap3A_477 : i32 to index
      %swap3A_479 = arith.constant 80 : index
      %swap3A_480 = tpu.vector_load %arg17[%swap3A_478, %swap3A_479] {strides = array<i32>} : memref<5x128xi32, #tpu.memory_space<vmem>>, vector<16xi32>,
      tpu.vector_store %arg17[%swap3A_478, %swap3A_479], %get3A_476 {strides = array<i32>} : memref<5x128xi32, #tpu.memory_space<vmem>>, vector<16xi32>,
      %get3A_481 = arith.index_cast %add3A_474 : i32 to index
      %get3A_482 = tpu.vector_load %arg12[%get3A_481] {strides = array<i32>} : memref<10240xi32, #tpu.memory_space<vmem>>, vector<16xi32>,
      %swap3A_483 = arith.constant 2 : i32
      %swap3A_484 = arith.index_cast %swap3A_483 : i32 to index
      %swap3A_485 = arith.constant 80 : index
      %swap3A_486 = tpu.vector_load %arg16[%swap3A_484, %swap3A_485] {strides = array<i32>} : memref<5x128xi32, #tpu.memory_space<vmem>>, vector<16xi32>,
      tpu.vector_store %arg16[%swap3A_484, %swap3A_485], %get3A_482 {strides = array<i32>} : memref<5x128xi32, #tpu.memory_space<vmem>>, vector<16xi32>,
      %add3A_487 = arith.constant 256 : i32
      %add3A_488 = arith.addi %mul3A_126, %add3A_487 : i32
      %add3A_489 = arith.constant 96 : i32
      %add3A_490 = arith.addi %add3A_488, %add3A_489 : i32
      %get3A_491 = arith.index_cast %add3A_490 : i32 to index
      %get3A_492 = tpu.vector_load %arg13[%get3A_491] {strides = array<i32>} : memref<10240xi32, #tpu.memory_space<vmem>>, vector<16xi32>,
      %swap3A_493 = arith.constant 2 : i32
      %swap3A_494 = arith.index_cast %swap3A_493 : i32 to index
      %swap3A_495 = arith.constant 96 : index
      %swap3A_496 = tpu.vector_load %arg17[%swap3A_494, %swap3A_495] {strides = array<i32>} : memref<5x128xi32, #tpu.memory_space<vmem>>, vector<16xi32>,
      tpu.vector_store %arg17[%swap3A_494, %swap3A_495], %get3A_492 {strides = array<i32>} : memref<5x128xi32, #tpu.memory_space<vmem>>, vector<16xi32>,
      %get3A_497 = arith.index_cast %add3A_490 : i32 to index
      %get3A_498 = tpu.vector_load %arg12[%get3A_497] {strides = array<i32>} : memref<10240xi32, #tpu.memory_space<vmem>>, vector<16xi32>,
      %swap3A_499 = arith.constant 2 : i32
      %swap3A_500 = arith.index_cast %swap3A_499 : i32 to index
      %swap3A_501 = arith.constant 96 : index
      %swap3A_502 = tpu.vector_load %arg16[%swap3A_500, %swap3A_501] {strides = array<i32>} : memref<5x128xi32, #tpu.memory_space<vmem>>, vector<16xi32>,
      tpu.vector_store %arg16[%swap3A_500, %swap3A_501], %get3A_498 {strides = array<i32>} : memref<5x128xi32, #tpu.memory_space<vmem>>, vector<16xi32>,
      %add3A_503 = arith.constant 256 : i32
      %add3A_504 = arith.addi %mul3A_126, %add3A_503 : i32
      %add3A_505 = arith.constant 112 : i32
      %add3A_506 = arith.addi %add3A_504, %add3A_505 : i32
      %get3A_507 = arith.index_cast %add3A_506 : i32 to index
      %get3A_508 = tpu.vector_load %arg13[%get3A_507] {strides = array<i32>} : memref<10240xi32, #tpu.memory_space<vmem>>, vector<16xi32>,
      %swap3A_509 = arith.constant 2 : i32
      %swap3A_510 = arith.index_cast %swap3A_509 : i32 to index
      %swap3A_511 = arith.constant 112 : index
      %swap3A_512 = tpu.vector_load %arg17[%swap3A_510, %swap3A_511] {strides = array<i32>} : memref<5x128xi32, #tpu.memory_space<vmem>>, vector<16xi32>,
      tpu.vector_store %arg17[%swap3A_510, %swap3A_511], %get3A_508 {strides = array<i32>} : memref<5x128xi32, #tpu.memory_space<vmem>>, vector<16xi32>,
      %get3A_513 = arith.index_cast %add3A_506 : i32 to index
      %get3A_514 = tpu.vector_load %arg12[%get3A_513] {strides = array<i32>} : memref<10240xi32, #tpu.memory_space<vmem>>, vector<16xi32>,
      %swap3A_515 = arith.constant 2 : i32
      %swap3A_516 = arith.index_cast %swap3A_515 : i32 to index
      %swap3A_517 = arith.constant 112 : index
      %swap3A_518 = tpu.vector_load %arg16[%swap3A_516, %swap3A_517] {strides = array<i32>} : memref<5x128xi32, #tpu.memory_space<vmem>>, vector<16xi32>,
      tpu.vector_store %arg16[%swap3A_516, %swap3A_517], %get3A_514 {strides = array<i32>} : memref<5x128xi32, #tpu.memory_space<vmem>>, vector<16xi32>,
      %add3A_519 = arith.constant 384 : i32
      %add3A_520 = arith.addi %mul3A_126, %add3A_519 : i32
      %add3A_521 = arith.constant 0 : i32
      %add3A_522 = arith.addi %add3A_520, %add3A_521 : i32
      %get3A_523 = arith.index_cast %add3A_522 : i32 to index
      %get3A_524 = tpu.vector_load %arg13[%get3A_523] {strides = array<i32>} : memref<10240xi32, #tpu.memory_space<vmem>>, vector<16xi32>,
      %swap3A_525 = arith.constant 3 : i32
      %swap3A_526 = arith.index_cast %swap3A_525 : i32 to index
      %swap3A_527 = arith.constant 0 : index
      %swap3A_528 = tpu.vector_load %arg17[%swap3A_526, %swap3A_527] {strides = array<i32>} : memref<5x128xi32, #tpu.memory_space<vmem>>, vector<16xi32>,
      tpu.vector_store %arg17[%swap3A_526, %swap3A_527], %get3A_524 {strides = array<i32>} : memref<5x128xi32, #tpu.memory_space<vmem>>, vector<16xi32>,
      %get3A_529 = arith.index_cast %add3A_522 : i32 to index
      %get3A_530 = tpu.vector_load %arg12[%get3A_529] {strides = array<i32>} : memref<10240xi32, #tpu.memory_space<vmem>>, vector<16xi32>,
      %swap3A_531 = arith.constant 3 : i32
      %swap3A_532 = arith.index_cast %swap3A_531 : i32 to index
      %swap3A_533 = arith.constant 0 : index
      %swap3A_534 = tpu.vector_load %arg16[%swap3A_532, %swap3A_533] {strides = array<i32>} : memref<5x128xi32, #tpu.memory_space<vmem>>, vector<16xi32>,
      tpu.vector_store %arg16[%swap3A_532, %swap3A_533], %get3A_530 {strides = array<i32>} : memref<5x128xi32, #tpu.memory_space<vmem>>, vector<16xi32>,
      %add3A_535 = arith.constant 384 : i32
      %add3A_536 = arith.addi %mul3A_126, %add3A_535 : i32
      %add3A_537 = arith.constant 16 : i32
      %add3A_538 = arith.addi %add3A_536, %add3A_537 : i32
      %get3A_539 = arith.index_cast %add3A_538 : i32 to index
      %get3A_540 = tpu.vector_load %arg13[%get3A_539] {strides = array<i32>} : memref<10240xi32, #tpu.memory_space<vmem>>, vector<16xi32>,
      %swap3A_541 = arith.constant 3 : i32
      %swap3A_542 = arith.index_cast %swap3A_541 : i32 to index
      %swap3A_543 = arith.constant 16 : index
      %swap3A_544 = tpu.vector_load %arg17[%swap3A_542, %swap3A_543] {strides = array<i32>} : memref<5x128xi32, #tpu.memory_space<vmem>>, vector<16xi32>,
      tpu.vector_store %arg17[%swap3A_542, %swap3A_543], %get3A_540 {strides = array<i32>} : memref<5x128xi32, #tpu.memory_space<vmem>>, vector<16xi32>,
      %get3A_545 = arith.index_cast %add3A_538 : i32 to index
      %get3A_546 = tpu.vector_load %arg12[%get3A_545] {strides = array<i32>} : memref<10240xi32, #tpu.memory_space<vmem>>, vector<16xi32>,
      %swap3A_547 = arith.constant 3 : i32
      %swap3A_548 = arith.index_cast %swap3A_547 : i32 to index
      %swap3A_549 = arith.constant 16 : index
      %swap3A_550 = tpu.vector_load %arg16[%swap3A_548, %swap3A_549] {strides = array<i32>} : memref<5x128xi32, #tpu.memory_space<vmem>>, vector<16xi32>,
      tpu.vector_store %arg16[%swap3A_548, %swap3A_549], %get3A_546 {strides = array<i32>} : memref<5x128xi32, #tpu.memory_space<vmem>>, vector<16xi32>,
      %add3A_551 = arith.constant 384 : i32
      %add3A_552 = arith.addi %mul3A_126, %add3A_551 : i32
      %add3A_553 = arith.constant 32 : i32
      %add3A_554 = arith.addi %add3A_552, %add3A_553 : i32
      %get3A_555 = arith.index_cast %add3A_554 : i32 to index
      %get3A_556 = tpu.vector_load %arg13[%get3A_555] {strides = array<i32>} : memref<10240xi32, #tpu.memory_space<vmem>>, vector<16xi32>,
      %swap3A_557 = arith.constant 3 : i32
      %swap3A_558 = arith.index_cast %swap3A_557 : i32 to index
      %swap3A_559 = arith.constant 32 : index
      %swap3A_560 = tpu.vector_load %arg17[%swap3A_558, %swap3A_559] {strides = array<i32>} : memref<5x128xi32, #tpu.memory_space<vmem>>, vector<16xi32>,
      tpu.vector_store %arg17[%swap3A_558, %swap3A_559], %get3A_556 {strides = array<i32>} : memref<5x128xi32, #tpu.memory_space<vmem>>, vector<16xi32>,
      %get3A_561 = arith.index_cast %add3A_554 : i32 to index
      %get3A_562 = tpu.vector_load %arg12[%get3A_561] {strides = array<i32>} : memref<10240xi32, #tpu.memory_space<vmem>>, vector<16xi32>,
      %swap3A_563 = arith.constant 3 : i32
      %swap3A_564 = arith.index_cast %swap3A_563 : i32 to index
      %swap3A_565 = arith.constant 32 : index
      %swap3A_566 = tpu.vector_load %arg16[%swap3A_564, %swap3A_565] {strides = array<i32>} : memref<5x128xi32, #tpu.memory_space<vmem>>, vector<16xi32>,
      tpu.vector_store %arg16[%swap3A_564, %swap3A_565], %get3A_562 {strides = array<i32>} : memref<5x128xi32, #tpu.memory_space<vmem>>, vector<16xi32>,
      %add3A_567 = arith.constant 384 : i32
      %add3A_568 = arith.addi %mul3A_126, %add3A_567 : i32
      %add3A_569 = arith.constant 48 : i32
      %add3A_570 = arith.addi %add3A_568, %add3A_569 : i32
      %get3A_571 = arith.index_cast %add3A_570 : i32 to index
      %get3A_572 = tpu.vector_load %arg13[%get3A_571] {strides = array<i32>} : memref<10240xi32, #tpu.memory_space<vmem>>, vector<16xi32>,
      %swap3A_573 = arith.constant 3 : i32
      %swap3A_574 = arith.index_cast %swap3A_573 : i32 to index
      %swap3A_575 = arith.constant 48 : index
      %swap3A_576 = tpu.vector_load %arg17[%swap3A_574, %swap3A_575] {strides = array<i32>} : memref<5x128xi32, #tpu.memory_space<vmem>>, vector<16xi32>,
      tpu.vector_store %arg17[%swap3A_574, %swap3A_575], %get3A_572 {strides = array<i32>} : memref<5x128xi32, #tpu.memory_space<vmem>>, vector<16xi32>,
      %get3A_577 = arith.index_cast %add3A_570 : i32 to index
      %get3A_578 = tpu.vector_load %arg12[%get3A_577] {strides = array<i32>} : memref<10240xi32, #tpu.memory_space<vmem>>, vector<16xi32>,
      %swap3A_579 = arith.constant 3 : i32
      %swap3A_580 = arith.index_cast %swap3A_579 : i32 to index
      %swap3A_581 = arith.constant 48 : index
      %swap3A_582 = tpu.vector_load %arg16[%swap3A_580, %swap3A_581] {strides = array<i32>} : memref<5x128xi32, #tpu.memory_space<vmem>>, vector<16xi32>,
      tpu.vector_store %arg16[%swap3A_580, %swap3A_581], %get3A_578 {strides = array<i32>} : memref<5x128xi32, #tpu.memory_space<vmem>>, vector<16xi32>,
      %add3A_583 = arith.constant 384 : i32
      %add3A_584 = arith.addi %mul3A_126, %add3A_583 : i32
      %add3A_585 = arith.constant 64 : i32
      %add3A_586 = arith.addi %add3A_584, %add3A_585 : i32
      %get3A_587 = arith.index_cast %add3A_586 : i32 to index
      %get3A_588 = tpu.vector_load %arg13[%get3A_587] {strides = array<i32>} : memref<10240xi32, #tpu.memory_space<vmem>>, vector<16xi32>,
      %swap3A_589 = arith.constant 3 : i32
      %swap3A_590 = arith.index_cast %swap3A_589 : i32 to index
      %swap3A_591 = arith.constant 64 : index
      %swap3A_592 = tpu.vector_load %arg17[%swap3A_590, %swap3A_591] {strides = array<i32>} : memref<5x128xi32, #tpu.memory_space<vmem>>, vector<16xi32>,
      tpu.vector_store %arg17[%swap3A_590, %swap3A_591], %get3A_588 {strides = array<i32>} : memref<5x128xi32, #tpu.memory_space<vmem>>, vector<16xi32>,
      %get3A_593 = arith.index_cast %add3A_586 : i32 to index
      %get3A_594 = tpu.vector_load %arg12[%get3A_593] {strides = array<i32>} : memref<10240xi32, #tpu.memory_space<vmem>>, vector<16xi32>,
      %swap3A_595 = arith.constant 3 : i32
      %swap3A_596 = arith.index_cast %swap3A_595 : i32 to index
      %swap3A_597 = arith.constant 64 : index
      %swap3A_598 = tpu.vector_load %arg16[%swap3A_596, %swap3A_597] {strides = array<i32>} : memref<5x128xi32, #tpu.memory_space<vmem>>, vector<16xi32>,
      tpu.vector_store %arg16[%swap3A_596, %swap3A_597], %get3A_594 {strides = array<i32>} : memref<5x128xi32, #tpu.memory_space<vmem>>, vector<16xi32>,
      %add3A_599 = arith.constant 384 : i32
      %add3A_600 = arith.addi %mul3A_126, %add3A_599 : i32
      %add3A_601 = arith.constant 80 : i32
      %add3A_602 = arith.addi %add3A_600, %add3A_601 : i32
      %get3A_603 = arith.index_cast %add3A_602 : i32 to index
      %get3A_604 = tpu.vector_load %arg13[%get3A_603] {strides = array<i32>} : memref<10240xi32, #tpu.memory_space<vmem>>, vector<16xi32>,
      %swap3A_605 = arith.constant 3 : i32
      %swap3A_606 = arith.index_cast %swap3A_605 : i32 to index
      %swap3A_607 = arith.constant 80 : index
      %swap3A_608 = tpu.vector_load %arg17[%swap3A_606, %swap3A_607] {strides = array<i32>} : memref<5x128xi32, #tpu.memory_space<vmem>>, vector<16xi32>,
      tpu.vector_store %arg17[%swap3A_606, %swap3A_607], %get3A_604 {strides = array<i32>} : memref<5x128xi32, #tpu.memory_space<vmem>>, vector<16xi32>,
      %get3A_609 = arith.index_cast %add3A_602 : i32 to index
      %get3A_610 = tpu.vector_load %arg12[%get3A_609] {strides = array<i32>} : memref<10240xi32, #tpu.memory_space<vmem>>, vector<16xi32>,
      %swap3A_611 = arith.constant 3 : i32
      %swap3A_612 = arith.index_cast %swap3A_611 : i32 to index
      %swap3A_613 = arith.constant 80 : index
      %swap3A_614 = tpu.vector_load %arg16[%swap3A_612, %swap3A_613] {strides = array<i32>} : memref<5x128xi32, #tpu.memory_space<vmem>>, vector<16xi32>,
      tpu.vector_store %arg16[%swap3A_612, %swap3A_613], %get3A_610 {strides = array<i32>} : memref<5x128xi32, #tpu.memory_space<vmem>>, vector<16xi32>,
      %add3A_615 = arith.constant 384 : i32
      %add3A_616 = arith.addi %mul3A_126, %add3A_615 : i32
      %add3A_617 = arith.constant 96 : i32
      %add3A_618 = arith.addi %add3A_616, %add3A_617 : i32
      %get3A_619 = arith.index_cast %add3A_618 : i32 to index
      %get3A_620 = tpu.vector_load %arg13[%get3A_619] {strides = array<i32>} : memref<10240xi32, #tpu.memory_space<vmem>>, vector<16xi32>,
      %swap3A_621 = arith.constant 3 : i32
      %swap3A_622 = arith.index_cast %swap3A_621 : i32 to index
      %swap3A_623 = arith.constant 96 : index
      %swap3A_624 = tpu.vector_load %arg17[%swap3A_622, %swap3A_623] {strides = array<i32>} : memref<5x128xi32, #tpu.memory_space<vmem>>, vector<16xi32>,
      tpu.vector_store %arg17[%swap3A_622, %swap3A_623], %get3A_620 {strides = array<i32>} : memref<5x128xi32, #tpu.memory_space<vmem>>, vector<16xi32>,
      %get3A_625 = arith.index_cast %add3A_618 : i32 to index
      %get3A_626 = tpu.vector_load %arg12[%get3A_625] {strides = array<i32>} : memref<10240xi32, #tpu.memory_space<vmem>>, vector<16xi32>,
      %swap3A_627 = arith.constant 3 : i32
      %swap3A_628 = arith.index_cast %swap3A_627 : i32 to index
      %swap3A_629 = arith.constant 96 : index
      %swap3A_630 = tpu.vector_load %arg16[%swap3A_628, %swap3A_629] {strides = array<i32>} : memref<5x128xi32, #tpu.memory_space<vmem>>, vector<16xi32>,
      tpu.vector_store %arg16[%swap3A_628, %swap3A_629], %get3A_626 {strides = array<i32>} : memref<5x128xi32, #tpu.memory_space<vmem>>, vector<16xi32>,
      %add3A_631 = arith.constant 384 : i32
      %add3A_632 = arith.addi %mul3A_126, %add3A_631 : i32
      %add3A_633 = arith.constant 112 : i32
      %add3A_634 = arith.addi %add3A_632, %add3A_633 : i32
      %get3A_635 = arith.index_cast %add3A_634 : i32 to index
      %get3A_636 = tpu.vector_load %arg13[%get3A_635] {strides = array<i32>} : memref<10240xi32, #tpu.memory_space<vmem>>, vector<16xi32>,
      %swap3A_637 = arith.constant 3 : i32
      %swap3A_638 = arith.index_cast %swap3A_637 : i32 to index
      %swap3A_639 = arith.constant 112 : index
      %swap3A_640 = tpu.vector_load %arg17[%swap3A_638, %swap3A_639] {strides = array<i32>} : memref<5x128xi32, #tpu.memory_space<vmem>>, vector<16xi32>,
      tpu.vector_store %arg17[%swap3A_638, %swap3A_639], %get3A_636 {strides = array<i32>} : memref<5x128xi32, #tpu.memory_space<vmem>>, vector<16xi32>,
      %get3A_641 = arith.index_cast %add3A_634 : i32 to index
      %get3A_642 = tpu.vector_load %arg12[%get3A_641] {strides = array<i32>} : memref<10240xi32, #tpu.memory_space<vmem>>, vector<16xi32>,
      %swap3A_643 = arith.constant 3 : i32
      %swap3A_644 = arith.index_cast %swap3A_643 : i32 to index
      %swap3A_645 = arith.constant 112 : index
      %swap3A_646 = tpu.vector_load %arg16[%swap3A_644, %swap3A_645] {strides = array<i32>} : memref<5x128xi32, #tpu.memory_space<vmem>>, vector<16xi32>,
      tpu.vector_store %arg16[%swap3A_644, %swap3A_645], %get3A_642 {strides = array<i32>} : memref<5x128xi32, #tpu.memory_space<vmem>>, vector<16xi32>,
      %add3A_647 = arith.constant 512 : i32
      %add3A_648 = arith.addi %mul3A_126, %add3A_647 : i32
      %add3A_649 = arith.constant 0 : i32
      %add3A_650 = arith.addi %add3A_648, %add3A_649 : i32
      %get3A_651 = arith.index_cast %add3A_650 : i32 to index
      %get3A_652 = tpu.vector_load %arg13[%get3A_651] {strides = array<i32>} : memref<10240xi32, #tpu.memory_space<vmem>>, vector<16xi32>,
      %swap3A_653 = arith.constant 4 : i32
      %swap3A_654 = arith.index_cast %swap3A_653 : i32 to index
      %swap3A_655 = arith.constant 0 : index
      %swap3A_656 = tpu.vector_load %arg17[%swap3A_654, %swap3A_655] {strides = array<i32>} : memref<5x128xi32, #tpu.memory_space<vmem>>, vector<16xi32>,
      tpu.vector_store %arg17[%swap3A_654, %swap3A_655], %get3A_652 {strides = array<i32>} : memref<5x128xi32, #tpu.memory_space<vmem>>, vector<16xi32>,
      %get3A_657 = arith.index_cast %add3A_650 : i32 to index
      %get3A_658 = tpu.vector_load %arg12[%get3A_657] {strides = array<i32>} : memref<10240xi32, #tpu.memory_space<vmem>>, vector<16xi32>,
      %swap3A_659 = arith.constant 4 : i32
      %swap3A_660 = arith.index_cast %swap3A_659 : i32 to index
      %swap3A_661 = arith.constant 0 : index
      %swap3A_662 = tpu.vector_load %arg16[%swap3A_660, %swap3A_661] {strides = array<i32>} : memref<5x128xi32, #tpu.memory_space<vmem>>, vector<16xi32>,
      tpu.vector_store %arg16[%swap3A_660, %swap3A_661], %get3A_658 {strides = array<i32>} : memref<5x128xi32, #tpu.memory_space<vmem>>, vector<16xi32>,
      %add3A_663 = arith.constant 512 : i32
      %add3A_664 = arith.addi %mul3A_126, %add3A_663 : i32
      %add3A_665 = arith.constant 16 : i32
      %add3A_666 = arith.addi %add3A_664, %add3A_665 : i32
      %get3A_667 = arith.index_cast %add3A_666 : i32 to index
      %get3A_668 = tpu.vector_load %arg13[%get3A_667] {strides = array<i32>} : memref<10240xi32, #tpu.memory_space<vmem>>, vector<16xi32>,
      %swap3A_669 = arith.constant 4 : i32
      %swap3A_670 = arith.index_cast %swap3A_669 : i32 to index
      %swap3A_671 = arith.constant 16 : index
      %swap3A_672 = tpu.vector_load %arg17[%swap3A_670, %swap3A_671] {strides = array<i32>} : memref<5x128xi32, #tpu.memory_space<vmem>>, vector<16xi32>,
      tpu.vector_store %arg17[%swap3A_670, %swap3A_671], %get3A_668 {strides = array<i32>} : memref<5x128xi32, #tpu.memory_space<vmem>>, vector<16xi32>,
      %get3A_673 = arith.index_cast %add3A_666 : i32 to index
      %get3A_674 = tpu.vector_load %arg12[%get3A_673] {strides = array<i32>} : memref<10240xi32, #tpu.memory_space<vmem>>, vector<16xi32>,
      %swap3A_675 = arith.constant 4 : i32
      %swap3A_676 = arith.index_cast %swap3A_675 : i32 to index
      %swap3A_677 = arith.constant 16 : index
      %swap3A_678 = tpu.vector_load %arg16[%swap3A_676, %swap3A_677] {strides = array<i32>} : memref<5x128xi32, #tpu.memory_space<vmem>>, vector<16xi32>,
      tpu.vector_store %arg16[%swap3A_676, %swap3A_677], %get3A_674 {strides = array<i32>} : memref<5x128xi32, #tpu.memory_space<vmem>>, vector<16xi32>,
      %add3A_679 = arith.constant 512 : i32
      %add3A_680 = arith.addi %mul3A_126, %add3A_679 : i32
      %add3A_681 = arith.constant 32 : i32
      %add3A_682 = arith.addi %add3A_680, %add3A_681 : i32
      %get3A_683 = arith.index_cast %add3A_682 : i32 to index
      %get3A_684 = tpu.vector_load %arg13[%get3A_683] {strides = array<i32>} : memref<10240xi32, #tpu.memory_space<vmem>>, vector<16xi32>,
      %swap3A_685 = arith.constant 4 : i32
      %swap3A_686 = arith.index_cast %swap3A_685 : i32 to index
      %swap3A_687 = arith.constant 32 : index
      %swap3A_688 = tpu.vector_load %arg17[%swap3A_686, %swap3A_687] {strides = array<i32>} : memref<5x128xi32, #tpu.memory_space<vmem>>, vector<16xi32>,
      tpu.vector_store %arg17[%swap3A_686, %swap3A_687], %get3A_684 {strides = array<i32>} : memref<5x128xi32, #tpu.memory_space<vmem>>, vector<16xi32>,
      %get3A_689 = arith.index_cast %add3A_682 : i32 to index
      %get3A_690 = tpu.vector_load %arg12[%get3A_689] {strides = array<i32>} : memref<10240xi32, #tpu.memory_space<vmem>>, vector<16xi32>,
      %swap3A_691 = arith.constant 4 : i32
      %swap3A_692 = arith.index_cast %swap3A_691 : i32 to index
      %swap3A_693 = arith.constant 32 : index
      %swap3A_694 = tpu.vector_load %arg16[%swap3A_692, %swap3A_693] {strides = array<i32>} : memref<5x128xi32, #tpu.memory_space<vmem>>, vector<16xi32>,
      tpu.vector_store %arg16[%swap3A_692, %swap3A_693], %get3A_690 {strides = array<i32>} : memref<5x128xi32, #tpu.memory_space<vmem>>, vector<16xi32>,
      %add3A_695 = arith.constant 512 : i32
      %add3A_696 = arith.addi %mul3A_126, %add3A_695 : i32
      %add3A_697 = arith.constant 48 : i32
      %add3A_698 = arith.addi %add3A_696, %add3A_697 : i32
      %get3A_699 = arith.index_cast %add3A_698 : i32 to index
      %get3A_700 = tpu.vector_load %arg13[%get3A_699] {strides = array<i32>} : memref<10240xi32, #tpu.memory_space<vmem>>, vector<16xi32>,
      %swap3A_701 = arith.constant 4 : i32
      %swap3A_702 = arith.index_cast %swap3A_701 : i32 to index
      %swap3A_703 = arith.constant 48 : index
      %swap3A_704 = tpu.vector_load %arg17[%swap3A_702, %swap3A_703] {strides = array<i32>} : memref<5x128xi32, #tpu.memory_space<vmem>>, vector<16xi32>,
      tpu.vector_store %arg17[%swap3A_702, %swap3A_703], %get3A_700 {strides = array<i32>} : memref<5x128xi32, #tpu.memory_space<vmem>>, vector<16xi32>,
      %get3A_705 = arith.index_cast %add3A_698 : i32 to index
      %get3A_706 = tpu.vector_load %arg12[%get3A_705] {strides = array<i32>} : memref<10240xi32, #tpu.memory_space<vmem>>, vector<16xi32>,
      %swap3A_707 = arith.constant 4 : i32
      %swap3A_708 = arith.index_cast %swap3A_707 : i32 to index
      %swap3A_709 = arith.constant 48 : index
      %swap3A_710 = tpu.vector_load %arg16[%swap3A_708, %swap3A_709] {strides = array<i32>} : memref<5x128xi32, #tpu.memory_space<vmem>>, vector<16xi32>,
      tpu.vector_store %arg16[%swap3A_708, %swap3A_709], %get3A_706 {strides = array<i32>} : memref<5x128xi32, #tpu.memory_space<vmem>>, vector<16xi32>,
      %add3A_711 = arith.constant 512 : i32
      %add3A_712 = arith.addi %mul3A_126, %add3A_711 : i32
      %add3A_713 = arith.constant 64 : i32
      %add3A_714 = arith.addi %add3A_712, %add3A_713 : i32
      %get3A_715 = arith.index_cast %add3A_714 : i32 to index
      %get3A_716 = tpu.vector_load %arg13[%get3A_715] {strides = array<i32>} : memref<10240xi32, #tpu.memory_space<vmem>>, vector<16xi32>,
      %swap3A_717 = arith.constant 4 : i32
      %swap3A_718 = arith.index_cast %swap3A_717 : i32 to index
      %swap3A_719 = arith.constant 64 : index
      %swap3A_720 = tpu.vector_load %arg17[%swap3A_718, %swap3A_719] {strides = array<i32>} : memref<5x128xi32, #tpu.memory_space<vmem>>, vector<16xi32>,
      tpu.vector_store %arg17[%swap3A_718, %swap3A_719], %get3A_716 {strides = array<i32>} : memref<5x128xi32, #tpu.memory_space<vmem>>, vector<16xi32>,
      %get3A_721 = arith.index_cast %add3A_714 : i32 to index
      %get3A_722 = tpu.vector_load %arg12[%get3A_721] {strides = array<i32>} : memref<10240xi32, #tpu.memory_space<vmem>>, vector<16xi32>,
      %swap3A_723 = arith.constant 4 : i32
      %swap3A_724 = arith.index_cast %swap3A_723 : i32 to index
      %swap3A_725 = arith.constant 64 : index
      %swap3A_726 = tpu.vector_load %arg16[%swap3A_724, %swap3A_725] {strides = array<i32>} : memref<5x128xi32, #tpu.memory_space<vmem>>, vector<16xi32>,
      tpu.vector_store %arg16[%swap3A_724, %swap3A_725], %get3A_722 {strides = array<i32>} : memref<5x128xi32, #tpu.memory_space<vmem>>, vector<16xi32>,
      %add3A_727 = arith.constant 512 : i32
      %add3A_728 = arith.addi %mul3A_126, %add3A_727 : i32
      %add3A_729 = arith.constant 80 : i32
      %add3A_730 = arith.addi %add3A_728, %add3A_729 : i32
      %get3A_731 = arith.index_cast %add3A_730 : i32 to index
      %get3A_732 = tpu.vector_load %arg13[%get3A_731] {strides = array<i32>} : memref<10240xi32, #tpu.memory_space<vmem>>, vector<16xi32>,
      %swap3A_733 = arith.constant 4 : i32
      %swap3A_734 = arith.index_cast %swap3A_733 : i32 to index
      %swap3A_735 = arith.constant 80 : index
      %swap3A_736 = tpu.vector_load %arg17[%swap3A_734, %swap3A_735] {strides = array<i32>} : memref<5x128xi32, #tpu.memory_space<vmem>>, vector<16xi32>,
      tpu.vector_store %arg17[%swap3A_734, %swap3A_735], %get3A_732 {strides = array<i32>} : memref<5x128xi32, #tpu.memory_space<vmem>>, vector<16xi32>,
      %get3A_737 = arith.index_cast %add3A_730 : i32 to index
      %get3A_738 = tpu.vector_load %arg12[%get3A_737] {strides = array<i32>} : memref<10240xi32, #tpu.memory_space<vmem>>, vector<16xi32>,
      %swap3A_739 = arith.constant 4 : i32
      %swap3A_740 = arith.index_cast %swap3A_739 : i32 to index
      %swap3A_741 = arith.constant 80 : index
      %swap3A_742 = tpu.vector_load %arg16[%swap3A_740, %swap3A_741] {strides = array<i32>} : memref<5x128xi32, #tpu.memory_space<vmem>>, vector<16xi32>,
      tpu.vector_store %arg16[%swap3A_740, %swap3A_741], %get3A_738 {strides = array<i32>} : memref<5x128xi32, #tpu.memory_space<vmem>>, vector<16xi32>,
      %add3A_743 = arith.constant 512 : i32
      %add3A_744 = arith.addi %mul3A_126, %add3A_743 : i32
      %add3A_745 = arith.constant 96 : i32
      %add3A_746 = arith.addi %add3A_744, %add3A_745 : i32
      %get3A_747 = arith.index_cast %add3A_746 : i32 to index
      %get3A_748 = tpu.vector_load %arg13[%get3A_747] {strides = array<i32>} : memref<10240xi32, #tpu.memory_space<vmem>>, vector<16xi32>,
      %swap3A_749 = arith.constant 4 : i32
      %swap3A_750 = arith.index_cast %swap3A_749 : i32 to index
      %swap3A_751 = arith.constant 96 : index
      %swap3A_752 = tpu.vector_load %arg17[%swap3A_750, %swap3A_751] {strides = array<i32>} : memref<5x128xi32, #tpu.memory_space<vmem>>, vector<16xi32>,
      tpu.vector_store %arg17[%swap3A_750, %swap3A_751], %get3A_748 {strides = array<i32>} : memref<5x128xi32, #tpu.memory_space<vmem>>, vector<16xi32>,
      %get3A_753 = arith.index_cast %add3A_746 : i32 to index
      %get3A_754 = tpu.vector_load %arg12[%get3A_753] {strides = array<i32>} : memref<10240xi32, #tpu.memory_space<vmem>>, vector<16xi32>,
      %swap3A_755 = arith.constant 4 : i32
      %swap3A_756 = arith.index_cast %swap3A_755 : i32 to index
      %swap3A_757 = arith.constant 96 : index
      %swap3A_758 = tpu.vector_load %arg16[%swap3A_756, %swap3A_757] {strides = array<i32>} : memref<5x128xi32, #tpu.memory_space<vmem>>, vector<16xi32>,
      tpu.vector_store %arg16[%swap3A_756, %swap3A_757], %get3A_754 {strides = array<i32>} : memref<5x128xi32, #tpu.memory_space<vmem>>, vector<16xi32>,
      %add3A_759 = arith.constant 512 : i32
      %add3A_760 = arith.addi %mul3A_126, %add3A_759 : i32
      %add3A_761 = arith.constant 112 : i32
      %add3A_762 = arith.addi %add3A_760, %add3A_761 : i32
      %get3A_763 = arith.index_cast %add3A_762 : i32 to index
      %get3A_764 = tpu.vector_load %arg13[%get3A_763] {strides = array<i32>} : memref<10240xi32, #tpu.memory_space<vmem>>, vector<16xi32>,
      %swap3A_765 = arith.constant 4 : i32
      %swap3A_766 = arith.index_cast %swap3A_765 : i32 to index
      %swap3A_767 = arith.constant 112 : index
      %swap3A_768 = tpu.vector_load %arg17[%swap3A_766, %swap3A_767] {strides = array<i32>} : memref<5x128xi32, #tpu.memory_space<vmem>>, vector<16xi32>,
      tpu.vector_store %arg17[%swap3A_766, %swap3A_767], %get3A_764 {strides = array<i32>} : memref<5x128xi32, #tpu.memory_space<vmem>>, vector<16xi32>,
      %get3A_769 = arith.index_cast %add3A_762 : i32 to index
      %get3A_770 = tpu.vector_load %arg12[%get3A_769] {strides = array<i32>} : memref<10240xi32, #tpu.memory_space<vmem>>, vector<16xi32>,
      %swap3A_771 = arith.constant 4 : i32
      %swap3A_772 = arith.index_cast %swap3A_771 : i32 to index
      %swap3A_773 = arith.constant 112 : index
      %swap3A_774 = tpu.vector_load %arg16[%swap3A_772, %swap3A_773] {strides = array<i32>} : memref<5x128xi32, #tpu.memory_space<vmem>>, vector<16xi32>,
      tpu.vector_store %arg16[%swap3A_772, %swap3A_773], %get3A_770 {strides = array<i32>} : memref<5x128xi32, #tpu.memory_space<vmem>>, vector<16xi32>,
      %dma_wait3A_775 = tpu.memref_slice %arg12[%mul3A_126] : memref<10240xi32, #tpu.memory_space<vmem>> -> memref<640xi32, #tpu.memory_space<vmem>>
      %dma_wait3A_776 = arith.constant 0 : i32
      %dma_wait3A_777 = arith.constant 0 : i32
      %dma_wait3A_778 = tpu.memref_slice %arg29[%dma_wait3A_776, %dma_wait3A_777] : memref<10240x16xf32, #tpu.memory_space<vmem_shared>> -> memref<10240x16xf32, #tpu.memory_space<vmem_shared>>
      tpu.wait_indirect_dma semaphore(%arg32 : memref<!tpu.dma_semaphore, #tpu.memory_space<semaphore_mem>>) src(%dma_wait3A_778 : memref<10240x16xf32, #tpu.memory_space<vmem_shared>>) dst(%arg20 : memref<640x16xf32, #tpu.memory_space<vmem>>)
      %dma_wait3A_779 = tpu.memref_slice %arg13[%mul3A_126] : memref<10240xi32, #tpu.memory_space<vmem>> -> memref<640xi32, #tpu.memory_space<vmem>>
      %dma_wait3A_780 = arith.constant 0 : i32
      %dma_wait3A_781 = tpu.memref_slice %arg28[%dma_wait3A_780] : memref<10240xf32, #tpu.memory_space<vmem_shared>> -> memref<10240xf32, #tpu.memory_space<vmem_shared>>
      tpu.wait_indirect_dma semaphore(%arg32 : memref<!tpu.dma_semaphore, #tpu.memory_space<semaphore_mem>>) src(%dma_wait3A_781 : memref<10240xf32, #tpu.memory_space<vmem_shared>>) dst(%arg22 : memref<640xf32, #tpu.memory_space<vmem>>)
      %dma_start3A_782 = arith.constant 0 : i32
      %dma_start3A_783 = arith.constant 0 : i32
      %dma_start3A_784 = arith.constant 0 : i32
      %dma_start3A_785 = tpu.memref_slice %arg20[%dma_start3A_783, %dma_start3A_784] : memref<640x16xf32, #tpu.memory_space<vmem>> -> memref<128x16xf32, #tpu.memory_space<vmem>>
      %dma_start3A_786 = arith.constant 0 : i32
      %dma_start3A_787 = tpu.memref_slice %arg17[%dma_start3A_782, %dma_start3A_786] : memref<5x128xi32, #tpu.memory_space<vmem>> -> memref<1x128xi32, #tpu.memory_space<vmem>>
      %dma_start3A_788 = tpu.memref_squeeze %dma_start3A_787 : memref<1x128xi32, #tpu.memory_space<vmem>> -> memref<128xi32, #tpu.memory_space<vmem>>
      %dma_start3A_789 = arith.constant 0 : i32
      %dma_start3A_790 = arith.constant 0 : i32
      %dma_start3A_791 = tpu.memref_slice %arg30[%dma_start3A_789, %dma_start3A_790] : memref<10240x16xf32, #tpu.memory_space<vmem_shared>> -> memref<10240x16xf32, #tpu.memory_space<vmem_shared>>
      tpu.enqueue_indirect_dma source(%dma_start3A_785 : memref<128x16xf32, #tpu.memory_space<vmem>>) target(%dma_start3A_791 : memref<10240x16xf32, #tpu.memory_space<vmem_shared>>) offsets(%dma_start3A_788 : memref<128xi32, #tpu.memory_space<vmem>>) semaphore(%arg34 : memref<!tpu.dma_semaphore, #tpu.memory_space<semaphore_mem>>) {add = true}
      %dma_start3A_792 = arith.constant 0 : i32
      %dma_start3A_793 = arith.constant 0 : i32
      %dma_start3A_794 = tpu.memref_slice %arg22[%dma_start3A_793] : memref<640xf32, #tpu.memory_space<vmem>> -> memref<128xf32, #tpu.memory_space<vmem>>
      %dma_start3A_795 = arith.constant 0 : i32
      %dma_start3A_796 = tpu.memref_slice %arg16[%dma_start3A_792, %dma_start3A_795] : memref<5x128xi32, #tpu.memory_space<vmem>> -> memref<1x128xi32, #tpu.memory_space<vmem>>
      %dma_start3A_797 = tpu.memref_squeeze %dma_start3A_796 : memref<1x128xi32, #tpu.memory_space<vmem>> -> memref<128xi32, #tpu.memory_space<vmem>>
      %dma_start3A_798 = arith.constant 0 : i32
      %dma_start3A_799 = tpu.memref_slice %arg31[%dma_start3A_798] : memref<10240xf32, #tpu.memory_space<vmem_shared>> -> memref<10240xf32, #tpu.memory_space<vmem_shared>>
      tpu.enqueue_indirect_dma source(%dma_start3A_794 : memref<128xf32, #tpu.memory_space<vmem>>) target(%dma_start3A_799 : memref<10240xf32, #tpu.memory_space<vmem_shared>>) offsets(%dma_start3A_797 : memref<128xi32, #tpu.memory_space<vmem>>) semaphore(%arg34 : memref<!tpu.dma_semaphore, #tpu.memory_space<semaphore_mem>>) {add = true}
      %dma_start3A_800 = arith.constant 1 : i32
      %dma_start3A_801 = arith.constant 128 : i32
      %dma_start3A_802 = arith.constant 0 : i32
      %dma_start3A_803 = tpu.memref_slice %arg20[%dma_start3A_801, %dma_start3A_802] : memref<640x16xf32, #tpu.memory_space<vmem>> -> memref<128x16xf32, #tpu.memory_space<vmem>>
      %dma_start3A_804 = arith.constant 0 : i32
      %dma_start3A_805 = tpu.memref_slice %arg17[%dma_start3A_800, %dma_start3A_804] : memref<5x128xi32, #tpu.memory_space<vmem>> -> memref<1x128xi32, #tpu.memory_space<vmem>>
      %dma_start3A_806 = tpu.memref_squeeze %dma_start3A_805 : memref<1x128xi32, #tpu.memory_space<vmem>> -> memref<128xi32, #tpu.memory_space<vmem>>
      %dma_start3A_807 = arith.constant 0 : i32
      %dma_start3A_808 = arith.constant 0 : i32
      %dma_start3A_809 = tpu.memref_slice %arg30[%dma_start3A_807, %dma_start3A_808] : memref<10240x16xf32, #tpu.memory_space<vmem_shared>> -> memref<10240x16xf32, #tpu.memory_space<vmem_shared>>
      tpu.enqueue_indirect_dma source(%dma_start3A_803 : memref<128x16xf32, #tpu.memory_space<vmem>>) target(%dma_start3A_809 : memref<10240x16xf32, #tpu.memory_space<vmem_shared>>) offsets(%dma_start3A_806 : memref<128xi32, #tpu.memory_space<vmem>>) semaphore(%arg34 : memref<!tpu.dma_semaphore, #tpu.memory_space<semaphore_mem>>) {add = true}
      %dma_start3A_810 = arith.constant 1 : i32
      %dma_start3A_811 = arith.constant 128 : i32
      %dma_start3A_812 = tpu.memref_slice %arg22[%dma_start3A_811] : memref<640xf32, #tpu.memory_space<vmem>> -> memref<128xf32, #tpu.memory_space<vmem>>
      %dma_start3A_813 = arith.constant 0 : i32
      %dma_start3A_814 = tpu.memref_slice %arg16[%dma_start3A_810, %dma_start3A_813] : memref<5x128xi32, #tpu.memory_space<vmem>> -> memref<1x128xi32, #tpu.memory_space<vmem>>
      %dma_start3A_815 = tpu.memref_squeeze %dma_start3A_814 : memref<1x128xi32, #tpu.memory_space<vmem>> -> memref<128xi32, #tpu.memory_space<vmem>>
      %dma_start3A_816 = arith.constant 0 : i32
      %dma_start3A_817 = tpu.memref_slice %arg31[%dma_start3A_816] : memref<10240xf32, #tpu.memory_space<vmem_shared>> -> memref<10240xf32, #tpu.memory_space<vmem_shared>>
      tpu.enqueue_indirect_dma source(%dma_start3A_812 : memref<128xf32, #tpu.memory_space<vmem>>) target(%dma_start3A_817 : memref<10240xf32, #tpu.memory_space<vmem_shared>>) offsets(%dma_start3A_815 : memref<128xi32, #tpu.memory_space<vmem>>) semaphore(%arg34 : memref<!tpu.dma_semaphore, #tpu.memory_space<semaphore_mem>>) {add = true}
      %dma_start3A_818 = arith.constant 2 : i32
      %dma_start3A_819 = arith.constant 256 : i32
      %dma_start3A_820 = arith.constant 0 : i32
      %dma_start3A_821 = tpu.memref_slice %arg20[%dma_start3A_819, %dma_start3A_820] : memref<640x16xf32, #tpu.memory_space<vmem>> -> memref<128x16xf32, #tpu.memory_space<vmem>>
      %dma_start3A_822 = arith.constant 0 : i32
      %dma_start3A_823 = tpu.memref_slice %arg17[%dma_start3A_818, %dma_start3A_822] : memref<5x128xi32, #tpu.memory_space<vmem>> -> memref<1x128xi32, #tpu.memory_space<vmem>>
      %dma_start3A_824 = tpu.memref_squeeze %dma_start3A_823 : memref<1x128xi32, #tpu.memory_space<vmem>> -> memref<128xi32, #tpu.memory_space<vmem>>
      %dma_start3A_825 = arith.constant 0 : i32
      %dma_start3A_826 = arith.constant 0 : i32
      %dma_start3A_827 = tpu.memref_slice %arg30[%dma_start3A_825, %dma_start3A_826] : memref<10240x16xf32, #tpu.memory_space<vmem_shared>> -> memref<10240x16xf32, #tpu.memory_space<vmem_shared>>
      tpu.enqueue_indirect_dma source(%dma_start3A_821 : memref<128x16xf32, #tpu.memory_space<vmem>>) target(%dma_start3A_827 : memref<10240x16xf32, #tpu.memory_space<vmem_shared>>) offsets(%dma_start3A_824 : memref<128xi32, #tpu.memory_space<vmem>>) semaphore(%arg34 : memref<!tpu.dma_semaphore, #tpu.memory_space<semaphore_mem>>) {add = true}
      %dma_start3A_828 = arith.constant 2 : i32
      %dma_start3A_829 = arith.constant 256 : i32
      %dma_start3A_830 = tpu.memref_slice %arg22[%dma_start3A_829] : memref<640xf32, #tpu.memory_space<vmem>> -> memref<128xf32, #tpu.memory_space<vmem>>
      %dma_start3A_831 = arith.constant 0 : i32
      %dma_start3A_832 = tpu.memref_slice %arg16[%dma_start3A_828, %dma_start3A_831] : memref<5x128xi32, #tpu.memory_space<vmem>> -> memref<1x128xi32, #tpu.memory_space<vmem>>
      %dma_start3A_833 = tpu.memref_squeeze %dma_start3A_832 : memref<1x128xi32, #tpu.memory_space<vmem>> -> memref<128xi32, #tpu.memory_space<vmem>>
      %dma_start3A_834 = arith.constant 0 : i32
      %dma_start3A_835 = tpu.memref_slice %arg31[%dma_start3A_834] : memref<10240xf32, #tpu.memory_space<vmem_shared>> -> memref<10240xf32, #tpu.memory_space<vmem_shared>>
      tpu.enqueue_indirect_dma source(%dma_start3A_830 : memref<128xf32, #tpu.memory_space<vmem>>) target(%dma_start3A_835 : memref<10240xf32, #tpu.memory_space<vmem_shared>>) offsets(%dma_start3A_833 : memref<128xi32, #tpu.memory_space<vmem>>) semaphore(%arg34 : memref<!tpu.dma_semaphore, #tpu.memory_space<semaphore_mem>>) {add = true}
      %dma_start3A_836 = arith.constant 3 : i32
      %dma_start3A_837 = arith.constant 384 : i32
      %dma_start3A_838 = arith.constant 0 : i32
      %dma_start3A_839 = tpu.memref_slice %arg20[%dma_start3A_837, %dma_start3A_838] : memref<640x16xf32, #tpu.memory_space<vmem>> -> memref<128x16xf32, #tpu.memory_space<vmem>>
      %dma_start3A_840 = arith.constant 0 : i32
      %dma_start3A_841 = tpu.memref_slice %arg17[%dma_start3A_836, %dma_start3A_840] : memref<5x128xi32, #tpu.memory_space<vmem>> -> memref<1x128xi32, #tpu.memory_space<vmem>>
      %dma_start3A_842 = tpu.memref_squeeze %dma_start3A_841 : memref<1x128xi32, #tpu.memory_space<vmem>> -> memref<128xi32, #tpu.memory_space<vmem>>
      %dma_start3A_843 = arith.constant 0 : i32
      %dma_start3A_844 = arith.constant 0 : i32
      %dma_start3A_845 = tpu.memref_slice %arg30[%dma_start3A_843, %dma_start3A_844] : memref<10240x16xf32, #tpu.memory_space<vmem_shared>> -> memref<10240x16xf32, #tpu.memory_space<vmem_shared>>
      tpu.enqueue_indirect_dma source(%dma_start3A_839 : memref<128x16xf32, #tpu.memory_space<vmem>>) target(%dma_start3A_845 : memref<10240x16xf32, #tpu.memory_space<vmem_shared>>) offsets(%dma_start3A_842 : memref<128xi32, #tpu.memory_space<vmem>>) semaphore(%arg34 : memref<!tpu.dma_semaphore, #tpu.memory_space<semaphore_mem>>) {add = true}
      %dma_start3A_846 = arith.constant 3 : i32
      %dma_start3A_847 = arith.constant 384 : i32
      %dma_start3A_848 = tpu.memref_slice %arg22[%dma_start3A_847] : memref<640xf32, #tpu.memory_space<vmem>> -> memref<128xf32, #tpu.memory_space<vmem>>
      %dma_start3A_849 = arith.constant 0 : i32
      %dma_start3A_850 = tpu.memref_slice %arg16[%dma_start3A_846, %dma_start3A_849] : memref<5x128xi32, #tpu.memory_space<vmem>> -> memref<1x128xi32, #tpu.memory_space<vmem>>
      %dma_start3A_851 = tpu.memref_squeeze %dma_start3A_850 : memref<1x128xi32, #tpu.memory_space<vmem>> -> memref<128xi32, #tpu.memory_space<vmem>>
      %dma_start3A_852 = arith.constant 0 : i32
      %dma_start3A_853 = tpu.memref_slice %arg31[%dma_start3A_852] : memref<10240xf32, #tpu.memory_space<vmem_shared>> -> memref<10240xf32, #tpu.memory_space<vmem_shared>>
      tpu.enqueue_indirect_dma source(%dma_start3A_848 : memref<128xf32, #tpu.memory_space<vmem>>) target(%dma_start3A_853 : memref<10240xf32, #tpu.memory_space<vmem_shared>>) offsets(%dma_start3A_851 : memref<128xi32, #tpu.memory_space<vmem>>) semaphore(%arg34 : memref<!tpu.dma_semaphore, #tpu.memory_space<semaphore_mem>>) {add = true}
      %dma_start3A_854 = arith.constant 4 : i32
      %dma_start3A_855 = arith.constant 512 : i32
      %dma_start3A_856 = arith.constant 0 : i32
      %dma_start3A_857 = tpu.memref_slice %arg20[%dma_start3A_855, %dma_start3A_856] : memref<640x16xf32, #tpu.memory_space<vmem>> -> memref<128x16xf32, #tpu.memory_space<vmem>>
      %dma_start3A_858 = arith.constant 0 : i32
      %dma_start3A_859 = tpu.memref_slice %arg17[%dma_start3A_854, %dma_start3A_858] : memref<5x128xi32, #tpu.memory_space<vmem>> -> memref<1x128xi32, #tpu.memory_space<vmem>>
      %dma_start3A_860 = tpu.memref_squeeze %dma_start3A_859 : memref<1x128xi32, #tpu.memory_space<vmem>> -> memref<128xi32, #tpu.memory_space<vmem>>
      %dma_start3A_861 = arith.constant 0 : i32
      %dma_start3A_862 = arith.constant 0 : i32
      %dma_start3A_863 = tpu.memref_slice %arg30[%dma_start3A_861, %dma_start3A_862] : memref<10240x16xf32, #tpu.memory_space<vmem_shared>> -> memref<10240x16xf32, #tpu.memory_space<vmem_shared>>
      tpu.enqueue_indirect_dma source(%dma_start3A_857 : memref<128x16xf32, #tpu.memory_space<vmem>>) target(%dma_start3A_863 : memref<10240x16xf32, #tpu.memory_space<vmem_shared>>) offsets(%dma_start3A_860 : memref<128xi32, #tpu.memory_space<vmem>>) semaphore(%arg34 : memref<!tpu.dma_semaphore, #tpu.memory_space<semaphore_mem>>) {add = true}
      %dma_start3A_864 = arith.constant 4 : i32
      %dma_start3A_865 = arith.constant 512 : i32
      %dma_start3A_866 = tpu.memref_slice %arg22[%dma_start3A_865] : memref<640xf32, #tpu.memory_space<vmem>> -> memref<128xf32, #tpu.memory_space<vmem>>
      %dma_start3A_867 = arith.constant 0 : i32
      %dma_start3A_868 = tpu.memref_slice %arg16[%dma_start3A_864, %dma_start3A_867] : memref<5x128xi32, #tpu.memory_space<vmem>> -> memref<1x128xi32, #tpu.memory_space<vmem>>
      %dma_start3A_869 = tpu.memref_squeeze %dma_start3A_868 : memref<1x128xi32, #tpu.memory_space<vmem>> -> memref<128xi32, #tpu.memory_space<vmem>>
      %dma_start3A_870 = arith.constant 0 : i32
      %dma_start3A_871 = tpu.memref_slice %arg31[%dma_start3A_870] : memref<10240xf32, #tpu.memory_space<vmem_shared>> -> memref<10240xf32, #tpu.memory_space<vmem_shared>>
      tpu.enqueue_indirect_dma source(%dma_start3A_866 : memref<128xf32, #tpu.memory_space<vmem>>) target(%dma_start3A_871 : memref<10240xf32, #tpu.memory_space<vmem_shared>>) offsets(%dma_start3A_869 : memref<128xi32, #tpu.memory_space<vmem>>) semaphore(%arg34 : memref<!tpu.dma_semaphore, #tpu.memory_space<semaphore_mem>>) {add = true}
      %dma_start3A_872 = tpu.memref_slice %arg12[%add3A_128] : memref<10240xi32, #tpu.memory_space<vmem>> -> memref<640xi32, #tpu.memory_space<vmem>>
      %dma_start3A_873 = arith.constant 0 : i32
      %dma_start3A_874 = arith.constant 0 : i32
      %dma_start3A_875 = tpu.memref_slice %arg29[%dma_start3A_873, %dma_start3A_874] : memref<10240x16xf32, #tpu.memory_space<vmem_shared>> -> memref<10240x16xf32, #tpu.memory_space<vmem_shared>>
      tpu.enqueue_indirect_dma source(%dma_start3A_875 : memref<10240x16xf32, #tpu.memory_space<vmem_shared>>) target(%arg21 : memref<640x16xf32, #tpu.memory_space<vmem>>) offsets(%dma_start3A_872 : memref<640xi32, #tpu.memory_space<vmem>>) semaphore(%arg33 : memref<!tpu.dma_semaphore, #tpu.memory_space<semaphore_mem>>)
      %dma_start3A_876 = tpu.memref_slice %arg13[%add3A_128] : memref<10240xi32, #tpu.memory_space<vmem>> -> memref<640xi32, #tpu.memory_space<vmem>>
      %dma_start3A_877 = arith.constant 0 : i32
      %dma_start3A_878 = tpu.memref_slice %arg28[%dma_start3A_877] : memref<10240xf32, #tpu.memory_space<vmem_shared>> -> memref<10240xf32, #tpu.memory_space<vmem_shared>>
      tpu.enqueue_indirect_dma source(%dma_start3A_878 : memref<10240xf32, #tpu.memory_space<vmem_shared>>) target(%arg23 : memref<640xf32, #tpu.memory_space<vmem>>) offsets(%dma_start3A_876 : memref<640xi32, #tpu.memory_space<vmem>>) semaphore(%arg33 : memref<!tpu.dma_semaphore, #tpu.memory_space<semaphore_mem>>)
      %add3A_879 = arith.constant 0 : i32
      %add3A_880 = arith.addi %add3A_128, %add3A_879 : i32
      %add3A_881 = arith.constant 0 : i32
      %add3A_882 = arith.addi %add3A_880, %add3A_881 : i32
      %get3A_883 = arith.index_cast %add3A_882 : i32 to index
      %get3A_884 = tpu.vector_load %arg13[%get3A_883] {strides = array<i32>} : memref<10240xi32, #tpu.memory_space<vmem>>, vector<16xi32>,
      %swap3A_885 = arith.constant 0 : i32
      %swap3A_886 = arith.index_cast %swap3A_885 : i32 to index
      %swap3A_887 = arith.constant 0 : index
      %swap3A_888 = tpu.vector_load %arg19[%swap3A_886, %swap3A_887] {strides = array<i32>} : memref<5x128xi32, #tpu.memory_space<vmem>>, vector<16xi32>,
      tpu.vector_store %arg19[%swap3A_886, %swap3A_887], %get3A_884 {strides = array<i32>} : memref<5x128xi32, #tpu.memory_space<vmem>>, vector<16xi32>,
      %get3A_889 = arith.index_cast %add3A_882 : i32 to index
      %get3A_890 = tpu.vector_load %arg12[%get3A_889] {strides = array<i32>} : memref<10240xi32, #tpu.memory_space<vmem>>, vector<16xi32>,
      %swap3A_891 = arith.constant 0 : i32
      %swap3A_892 = arith.index_cast %swap3A_891 : i32 to index
      %swap3A_893 = arith.constant 0 : index
      %swap3A_894 = tpu.vector_load %arg18[%swap3A_892, %swap3A_893] {strides = array<i32>} : memref<5x128xi32, #tpu.memory_space<vmem>>, vector<16xi32>,
      tpu.vector_store %arg18[%swap3A_892, %swap3A_893], %get3A_890 {strides = array<i32>} : memref<5x128xi32, #tpu.memory_space<vmem>>, vector<16xi32>,
      %add3A_895 = arith.constant 0 : i32
      %add3A_896 = arith.addi %add3A_128, %add3A_895 : i32
      %add3A_897 = arith.constant 16 : i32
      %add3A_898 = arith.addi %add3A_896, %add3A_897 : i32
      %get3A_899 = arith.index_cast %add3A_898 : i32 to index
      %get3A_900 = tpu.vector_load %arg13[%get3A_899] {strides = array<i32>} : memref<10240xi32, #tpu.memory_space<vmem>>, vector<16xi32>,
      %swap3A_901 = arith.constant 0 : i32
      %swap3A_902 = arith.index_cast %swap3A_901 : i32 to index
      %swap3A_903 = arith.constant 16 : index
      %swap3A_904 = tpu.vector_load %arg19[%swap3A_902, %swap3A_903] {strides = array<i32>} : memref<5x128xi32, #tpu.memory_space<vmem>>, vector<16xi32>,
      tpu.vector_store %arg19[%swap3A_902, %swap3A_903], %get3A_900 {strides = array<i32>} : memref<5x128xi32, #tpu.memory_space<vmem>>, vector<16xi32>,
      %get3A_905 = arith.index_cast %add3A_898 : i32 to index
      %get3A_906 = tpu.vector_load %arg12[%get3A_905] {strides = array<i32>} : memref<10240xi32, #tpu.memory_space<vmem>>, vector<16xi32>,
      %swap3A_907 = arith.constant 0 : i32
      %swap3A_908 = arith.index_cast %swap3A_907 : i32 to index
      %swap3A_909 = arith.constant 16 : index
      %swap3A_910 = tpu.vector_load %arg18[%swap3A_908, %swap3A_909] {strides = array<i32>} : memref<5x128xi32, #tpu.memory_space<vmem>>, vector<16xi32>,
      tpu.vector_store %arg18[%swap3A_908, %swap3A_909], %get3A_906 {strides = array<i32>} : memref<5x128xi32, #tpu.memory_space<vmem>>, vector<16xi32>,
      %add3A_911 = arith.constant 0 : i32
      %add3A_912 = arith.addi %add3A_128, %add3A_911 : i32
      %add3A_913 = arith.constant 32 : i32
      %add3A_914 = arith.addi %add3A_912, %add3A_913 : i32
      %get3A_915 = arith.index_cast %add3A_914 : i32 to index
      %get3A_916 = tpu.vector_load %arg13[%get3A_915] {strides = array<i32>} : memref<10240xi32, #tpu.memory_space<vmem>>, vector<16xi32>,
      %swap3A_917 = arith.constant 0 : i32
      %swap3A_918 = arith.index_cast %swap3A_917 : i32 to index
      %swap3A_919 = arith.constant 32 : index
      %swap3A_920 = tpu.vector_load %arg19[%swap3A_918, %swap3A_919] {strides = array<i32>} : memref<5x128xi32, #tpu.memory_space<vmem>>, vector<16xi32>,
      tpu.vector_store %arg19[%swap3A_918, %swap3A_919], %get3A_916 {strides = array<i32>} : memref<5x128xi32, #tpu.memory_space<vmem>>, vector<16xi32>,
      %get3A_921 = arith.index_cast %add3A_914 : i32 to index
      %get3A_922 = tpu.vector_load %arg12[%get3A_921] {strides = array<i32>} : memref<10240xi32, #tpu.memory_space<vmem>>, vector<16xi32>,
      %swap3A_923 = arith.constant 0 : i32
      %swap3A_924 = arith.index_cast %swap3A_923 : i32 to index
      %swap3A_925 = arith.constant 32 : index
      %swap3A_926 = tpu.vector_load %arg18[%swap3A_924, %swap3A_925] {strides = array<i32>} : memref<5x128xi32, #tpu.memory_space<vmem>>, vector<16xi32>,
      tpu.vector_store %arg18[%swap3A_924, %swap3A_925], %get3A_922 {strides = array<i32>} : memref<5x128xi32, #tpu.memory_space<vmem>>, vector<16xi32>,
      %add3A_927 = arith.constant 0 : i32
      %add3A_928 = arith.addi %add3A_128, %add3A_927 : i32
      %add3A_929 = arith.constant 48 : i32
      %add3A_930 = arith.addi %add3A_928, %add3A_929 : i32
      %get3A_931 = arith.index_cast %add3A_930 : i32 to index
      %get3A_932 = tpu.vector_load %arg13[%get3A_931] {strides = array<i32>} : memref<10240xi32, #tpu.memory_space<vmem>>, vector<16xi32>,
      %swap3A_933 = arith.constant 0 : i32
      %swap3A_934 = arith.index_cast %swap3A_933 : i32 to index
      %swap3A_935 = arith.constant 48 : index
      %swap3A_936 = tpu.vector_load %arg19[%swap3A_934, %swap3A_935] {strides = array<i32>} : memref<5x128xi32, #tpu.memory_space<vmem>>, vector<16xi32>,
      tpu.vector_store %arg19[%swap3A_934, %swap3A_935], %get3A_932 {strides = array<i32>} : memref<5x128xi32, #tpu.memory_space<vmem>>, vector<16xi32>,
      %get3A_937 = arith.index_cast %add3A_930 : i32 to index
      %get3A_938 = tpu.vector_load %arg12[%get3A_937] {strides = array<i32>} : memref<10240xi32, #tpu.memory_space<vmem>>, vector<16xi32>,
      %swap3A_939 = arith.constant 0 : i32
      %swap3A_940 = arith.index_cast %swap3A_939 : i32 to index
      %swap3A_941 = arith.constant 48 : index
      %swap3A_942 = tpu.vector_load %arg18[%swap3A_940, %swap3A_941] {strides = array<i32>} : memref<5x128xi32, #tpu.memory_space<vmem>>, vector<16xi32>,
      tpu.vector_store %arg18[%swap3A_940, %swap3A_941], %get3A_938 {strides = array<i32>} : memref<5x128xi32, #tpu.memory_space<vmem>>, vector<16xi32>,
      %add3A_943 = arith.constant 0 : i32
      %add3A_944 = arith.addi %add3A_128, %add3A_943 : i32
      %add3A_945 = arith.constant 64 : i32
      %add3A_946 = arith.addi %add3A_944, %add3A_945 : i32
      %get3A_947 = arith.index_cast %add3A_946 : i32 to index
      %get3A_948 = tpu.vector_load %arg13[%get3A_947] {strides = array<i32>} : memref<10240xi32, #tpu.memory_space<vmem>>, vector<16xi32>,
      %swap3A_949 = arith.constant 0 : i32
      %swap3A_950 = arith.index_cast %swap3A_949 : i32 to index
      %swap3A_951 = arith.constant 64 : index
      %swap3A_952 = tpu.vector_load %arg19[%swap3A_950, %swap3A_951] {strides = array<i32>} : memref<5x128xi32, #tpu.memory_space<vmem>>, vector<16xi32>,
      tpu.vector_store %arg19[%swap3A_950, %swap3A_951], %get3A_948 {strides = array<i32>} : memref<5x128xi32, #tpu.memory_space<vmem>>, vector<16xi32>,
      %get3A_953 = arith.index_cast %add3A_946 : i32 to index
      %get3A_954 = tpu.vector_load %arg12[%get3A_953] {strides = array<i32>} : memref<10240xi32, #tpu.memory_space<vmem>>, vector<16xi32>,
      %swap3A_955 = arith.constant 0 : i32
      %swap3A_956 = arith.index_cast %swap3A_955 : i32 to index
      %swap3A_957 = arith.constant 64 : index
      %swap3A_958 = tpu.vector_load %arg18[%swap3A_956, %swap3A_957] {strides = array<i32>} : memref<5x128xi32, #tpu.memory_space<vmem>>, vector<16xi32>,
      tpu.vector_store %arg18[%swap3A_956, %swap3A_957], %get3A_954 {strides = array<i32>} : memref<5x128xi32, #tpu.memory_space<vmem>>, vector<16xi32>,
      %add3A_959 = arith.constant 0 : i32
      %add3A_960 = arith.addi %add3A_128, %add3A_959 : i32
      %add3A_961 = arith.constant 80 : i32
      %add3A_962 = arith.addi %add3A_960, %add3A_961 : i32
      %get3A_963 = arith.index_cast %add3A_962 : i32 to index
      %get3A_964 = tpu.vector_load %arg13[%get3A_963] {strides = array<i32>} : memref<10240xi32, #tpu.memory_space<vmem>>, vector<16xi32>,
      %swap3A_965 = arith.constant 0 : i32
      %swap3A_966 = arith.index_cast %swap3A_965 : i32 to index
      %swap3A_967 = arith.constant 80 : index
      %swap3A_968 = tpu.vector_load %arg19[%swap3A_966, %swap3A_967] {strides = array<i32>} : memref<5x128xi32, #tpu.memory_space<vmem>>, vector<16xi32>,
      tpu.vector_store %arg19[%swap3A_966, %swap3A_967], %get3A_964 {strides = array<i32>} : memref<5x128xi32, #tpu.memory_space<vmem>>, vector<16xi32>,
      %get3A_969 = arith.index_cast %add3A_962 : i32 to index
      %get3A_970 = tpu.vector_load %arg12[%get3A_969] {strides = array<i32>} : memref<10240xi32, #tpu.memory_space<vmem>>, vector<16xi32>,
      %swap3A_971 = arith.constant 0 : i32
      %swap3A_972 = arith.index_cast %swap3A_971 : i32 to index
      %swap3A_973 = arith.constant 80 : index
      %swap3A_974 = tpu.vector_load %arg18[%swap3A_972, %swap3A_973] {strides = array<i32>} : memref<5x128xi32, #tpu.memory_space<vmem>>, vector<16xi32>,
      tpu.vector_store %arg18[%swap3A_972, %swap3A_973], %get3A_970 {strides = array<i32>} : memref<5x128xi32, #tpu.memory_space<vmem>>, vector<16xi32>,
      %add3A_975 = arith.constant 0 : i32
      %add3A_976 = arith.addi %add3A_128, %add3A_975 : i32
      %add3A_977 = arith.constant 96 : i32
      %add3A_978 = arith.addi %add3A_976, %add3A_977 : i32
      %get3A_979 = arith.index_cast %add3A_978 : i32 to index
      %get3A_980 = tpu.vector_load %arg13[%get3A_979] {strides = array<i32>} : memref<10240xi32, #tpu.memory_space<vmem>>, vector<16xi32>,
      %swap3A_981 = arith.constant 0 : i32
      %swap3A_982 = arith.index_cast %swap3A_981 : i32 to index
      %swap3A_983 = arith.constant 96 : index
      %swap3A_984 = tpu.vector_load %arg19[%swap3A_982, %swap3A_983] {strides = array<i32>} : memref<5x128xi32, #tpu.memory_space<vmem>>, vector<16xi32>,
      tpu.vector_store %arg19[%swap3A_982, %swap3A_983], %get3A_980 {strides = array<i32>} : memref<5x128xi32, #tpu.memory_space<vmem>>, vector<16xi32>,
      %get3A_985 = arith.index_cast %add3A_978 : i32 to index
      %get3A_986 = tpu.vector_load %arg12[%get3A_985] {strides = array<i32>} : memref<10240xi32, #tpu.memory_space<vmem>>, vector<16xi32>,
      %swap3A_987 = arith.constant 0 : i32
      %swap3A_988 = arith.index_cast %swap3A_987 : i32 to index
      %swap3A_989 = arith.constant 96 : index
      %swap3A_990 = tpu.vector_load %arg18[%swap3A_988, %swap3A_989] {strides = array<i32>} : memref<5x128xi32, #tpu.memory_space<vmem>>, vector<16xi32>,
      tpu.vector_store %arg18[%swap3A_988, %swap3A_989], %get3A_986 {strides = array<i32>} : memref<5x128xi32, #tpu.memory_space<vmem>>, vector<16xi32>,
      %add3A_991 = arith.constant 0 : i32
      %add3A_992 = arith.addi %add3A_128, %add3A_991 : i32
      %add3A_993 = arith.constant 112 : i32
      %add3A_994 = arith.addi %add3A_992, %add3A_993 : i32
      %get3A_995 = arith.index_cast %add3A_994 : i32 to index
      %get3A_996 = tpu.vector_load %arg13[%get3A_995] {strides = array<i32>} : memref<10240xi32, #tpu.memory_space<vmem>>, vector<16xi32>,
      %swap3A_997 = arith.constant 0 : i32
      %swap3A_998 = arith.index_cast %swap3A_997 : i32 to index
      %swap3A_999 = arith.constant 112 : index
      %swap3A_1000 = tpu.vector_load %arg19[%swap3A_998, %swap3A_999] {strides = array<i32>} : memref<5x128xi32, #tpu.memory_space<vmem>>, vector<16xi32>,
      tpu.vector_store %arg19[%swap3A_998, %swap3A_999], %get3A_996 {strides = array<i32>} : memref<5x128xi32, #tpu.memory_space<vmem>>, vector<16xi32>,
      %get3A_1001 = arith.index_cast %add3A_994 : i32 to index
      %get3A_1002 = tpu.vector_load %arg12[%get3A_1001] {strides = array<i32>} : memref<10240xi32, #tpu.memory_space<vmem>>, vector<16xi32>,
      %swap3A_1003 = arith.constant 0 : i32
      %swap3A_1004 = arith.index_cast %swap3A_1003 : i32 to index
      %swap3A_1005 = arith.constant 112 : index
      %swap3A_1006 = tpu.vector_load %arg18[%swap3A_1004, %swap3A_1005] {strides = array<i32>} : memref<5x128xi32, #tpu.memory_space<vmem>>, vector<16xi32>,
      tpu.vector_store %arg18[%swap3A_1004, %swap3A_1005], %get3A_1002 {strides = array<i32>} : memref<5x128xi32, #tpu.memory_space<vmem>>, vector<16xi32>,
      %add3A_1007 = arith.constant 128 : i32
      %add3A_1008 = arith.addi %add3A_128, %add3A_1007 : i32
      %add3A_1009 = arith.constant 0 : i32
      %add3A_1010 = arith.addi %add3A_1008, %add3A_1009 : i32
      %get3A_1011 = arith.index_cast %add3A_1010 : i32 to index
      %get3A_1012 = tpu.vector_load %arg13[%get3A_1011] {strides = array<i32>} : memref<10240xi32, #tpu.memory_space<vmem>>, vector<16xi32>,
      %swap3A_1013 = arith.constant 1 : i32
      %swap3A_1014 = arith.index_cast %swap3A_1013 : i32 to index
      %swap3A_1015 = arith.constant 0 : index
      %swap3A_1016 = tpu.vector_load %arg19[%swap3A_1014, %swap3A_1015] {strides = array<i32>} : memref<5x128xi32, #tpu.memory_space<vmem>>, vector<16xi32>,
      tpu.vector_store %arg19[%swap3A_1014, %swap3A_1015], %get3A_1012 {strides = array<i32>} : memref<5x128xi32, #tpu.memory_space<vmem>>, vector<16xi32>,
      %get3A_1017 = arith.index_cast %add3A_1010 : i32 to index
      %get3A_1018 = tpu.vector_load %arg12[%get3A_1017] {strides = array<i32>} : memref<10240xi32, #tpu.memory_space<vmem>>, vector<16xi32>,
      %swap3A_1019 = arith.constant 1 : i32
      %swap3A_1020 = arith.index_cast %swap3A_1019 : i32 to index
      %swap3A_1021 = arith.constant 0 : index
      %swap3A_1022 = tpu.vector_load %arg18[%swap3A_1020, %swap3A_1021] {strides = array<i32>} : memref<5x128xi32, #tpu.memory_space<vmem>>, vector<16xi32>,
      tpu.vector_store %arg18[%swap3A_1020, %swap3A_1021], %get3A_1018 {strides = array<i32>} : memref<5x128xi32, #tpu.memory_space<vmem>>, vector<16xi32>,
      %add3A_1023 = arith.constant 128 : i32
      %add3A_1024 = arith.addi %add3A_128, %add3A_1023 : i32
      %add3A_1025 = arith.constant 16 : i32
      %add3A_1026 = arith.addi %add3A_1024, %add3A_1025 : i32
      %get3A_1027 = arith.index_cast %add3A_1026 : i32 to index
      %get3A_1028 = tpu.vector_load %arg13[%get3A_1027] {strides = array<i32>} : memref<10240xi32, #tpu.memory_space<vmem>>, vector<16xi32>,
      %swap3A_1029 = arith.constant 1 : i32
      %swap3A_1030 = arith.index_cast %swap3A_1029 : i32 to index
      %swap3A_1031 = arith.constant 16 : index
      %swap3A_1032 = tpu.vector_load %arg19[%swap3A_1030, %swap3A_1031] {strides = array<i32>} : memref<5x128xi32, #tpu.memory_space<vmem>>, vector<16xi32>,
      tpu.vector_store %arg19[%swap3A_1030, %swap3A_1031], %get3A_1028 {strides = array<i32>} : memref<5x128xi32, #tpu.memory_space<vmem>>, vector<16xi32>,
      %get3A_1033 = arith.index_cast %add3A_1026 : i32 to index
      %get3A_1034 = tpu.vector_load %arg12[%get3A_1033] {strides = array<i32>} : memref<10240xi32, #tpu.memory_space<vmem>>, vector<16xi32>,
      %swap3A_1035 = arith.constant 1 : i32
      %swap3A_1036 = arith.index_cast %swap3A_1035 : i32 to index
      %swap3A_1037 = arith.constant 16 : index
      %swap3A_1038 = tpu.vector_load %arg18[%swap3A_1036, %swap3A_1037] {strides = array<i32>} : memref<5x128xi32, #tpu.memory_space<vmem>>, vector<16xi32>,
      tpu.vector_store %arg18[%swap3A_1036, %swap3A_1037], %get3A_1034 {strides = array<i32>} : memref<5x128xi32, #tpu.memory_space<vmem>>, vector<16xi32>,
      %add3A_1039 = arith.constant 128 : i32
      %add3A_1040 = arith.addi %add3A_128, %add3A_1039 : i32
      %add3A_1041 = arith.constant 32 : i32
      %add3A_1042 = arith.addi %add3A_1040, %add3A_1041 : i32
      %get3A_1043 = arith.index_cast %add3A_1042 : i32 to index
      %get3A_1044 = tpu.vector_load %arg13[%get3A_1043] {strides = array<i32>} : memref<10240xi32, #tpu.memory_space<vmem>>, vector<16xi32>,
      %swap3A_1045 = arith.constant 1 : i32
      %swap3A_1046 = arith.index_cast %swap3A_1045 : i32 to index
      %swap3A_1047 = arith.constant 32 : index
      %swap3A_1048 = tpu.vector_load %arg19[%swap3A_1046, %swap3A_1047] {strides = array<i32>} : memref<5x128xi32, #tpu.memory_space<vmem>>, vector<16xi32>,
      tpu.vector_store %arg19[%swap3A_1046, %swap3A_1047], %get3A_1044 {strides = array<i32>} : memref<5x128xi32, #tpu.memory_space<vmem>>, vector<16xi32>,
      %get3A_1049 = arith.index_cast %add3A_1042 : i32 to index
      %get3A_1050 = tpu.vector_load %arg12[%get3A_1049] {strides = array<i32>} : memref<10240xi32, #tpu.memory_space<vmem>>, vector<16xi32>,
      %swap3A_1051 = arith.constant 1 : i32
      %swap3A_1052 = arith.index_cast %swap3A_1051 : i32 to index
      %swap3A_1053 = arith.constant 32 : index
      %swap3A_1054 = tpu.vector_load %arg18[%swap3A_1052, %swap3A_1053] {strides = array<i32>} : memref<5x128xi32, #tpu.memory_space<vmem>>, vector<16xi32>,
      tpu.vector_store %arg18[%swap3A_1052, %swap3A_1053], %get3A_1050 {strides = array<i32>} : memref<5x128xi32, #tpu.memory_space<vmem>>, vector<16xi32>,
      %add3A_1055 = arith.constant 128 : i32
      %add3A_1056 = arith.addi %add3A_128, %add3A_1055 : i32
      %add3A_1057 = arith.constant 48 : i32
      %add3A_1058 = arith.addi %add3A_1056, %add3A_1057 : i32
      %get3A_1059 = arith.index_cast %add3A_1058 : i32 to index
      %get3A_1060 = tpu.vector_load %arg13[%get3A_1059] {strides = array<i32>} : memref<10240xi32, #tpu.memory_space<vmem>>, vector<16xi32>,
      %swap3A_1061 = arith.constant 1 : i32
      %swap3A_1062 = arith.index_cast %swap3A_1061 : i32 to index
      %swap3A_1063 = arith.constant 48 : index
      %swap3A_1064 = tpu.vector_load %arg19[%swap3A_1062, %swap3A_1063] {strides = array<i32>} : memref<5x128xi32, #tpu.memory_space<vmem>>, vector<16xi32>,
      tpu.vector_store %arg19[%swap3A_1062, %swap3A_1063], %get3A_1060 {strides = array<i32>} : memref<5x128xi32, #tpu.memory_space<vmem>>, vector<16xi32>,
      %get3A_1065 = arith.index_cast %add3A_1058 : i32 to index
      %get3A_1066 = tpu.vector_load %arg12[%get3A_1065] {strides = array<i32>} : memref<10240xi32, #tpu.memory_space<vmem>>, vector<16xi32>,
      %swap3A_1067 = arith.constant 1 : i32
      %swap3A_1068 = arith.index_cast %swap3A_1067 : i32 to index
      %swap3A_1069 = arith.constant 48 : index
      %swap3A_1070 = tpu.vector_load %arg18[%swap3A_1068, %swap3A_1069] {strides = array<i32>} : memref<5x128xi32, #tpu.memory_space<vmem>>, vector<16xi32>,
      tpu.vector_store %arg18[%swap3A_1068, %swap3A_1069], %get3A_1066 {strides = array<i32>} : memref<5x128xi32, #tpu.memory_space<vmem>>, vector<16xi32>,
      %add3A_1071 = arith.constant 128 : i32
      %add3A_1072 = arith.addi %add3A_128, %add3A_1071 : i32
      %add3A_1073 = arith.constant 64 : i32
      %add3A_1074 = arith.addi %add3A_1072, %add3A_1073 : i32
      %get3A_1075 = arith.index_cast %add3A_1074 : i32 to index
      %get3A_1076 = tpu.vector_load %arg13[%get3A_1075] {strides = array<i32>} : memref<10240xi32, #tpu.memory_space<vmem>>, vector<16xi32>,
      %swap3A_1077 = arith.constant 1 : i32
      %swap3A_1078 = arith.index_cast %swap3A_1077 : i32 to index
      %swap3A_1079 = arith.constant 64 : index
      %swap3A_1080 = tpu.vector_load %arg19[%swap3A_1078, %swap3A_1079] {strides = array<i32>} : memref<5x128xi32, #tpu.memory_space<vmem>>, vector<16xi32>,
      tpu.vector_store %arg19[%swap3A_1078, %swap3A_1079], %get3A_1076 {strides = array<i32>} : memref<5x128xi32, #tpu.memory_space<vmem>>, vector<16xi32>,
      %get3A_1081 = arith.index_cast %add3A_1074 : i32 to index
      %get3A_1082 = tpu.vector_load %arg12[%get3A_1081] {strides = array<i32>} : memref<10240xi32, #tpu.memory_space<vmem>>, vector<16xi32>,
      %swap3A_1083 = arith.constant 1 : i32
      %swap3A_1084 = arith.index_cast %swap3A_1083 : i32 to index
      %swap3A_1085 = arith.constant 64 : index
      %swap3A_1086 = tpu.vector_load %arg18[%swap3A_1084, %swap3A_1085] {strides = array<i32>} : memref<5x128xi32, #tpu.memory_space<vmem>>, vector<16xi32>,
      tpu.vector_store %arg18[%swap3A_1084, %swap3A_1085], %get3A_1082 {strides = array<i32>} : memref<5x128xi32, #tpu.memory_space<vmem>>, vector<16xi32>,
      %add3A_1087 = arith.constant 128 : i32
      %add3A_1088 = arith.addi %add3A_128, %add3A_1087 : i32
      %add3A_1089 = arith.constant 80 : i32
      %add3A_1090 = arith.addi %add3A_1088, %add3A_1089 : i32
      %get3A_1091 = arith.index_cast %add3A_1090 : i32 to index
      %get3A_1092 = tpu.vector_load %arg13[%get3A_1091] {strides = array<i32>} : memref<10240xi32, #tpu.memory_space<vmem>>, vector<16xi32>,
      %swap3A_1093 = arith.constant 1 : i32
      %swap3A_1094 = arith.index_cast %swap3A_1093 : i32 to index
      %swap3A_1095 = arith.constant 80 : index
      %swap3A_1096 = tpu.vector_load %arg19[%swap3A_1094, %swap3A_1095] {strides = array<i32>} : memref<5x128xi32, #tpu.memory_space<vmem>>, vector<16xi32>,
      tpu.vector_store %arg19[%swap3A_1094, %swap3A_1095], %get3A_1092 {strides = array<i32>} : memref<5x128xi32, #tpu.memory_space<vmem>>, vector<16xi32>,
      %get3A_1097 = arith.index_cast %add3A_1090 : i32 to index
      %get3A_1098 = tpu.vector_load %arg12[%get3A_1097] {strides = array<i32>} : memref<10240xi32, #tpu.memory_space<vmem>>, vector<16xi32>,
      %swap3A_1099 = arith.constant 1 : i32
      %swap3A_1100 = arith.index_cast %swap3A_1099 : i32 to index
      %swap3A_1101 = arith.constant 80 : index
      %swap3A_1102 = tpu.vector_load %arg18[%swap3A_1100, %swap3A_1101] {strides = array<i32>} : memref<5x128xi32, #tpu.memory_space<vmem>>, vector<16xi32>,
      tpu.vector_store %arg18[%swap3A_1100, %swap3A_1101], %get3A_1098 {strides = array<i32>} : memref<5x128xi32, #tpu.memory_space<vmem>>, vector<16xi32>,
      %add3A_1103 = arith.constant 128 : i32
      %add3A_1104 = arith.addi %add3A_128, %add3A_1103 : i32
      %add3A_1105 = arith.constant 96 : i32
      %add3A_1106 = arith.addi %add3A_1104, %add3A_1105 : i32
      %get3A_1107 = arith.index_cast %add3A_1106 : i32 to index
      %get3A_1108 = tpu.vector_load %arg13[%get3A_1107] {strides = array<i32>} : memref<10240xi32, #tpu.memory_space<vmem>>, vector<16xi32>,
      %swap3A_1109 = arith.constant 1 : i32
      %swap3A_1110 = arith.index_cast %swap3A_1109 : i32 to index
      %swap3A_1111 = arith.constant 96 : index
      %swap3A_1112 = tpu.vector_load %arg19[%swap3A_1110, %swap3A_1111] {strides = array<i32>} : memref<5x128xi32, #tpu.memory_space<vmem>>, vector<16xi32>,
      tpu.vector_store %arg19[%swap3A_1110, %swap3A_1111], %get3A_1108 {strides = array<i32>} : memref<5x128xi32, #tpu.memory_space<vmem>>, vector<16xi32>,
      %get3A_1113 = arith.index_cast %add3A_1106 : i32 to index
      %get3A_1114 = tpu.vector_load %arg12[%get3A_1113] {strides = array<i32>} : memref<10240xi32, #tpu.memory_space<vmem>>, vector<16xi32>,
      %swap3A_1115 = arith.constant 1 : i32
      %swap3A_1116 = arith.index_cast %swap3A_1115 : i32 to index
      %swap3A_1117 = arith.constant 96 : index
      %swap3A_1118 = tpu.vector_load %arg18[%swap3A_1116, %swap3A_1117] {strides = array<i32>} : memref<5x128xi32, #tpu.memory_space<vmem>>, vector<16xi32>,
      tpu.vector_store %arg18[%swap3A_1116, %swap3A_1117], %get3A_1114 {strides = array<i32>} : memref<5x128xi32, #tpu.memory_space<vmem>>, vector<16xi32>,
      %add3A_1119 = arith.constant 128 : i32
      %add3A_1120 = arith.addi %add3A_128, %add3A_1119 : i32
      %add3A_1121 = arith.constant 112 : i32
      %add3A_1122 = arith.addi %add3A_1120, %add3A_1121 : i32
      %get3A_1123 = arith.index_cast %add3A_1122 : i32 to index
      %get3A_1124 = tpu.vector_load %arg13[%get3A_1123] {strides = array<i32>} : memref<10240xi32, #tpu.memory_space<vmem>>, vector<16xi32>,
      %swap3A_1125 = arith.constant 1 : i32
      %swap3A_1126 = arith.index_cast %swap3A_1125 : i32 to index
      %swap3A_1127 = arith.constant 112 : index
      %swap3A_1128 = tpu.vector_load %arg19[%swap3A_1126, %swap3A_1127] {strides = array<i32>} : memref<5x128xi32, #tpu.memory_space<vmem>>, vector<16xi32>,
      tpu.vector_store %arg19[%swap3A_1126, %swap3A_1127], %get3A_1124 {strides = array<i32>} : memref<5x128xi32, #tpu.memory_space<vmem>>, vector<16xi32>,
      %get3A_1129 = arith.index_cast %add3A_1122 : i32 to index
      %get3A_1130 = tpu.vector_load %arg12[%get3A_1129] {strides = array<i32>} : memref<10240xi32, #tpu.memory_space<vmem>>, vector<16xi32>,
      %swap3A_1131 = arith.constant 1 : i32
      %swap3A_1132 = arith.index_cast %swap3A_1131 : i32 to index
      %swap3A_1133 = arith.constant 112 : index
      %swap3A_1134 = tpu.vector_load %arg18[%swap3A_1132, %swap3A_1133] {strides = array<i32>} : memref<5x128xi32, #tpu.memory_space<vmem>>, vector<16xi32>,
      tpu.vector_store %arg18[%swap3A_1132, %swap3A_1133], %get3A_1130 {strides = array<i32>} : memref<5x128xi32, #tpu.memory_space<vmem>>, vector<16xi32>,
      %add3A_1135 = arith.constant 256 : i32
      %add3A_1136 = arith.addi %add3A_128, %add3A_1135 : i32
      %add3A_1137 = arith.constant 0 : i32
      %add3A_1138 = arith.addi %add3A_1136, %add3A_1137 : i32
      %get3A_1139 = arith.index_cast %add3A_1138 : i32 to index
      %get3A_1140 = tpu.vector_load %arg13[%get3A_1139] {strides = array<i32>} : memref<10240xi32, #tpu.memory_space<vmem>>, vector<16xi32>,
      %swap3A_1141 = arith.constant 2 : i32
      %swap3A_1142 = arith.index_cast %swap3A_1141 : i32 to index
      %swap3A_1143 = arith.constant 0 : index
      %swap3A_1144 = tpu.vector_load %arg19[%swap3A_1142, %swap3A_1143] {strides = array<i32>} : memref<5x128xi32, #tpu.memory_space<vmem>>, vector<16xi32>,
      tpu.vector_store %arg19[%swap3A_1142, %swap3A_1143], %get3A_1140 {strides = array<i32>} : memref<5x128xi32, #tpu.memory_space<vmem>>, vector<16xi32>,
      %get3A_1145 = arith.index_cast %add3A_1138 : i32 to index
      %get3A_1146 = tpu.vector_load %arg12[%get3A_1145] {strides = array<i32>} : memref<10240xi32, #tpu.memory_space<vmem>>, vector<16xi32>,
      %swap3A_1147 = arith.constant 2 : i32
      %swap3A_1148 = arith.index_cast %swap3A_1147 : i32 to index
      %swap3A_1149 = arith.constant 0 : index
      %swap3A_1150 = tpu.vector_load %arg18[%swap3A_1148, %swap3A_1149] {strides = array<i32>} : memref<5x128xi32, #tpu.memory_space<vmem>>, vector<16xi32>,
      tpu.vector_store %arg18[%swap3A_1148, %swap3A_1149], %get3A_1146 {strides = array<i32>} : memref<5x128xi32, #tpu.memory_space<vmem>>, vector<16xi32>,
      %add3A_1151 = arith.constant 256 : i32
      %add3A_1152 = arith.addi %add3A_128, %add3A_1151 : i32
      %add3A_1153 = arith.constant 16 : i32
      %add3A_1154 = arith.addi %add3A_1152, %add3A_1153 : i32
      %get3A_1155 = arith.index_cast %add3A_1154 : i32 to index
      %get3A_1156 = tpu.vector_load %arg13[%get3A_1155] {strides = array<i32>} : memref<10240xi32, #tpu.memory_space<vmem>>, vector<16xi32>,
      %swap3A_1157 = arith.constant 2 : i32
      %swap3A_1158 = arith.index_cast %swap3A_1157 : i32 to index
      %swap3A_1159 = arith.constant 16 : index
      %swap3A_1160 = tpu.vector_load %arg19[%swap3A_1158, %swap3A_1159] {strides = array<i32>} : memref<5x128xi32, #tpu.memory_space<vmem>>, vector<16xi32>,
      tpu.vector_store %arg19[%swap3A_1158, %swap3A_1159], %get3A_1156 {strides = array<i32>} : memref<5x128xi32, #tpu.memory_space<vmem>>, vector<16xi32>,
      %get3A_1161 = arith.index_cast %add3A_1154 : i32 to index
      %get3A_1162 = tpu.vector_load %arg12[%get3A_1161] {strides = array<i32>} : memref<10240xi32, #tpu.memory_space<vmem>>, vector<16xi32>,
      %swap3A_1163 = arith.constant 2 : i32
      %swap3A_1164 = arith.index_cast %swap3A_1163 : i32 to index
      %swap3A_1165 = arith.constant 16 : index
      %swap3A_1166 = tpu.vector_load %arg18[%swap3A_1164, %swap3A_1165] {strides = array<i32>} : memref<5x128xi32, #tpu.memory_space<vmem>>, vector<16xi32>,
      tpu.vector_store %arg18[%swap3A_1164, %swap3A_1165], %get3A_1162 {strides = array<i32>} : memref<5x128xi32, #tpu.memory_space<vmem>>, vector<16xi32>,
      %add3A_1167 = arith.constant 256 : i32
      %add3A_1168 = arith.addi %add3A_128, %add3A_1167 : i32
      %add3A_1169 = arith.constant 32 : i32
      %add3A_1170 = arith.addi %add3A_1168, %add3A_1169 : i32
      %get3A_1171 = arith.index_cast %add3A_1170 : i32 to index
      %get3A_1172 = tpu.vector_load %arg13[%get3A_1171] {strides = array<i32>} : memref<10240xi32, #tpu.memory_space<vmem>>, vector<16xi32>,
      %swap3A_1173 = arith.constant 2 : i32
      %swap3A_1174 = arith.index_cast %swap3A_1173 : i32 to index
      %swap3A_1175 = arith.constant 32 : index
      %swap3A_1176 = tpu.vector_load %arg19[%swap3A_1174, %swap3A_1175] {strides = array<i32>} : memref<5x128xi32, #tpu.memory_space<vmem>>, vector<16xi32>,
      tpu.vector_store %arg19[%swap3A_1174, %swap3A_1175], %get3A_1172 {strides = array<i32>} : memref<5x128xi32, #tpu.memory_space<vmem>>, vector<16xi32>,
      %get3A_1177 = arith.index_cast %add3A_1170 : i32 to index
      %get3A_1178 = tpu.vector_load %arg12[%get3A_1177] {strides = array<i32>} : memref<10240xi32, #tpu.memory_space<vmem>>, vector<16xi32>,
      %swap3A_1179 = arith.constant 2 : i32
      %swap3A_1180 = arith.index_cast %swap3A_1179 : i32 to index
      %swap3A_1181 = arith.constant 32 : index
      %swap3A_1182 = tpu.vector_load %arg18[%swap3A_1180, %swap3A_1181] {strides = array<i32>} : memref<5x128xi32, #tpu.memory_space<vmem>>, vector<16xi32>,
      tpu.vector_store %arg18[%swap3A_1180, %swap3A_1181], %get3A_1178 {strides = array<i32>} : memref<5x128xi32, #tpu.memory_space<vmem>>, vector<16xi32>,
      %add3A_1183 = arith.constant 256 : i32
      %add3A_1184 = arith.addi %add3A_128, %add3A_1183 : i32
      %add3A_1185 = arith.constant 48 : i32
      %add3A_1186 = arith.addi %add3A_1184, %add3A_1185 : i32
      %get3A_1187 = arith.index_cast %add3A_1186 : i32 to index
      %get3A_1188 = tpu.vector_load %arg13[%get3A_1187] {strides = array<i32>} : memref<10240xi32, #tpu.memory_space<vmem>>, vector<16xi32>,
      %swap3A_1189 = arith.constant 2 : i32
      %swap3A_1190 = arith.index_cast %swap3A_1189 : i32 to index
      %swap3A_1191 = arith.constant 48 : index
      %swap3A_1192 = tpu.vector_load %arg19[%swap3A_1190, %swap3A_1191] {strides = array<i32>} : memref<5x128xi32, #tpu.memory_space<vmem>>, vector<16xi32>,
      tpu.vector_store %arg19[%swap3A_1190, %swap3A_1191], %get3A_1188 {strides = array<i32>} : memref<5x128xi32, #tpu.memory_space<vmem>>, vector<16xi32>,
      %get3A_1193 = arith.index_cast %add3A_1186 : i32 to index
      %get3A_1194 = tpu.vector_load %arg12[%get3A_1193] {strides = array<i32>} : memref<10240xi32, #tpu.memory_space<vmem>>, vector<16xi32>,
      %swap3A_1195 = arith.constant 2 : i32
      %swap3A_1196 = arith.index_cast %swap3A_1195 : i32 to index
      %swap3A_1197 = arith.constant 48 : index
      %swap3A_1198 = tpu.vector_load %arg18[%swap3A_1196, %swap3A_1197] {strides = array<i32>} : memref<5x128xi32, #tpu.memory_space<vmem>>, vector<16xi32>,
      tpu.vector_store %arg18[%swap3A_1196, %swap3A_1197], %get3A_1194 {strides = array<i32>} : memref<5x128xi32, #tpu.memory_space<vmem>>, vector<16xi32>,
      %add3A_1199 = arith.constant 256 : i32
      %add3A_1200 = arith.addi %add3A_128, %add3A_1199 : i32
      %add3A_1201 = arith.constant 64 : i32
      %add3A_1202 = arith.addi %add3A_1200, %add3A_1201 : i32
      %get3A_1203 = arith.index_cast %add3A_1202 : i32 to index
      %get3A_1204 = tpu.vector_load %arg13[%get3A_1203] {strides = array<i32>} : memref<10240xi32, #tpu.memory_space<vmem>>, vector<16xi32>,
      %swap3A_1205 = arith.constant 2 : i32
      %swap3A_1206 = arith.index_cast %swap3A_1205 : i32 to index
      %swap3A_1207 = arith.constant 64 : index
      %swap3A_1208 = tpu.vector_load %arg19[%swap3A_1206, %swap3A_1207] {strides = array<i32>} : memref<5x128xi32, #tpu.memory_space<vmem>>, vector<16xi32>,
      tpu.vector_store %arg19[%swap3A_1206, %swap3A_1207], %get3A_1204 {strides = array<i32>} : memref<5x128xi32, #tpu.memory_space<vmem>>, vector<16xi32>,
      %get3A_1209 = arith.index_cast %add3A_1202 : i32 to index
      %get3A_1210 = tpu.vector_load %arg12[%get3A_1209] {strides = array<i32>} : memref<10240xi32, #tpu.memory_space<vmem>>, vector<16xi32>,
      %swap3A_1211 = arith.constant 2 : i32
      %swap3A_1212 = arith.index_cast %swap3A_1211 : i32 to index
      %swap3A_1213 = arith.constant 64 : index
      %swap3A_1214 = tpu.vector_load %arg18[%swap3A_1212, %swap3A_1213] {strides = array<i32>} : memref<5x128xi32, #tpu.memory_space<vmem>>, vector<16xi32>,
      tpu.vector_store %arg18[%swap3A_1212, %swap3A_1213], %get3A_1210 {strides = array<i32>} : memref<5x128xi32, #tpu.memory_space<vmem>>, vector<16xi32>,
      %add3A_1215 = arith.constant 256 : i32
      %add3A_1216 = arith.addi %add3A_128, %add3A_1215 : i32
      %add3A_1217 = arith.constant 80 : i32
      %add3A_1218 = arith.addi %add3A_1216, %add3A_1217 : i32
      %get3A_1219 = arith.index_cast %add3A_1218 : i32 to index
      %get3A_1220 = tpu.vector_load %arg13[%get3A_1219] {strides = array<i32>} : memref<10240xi32, #tpu.memory_space<vmem>>, vector<16xi32>,
      %swap3A_1221 = arith.constant 2 : i32
      %swap3A_1222 = arith.index_cast %swap3A_1221 : i32 to index
      %swap3A_1223 = arith.constant 80 : index
      %swap3A_1224 = tpu.vector_load %arg19[%swap3A_1222, %swap3A_1223] {strides = array<i32>} : memref<5x128xi32, #tpu.memory_space<vmem>>, vector<16xi32>,
      tpu.vector_store %arg19[%swap3A_1222, %swap3A_1223], %get3A_1220 {strides = array<i32>} : memref<5x128xi32, #tpu.memory_space<vmem>>, vector<16xi32>,
      %get3A_1225 = arith.index_cast %add3A_1218 : i32 to index
      %get3A_1226 = tpu.vector_load %arg12[%get3A_1225] {strides = array<i32>} : memref<10240xi32, #tpu.memory_space<vmem>>, vector<16xi32>,
      %swap3A_1227 = arith.constant 2 : i32
      %swap3A_1228 = arith.index_cast %swap3A_1227 : i32 to index
      %swap3A_1229 = arith.constant 80 : index
      %swap3A_1230 = tpu.vector_load %arg18[%swap3A_1228, %swap3A_1229] {strides = array<i32>} : memref<5x128xi32, #tpu.memory_space<vmem>>, vector<16xi32>,
      tpu.vector_store %arg18[%swap3A_1228, %swap3A_1229], %get3A_1226 {strides = array<i32>} : memref<5x128xi32, #tpu.memory_space<vmem>>, vector<16xi32>,
      %add3A_1231 = arith.constant 256 : i32
      %add3A_1232 = arith.addi %add3A_128, %add3A_1231 : i32
      %add3A_1233 = arith.constant 96 : i32
      %add3A_1234 = arith.addi %add3A_1232, %add3A_1233 : i32
      %get3A_1235 = arith.index_cast %add3A_1234 : i32 to index
      %get3A_1236 = tpu.vector_load %arg13[%get3A_1235] {strides = array<i32>} : memref<10240xi32, #tpu.memory_space<vmem>>, vector<16xi32>,
      %swap3A_1237 = arith.constant 2 : i32
      %swap3A_1238 = arith.index_cast %swap3A_1237 : i32 to index
      %swap3A_1239 = arith.constant 96 : index
      %swap3A_1240 = tpu.vector_load %arg19[%swap3A_1238, %swap3A_1239] {strides = array<i32>} : memref<5x128xi32, #tpu.memory_space<vmem>>, vector<16xi32>,
      tpu.vector_store %arg19[%swap3A_1238, %swap3A_1239], %get3A_1236 {strides = array<i32>} : memref<5x128xi32, #tpu.memory_space<vmem>>, vector<16xi32>,
      %get3A_1241 = arith.index_cast %add3A_1234 : i32 to index
      %get3A_1242 = tpu.vector_load %arg12[%get3A_1241] {strides = array<i32>} : memref<10240xi32, #tpu.memory_space<vmem>>, vector<16xi32>,
      %swap3A_1243 = arith.constant 2 : i32
      %swap3A_1244 = arith.index_cast %swap3A_1243 : i32 to index
      %swap3A_1245 = arith.constant 96 : index
      %swap3A_1246 = tpu.vector_load %arg18[%swap3A_1244, %swap3A_1245] {strides = array<i32>} : memref<5x128xi32, #tpu.memory_space<vmem>>, vector<16xi32>,
      tpu.vector_store %arg18[%swap3A_1244, %swap3A_1245], %get3A_1242 {strides = array<i32>} : memref<5x128xi32, #tpu.memory_space<vmem>>, vector<16xi32>,
      %add3A_1247 = arith.constant 256 : i32
      %add3A_1248 = arith.addi %add3A_128, %add3A_1247 : i32
      %add3A_1249 = arith.constant 112 : i32
      %add3A_1250 = arith.addi %add3A_1248, %add3A_1249 : i32
      %get3A_1251 = arith.index_cast %add3A_1250 : i32 to index
      %get3A_1252 = tpu.vector_load %arg13[%get3A_1251] {strides = array<i32>} : memref<10240xi32, #tpu.memory_space<vmem>>, vector<16xi32>,
      %swap3A_1253 = arith.constant 2 : i32
      %swap3A_1254 = arith.index_cast %swap3A_1253 : i32 to index
      %swap3A_1255 = arith.constant 112 : index
      %swap3A_1256 = tpu.vector_load %arg19[%swap3A_1254, %swap3A_1255] {strides = array<i32>} : memref<5x128xi32, #tpu.memory_space<vmem>>, vector<16xi32>,
      tpu.vector_store %arg19[%swap3A_1254, %swap3A_1255], %get3A_1252 {strides = array<i32>} : memref<5x128xi32, #tpu.memory_space<vmem>>, vector<16xi32>,
      %get3A_1257 = arith.index_cast %add3A_1250 : i32 to index
      %get3A_1258 = tpu.vector_load %arg12[%get3A_1257] {strides = array<i32>} : memref<10240xi32, #tpu.memory_space<vmem>>, vector<16xi32>,
      %swap3A_1259 = arith.constant 2 : i32
      %swap3A_1260 = arith.index_cast %swap3A_1259 : i32 to index
      %swap3A_1261 = arith.constant 112 : index
      %swap3A_1262 = tpu.vector_load %arg18[%swap3A_1260, %swap3A_1261] {strides = array<i32>} : memref<5x128xi32, #tpu.memory_space<vmem>>, vector<16xi32>,
      tpu.vector_store %arg18[%swap3A_1260, %swap3A_1261], %get3A_1258 {strides = array<i32>} : memref<5x128xi32, #tpu.memory_space<vmem>>, vector<16xi32>,
      %add3A_1263 = arith.constant 384 : i32
      %add3A_1264 = arith.addi %add3A_128, %add3A_1263 : i32
      %add3A_1265 = arith.constant 0 : i32
      %add3A_1266 = arith.addi %add3A_1264, %add3A_1265 : i32
      %get3A_1267 = arith.index_cast %add3A_1266 : i32 to index
      %get3A_1268 = tpu.vector_load %arg13[%get3A_1267] {strides = array<i32>} : memref<10240xi32, #tpu.memory_space<vmem>>, vector<16xi32>,
      %swap3A_1269 = arith.constant 3 : i32
      %swap3A_1270 = arith.index_cast %swap3A_1269 : i32 to index
      %swap3A_1271 = arith.constant 0 : index
      %swap3A_1272 = tpu.vector_load %arg19[%swap3A_1270, %swap3A_1271] {strides = array<i32>} : memref<5x128xi32, #tpu.memory_space<vmem>>, vector<16xi32>,
      tpu.vector_store %arg19[%swap3A_1270, %swap3A_1271], %get3A_1268 {strides = array<i32>} : memref<5x128xi32, #tpu.memory_space<vmem>>, vector<16xi32>,
      %get3A_1273 = arith.index_cast %add3A_1266 : i32 to index
      %get3A_1274 = tpu.vector_load %arg12[%get3A_1273] {strides = array<i32>} : memref<10240xi32, #tpu.memory_space<vmem>>, vector<16xi32>,
      %swap3A_1275 = arith.constant 3 : i32
      %swap3A_1276 = arith.index_cast %swap3A_1275 : i32 to index
      %swap3A_1277 = arith.constant 0 : index
      %swap3A_1278 = tpu.vector_load %arg18[%swap3A_1276, %swap3A_1277] {strides = array<i32>} : memref<5x128xi32, #tpu.memory_space<vmem>>, vector<16xi32>,
      tpu.vector_store %arg18[%swap3A_1276, %swap3A_1277], %get3A_1274 {strides = array<i32>} : memref<5x128xi32, #tpu.memory_space<vmem>>, vector<16xi32>,
      %add3A_1279 = arith.constant 384 : i32
      %add3A_1280 = arith.addi %add3A_128, %add3A_1279 : i32
      %add3A_1281 = arith.constant 16 : i32
      %add3A_1282 = arith.addi %add3A_1280, %add3A_1281 : i32
      %get3A_1283 = arith.index_cast %add3A_1282 : i32 to index
      %get3A_1284 = tpu.vector_load %arg13[%get3A_1283] {strides = array<i32>} : memref<10240xi32, #tpu.memory_space<vmem>>, vector<16xi32>,
      %swap3A_1285 = arith.constant 3 : i32
      %swap3A_1286 = arith.index_cast %swap3A_1285 : i32 to index
      %swap3A_1287 = arith.constant 16 : index
      %swap3A_1288 = tpu.vector_load %arg19[%swap3A_1286, %swap3A_1287] {strides = array<i32>} : memref<5x128xi32, #tpu.memory_space<vmem>>, vector<16xi32>,
      tpu.vector_store %arg19[%swap3A_1286, %swap3A_1287], %get3A_1284 {strides = array<i32>} : memref<5x128xi32, #tpu.memory_space<vmem>>, vector<16xi32>,
      %get3A_1289 = arith.index_cast %add3A_1282 : i32 to index
      %get3A_1290 = tpu.vector_load %arg12[%get3A_1289] {strides = array<i32>} : memref<10240xi32, #tpu.memory_space<vmem>>, vector<16xi32>,
      %swap3A_1291 = arith.constant 3 : i32
      %swap3A_1292 = arith.index_cast %swap3A_1291 : i32 to index
      %swap3A_1293 = arith.constant 16 : index
      %swap3A_1294 = tpu.vector_load %arg18[%swap3A_1292, %swap3A_1293] {strides = array<i32>} : memref<5x128xi32, #tpu.memory_space<vmem>>, vector<16xi32>,
      tpu.vector_store %arg18[%swap3A_1292, %swap3A_1293], %get3A_1290 {strides = array<i32>} : memref<5x128xi32, #tpu.memory_space<vmem>>, vector<16xi32>,
      %add3A_1295 = arith.constant 384 : i32
      %add3A_1296 = arith.addi %add3A_128, %add3A_1295 : i32
      %add3A_1297 = arith.constant 32 : i32
      %add3A_1298 = arith.addi %add3A_1296, %add3A_1297 : i32
      %get3A_1299 = arith.index_cast %add3A_1298 : i32 to index
      %get3A_1300 = tpu.vector_load %arg13[%get3A_1299] {strides = array<i32>} : memref<10240xi32, #tpu.memory_space<vmem>>, vector<16xi32>,
      %swap3A_1301 = arith.constant 3 : i32
      %swap3A_1302 = arith.index_cast %swap3A_1301 : i32 to index
      %swap3A_1303 = arith.constant 32 : index
      %swap3A_1304 = tpu.vector_load %arg19[%swap3A_1302, %swap3A_1303] {strides = array<i32>} : memref<5x128xi32, #tpu.memory_space<vmem>>, vector<16xi32>,
      tpu.vector_store %arg19[%swap3A_1302, %swap3A_1303], %get3A_1300 {strides = array<i32>} : memref<5x128xi32, #tpu.memory_space<vmem>>, vector<16xi32>,
      %get3A_1305 = arith.index_cast %add3A_1298 : i32 to index
      %get3A_1306 = tpu.vector_load %arg12[%get3A_1305] {strides = array<i32>} : memref<10240xi32, #tpu.memory_space<vmem>>, vector<16xi32>,
      %swap3A_1307 = arith.constant 3 : i32
      %swap3A_1308 = arith.index_cast %swap3A_1307 : i32 to index
      %swap3A_1309 = arith.constant 32 : index
      %swap3A_1310 = tpu.vector_load %arg18[%swap3A_1308, %swap3A_1309] {strides = array<i32>} : memref<5x128xi32, #tpu.memory_space<vmem>>, vector<16xi32>,
      tpu.vector_store %arg18[%swap3A_1308, %swap3A_1309], %get3A_1306 {strides = array<i32>} : memref<5x128xi32, #tpu.memory_space<vmem>>, vector<16xi32>,
      %add3A_1311 = arith.constant 384 : i32
      %add3A_1312 = arith.addi %add3A_128, %add3A_1311 : i32
      %add3A_1313 = arith.constant 48 : i32
      %add3A_1314 = arith.addi %add3A_1312, %add3A_1313 : i32
      %get3A_1315 = arith.index_cast %add3A_1314 : i32 to index
      %get3A_1316 = tpu.vector_load %arg13[%get3A_1315] {strides = array<i32>} : memref<10240xi32, #tpu.memory_space<vmem>>, vector<16xi32>,
      %swap3A_1317 = arith.constant 3 : i32
      %swap3A_1318 = arith.index_cast %swap3A_1317 : i32 to index
      %swap3A_1319 = arith.constant 48 : index
      %swap3A_1320 = tpu.vector_load %arg19[%swap3A_1318, %swap3A_1319] {strides = array<i32>} : memref<5x128xi32, #tpu.memory_space<vmem>>, vector<16xi32>,
      tpu.vector_store %arg19[%swap3A_1318, %swap3A_1319], %get3A_1316 {strides = array<i32>} : memref<5x128xi32, #tpu.memory_space<vmem>>, vector<16xi32>,
      %get3A_1321 = arith.index_cast %add3A_1314 : i32 to index
      %get3A_1322 = tpu.vector_load %arg12[%get3A_1321] {strides = array<i32>} : memref<10240xi32, #tpu.memory_space<vmem>>, vector<16xi32>,
      %swap3A_1323 = arith.constant 3 : i32
      %swap3A_1324 = arith.index_cast %swap3A_1323 : i32 to index
      %swap3A_1325 = arith.constant 48 : index
      %swap3A_1326 = tpu.vector_load %arg18[%swap3A_1324, %swap3A_1325] {strides = array<i32>} : memref<5x128xi32, #tpu.memory_space<vmem>>, vector<16xi32>,
      tpu.vector_store %arg18[%swap3A_1324, %swap3A_1325], %get3A_1322 {strides = array<i32>} : memref<5x128xi32, #tpu.memory_space<vmem>>, vector<16xi32>,
      %add3A_1327 = arith.constant 384 : i32
      %add3A_1328 = arith.addi %add3A_128, %add3A_1327 : i32
      %add3A_1329 = arith.constant 64 : i32
      %add3A_1330 = arith.addi %add3A_1328, %add3A_1329 : i32
      %get3A_1331 = arith.index_cast %add3A_1330 : i32 to index
      %get3A_1332 = tpu.vector_load %arg13[%get3A_1331] {strides = array<i32>} : memref<10240xi32, #tpu.memory_space<vmem>>, vector<16xi32>,
      %swap3A_1333 = arith.constant 3 : i32
      %swap3A_1334 = arith.index_cast %swap3A_1333 : i32 to index
      %swap3A_1335 = arith.constant 64 : index
      %swap3A_1336 = tpu.vector_load %arg19[%swap3A_1334, %swap3A_1335] {strides = array<i32>} : memref<5x128xi32, #tpu.memory_space<vmem>>, vector<16xi32>,
      tpu.vector_store %arg19[%swap3A_1334, %swap3A_1335], %get3A_1332 {strides = array<i32>} : memref<5x128xi32, #tpu.memory_space<vmem>>, vector<16xi32>,
      %get3A_1337 = arith.index_cast %add3A_1330 : i32 to index
      %get3A_1338 = tpu.vector_load %arg12[%get3A_1337] {strides = array<i32>} : memref<10240xi32, #tpu.memory_space<vmem>>, vector<16xi32>,
      %swap3A_1339 = arith.constant 3 : i32
      %swap3A_1340 = arith.index_cast %swap3A_1339 : i32 to index
      %swap3A_1341 = arith.constant 64 : index
      %swap3A_1342 = tpu.vector_load %arg18[%swap3A_1340, %swap3A_1341] {strides = array<i32>} : memref<5x128xi32, #tpu.memory_space<vmem>>, vector<16xi32>,
      tpu.vector_store %arg18[%swap3A_1340, %swap3A_1341], %get3A_1338 {strides = array<i32>} : memref<5x128xi32, #tpu.memory_space<vmem>>, vector<16xi32>,
      %add3A_1343 = arith.constant 384 : i32
      %add3A_1344 = arith.addi %add3A_128, %add3A_1343 : i32
      %add3A_1345 = arith.constant 80 : i32
      %add3A_1346 = arith.addi %add3A_1344, %add3A_1345 : i32
      %get3A_1347 = arith.index_cast %add3A_1346 : i32 to index
      %get3A_1348 = tpu.vector_load %arg13[%get3A_1347] {strides = array<i32>} : memref<10240xi32, #tpu.memory_space<vmem>>, vector<16xi32>,
      %swap3A_1349 = arith.constant 3 : i32
      %swap3A_1350 = arith.index_cast %swap3A_1349 : i32 to index
      %swap3A_1351 = arith.constant 80 : index
      %swap3A_1352 = tpu.vector_load %arg19[%swap3A_1350, %swap3A_1351] {strides = array<i32>} : memref<5x128xi32, #tpu.memory_space<vmem>>, vector<16xi32>,
      tpu.vector_store %arg19[%swap3A_1350, %swap3A_1351], %get3A_1348 {strides = array<i32>} : memref<5x128xi32, #tpu.memory_space<vmem>>, vector<16xi32>,
      %get3A_1353 = arith.index_cast %add3A_1346 : i32 to index
      %get3A_1354 = tpu.vector_load %arg12[%get3A_1353] {strides = array<i32>} : memref<10240xi32, #tpu.memory_space<vmem>>, vector<16xi32>,
      %swap3A_1355 = arith.constant 3 : i32
      %swap3A_1356 = arith.index_cast %swap3A_1355 : i32 to index
      %swap3A_1357 = arith.constant 80 : index
      %swap3A_1358 = tpu.vector_load %arg18[%swap3A_1356, %swap3A_1357] {strides = array<i32>} : memref<5x128xi32, #tpu.memory_space<vmem>>, vector<16xi32>,
      tpu.vector_store %arg18[%swap3A_1356, %swap3A_1357], %get3A_1354 {strides = array<i32>} : memref<5x128xi32, #tpu.memory_space<vmem>>, vector<16xi32>,
      %add3A_1359 = arith.constant 384 : i32
      %add3A_1360 = arith.addi %add3A_128, %add3A_1359 : i32
      %add3A_1361 = arith.constant 96 : i32
      %add3A_1362 = arith.addi %add3A_1360, %add3A_1361 : i32
      %get3A_1363 = arith.index_cast %add3A_1362 : i32 to index
      %get3A_1364 = tpu.vector_load %arg13[%get3A_1363] {strides = array<i32>} : memref<10240xi32, #tpu.memory_space<vmem>>, vector<16xi32>,
      %swap3A_1365 = arith.constant 3 : i32
      %swap3A_1366 = arith.index_cast %swap3A_1365 : i32 to index
      %swap3A_1367 = arith.constant 96 : index
      %swap3A_1368 = tpu.vector_load %arg19[%swap3A_1366, %swap3A_1367] {strides = array<i32>} : memref<5x128xi32, #tpu.memory_space<vmem>>, vector<16xi32>,
      tpu.vector_store %arg19[%swap3A_1366, %swap3A_1367], %get3A_1364 {strides = array<i32>} : memref<5x128xi32, #tpu.memory_space<vmem>>, vector<16xi32>,
      %get3A_1369 = arith.index_cast %add3A_1362 : i32 to index
      %get3A_1370 = tpu.vector_load %arg12[%get3A_1369] {strides = array<i32>} : memref<10240xi32, #tpu.memory_space<vmem>>, vector<16xi32>,
      %swap3A_1371 = arith.constant 3 : i32
      %swap3A_1372 = arith.index_cast %swap3A_1371 : i32 to index
      %swap3A_1373 = arith.constant 96 : index
      %swap3A_1374 = tpu.vector_load %arg18[%swap3A_1372, %swap3A_1373] {strides = array<i32>} : memref<5x128xi32, #tpu.memory_space<vmem>>, vector<16xi32>,
      tpu.vector_store %arg18[%swap3A_1372, %swap3A_1373], %get3A_1370 {strides = array<i32>} : memref<5x128xi32, #tpu.memory_space<vmem>>, vector<16xi32>,
      %add3A_1375 = arith.constant 384 : i32
      %add3A_1376 = arith.addi %add3A_128, %add3A_1375 : i32
      %add3A_1377 = arith.constant 112 : i32
      %add3A_1378 = arith.addi %add3A_1376, %add3A_1377 : i32
      %get3A_1379 = arith.index_cast %add3A_1378 : i32 to index
      %get3A_1380 = tpu.vector_load %arg13[%get3A_1379] {strides = array<i32>} : memref<10240xi32, #tpu.memory_space<vmem>>, vector<16xi32>,
      %swap3A_1381 = arith.constant 3 : i32
      %swap3A_1382 = arith.index_cast %swap3A_1381 : i32 to index
      %swap3A_1383 = arith.constant 112 : index
      %swap3A_1384 = tpu.vector_load %arg19[%swap3A_1382, %swap3A_1383] {strides = array<i32>} : memref<5x128xi32, #tpu.memory_space<vmem>>, vector<16xi32>,
      tpu.vector_store %arg19[%swap3A_1382, %swap3A_1383], %get3A_1380 {strides = array<i32>} : memref<5x128xi32, #tpu.memory_space<vmem>>, vector<16xi32>,
      %get3A_1385 = arith.index_cast %add3A_1378 : i32 to index
      %get3A_1386 = tpu.vector_load %arg12[%get3A_1385] {strides = array<i32>} : memref<10240xi32, #tpu.memory_space<vmem>>, vector<16xi32>,
      %swap3A_1387 = arith.constant 3 : i32
      %swap3A_1388 = arith.index_cast %swap3A_1387 : i32 to index
      %swap3A_1389 = arith.constant 112 : index
      %swap3A_1390 = tpu.vector_load %arg18[%swap3A_1388, %swap3A_1389] {strides = array<i32>} : memref<5x128xi32, #tpu.memory_space<vmem>>, vector<16xi32>,
      tpu.vector_store %arg18[%swap3A_1388, %swap3A_1389], %get3A_1386 {strides = array<i32>} : memref<5x128xi32, #tpu.memory_space<vmem>>, vector<16xi32>,
      %add3A_1391 = arith.constant 512 : i32
      %add3A_1392 = arith.addi %add3A_128, %add3A_1391 : i32
      %add3A_1393 = arith.constant 0 : i32
      %add3A_1394 = arith.addi %add3A_1392, %add3A_1393 : i32
      %get3A_1395 = arith.index_cast %add3A_1394 : i32 to index
      %get3A_1396 = tpu.vector_load %arg13[%get3A_1395] {strides = array<i32>} : memref<10240xi32, #tpu.memory_space<vmem>>, vector<16xi32>,
      %swap3A_1397 = arith.constant 4 : i32
      %swap3A_1398 = arith.index_cast %swap3A_1397 : i32 to index
      %swap3A_1399 = arith.constant 0 : index
      %swap3A_1400 = tpu.vector_load %arg19[%swap3A_1398, %swap3A_1399] {strides = array<i32>} : memref<5x128xi32, #tpu.memory_space<vmem>>, vector<16xi32>,
      tpu.vector_store %arg19[%swap3A_1398, %swap3A_1399], %get3A_1396 {strides = array<i32>} : memref<5x128xi32, #tpu.memory_space<vmem>>, vector<16xi32>,
      %get3A_1401 = arith.index_cast %add3A_1394 : i32 to index
      %get3A_1402 = tpu.vector_load %arg12[%get3A_1401] {strides = array<i32>} : memref<10240xi32, #tpu.memory_space<vmem>>, vector<16xi32>,
      %swap3A_1403 = arith.constant 4 : i32
      %swap3A_1404 = arith.index_cast %swap3A_1403 : i32 to index
      %swap3A_1405 = arith.constant 0 : index
      %swap3A_1406 = tpu.vector_load %arg18[%swap3A_1404, %swap3A_1405] {strides = array<i32>} : memref<5x128xi32, #tpu.memory_space<vmem>>, vector<16xi32>,
      tpu.vector_store %arg18[%swap3A_1404, %swap3A_1405], %get3A_1402 {strides = array<i32>} : memref<5x128xi32, #tpu.memory_space<vmem>>, vector<16xi32>,
      %add3A_1407 = arith.constant 512 : i32
      %add3A_1408 = arith.addi %add3A_128, %add3A_1407 : i32
      %add3A_1409 = arith.constant 16 : i32
      %add3A_1410 = arith.addi %add3A_1408, %add3A_1409 : i32
      %get3A_1411 = arith.index_cast %add3A_1410 : i32 to index
      %get3A_1412 = tpu.vector_load %arg13[%get3A_1411] {strides = array<i32>} : memref<10240xi32, #tpu.memory_space<vmem>>, vector<16xi32>,
      %swap3A_1413 = arith.constant 4 : i32
      %swap3A_1414 = arith.index_cast %swap3A_1413 : i32 to index
      %swap3A_1415 = arith.constant 16 : index
      %swap3A_1416 = tpu.vector_load %arg19[%swap3A_1414, %swap3A_1415] {strides = array<i32>} : memref<5x128xi32, #tpu.memory_space<vmem>>, vector<16xi32>,
      tpu.vector_store %arg19[%swap3A_1414, %swap3A_1415], %get3A_1412 {strides = array<i32>} : memref<5x128xi32, #tpu.memory_space<vmem>>, vector<16xi32>,
      %get3A_1417 = arith.index_cast %add3A_1410 : i32 to index
      %get3A_1418 = tpu.vector_load %arg12[%get3A_1417] {strides = array<i32>} : memref<10240xi32, #tpu.memory_space<vmem>>, vector<16xi32>,
      %swap3A_1419 = arith.constant 4 : i32
      %swap3A_1420 = arith.index_cast %swap3A_1419 : i32 to index
      %swap3A_1421 = arith.constant 16 : index
      %swap3A_1422 = tpu.vector_load %arg18[%swap3A_1420, %swap3A_1421] {strides = array<i32>} : memref<5x128xi32, #tpu.memory_space<vmem>>, vector<16xi32>,
      tpu.vector_store %arg18[%swap3A_1420, %swap3A_1421], %get3A_1418 {strides = array<i32>} : memref<5x128xi32, #tpu.memory_space<vmem>>, vector<16xi32>,
      %add3A_1423 = arith.constant 512 : i32
      %add3A_1424 = arith.addi %add3A_128, %add3A_1423 : i32
      %add3A_1425 = arith.constant 32 : i32
      %add3A_1426 = arith.addi %add3A_1424, %add3A_1425 : i32
      %get3A_1427 = arith.index_cast %add3A_1426 : i32 to index
      %get3A_1428 = tpu.vector_load %arg13[%get3A_1427] {strides = array<i32>} : memref<10240xi32, #tpu.memory_space<vmem>>, vector<16xi32>,
      %swap3A_1429 = arith.constant 4 : i32
      %swap3A_1430 = arith.index_cast %swap3A_1429 : i32 to index
      %swap3A_1431 = arith.constant 32 : index
      %swap3A_1432 = tpu.vector_load %arg19[%swap3A_1430, %swap3A_1431] {strides = array<i32>} : memref<5x128xi32, #tpu.memory_space<vmem>>, vector<16xi32>,
      tpu.vector_store %arg19[%swap3A_1430, %swap3A_1431], %get3A_1428 {strides = array<i32>} : memref<5x128xi32, #tpu.memory_space<vmem>>, vector<16xi32>,
      %get3A_1433 = arith.index_cast %add3A_1426 : i32 to index
      %get3A_1434 = tpu.vector_load %arg12[%get3A_1433] {strides = array<i32>} : memref<10240xi32, #tpu.memory_space<vmem>>, vector<16xi32>,
      %swap3A_1435 = arith.constant 4 : i32
      %swap3A_1436 = arith.index_cast %swap3A_1435 : i32 to index
      %swap3A_1437 = arith.constant 32 : index
      %swap3A_1438 = tpu.vector_load %arg18[%swap3A_1436, %swap3A_1437] {strides = array<i32>} : memref<5x128xi32, #tpu.memory_space<vmem>>, vector<16xi32>,
      tpu.vector_store %arg18[%swap3A_1436, %swap3A_1437], %get3A_1434 {strides = array<i32>} : memref<5x128xi32, #tpu.memory_space<vmem>>, vector<16xi32>,
      %add3A_1439 = arith.constant 512 : i32
      %add3A_1440 = arith.addi %add3A_128, %add3A_1439 : i32
      %add3A_1441 = arith.constant 48 : i32
      %add3A_1442 = arith.addi %add3A_1440, %add3A_1441 : i32
      %get3A_1443 = arith.index_cast %add3A_1442 : i32 to index
      %get3A_1444 = tpu.vector_load %arg13[%get3A_1443] {strides = array<i32>} : memref<10240xi32, #tpu.memory_space<vmem>>, vector<16xi32>,
      %swap3A_1445 = arith.constant 4 : i32
      %swap3A_1446 = arith.index_cast %swap3A_1445 : i32 to index
      %swap3A_1447 = arith.constant 48 : index
      %swap3A_1448 = tpu.vector_load %arg19[%swap3A_1446, %swap3A_1447] {strides = array<i32>} : memref<5x128xi32, #tpu.memory_space<vmem>>, vector<16xi32>,
      tpu.vector_store %arg19[%swap3A_1446, %swap3A_1447], %get3A_1444 {strides = array<i32>} : memref<5x128xi32, #tpu.memory_space<vmem>>, vector<16xi32>,
      %get3A_1449 = arith.index_cast %add3A_1442 : i32 to index
      %get3A_1450 = tpu.vector_load %arg12[%get3A_1449] {strides = array<i32>} : memref<10240xi32, #tpu.memory_space<vmem>>, vector<16xi32>,
      %swap3A_1451 = arith.constant 4 : i32
      %swap3A_1452 = arith.index_cast %swap3A_1451 : i32 to index
      %swap3A_1453 = arith.constant 48 : index
      %swap3A_1454 = tpu.vector_load %arg18[%swap3A_1452, %swap3A_1453] {strides = array<i32>} : memref<5x128xi32, #tpu.memory_space<vmem>>, vector<16xi32>,
      tpu.vector_store %arg18[%swap3A_1452, %swap3A_1453], %get3A_1450 {strides = array<i32>} : memref<5x128xi32, #tpu.memory_space<vmem>>, vector<16xi32>,
      %add3A_1455 = arith.constant 512 : i32
      %add3A_1456 = arith.addi %add3A_128, %add3A_1455 : i32
      %add3A_1457 = arith.constant 64 : i32
      %add3A_1458 = arith.addi %add3A_1456, %add3A_1457 : i32
      %get3A_1459 = arith.index_cast %add3A_1458 : i32 to index
      %get3A_1460 = tpu.vector_load %arg13[%get3A_1459] {strides = array<i32>} : memref<10240xi32, #tpu.memory_space<vmem>>, vector<16xi32>,
      %swap3A_1461 = arith.constant 4 : i32
      %swap3A_1462 = arith.index_cast %swap3A_1461 : i32 to index
      %swap3A_1463 = arith.constant 64 : index
      %swap3A_1464 = tpu.vector_load %arg19[%swap3A_1462, %swap3A_1463] {strides = array<i32>} : memref<5x128xi32, #tpu.memory_space<vmem>>, vector<16xi32>,
      tpu.vector_store %arg19[%swap3A_1462, %swap3A_1463], %get3A_1460 {strides = array<i32>} : memref<5x128xi32, #tpu.memory_space<vmem>>, vector<16xi32>,
      %get3A_1465 = arith.index_cast %add3A_1458 : i32 to index
      %get3A_1466 = tpu.vector_load %arg12[%get3A_1465] {strides = array<i32>} : memref<10240xi32, #tpu.memory_space<vmem>>, vector<16xi32>,
      %swap3A_1467 = arith.constant 4 : i32
      %swap3A_1468 = arith.index_cast %swap3A_1467 : i32 to index
      %swap3A_1469 = arith.constant 64 : index
      %swap3A_1470 = tpu.vector_load %arg18[%swap3A_1468, %swap3A_1469] {strides = array<i32>} : memref<5x128xi32, #tpu.memory_space<vmem>>, vector<16xi32>,
      tpu.vector_store %arg18[%swap3A_1468, %swap3A_1469], %get3A_1466 {strides = array<i32>} : memref<5x128xi32, #tpu.memory_space<vmem>>, vector<16xi32>,
      %add3A_1471 = arith.constant 512 : i32
      %add3A_1472 = arith.addi %add3A_128, %add3A_1471 : i32
      %add3A_1473 = arith.constant 80 : i32
      %add3A_1474 = arith.addi %add3A_1472, %add3A_1473 : i32
      %get3A_1475 = arith.index_cast %add3A_1474 : i32 to index
      %get3A_1476 = tpu.vector_load %arg13[%get3A_1475] {strides = array<i32>} : memref<10240xi32, #tpu.memory_space<vmem>>, vector<16xi32>,
      %swap3A_1477 = arith.constant 4 : i32
      %swap3A_1478 = arith.index_cast %swap3A_1477 : i32 to index
      %swap3A_1479 = arith.constant 80 : index
      %swap3A_1480 = tpu.vector_load %arg19[%swap3A_1478, %swap3A_1479] {strides = array<i32>} : memref<5x128xi32, #tpu.memory_space<vmem>>, vector<16xi32>,
      tpu.vector_store %arg19[%swap3A_1478, %swap3A_1479], %get3A_1476 {strides = array<i32>} : memref<5x128xi32, #tpu.memory_space<vmem>>, vector<16xi32>,
      %get3A_1481 = arith.index_cast %add3A_1474 : i32 to index
      %get3A_1482 = tpu.vector_load %arg12[%get3A_1481] {strides = array<i32>} : memref<10240xi32, #tpu.memory_space<vmem>>, vector<16xi32>,
      %swap3A_1483 = arith.constant 4 : i32
      %swap3A_1484 = arith.index_cast %swap3A_1483 : i32 to index
      %swap3A_1485 = arith.constant 80 : index
      %swap3A_1486 = tpu.vector_load %arg18[%swap3A_1484, %swap3A_1485] {strides = array<i32>} : memref<5x128xi32, #tpu.memory_space<vmem>>, vector<16xi32>,
      tpu.vector_store %arg18[%swap3A_1484, %swap3A_1485], %get3A_1482 {strides = array<i32>} : memref<5x128xi32, #tpu.memory_space<vmem>>, vector<16xi32>,
      %add3A_1487 = arith.constant 512 : i32
      %add3A_1488 = arith.addi %add3A_128, %add3A_1487 : i32
      %add3A_1489 = arith.constant 96 : i32
      %add3A_1490 = arith.addi %add3A_1488, %add3A_1489 : i32
      %get3A_1491 = arith.index_cast %add3A_1490 : i32 to index
      %get3A_1492 = tpu.vector_load %arg13[%get3A_1491] {strides = array<i32>} : memref<10240xi32, #tpu.memory_space<vmem>>, vector<16xi32>,
      %swap3A_1493 = arith.constant 4 : i32
      %swap3A_1494 = arith.index_cast %swap3A_1493 : i32 to index
      %swap3A_1495 = arith.constant 96 : index
      %swap3A_1496 = tpu.vector_load %arg19[%swap3A_1494, %swap3A_1495] {strides = array<i32>} : memref<5x128xi32, #tpu.memory_space<vmem>>, vector<16xi32>,
      tpu.vector_store %arg19[%swap3A_1494, %swap3A_1495], %get3A_1492 {strides = array<i32>} : memref<5x128xi32, #tpu.memory_space<vmem>>, vector<16xi32>,
      %get3A_1497 = arith.index_cast %add3A_1490 : i32 to index
      %get3A_1498 = tpu.vector_load %arg12[%get3A_1497] {strides = array<i32>} : memref<10240xi32, #tpu.memory_space<vmem>>, vector<16xi32>,
      %swap3A_1499 = arith.constant 4 : i32
      %swap3A_1500 = arith.index_cast %swap3A_1499 : i32 to index
      %swap3A_1501 = arith.constant 96 : index
      %swap3A_1502 = tpu.vector_load %arg18[%swap3A_1500, %swap3A_1501] {strides = array<i32>} : memref<5x128xi32, #tpu.memory_space<vmem>>, vector<16xi32>,
      tpu.vector_store %arg18[%swap3A_1500, %swap3A_1501], %get3A_1498 {strides = array<i32>} : memref<5x128xi32, #tpu.memory_space<vmem>>, vector<16xi32>,
      %add3A_1503 = arith.constant 512 : i32
      %add3A_1504 = arith.addi %add3A_128, %add3A_1503 : i32
      %add3A_1505 = arith.constant 112 : i32
      %add3A_1506 = arith.addi %add3A_1504, %add3A_1505 : i32
      %get3A_1507 = arith.index_cast %add3A_1506 : i32 to index
      %get3A_1508 = tpu.vector_load %arg13[%get3A_1507] {strides = array<i32>} : memref<10240xi32, #tpu.memory_space<vmem>>, vector<16xi32>,
      %swap3A_1509 = arith.constant 4 : i32
      %swap3A_1510 = arith.index_cast %swap3A_1509 : i32 to index
      %swap3A_1511 = arith.constant 112 : index
      %swap3A_1512 = tpu.vector_load %arg19[%swap3A_1510, %swap3A_1511] {strides = array<i32>} : memref<5x128xi32, #tpu.memory_space<vmem>>, vector<16xi32>,
      tpu.vector_store %arg19[%swap3A_1510, %swap3A_1511], %get3A_1508 {strides = array<i32>} : memref<5x128xi32, #tpu.memory_space<vmem>>, vector<16xi32>,
      %get3A_1513 = arith.index_cast %add3A_1506 : i32 to index
      %get3A_1514 = tpu.vector_load %arg12[%get3A_1513] {strides = array<i32>} : memref<10240xi32, #tpu.memory_space<vmem>>, vector<16xi32>,
      %swap3A_1515 = arith.constant 4 : i32
      %swap3A_1516 = arith.index_cast %swap3A_1515 : i32 to index
      %swap3A_1517 = arith.constant 112 : index
      %swap3A_1518 = tpu.vector_load %arg18[%swap3A_1516, %swap3A_1517] {strides = array<i32>} : memref<5x128xi32, #tpu.memory_space<vmem>>, vector<16xi32>,
      tpu.vector_store %arg18[%swap3A_1516, %swap3A_1517], %get3A_1514 {strides = array<i32>} : memref<5x128xi32, #tpu.memory_space<vmem>>, vector<16xi32>,
      %dma_wait3A_1519 = tpu.memref_slice %arg12[%add3A_128] : memref<10240xi32, #tpu.memory_space<vmem>> -> memref<640xi32, #tpu.memory_space<vmem>>
      %dma_wait3A_1520 = arith.constant 0 : i32
      %dma_wait3A_1521 = arith.constant 0 : i32
      %dma_wait3A_1522 = tpu.memref_slice %arg29[%dma_wait3A_1520, %dma_wait3A_1521] : memref<10240x16xf32, #tpu.memory_space<vmem_shared>> -> memref<10240x16xf32, #tpu.memory_space<vmem_shared>>
      tpu.wait_indirect_dma semaphore(%arg33 : memref<!tpu.dma_semaphore, #tpu.memory_space<semaphore_mem>>) src(%dma_wait3A_1522 : memref<10240x16xf32, #tpu.memory_space<vmem_shared>>) dst(%arg21 : memref<640x16xf32, #tpu.memory_space<vmem>>)
      %dma_wait3A_1523 = tpu.memref_slice %arg13[%add3A_128] : memref<10240xi32, #tpu.memory_space<vmem>> -> memref<640xi32, #tpu.memory_space<vmem>>
      %dma_wait3A_1524 = arith.constant 0 : i32
      %dma_wait3A_1525 = tpu.memref_slice %arg28[%dma_wait3A_1524] : memref<10240xf32, #tpu.memory_space<vmem_shared>> -> memref<10240xf32, #tpu.memory_space<vmem_shared>>
      tpu.wait_indirect_dma semaphore(%arg33 : memref<!tpu.dma_semaphore, #tpu.memory_space<semaphore_mem>>) src(%dma_wait3A_1525 : memref<10240xf32, #tpu.memory_space<vmem_shared>>) dst(%arg23 : memref<640xf32, #tpu.memory_space<vmem>>)
      %dma_start3A_1526 = arith.constant 0 : i32
      %dma_start3A_1527 = arith.constant 0 : i32
      %dma_start3A_1528 = arith.constant 0 : i32
      %dma_start3A_1529 = tpu.memref_slice %arg21[%dma_start3A_1527, %dma_start3A_1528] : memref<640x16xf32, #tpu.memory_space<vmem>> -> memref<128x16xf32, #tpu.memory_space<vmem>>
      %dma_start3A_1530 = arith.constant 0 : i32
      %dma_start3A_1531 = tpu.memref_slice %arg19[%dma_start3A_1526, %dma_start3A_1530] : memref<5x128xi32, #tpu.memory_space<vmem>> -> memref<1x128xi32, #tpu.memory_space<vmem>>
      %dma_start3A_1532 = tpu.memref_squeeze %dma_start3A_1531 : memref<1x128xi32, #tpu.memory_space<vmem>> -> memref<128xi32, #tpu.memory_space<vmem>>
      %dma_start3A_1533 = arith.constant 0 : i32
      %dma_start3A_1534 = arith.constant 0 : i32
      %dma_start3A_1535 = tpu.memref_slice %arg30[%dma_start3A_1533, %dma_start3A_1534] : memref<10240x16xf32, #tpu.memory_space<vmem_shared>> -> memref<10240x16xf32, #tpu.memory_space<vmem_shared>>
      tpu.enqueue_indirect_dma source(%dma_start3A_1529 : memref<128x16xf32, #tpu.memory_space<vmem>>) target(%dma_start3A_1535 : memref<10240x16xf32, #tpu.memory_space<vmem_shared>>) offsets(%dma_start3A_1532 : memref<128xi32, #tpu.memory_space<vmem>>) semaphore(%arg35 : memref<!tpu.dma_semaphore, #tpu.memory_space<semaphore_mem>>) {add = true}
      %dma_start3A_1536 = arith.constant 0 : i32
      %dma_start3A_1537 = arith.constant 0 : i32
      %dma_start3A_1538 = tpu.memref_slice %arg23[%dma_start3A_1537] : memref<640xf32, #tpu.memory_space<vmem>> -> memref<128xf32, #tpu.memory_space<vmem>>
      %dma_start3A_1539 = arith.constant 0 : i32
      %dma_start3A_1540 = tpu.memref_slice %arg18[%dma_start3A_1536, %dma_start3A_1539] : memref<5x128xi32, #tpu.memory_space<vmem>> -> memref<1x128xi32, #tpu.memory_space<vmem>>
      %dma_start3A_1541 = tpu.memref_squeeze %dma_start3A_1540 : memref<1x128xi32, #tpu.memory_space<vmem>> -> memref<128xi32, #tpu.memory_space<vmem>>
      %dma_start3A_1542 = arith.constant 0 : i32
      %dma_start3A_1543 = tpu.memref_slice %arg31[%dma_start3A_1542] : memref<10240xf32, #tpu.memory_space<vmem_shared>> -> memref<10240xf32, #tpu.memory_space<vmem_shared>>
      tpu.enqueue_indirect_dma source(%dma_start3A_1538 : memref<128xf32, #tpu.memory_space<vmem>>) target(%dma_start3A_1543 : memref<10240xf32, #tpu.memory_space<vmem_shared>>) offsets(%dma_start3A_1541 : memref<128xi32, #tpu.memory_space<vmem>>) semaphore(%arg35 : memref<!tpu.dma_semaphore, #tpu.memory_space<semaphore_mem>>) {add = true}
      %dma_start3A_1544 = arith.constant 1 : i32
      %dma_start3A_1545 = arith.constant 128 : i32
      %dma_start3A_1546 = arith.constant 0 : i32
      %dma_start3A_1547 = tpu.memref_slice %arg21[%dma_start3A_1545, %dma_start3A_1546] : memref<640x16xf32, #tpu.memory_space<vmem>> -> memref<128x16xf32, #tpu.memory_space<vmem>>
      %dma_start3A_1548 = arith.constant 0 : i32
      %dma_start3A_1549 = tpu.memref_slice %arg19[%dma_start3A_1544, %dma_start3A_1548] : memref<5x128xi32, #tpu.memory_space<vmem>> -> memref<1x128xi32, #tpu.memory_space<vmem>>
      %dma_start3A_1550 = tpu.memref_squeeze %dma_start3A_1549 : memref<1x128xi32, #tpu.memory_space<vmem>> -> memref<128xi32, #tpu.memory_space<vmem>>
      %dma_start3A_1551 = arith.constant 0 : i32
      %dma_start3A_1552 = arith.constant 0 : i32
      %dma_start3A_1553 = tpu.memref_slice %arg30[%dma_start3A_1551, %dma_start3A_1552] : memref<10240x16xf32, #tpu.memory_space<vmem_shared>> -> memref<10240x16xf32, #tpu.memory_space<vmem_shared>>
      tpu.enqueue_indirect_dma source(%dma_start3A_1547 : memref<128x16xf32, #tpu.memory_space<vmem>>) target(%dma_start3A_1553 : memref<10240x16xf32, #tpu.memory_space<vmem_shared>>) offsets(%dma_start3A_1550 : memref<128xi32, #tpu.memory_space<vmem>>) semaphore(%arg35 : memref<!tpu.dma_semaphore, #tpu.memory_space<semaphore_mem>>) {add = true}
      %dma_start3A_1554 = arith.constant 1 : i32
      %dma_start3A_1555 = arith.constant 128 : i32
      %dma_start3A_1556 = tpu.memref_slice %arg23[%dma_start3A_1555] : memref<640xf32, #tpu.memory_space<vmem>> -> memref<128xf32, #tpu.memory_space<vmem>>
      %dma_start3A_1557 = arith.constant 0 : i32
      %dma_start3A_1558 = tpu.memref_slice %arg18[%dma_start3A_1554, %dma_start3A_1557] : memref<5x128xi32, #tpu.memory_space<vmem>> -> memref<1x128xi32, #tpu.memory_space<vmem>>
      %dma_start3A_1559 = tpu.memref_squeeze %dma_start3A_1558 : memref<1x128xi32, #tpu.memory_space<vmem>> -> memref<128xi32, #tpu.memory_space<vmem>>
      %dma_start3A_1560 = arith.constant 0 : i32
      %dma_start3A_1561 = tpu.memref_slice %arg31[%dma_start3A_1560] : memref<10240xf32, #tpu.memory_space<vmem_shared>> -> memref<10240xf32, #tpu.memory_space<vmem_shared>>
      tpu.enqueue_indirect_dma source(%dma_start3A_1556 : memref<128xf32, #tpu.memory_space<vmem>>) target(%dma_start3A_1561 : memref<10240xf32, #tpu.memory_space<vmem_shared>>) offsets(%dma_start3A_1559 : memref<128xi32, #tpu.memory_space<vmem>>) semaphore(%arg35 : memref<!tpu.dma_semaphore, #tpu.memory_space<semaphore_mem>>) {add = true}
      %dma_start3A_1562 = arith.constant 2 : i32
      %dma_start3A_1563 = arith.constant 256 : i32
      %dma_start3A_1564 = arith.constant 0 : i32
      %dma_start3A_1565 = tpu.memref_slice %arg21[%dma_start3A_1563, %dma_start3A_1564] : memref<640x16xf32, #tpu.memory_space<vmem>> -> memref<128x16xf32, #tpu.memory_space<vmem>>
      %dma_start3A_1566 = arith.constant 0 : i32
      %dma_start3A_1567 = tpu.memref_slice %arg19[%dma_start3A_1562, %dma_start3A_1566] : memref<5x128xi32, #tpu.memory_space<vmem>> -> memref<1x128xi32, #tpu.memory_space<vmem>>
      %dma_start3A_1568 = tpu.memref_squeeze %dma_start3A_1567 : memref<1x128xi32, #tpu.memory_space<vmem>> -> memref<128xi32, #tpu.memory_space<vmem>>
      %dma_start3A_1569 = arith.constant 0 : i32
      %dma_start3A_1570 = arith.constant 0 : i32
      %dma_start3A_1571 = tpu.memref_slice %arg30[%dma_start3A_1569, %dma_start3A_1570] : memref<10240x16xf32, #tpu.memory_space<vmem_shared>> -> memref<10240x16xf32, #tpu.memory_space<vmem_shared>>
      tpu.enqueue_indirect_dma source(%dma_start3A_1565 : memref<128x16xf32, #tpu.memory_space<vmem>>) target(%dma_start3A_1571 : memref<10240x16xf32, #tpu.memory_space<vmem_shared>>) offsets(%dma_start3A_1568 : memref<128xi32, #tpu.memory_space<vmem>>) semaphore(%arg35 : memref<!tpu.dma_semaphore, #tpu.memory_space<semaphore_mem>>) {add = true}
      %dma_start3A_1572 = arith.constant 2 : i32
      %dma_start3A_1573 = arith.constant 256 : i32
      %dma_start3A_1574 = tpu.memref_slice %arg23[%dma_start3A_1573] : memref<640xf32, #tpu.memory_space<vmem>> -> memref<128xf32, #tpu.memory_space<vmem>>
      %dma_start3A_1575 = arith.constant 0 : i32
      %dma_start3A_1576 = tpu.memref_slice %arg18[%dma_start3A_1572, %dma_start3A_1575] : memref<5x128xi32, #tpu.memory_space<vmem>> -> memref<1x128xi32, #tpu.memory_space<vmem>>
      %dma_start3A_1577 = tpu.memref_squeeze %dma_start3A_1576 : memref<1x128xi32, #tpu.memory_space<vmem>> -> memref<128xi32, #tpu.memory_space<vmem>>
      %dma_start3A_1578 = arith.constant 0 : i32
      %dma_start3A_1579 = tpu.memref_slice %arg31[%dma_start3A_1578] : memref<10240xf32, #tpu.memory_space<vmem_shared>> -> memref<10240xf32, #tpu.memory_space<vmem_shared>>
      tpu.enqueue_indirect_dma source(%dma_start3A_1574 : memref<128xf32, #tpu.memory_space<vmem>>) target(%dma_start3A_1579 : memref<10240xf32, #tpu.memory_space<vmem_shared>>) offsets(%dma_start3A_1577 : memref<128xi32, #tpu.memory_space<vmem>>) semaphore(%arg35 : memref<!tpu.dma_semaphore, #tpu.memory_space<semaphore_mem>>) {add = true}
      %dma_start3A_1580 = arith.constant 3 : i32
      %dma_start3A_1581 = arith.constant 384 : i32
      %dma_start3A_1582 = arith.constant 0 : i32
      %dma_start3A_1583 = tpu.memref_slice %arg21[%dma_start3A_1581, %dma_start3A_1582] : memref<640x16xf32, #tpu.memory_space<vmem>> -> memref<128x16xf32, #tpu.memory_space<vmem>>
      %dma_start3A_1584 = arith.constant 0 : i32
      %dma_start3A_1585 = tpu.memref_slice %arg19[%dma_start3A_1580, %dma_start3A_1584] : memref<5x128xi32, #tpu.memory_space<vmem>> -> memref<1x128xi32, #tpu.memory_space<vmem>>
      %dma_start3A_1586 = tpu.memref_squeeze %dma_start3A_1585 : memref<1x128xi32, #tpu.memory_space<vmem>> -> memref<128xi32, #tpu.memory_space<vmem>>
      %dma_start3A_1587 = arith.constant 0 : i32
      %dma_start3A_1588 = arith.constant 0 : i32
      %dma_start3A_1589 = tpu.memref_slice %arg30[%dma_start3A_1587, %dma_start3A_1588] : memref<10240x16xf32, #tpu.memory_space<vmem_shared>> -> memref<10240x16xf32, #tpu.memory_space<vmem_shared>>
      tpu.enqueue_indirect_dma source(%dma_start3A_1583 : memref<128x16xf32, #tpu.memory_space<vmem>>) target(%dma_start3A_1589 : memref<10240x16xf32, #tpu.memory_space<vmem_shared>>) offsets(%dma_start3A_1586 : memref<128xi32, #tpu.memory_space<vmem>>) semaphore(%arg35 : memref<!tpu.dma_semaphore, #tpu.memory_space<semaphore_mem>>) {add = true}
      %dma_start3A_1590 = arith.constant 3 : i32
      %dma_start3A_1591 = arith.constant 384 : i32
      %dma_start3A_1592 = tpu.memref_slice %arg23[%dma_start3A_1591] : memref<640xf32, #tpu.memory_space<vmem>> -> memref<128xf32, #tpu.memory_space<vmem>>
      %dma_start3A_1593 = arith.constant 0 : i32
      %dma_start3A_1594 = tpu.memref_slice %arg18[%dma_start3A_1590, %dma_start3A_1593] : memref<5x128xi32, #tpu.memory_space<vmem>> -> memref<1x128xi32, #tpu.memory_space<vmem>>
      %dma_start3A_1595 = tpu.memref_squeeze %dma_start3A_1594 : memref<1x128xi32, #tpu.memory_space<vmem>> -> memref<128xi32, #tpu.memory_space<vmem>>
      %dma_start3A_1596 = arith.constant 0 : i32
      %dma_start3A_1597 = tpu.memref_slice %arg31[%dma_start3A_1596] : memref<10240xf32, #tpu.memory_space<vmem_shared>> -> memref<10240xf32, #tpu.memory_space<vmem_shared>>
      tpu.enqueue_indirect_dma source(%dma_start3A_1592 : memref<128xf32, #tpu.memory_space<vmem>>) target(%dma_start3A_1597 : memref<10240xf32, #tpu.memory_space<vmem_shared>>) offsets(%dma_start3A_1595 : memref<128xi32, #tpu.memory_space<vmem>>) semaphore(%arg35 : memref<!tpu.dma_semaphore, #tpu.memory_space<semaphore_mem>>) {add = true}
      %dma_start3A_1598 = arith.constant 4 : i32
      %dma_start3A_1599 = arith.constant 512 : i32
      %dma_start3A_1600 = arith.constant 0 : i32
      %dma_start3A_1601 = tpu.memref_slice %arg21[%dma_start3A_1599, %dma_start3A_1600] : memref<640x16xf32, #tpu.memory_space<vmem>> -> memref<128x16xf32, #tpu.memory_space<vmem>>
      %dma_start3A_1602 = arith.constant 0 : i32
      %dma_start3A_1603 = tpu.memref_slice %arg19[%dma_start3A_1598, %dma_start3A_1602] : memref<5x128xi32, #tpu.memory_space<vmem>> -> memref<1x128xi32, #tpu.memory_space<vmem>>
      %dma_start3A_1604 = tpu.memref_squeeze %dma_start3A_1603 : memref<1x128xi32, #tpu.memory_space<vmem>> -> memref<128xi32, #tpu.memory_space<vmem>>
      %dma_start3A_1605 = arith.constant 0 : i32
      %dma_start3A_1606 = arith.constant 0 : i32
      %dma_start3A_1607 = tpu.memref_slice %arg30[%dma_start3A_1605, %dma_start3A_1606] : memref<10240x16xf32, #tpu.memory_space<vmem_shared>> -> memref<10240x16xf32, #tpu.memory_space<vmem_shared>>
      tpu.enqueue_indirect_dma source(%dma_start3A_1601 : memref<128x16xf32, #tpu.memory_space<vmem>>) target(%dma_start3A_1607 : memref<10240x16xf32, #tpu.memory_space<vmem_shared>>) offsets(%dma_start3A_1604 : memref<128xi32, #tpu.memory_space<vmem>>) semaphore(%arg35 : memref<!tpu.dma_semaphore, #tpu.memory_space<semaphore_mem>>) {add = true}
      %dma_start3A_1608 = arith.constant 4 : i32
      %dma_start3A_1609 = arith.constant 512 : i32
      %dma_start3A_1610 = tpu.memref_slice %arg23[%dma_start3A_1609] : memref<640xf32, #tpu.memory_space<vmem>> -> memref<128xf32, #tpu.memory_space<vmem>>
      %dma_start3A_1611 = arith.constant 0 : i32
      %dma_start3A_1612 = tpu.memref_slice %arg18[%dma_start3A_1608, %dma_start3A_1611] : memref<5x128xi32, #tpu.memory_space<vmem>> -> memref<1x128xi32, #tpu.memory_space<vmem>>
      %dma_start3A_1613 = tpu.memref_squeeze %dma_start3A_1612 : memref<1x128xi32, #tpu.memory_space<vmem>> -> memref<128xi32, #tpu.memory_space<vmem>>
      %dma_start3A_1614 = arith.constant 0 : i32
      %dma_start3A_1615 = tpu.memref_slice %arg31[%dma_start3A_1614] : memref<10240xf32, #tpu.memory_space<vmem_shared>> -> memref<10240xf32, #tpu.memory_space<vmem_shared>>
      tpu.enqueue_indirect_dma source(%dma_start3A_1610 : memref<128xf32, #tpu.memory_space<vmem>>) target(%dma_start3A_1615 : memref<10240xf32, #tpu.memory_space<vmem_shared>>) offsets(%dma_start3A_1613 : memref<128xi32, #tpu.memory_space<vmem>>) semaphore(%arg35 : memref<!tpu.dma_semaphore, #tpu.memory_space<semaphore_mem>>) {add = true}
      %dma_wait3A_1616 = arith.constant 0 : i32
      %dma_wait3A_1617 = arith.constant 0 : i32
      %dma_wait3A_1618 = arith.constant 0 : i32
      %dma_wait3A_1619 = tpu.memref_slice %arg20[%dma_wait3A_1617, %dma_wait3A_1618] : memref<640x16xf32, #tpu.memory_space<vmem>> -> memref<128x16xf32, #tpu.memory_space<vmem>>
      %dma_wait3A_1620 = arith.constant 0 : i32
      %dma_wait3A_1621 = tpu.memref_slice %arg17[%dma_wait3A_1616, %dma_wait3A_1620] : memref<5x128xi32, #tpu.memory_space<vmem>> -> memref<1x128xi32, #tpu.memory_space<vmem>>
      %dma_wait3A_1622 = tpu.memref_squeeze %dma_wait3A_1621 : memref<1x128xi32, #tpu.memory_space<vmem>> -> memref<128xi32, #tpu.memory_space<vmem>>
      %dma_wait3A_1623 = arith.constant 0 : i32
      %dma_wait3A_1624 = arith.constant 0 : i32
      %dma_wait3A_1625 = tpu.memref_slice %arg30[%dma_wait3A_1623, %dma_wait3A_1624] : memref<10240x16xf32, #tpu.memory_space<vmem_shared>> -> memref<10240x16xf32, #tpu.memory_space<vmem_shared>>
      tpu.wait_indirect_dma semaphore(%arg34 : memref<!tpu.dma_semaphore, #tpu.memory_space<semaphore_mem>>) src(%dma_wait3A_1619 : memref<128x16xf32, #tpu.memory_space<vmem>>) dst(%dma_wait3A_1625 : memref<10240x16xf32, #tpu.memory_space<vmem_shared>>)
      %dma_wait3A_1626 = arith.constant 0 : i32
      %dma_wait3A_1627 = arith.constant 0 : i32
      %dma_wait3A_1628 = tpu.memref_slice %arg22[%dma_wait3A_1627] : memref<640xf32, #tpu.memory_space<vmem>> -> memref<128xf32, #tpu.memory_space<vmem>>
      %dma_wait3A_1629 = arith.constant 0 : i32
      %dma_wait3A_1630 = tpu.memref_slice %arg16[%dma_wait3A_1626, %dma_wait3A_1629] : memref<5x128xi32, #tpu.memory_space<vmem>> -> memref<1x128xi32, #tpu.memory_space<vmem>>
      %dma_wait3A_1631 = tpu.memref_squeeze %dma_wait3A_1630 : memref<1x128xi32, #tpu.memory_space<vmem>> -> memref<128xi32, #tpu.memory_space<vmem>>
      %dma_wait3A_1632 = arith.constant 0 : i32
      %dma_wait3A_1633 = tpu.memref_slice %arg31[%dma_wait3A_1632] : memref<10240xf32, #tpu.memory_space<vmem_shared>> -> memref<10240xf32, #tpu.memory_space<vmem_shared>>
      tpu.wait_indirect_dma semaphore(%arg34 : memref<!tpu.dma_semaphore, #tpu.memory_space<semaphore_mem>>) src(%dma_wait3A_1628 : memref<128xf32, #tpu.memory_space<vmem>>) dst(%dma_wait3A_1633 : memref<10240xf32, #tpu.memory_space<vmem_shared>>)
      %dma_wait3A_1634 = arith.constant 1 : i32
      %dma_wait3A_1635 = arith.constant 128 : i32
      %dma_wait3A_1636 = arith.constant 0 : i32
      %dma_wait3A_1637 = tpu.memref_slice %arg20[%dma_wait3A_1635, %dma_wait3A_1636] : memref<640x16xf32, #tpu.memory_space<vmem>> -> memref<128x16xf32, #tpu.memory_space<vmem>>
      %dma_wait3A_1638 = arith.constant 0 : i32
      %dma_wait3A_1639 = tpu.memref_slice %arg17[%dma_wait3A_1634, %dma_wait3A_1638] : memref<5x128xi32, #tpu.memory_space<vmem>> -> memref<1x128xi32, #tpu.memory_space<vmem>>
      %dma_wait3A_1640 = tpu.memref_squeeze %dma_wait3A_1639 : memref<1x128xi32, #tpu.memory_space<vmem>> -> memref<128xi32, #tpu.memory_space<vmem>>
      %dma_wait3A_1641 = arith.constant 0 : i32
      %dma_wait3A_1642 = arith.constant 0 : i32
      %dma_wait3A_1643 = tpu.memref_slice %arg30[%dma_wait3A_1641, %dma_wait3A_1642] : memref<10240x16xf32, #tpu.memory_space<vmem_shared>> -> memref<10240x16xf32, #tpu.memory_space<vmem_shared>>
      tpu.wait_indirect_dma semaphore(%arg34 : memref<!tpu.dma_semaphore, #tpu.memory_space<semaphore_mem>>) src(%dma_wait3A_1637 : memref<128x16xf32, #tpu.memory_space<vmem>>) dst(%dma_wait3A_1643 : memref<10240x16xf32, #tpu.memory_space<vmem_shared>>)
      %dma_wait3A_1644 = arith.constant 1 : i32
      %dma_wait3A_1645 = arith.constant 128 : i32
      %dma_wait3A_1646 = tpu.memref_slice %arg22[%dma_wait3A_1645] : memref<640xf32, #tpu.memory_space<vmem>> -> memref<128xf32, #tpu.memory_space<vmem>>
      %dma_wait3A_1647 = arith.constant 0 : i32
      %dma_wait3A_1648 = tpu.memref_slice %arg16[%dma_wait3A_1644, %dma_wait3A_1647] : memref<5x128xi32, #tpu.memory_space<vmem>> -> memref<1x128xi32, #tpu.memory_space<vmem>>
      %dma_wait3A_1649 = tpu.memref_squeeze %dma_wait3A_1648 : memref<1x128xi32, #tpu.memory_space<vmem>> -> memref<128xi32, #tpu.memory_space<vmem>>
      %dma_wait3A_1650 = arith.constant 0 : i32
      %dma_wait3A_1651 = tpu.memref_slice %arg31[%dma_wait3A_1650] : memref<10240xf32, #tpu.memory_space<vmem_shared>> -> memref<10240xf32, #tpu.memory_space<vmem_shared>>
      tpu.wait_indirect_dma semaphore(%arg34 : memref<!tpu.dma_semaphore, #tpu.memory_space<semaphore_mem>>) src(%dma_wait3A_1646 : memref<128xf32, #tpu.memory_space<vmem>>) dst(%dma_wait3A_1651 : memref<10240xf32, #tpu.memory_space<vmem_shared>>)
      %dma_wait3A_1652 = arith.constant 2 : i32
      %dma_wait3A_1653 = arith.constant 256 : i32
      %dma_wait3A_1654 = arith.constant 0 : i32
      %dma_wait3A_1655 = tpu.memref_slice %arg20[%dma_wait3A_1653, %dma_wait3A_1654] : memref<640x16xf32, #tpu.memory_space<vmem>> -> memref<128x16xf32, #tpu.memory_space<vmem>>
      %dma_wait3A_1656 = arith.constant 0 : i32
      %dma_wait3A_1657 = tpu.memref_slice %arg17[%dma_wait3A_1652, %dma_wait3A_1656] : memref<5x128xi32, #tpu.memory_space<vmem>> -> memref<1x128xi32, #tpu.memory_space<vmem>>
      %dma_wait3A_1658 = tpu.memref_squeeze %dma_wait3A_1657 : memref<1x128xi32, #tpu.memory_space<vmem>> -> memref<128xi32, #tpu.memory_space<vmem>>
      %dma_wait3A_1659 = arith.constant 0 : i32
      %dma_wait3A_1660 = arith.constant 0 : i32
      %dma_wait3A_1661 = tpu.memref_slice %arg30[%dma_wait3A_1659, %dma_wait3A_1660] : memref<10240x16xf32, #tpu.memory_space<vmem_shared>> -> memref<10240x16xf32, #tpu.memory_space<vmem_shared>>
      tpu.wait_indirect_dma semaphore(%arg34 : memref<!tpu.dma_semaphore, #tpu.memory_space<semaphore_mem>>) src(%dma_wait3A_1655 : memref<128x16xf32, #tpu.memory_space<vmem>>) dst(%dma_wait3A_1661 : memref<10240x16xf32, #tpu.memory_space<vmem_shared>>)
      %dma_wait3A_1662 = arith.constant 2 : i32
      %dma_wait3A_1663 = arith.constant 256 : i32
      %dma_wait3A_1664 = tpu.memref_slice %arg22[%dma_wait3A_1663] : memref<640xf32, #tpu.memory_space<vmem>> -> memref<128xf32, #tpu.memory_space<vmem>>
      %dma_wait3A_1665 = arith.constant 0 : i32
      %dma_wait3A_1666 = tpu.memref_slice %arg16[%dma_wait3A_1662, %dma_wait3A_1665] : memref<5x128xi32, #tpu.memory_space<vmem>> -> memref<1x128xi32, #tpu.memory_space<vmem>>
      %dma_wait3A_1667 = tpu.memref_squeeze %dma_wait3A_1666 : memref<1x128xi32, #tpu.memory_space<vmem>> -> memref<128xi32, #tpu.memory_space<vmem>>
      %dma_wait3A_1668 = arith.constant 0 : i32
      %dma_wait3A_1669 = tpu.memref_slice %arg31[%dma_wait3A_1668] : memref<10240xf32, #tpu.memory_space<vmem_shared>> -> memref<10240xf32, #tpu.memory_space<vmem_shared>>
      tpu.wait_indirect_dma semaphore(%arg34 : memref<!tpu.dma_semaphore, #tpu.memory_space<semaphore_mem>>) src(%dma_wait3A_1664 : memref<128xf32, #tpu.memory_space<vmem>>) dst(%dma_wait3A_1669 : memref<10240xf32, #tpu.memory_space<vmem_shared>>)
      %dma_wait3A_1670 = arith.constant 3 : i32
      %dma_wait3A_1671 = arith.constant 384 : i32
      %dma_wait3A_1672 = arith.constant 0 : i32
      %dma_wait3A_1673 = tpu.memref_slice %arg20[%dma_wait3A_1671, %dma_wait3A_1672] : memref<640x16xf32, #tpu.memory_space<vmem>> -> memref<128x16xf32, #tpu.memory_space<vmem>>
      %dma_wait3A_1674 = arith.constant 0 : i32
      %dma_wait3A_1675 = tpu.memref_slice %arg17[%dma_wait3A_1670, %dma_wait3A_1674] : memref<5x128xi32, #tpu.memory_space<vmem>> -> memref<1x128xi32, #tpu.memory_space<vmem>>
      %dma_wait3A_1676 = tpu.memref_squeeze %dma_wait3A_1675 : memref<1x128xi32, #tpu.memory_space<vmem>> -> memref<128xi32, #tpu.memory_space<vmem>>
      %dma_wait3A_1677 = arith.constant 0 : i32
      %dma_wait3A_1678 = arith.constant 0 : i32
      %dma_wait3A_1679 = tpu.memref_slice %arg30[%dma_wait3A_1677, %dma_wait3A_1678] : memref<10240x16xf32, #tpu.memory_space<vmem_shared>> -> memref<10240x16xf32, #tpu.memory_space<vmem_shared>>
      tpu.wait_indirect_dma semaphore(%arg34 : memref<!tpu.dma_semaphore, #tpu.memory_space<semaphore_mem>>) src(%dma_wait3A_1673 : memref<128x16xf32, #tpu.memory_space<vmem>>) dst(%dma_wait3A_1679 : memref<10240x16xf32, #tpu.memory_space<vmem_shared>>)
      %dma_wait3A_1680 = arith.constant 3 : i32
      %dma_wait3A_1681 = arith.constant 384 : i32
      %dma_wait3A_1682 = tpu.memref_slice %arg22[%dma_wait3A_1681] : memref<640xf32, #tpu.memory_space<vmem>> -> memref<128xf32, #tpu.memory_space<vmem>>
      %dma_wait3A_1683 = arith.constant 0 : i32
      %dma_wait3A_1684 = tpu.memref_slice %arg16[%dma_wait3A_1680, %dma_wait3A_1683] : memref<5x128xi32, #tpu.memory_space<vmem>> -> memref<1x128xi32, #tpu.memory_space<vmem>>
      %dma_wait3A_1685 = tpu.memref_squeeze %dma_wait3A_1684 : memref<1x128xi32, #tpu.memory_space<vmem>> -> memref<128xi32, #tpu.memory_space<vmem>>
      %dma_wait3A_1686 = arith.constant 0 : i32
      %dma_wait3A_1687 = tpu.memref_slice %arg31[%dma_wait3A_1686] : memref<10240xf32, #tpu.memory_space<vmem_shared>> -> memref<10240xf32, #tpu.memory_space<vmem_shared>>
      tpu.wait_indirect_dma semaphore(%arg34 : memref<!tpu.dma_semaphore, #tpu.memory_space<semaphore_mem>>) src(%dma_wait3A_1682 : memref<128xf32, #tpu.memory_space<vmem>>) dst(%dma_wait3A_1687 : memref<10240xf32, #tpu.memory_space<vmem_shared>>)
      %dma_wait3A_1688 = arith.constant 4 : i32
      %dma_wait3A_1689 = arith.constant 512 : i32
      %dma_wait3A_1690 = arith.constant 0 : i32
      %dma_wait3A_1691 = tpu.memref_slice %arg20[%dma_wait3A_1689, %dma_wait3A_1690] : memref<640x16xf32, #tpu.memory_space<vmem>> -> memref<128x16xf32, #tpu.memory_space<vmem>>
      %dma_wait3A_1692 = arith.constant 0 : i32
      %dma_wait3A_1693 = tpu.memref_slice %arg17[%dma_wait3A_1688, %dma_wait3A_1692] : memref<5x128xi32, #tpu.memory_space<vmem>> -> memref<1x128xi32, #tpu.memory_space<vmem>>
      %dma_wait3A_1694 = tpu.memref_squeeze %dma_wait3A_1693 : memref<1x128xi32, #tpu.memory_space<vmem>> -> memref<128xi32, #tpu.memory_space<vmem>>
      %dma_wait3A_1695 = arith.constant 0 : i32
      %dma_wait3A_1696 = arith.constant 0 : i32
      %dma_wait3A_1697 = tpu.memref_slice %arg30[%dma_wait3A_1695, %dma_wait3A_1696] : memref<10240x16xf32, #tpu.memory_space<vmem_shared>> -> memref<10240x16xf32, #tpu.memory_space<vmem_shared>>
      tpu.wait_indirect_dma semaphore(%arg34 : memref<!tpu.dma_semaphore, #tpu.memory_space<semaphore_mem>>) src(%dma_wait3A_1691 : memref<128x16xf32, #tpu.memory_space<vmem>>) dst(%dma_wait3A_1697 : memref<10240x16xf32, #tpu.memory_space<vmem_shared>>)
      %dma_wait3A_1698 = arith.constant 4 : i32
      %dma_wait3A_1699 = arith.constant 512 : i32
      %dma_wait3A_1700 = tpu.memref_slice %arg22[%dma_wait3A_1699] : memref<640xf32, #tpu.memory_space<vmem>> -> memref<128xf32, #tpu.memory_space<vmem>>
      %dma_wait3A_1701 = arith.constant 0 : i32
      %dma_wait3A_1702 = tpu.memref_slice %arg16[%dma_wait3A_1698, %dma_wait3A_1701] : memref<5x128xi32, #tpu.memory_space<vmem>> -> memref<1x128xi32, #tpu.memory_space<vmem>>
      %dma_wait3A_1703 = tpu.memref_squeeze %dma_wait3A_1702 : memref<1x128xi32, #tpu.memory_space<vmem>> -> memref<128xi32, #tpu.memory_space<vmem>>
      %dma_wait3A_1704 = arith.constant 0 : i32
      %dma_wait3A_1705 = tpu.memref_slice %arg31[%dma_wait3A_1704] : memref<10240xf32, #tpu.memory_space<vmem_shared>> -> memref<10240xf32, #tpu.memory_space<vmem_shared>>
      tpu.wait_indirect_dma semaphore(%arg34 : memref<!tpu.dma_semaphore, #tpu.memory_space<semaphore_mem>>) src(%dma_wait3A_1700 : memref<128xf32, #tpu.memory_space<vmem>>) dst(%dma_wait3A_1705 : memref<10240xf32, #tpu.memory_space<vmem_shared>>)
      %dma_wait3A_1706 = arith.constant 0 : i32
      %dma_wait3A_1707 = arith.constant 0 : i32
      %dma_wait3A_1708 = arith.constant 0 : i32
      %dma_wait3A_1709 = tpu.memref_slice %arg21[%dma_wait3A_1707, %dma_wait3A_1708] : memref<640x16xf32, #tpu.memory_space<vmem>> -> memref<128x16xf32, #tpu.memory_space<vmem>>
      %dma_wait3A_1710 = arith.constant 0 : i32
      %dma_wait3A_1711 = tpu.memref_slice %arg19[%dma_wait3A_1706, %dma_wait3A_1710] : memref<5x128xi32, #tpu.memory_space<vmem>> -> memref<1x128xi32, #tpu.memory_space<vmem>>
      %dma_wait3A_1712 = tpu.memref_squeeze %dma_wait3A_1711 : memref<1x128xi32, #tpu.memory_space<vmem>> -> memref<128xi32, #tpu.memory_space<vmem>>
      %dma_wait3A_1713 = arith.constant 0 : i32
      %dma_wait3A_1714 = arith.constant 0 : i32
      %dma_wait3A_1715 = tpu.memref_slice %arg30[%dma_wait3A_1713, %dma_wait3A_1714] : memref<10240x16xf32, #tpu.memory_space<vmem_shared>> -> memref<10240x16xf32, #tpu.memory_space<vmem_shared>>
      tpu.wait_indirect_dma semaphore(%arg35 : memref<!tpu.dma_semaphore, #tpu.memory_space<semaphore_mem>>) src(%dma_wait3A_1709 : memref<128x16xf32, #tpu.memory_space<vmem>>) dst(%dma_wait3A_1715 : memref<10240x16xf32, #tpu.memory_space<vmem_shared>>)
      %dma_wait3A_1716 = arith.constant 0 : i32
      %dma_wait3A_1717 = arith.constant 0 : i32
      %dma_wait3A_1718 = tpu.memref_slice %arg23[%dma_wait3A_1717] : memref<640xf32, #tpu.memory_space<vmem>> -> memref<128xf32, #tpu.memory_space<vmem>>
      %dma_wait3A_1719 = arith.constant 0 : i32
      %dma_wait3A_1720 = tpu.memref_slice %arg18[%dma_wait3A_1716, %dma_wait3A_1719] : memref<5x128xi32, #tpu.memory_space<vmem>> -> memref<1x128xi32, #tpu.memory_space<vmem>>
      %dma_wait3A_1721 = tpu.memref_squeeze %dma_wait3A_1720 : memref<1x128xi32, #tpu.memory_space<vmem>> -> memref<128xi32, #tpu.memory_space<vmem>>
      %dma_wait3A_1722 = arith.constant 0 : i32
      %dma_wait3A_1723 = tpu.memref_slice %arg31[%dma_wait3A_1722] : memref<10240xf32, #tpu.memory_space<vmem_shared>> -> memref<10240xf32, #tpu.memory_space<vmem_shared>>
      tpu.wait_indirect_dma semaphore(%arg35 : memref<!tpu.dma_semaphore, #tpu.memory_space<semaphore_mem>>) src(%dma_wait3A_1718 : memref<128xf32, #tpu.memory_space<vmem>>) dst(%dma_wait3A_1723 : memref<10240xf32, #tpu.memory_space<vmem_shared>>)
      %dma_wait3A_1724 = arith.constant 1 : i32
      %dma_wait3A_1725 = arith.constant 128 : i32
      %dma_wait3A_1726 = arith.constant 0 : i32
      %dma_wait3A_1727 = tpu.memref_slice %arg21[%dma_wait3A_1725, %dma_wait3A_1726] : memref<640x16xf32, #tpu.memory_space<vmem>> -> memref<128x16xf32, #tpu.memory_space<vmem>>
      %dma_wait3A_1728 = arith.constant 0 : i32
      %dma_wait3A_1729 = tpu.memref_slice %arg19[%dma_wait3A_1724, %dma_wait3A_1728] : memref<5x128xi32, #tpu.memory_space<vmem>> -> memref<1x128xi32, #tpu.memory_space<vmem>>
      %dma_wait3A_1730 = tpu.memref_squeeze %dma_wait3A_1729 : memref<1x128xi32, #tpu.memory_space<vmem>> -> memref<128xi32, #tpu.memory_space<vmem>>
      %dma_wait3A_1731 = arith.constant 0 : i32
      %dma_wait3A_1732 = arith.constant 0 : i32
      %dma_wait3A_1733 = tpu.memref_slice %arg30[%dma_wait3A_1731, %dma_wait3A_1732] : memref<10240x16xf32, #tpu.memory_space<vmem_shared>> -> memref<10240x16xf32, #tpu.memory_space<vmem_shared>>
      tpu.wait_indirect_dma semaphore(%arg35 : memref<!tpu.dma_semaphore, #tpu.memory_space<semaphore_mem>>) src(%dma_wait3A_1727 : memref<128x16xf32, #tpu.memory_space<vmem>>) dst(%dma_wait3A_1733 : memref<10240x16xf32, #tpu.memory_space<vmem_shared>>)
      %dma_wait3A_1734 = arith.constant 1 : i32
      %dma_wait3A_1735 = arith.constant 128 : i32
      %dma_wait3A_1736 = tpu.memref_slice %arg23[%dma_wait3A_1735] : memref<640xf32, #tpu.memory_space<vmem>> -> memref<128xf32, #tpu.memory_space<vmem>>
      %dma_wait3A_1737 = arith.constant 0 : i32
      %dma_wait3A_1738 = tpu.memref_slice %arg18[%dma_wait3A_1734, %dma_wait3A_1737] : memref<5x128xi32, #tpu.memory_space<vmem>> -> memref<1x128xi32, #tpu.memory_space<vmem>>
      %dma_wait3A_1739 = tpu.memref_squeeze %dma_wait3A_1738 : memref<1x128xi32, #tpu.memory_space<vmem>> -> memref<128xi32, #tpu.memory_space<vmem>>
      %dma_wait3A_1740 = arith.constant 0 : i32
      %dma_wait3A_1741 = tpu.memref_slice %arg31[%dma_wait3A_1740] : memref<10240xf32, #tpu.memory_space<vmem_shared>> -> memref<10240xf32, #tpu.memory_space<vmem_shared>>
      tpu.wait_indirect_dma semaphore(%arg35 : memref<!tpu.dma_semaphore, #tpu.memory_space<semaphore_mem>>) src(%dma_wait3A_1736 : memref<128xf32, #tpu.memory_space<vmem>>) dst(%dma_wait3A_1741 : memref<10240xf32, #tpu.memory_space<vmem_shared>>)
      %dma_wait3A_1742 = arith.constant 2 : i32
      %dma_wait3A_1743 = arith.constant 256 : i32
      %dma_wait3A_1744 = arith.constant 0 : i32
      %dma_wait3A_1745 = tpu.memref_slice %arg21[%dma_wait3A_1743, %dma_wait3A_1744] : memref<640x16xf32, #tpu.memory_space<vmem>> -> memref<128x16xf32, #tpu.memory_space<vmem>>
      %dma_wait3A_1746 = arith.constant 0 : i32
      %dma_wait3A_1747 = tpu.memref_slice %arg19[%dma_wait3A_1742, %dma_wait3A_1746] : memref<5x128xi32, #tpu.memory_space<vmem>> -> memref<1x128xi32, #tpu.memory_space<vmem>>
      %dma_wait3A_1748 = tpu.memref_squeeze %dma_wait3A_1747 : memref<1x128xi32, #tpu.memory_space<vmem>> -> memref<128xi32, #tpu.memory_space<vmem>>
      %dma_wait3A_1749 = arith.constant 0 : i32
      %dma_wait3A_1750 = arith.constant 0 : i32
      %dma_wait3A_1751 = tpu.memref_slice %arg30[%dma_wait3A_1749, %dma_wait3A_1750] : memref<10240x16xf32, #tpu.memory_space<vmem_shared>> -> memref<10240x16xf32, #tpu.memory_space<vmem_shared>>
      tpu.wait_indirect_dma semaphore(%arg35 : memref<!tpu.dma_semaphore, #tpu.memory_space<semaphore_mem>>) src(%dma_wait3A_1745 : memref<128x16xf32, #tpu.memory_space<vmem>>) dst(%dma_wait3A_1751 : memref<10240x16xf32, #tpu.memory_space<vmem_shared>>)
      %dma_wait3A_1752 = arith.constant 2 : i32
      %dma_wait3A_1753 = arith.constant 256 : i32
      %dma_wait3A_1754 = tpu.memref_slice %arg23[%dma_wait3A_1753] : memref<640xf32, #tpu.memory_space<vmem>> -> memref<128xf32, #tpu.memory_space<vmem>>
      %dma_wait3A_1755 = arith.constant 0 : i32
      %dma_wait3A_1756 = tpu.memref_slice %arg18[%dma_wait3A_1752, %dma_wait3A_1755] : memref<5x128xi32, #tpu.memory_space<vmem>> -> memref<1x128xi32, #tpu.memory_space<vmem>>
      %dma_wait3A_1757 = tpu.memref_squeeze %dma_wait3A_1756 : memref<1x128xi32, #tpu.memory_space<vmem>> -> memref<128xi32, #tpu.memory_space<vmem>>
      %dma_wait3A_1758 = arith.constant 0 : i32
      %dma_wait3A_1759 = tpu.memref_slice %arg31[%dma_wait3A_1758] : memref<10240xf32, #tpu.memory_space<vmem_shared>> -> memref<10240xf32, #tpu.memory_space<vmem_shared>>
      tpu.wait_indirect_dma semaphore(%arg35 : memref<!tpu.dma_semaphore, #tpu.memory_space<semaphore_mem>>) src(%dma_wait3A_1754 : memref<128xf32, #tpu.memory_space<vmem>>) dst(%dma_wait3A_1759 : memref<10240xf32, #tpu.memory_space<vmem_shared>>)
      %dma_wait3A_1760 = arith.constant 3 : i32
      %dma_wait3A_1761 = arith.constant 384 : i32
      %dma_wait3A_1762 = arith.constant 0 : i32
      %dma_wait3A_1763 = tpu.memref_slice %arg21[%dma_wait3A_1761, %dma_wait3A_1762] : memref<640x16xf32, #tpu.memory_space<vmem>> -> memref<128x16xf32, #tpu.memory_space<vmem>>
      %dma_wait3A_1764 = arith.constant 0 : i32
      %dma_wait3A_1765 = tpu.memref_slice %arg19[%dma_wait3A_1760, %dma_wait3A_1764] : memref<5x128xi32, #tpu.memory_space<vmem>> -> memref<1x128xi32, #tpu.memory_space<vmem>>
      %dma_wait3A_1766 = tpu.memref_squeeze %dma_wait3A_1765 : memref<1x128xi32, #tpu.memory_space<vmem>> -> memref<128xi32, #tpu.memory_space<vmem>>
      %dma_wait3A_1767 = arith.constant 0 : i32
      %dma_wait3A_1768 = arith.constant 0 : i32
      %dma_wait3A_1769 = tpu.memref_slice %arg30[%dma_wait3A_1767, %dma_wait3A_1768] : memref<10240x16xf32, #tpu.memory_space<vmem_shared>> -> memref<10240x16xf32, #tpu.memory_space<vmem_shared>>
      tpu.wait_indirect_dma semaphore(%arg35 : memref<!tpu.dma_semaphore, #tpu.memory_space<semaphore_mem>>) src(%dma_wait3A_1763 : memref<128x16xf32, #tpu.memory_space<vmem>>) dst(%dma_wait3A_1769 : memref<10240x16xf32, #tpu.memory_space<vmem_shared>>)
      %dma_wait3A_1770 = arith.constant 3 : i32
      %dma_wait3A_1771 = arith.constant 384 : i32
      %dma_wait3A_1772 = tpu.memref_slice %arg23[%dma_wait3A_1771] : memref<640xf32, #tpu.memory_space<vmem>> -> memref<128xf32, #tpu.memory_space<vmem>>
      %dma_wait3A_1773 = arith.constant 0 : i32
      %dma_wait3A_1774 = tpu.memref_slice %arg18[%dma_wait3A_1770, %dma_wait3A_1773] : memref<5x128xi32, #tpu.memory_space<vmem>> -> memref<1x128xi32, #tpu.memory_space<vmem>>
      %dma_wait3A_1775 = tpu.memref_squeeze %dma_wait3A_1774 : memref<1x128xi32, #tpu.memory_space<vmem>> -> memref<128xi32, #tpu.memory_space<vmem>>
      %dma_wait3A_1776 = arith.constant 0 : i32
      %dma_wait3A_1777 = tpu.memref_slice %arg31[%dma_wait3A_1776] : memref<10240xf32, #tpu.memory_space<vmem_shared>> -> memref<10240xf32, #tpu.memory_space<vmem_shared>>
      tpu.wait_indirect_dma semaphore(%arg35 : memref<!tpu.dma_semaphore, #tpu.memory_space<semaphore_mem>>) src(%dma_wait3A_1772 : memref<128xf32, #tpu.memory_space<vmem>>) dst(%dma_wait3A_1777 : memref<10240xf32, #tpu.memory_space<vmem_shared>>)
      %dma_wait3A_1778 = arith.constant 4 : i32
      %dma_wait3A_1779 = arith.constant 512 : i32
      %dma_wait3A_1780 = arith.constant 0 : i32
      %dma_wait3A_1781 = tpu.memref_slice %arg21[%dma_wait3A_1779, %dma_wait3A_1780] : memref<640x16xf32, #tpu.memory_space<vmem>> -> memref<128x16xf32, #tpu.memory_space<vmem>>
      %dma_wait3A_1782 = arith.constant 0 : i32
      %dma_wait3A_1783 = tpu.memref_slice %arg19[%dma_wait3A_1778, %dma_wait3A_1782] : memref<5x128xi32, #tpu.memory_space<vmem>> -> memref<1x128xi32, #tpu.memory_space<vmem>>
      %dma_wait3A_1784 = tpu.memref_squeeze %dma_wait3A_1783 : memref<1x128xi32, #tpu.memory_space<vmem>> -> memref<128xi32, #tpu.memory_space<vmem>>
      %dma_wait3A_1785 = arith.constant 0 : i32
      %dma_wait3A_1786 = arith.constant 0 : i32
      %dma_wait3A_1787 = tpu.memref_slice %arg30[%dma_wait3A_1785, %dma_wait3A_1786] : memref<10240x16xf32, #tpu.memory_space<vmem_shared>> -> memref<10240x16xf32, #tpu.memory_space<vmem_shared>>
      tpu.wait_indirect_dma semaphore(%arg35 : memref<!tpu.dma_semaphore, #tpu.memory_space<semaphore_mem>>) src(%dma_wait3A_1781 : memref<128x16xf32, #tpu.memory_space<vmem>>) dst(%dma_wait3A_1787 : memref<10240x16xf32, #tpu.memory_space<vmem_shared>>)
      %dma_wait3A_1788 = arith.constant 4 : i32
      %dma_wait3A_1789 = arith.constant 512 : i32
      %dma_wait3A_1790 = tpu.memref_slice %arg23[%dma_wait3A_1789] : memref<640xf32, #tpu.memory_space<vmem>> -> memref<128xf32, #tpu.memory_space<vmem>>
      %dma_wait3A_1791 = arith.constant 0 : i32
      %dma_wait3A_1792 = tpu.memref_slice %arg18[%dma_wait3A_1788, %dma_wait3A_1791] : memref<5x128xi32, #tpu.memory_space<vmem>> -> memref<1x128xi32, #tpu.memory_space<vmem>>
      %dma_wait3A_1793 = tpu.memref_squeeze %dma_wait3A_1792 : memref<1x128xi32, #tpu.memory_space<vmem>> -> memref<128xi32, #tpu.memory_space<vmem>>
      %dma_wait3A_1794 = arith.constant 0 : i32
      %dma_wait3A_1795 = tpu.memref_slice %arg31[%dma_wait3A_1794] : memref<10240xf32, #tpu.memory_space<vmem_shared>> -> memref<10240xf32, #tpu.memory_space<vmem_shared>>
      tpu.wait_indirect_dma semaphore(%arg35 : memref<!tpu.dma_semaphore, #tpu.memory_space<semaphore_mem>>) src(%dma_wait3A_1790 : memref<128xf32, #tpu.memory_space<vmem>>) dst(%dma_wait3A_1795 : memref<10240xf32, #tpu.memory_space<vmem_shared>>)
    }
    %scan3A_107 = arith.constant 8 : i32
    %barrier3A_108 = arith.constant 0 : index
    tpu.barrier barrier_id(%barrier3A_108)
    %mul3A_109 = arith.constant 640 : i32
    %mul3A_110 = arith.muli %arg1, %mul3A_109 : i32
    %mul3A_111 = arith.constant 640 : i32
    %mul3A_112 = arith.muli %arg1, %mul3A_111 : i32
    "tpu.region"() ({
      %run_scoped3A = tpu.sem_alloc : memref<!tpu.dma_semaphore, #tpu.memory_space<semaphore_mem>>
      %dma_start3A_120 = arith.constant 0 : i32
      %dma_start3A_121 = tpu.memref_slice %arg7[%arg0, %mul3A_112, %dma_start3A_120] : memref<2x10240x16xf32, #tpu.memory_space<hbm>> -> memref<1x640x16xf32, #tpu.memory_space<hbm>>
      %dma_start3A_122 = tpu.memref_squeeze %dma_start3A_121 : memref<1x640x16xf32, #tpu.memory_space<hbm>> -> memref<640x16xf32, #tpu.memory_space<hbm>>
      %dma_start3A_123 = arith.constant 0 : i32
      %dma_start3A_124 = tpu.memref_slice %arg30[%mul3A_110, %dma_start3A_123] : memref<10240x16xf32, #tpu.memory_space<vmem_shared>> -> memref<640x16xf32, #tpu.memory_space<vmem_shared>>
      tpu.enqueue_dma source(%dma_start3A_124 : memref<640x16xf32, #tpu.memory_space<vmem_shared>>) target(%dma_start3A_122 : memref<640x16xf32, #tpu.memory_space<hbm>>) target_semaphore(%run_scoped3A : memref<!tpu.dma_semaphore, #tpu.memory_space<semaphore_mem>>)
      %dma_wait3A_125 = arith.constant 0 : i32
      %dma_wait3A_126 = tpu.memref_slice %arg7[%arg0, %mul3A_112, %dma_wait3A_125] : memref<2x10240x16xf32, #tpu.memory_space<hbm>> -> memref<1x640x16xf32, #tpu.memory_space<hbm>>
      %dma_wait3A_127 = tpu.memref_squeeze %dma_wait3A_126 : memref<1x640x16xf32, #tpu.memory_space<hbm>> -> memref<640x16xf32, #tpu.memory_space<hbm>>
      %dma_wait3A_128 = arith.constant 0 : i32
      %dma_wait3A_129 = tpu.memref_slice %arg30[%mul3A_110, %dma_wait3A_128] : memref<10240x16xf32, #tpu.memory_space<vmem_shared>> -> memref<640x16xf32, #tpu.memory_space<vmem_shared>>
      tpu.wait_dma2 semaphore(%run_scoped3A : memref<!tpu.dma_semaphore, #tpu.memory_space<semaphore_mem>>) src(%dma_wait3A_129 : memref<640x16xf32, #tpu.memory_space<vmem_shared>>) dst(%dma_wait3A_127 : memref<640x16xf32, #tpu.memory_space<hbm>>)
      tpu.yield
    }) : () -> ()
    %mul3A_113 = arith.constant 640 : i32
    %mul3A_114 = arith.muli %arg1, %mul3A_113 : i32
    %mul3A_115 = arith.constant 10240 : i32
    %mul3A_116 = arith.muli %arg0, %mul3A_115 : i32
    %mul3A_117 = arith.constant 640 : i32
    %mul3A_118 = arith.muli %arg1, %mul3A_117 : i32
    %add3A_119 = arith.addi %mul3A_116, %mul3A_118 : i32
    "tpu.region"() ({
      %run_scoped3A = tpu.sem_alloc : memref<!tpu.dma_semaphore, #tpu.memory_space<semaphore_mem>>
      %dma_start3A_120 = tpu.memref_slice %arg8[%add3A_119] : memref<20480xf32, #tpu.memory_space<hbm>> -> memref<640xf32, #tpu.memory_space<hbm>>
      %dma_start3A_121 = tpu.memref_slice %arg31[%mul3A_114] : memref<10240xf32, #tpu.memory_space<vmem_shared>> -> memref<640xf32, #tpu.memory_space<vmem_shared>>
      tpu.enqueue_dma source(%dma_start3A_121 : memref<640xf32, #tpu.memory_space<vmem_shared>>) target(%dma_start3A_120 : memref<640xf32, #tpu.memory_space<hbm>>) target_semaphore(%run_scoped3A : memref<!tpu.dma_semaphore, #tpu.memory_space<semaphore_mem>>)
      %dma_wait3A_122 = tpu.memref_slice %arg8[%add3A_119] : memref<20480xf32, #tpu.memory_space<hbm>> -> memref<640xf32, #tpu.memory_space<hbm>>
      %dma_wait3A_123 = tpu.memref_slice %arg31[%mul3A_114] : memref<10240xf32, #tpu.memory_space<vmem_shared>> -> memref<640xf32, #tpu.memory_space<vmem_shared>>
      tpu.wait_dma2 semaphore(%run_scoped3A : memref<!tpu.dma_semaphore, #tpu.memory_space<semaphore_mem>>) src(%dma_wait3A_123 : memref<640xf32, #tpu.memory_space<vmem_shared>>) dst(%dma_wait3A_122 : memref<640xf32, #tpu.memory_space<hbm>>)
      tpu.yield
    }) : () -> ()
    return
  }
}

module attributes {stable_mosaic.version = 14 : i64} {
  func.func @_prep_body(%arg0: memref<2x320000xi32, #tpu.memory_space<vmem>>, %arg1: memref<7680xi32, #tpu.memory_space<vmem>>, %arg2: memref<10000x128xf32, #tpu.memory_space<vmem>>, %arg3: memref<128x16xf32, #tpu.memory_space<vmem>>, %arg4: memref<327680xi32, #tpu.memory_space<vmem>>, %arg5: memref<327680xi32, #tpu.memory_space<vmem>>, %arg6: memref<10240x16xf32, #tpu.memory_space<vmem>>) attributes {dimension_semantics = [], scalar_prefetch = 0 : i64, scratch_operands = 0 : i64, tpu.core_type = #tpu.core_type<tc>} {
    %get3A = arith.constant 0 : index
    %get3A_0 = arith.constant 0 : index
    %get3A_1 = vector.load %arg0[%get3A, %get3A_0] : memref<2x320000xi32, #tpu.memory_space<vmem>>, vector<2x320000xi32>
    %get3A_2 = arith.constant 0 : index
    %get3A_3 = vector.load %arg1[%get3A_2] : memref<7680xi32, #tpu.memory_space<vmem>>, vector<7680xi32>
    %slice3A = vector.extract_strided_slice %get3A_1 {offsets = [0, 0], sizes = [1, 320000], strides = [1, 1]} : vector<2x320000xi32> to vector<1x320000xi32>
    %squeeze3A = vector.shape_cast %slice3A : vector<1x320000xi32> to vector<320000xi32>
    %concatenate3A = tpu.concatenate %squeeze3A, %get3A_3 in 0 : vector<320000xi32>, vector<7680xi32> -> vector<327680xi32>
    %swap3A = arith.constant 0 : index
    %swap3A_4 = vector.load %arg4[%swap3A] : memref<327680xi32, #tpu.memory_space<vmem>>, vector<327680xi32>
    tpu.vector_store %arg4[%swap3A], %concatenate3A {strides = array<i32>} : memref<327680xi32, #tpu.memory_space<vmem>>, vector<327680xi32>,
    %slice3A_5 = vector.extract_strided_slice %get3A_1 {offsets = [1, 0], sizes = [1, 320000], strides = [1, 1]} : vector<2x320000xi32> to vector<1x320000xi32>
    %squeeze3A_6 = vector.shape_cast %slice3A_5 : vector<1x320000xi32> to vector<320000xi32>
    %concatenate3A_7 = tpu.concatenate %squeeze3A_6, %get3A_3 in 0 : vector<320000xi32>, vector<7680xi32> -> vector<327680xi32>
    %swap3A_8 = arith.constant 0 : index
    %swap3A_9 = vector.load %arg5[%swap3A_8] : memref<327680xi32, #tpu.memory_space<vmem>>, vector<327680xi32>
    tpu.vector_store %arg5[%swap3A_8], %concatenate3A_7 {strides = array<i32>} : memref<327680xi32, #tpu.memory_space<vmem>>, vector<327680xi32>,
    %get3A_10 = arith.constant 0 : index
    %get3A_11 = arith.constant 0 : index
    %get3A_12 = vector.load %arg2[%get3A_10, %get3A_11] : memref<10000x128xf32, #tpu.memory_space<vmem>>, vector<10000x128xf32>
    %get3A_13 = arith.constant 0 : index
    %get3A_14 = arith.constant 0 : index
    %get3A_15 = vector.load %arg3[%get3A_13, %get3A_14] : memref<128x16xf32, #tpu.memory_space<vmem>>, vector<128x16xf32>
    %dot_general3A = arith.constant dense<0.000000e+00> : vector<10000x16xf32>
    %dot_general3A_16 = tpu.matmul %get3A_12, %get3A_15, %dot_general3A {dimension_numbers = #tpu.dot_dimension_numbers<[1], [0], [0], [1], [0, 0, 1, 1], [], []>, transpose_lhs_hint = false} : vector<10000x128xf32>, vector<128x16xf32>, vector<10000x16xf32> -> vector<10000x16xf32>
    %swap3A_17 = arith.constant 0 : index
    %swap3A_18 = arith.constant 0 : index
    %swap3A_19 = vector.load %arg6[%swap3A_17, %swap3A_18] : memref<10240x16xf32, #tpu.memory_space<vmem>>, vector<10000x16xf32>
    tpu.vector_store %arg6[%swap3A_17, %swap3A_18], %dot_general3A_16 {strides = array<i32>} : memref<10240x16xf32, #tpu.memory_space<vmem>>, vector<10000x16xf32>,
    %broadcast_in_dim3A = arith.constant 0.000000e+00 : f32
    %broadcast_in_dim3A_20 = vector.broadcast %broadcast_in_dim3A : f32 to vector<240x16xf32>
    %swap3A_21 = arith.constant 10000 : index
    %swap3A_22 = arith.constant 0 : index
    %swap3A_23 = vector.load %arg6[%swap3A_21, %swap3A_22] : memref<10240x16xf32, #tpu.memory_space<vmem>>, vector<240x16xf32>
    tpu.vector_store %arg6[%swap3A_21, %swap3A_22], %broadcast_in_dim3A_20 {strides = array<i32>} : memref<10240x16xf32, #tpu.memory_space<vmem>>, vector<240x16xf32>,
    return
  }
}

module attributes {stable_mosaic.version = 14 : i64} {
  func.func @_final_body(%arg0: memref<2x1280x128xf32, #tpu.memory_space<vmem>>, %arg1: memref<1280x128xf32, #tpu.memory_space<vmem>>, %arg2: memref<1280x128xf32, #tpu.memory_space<vmem>>, %arg3: memref<1280x128xf32, #tpu.memory_space<vmem>>, %arg4: memref<1x128xf32, #tpu.memory_space<vmem>>, %arg5: memref<16x16xf32, #tpu.memory_space<vmem>>, %arg6: memref<1x16xf32, #tpu.memory_space<vmem>>, %arg7: memref<16x10xf32, #tpu.memory_space<vmem>>, %arg8: memref<1x10xf32, #tpu.memory_space<vmem>>, %arg9: memref<1x10xf32, #tpu.memory_space<vmem>>) attributes {dimension_semantics = [], scalar_prefetch = 0 : i64, scratch_operands = 0 : i64, tpu.core_type = #tpu.core_type<tc>} {
    %get3A = arith.constant 0 : index
    %get3A_0 = arith.constant 0 : index
    %get3A_1 = arith.constant 0 : index
    %get3A_2 = vector.load %arg0[%get3A, %get3A_0, %get3A_1] : memref<2x1280x128xf32, #tpu.memory_space<vmem>>, vector<1x1280x128xf32>
    %get3A_3 = vector.shape_cast %get3A_2 : vector<1x1280x128xf32> to vector<1280x128xf32>
    %get3A_4 = arith.constant 1 : index
    %get3A_5 = arith.constant 0 : index
    %get3A_6 = arith.constant 0 : index
    %get3A_7 = vector.load %arg0[%get3A_4, %get3A_5, %get3A_6] : memref<2x1280x128xf32, #tpu.memory_space<vmem>>, vector<1x1280x128xf32>
    %get3A_8 = vector.shape_cast %get3A_7 : vector<1x1280x128xf32> to vector<1280x128xf32>
    %add3A = arith.addf %get3A_3, %get3A_8 : vector<1280x128xf32>
    %get3A_9 = arith.constant 0 : index
    %get3A_10 = arith.constant 0 : index
    %get3A_11 = vector.load %arg2[%get3A_9, %get3A_10] : memref<1280x128xf32, #tpu.memory_space<vmem>>, vector<1280x128xf32>
    %get3A_12 = arith.constant 0 : index
    %get3A_13 = arith.constant 0 : index
    %get3A_14 = vector.load %arg1[%get3A_12, %get3A_13] : memref<1280x128xf32, #tpu.memory_space<vmem>>, vector<1280x128xf32>
    %add3A_15 = arith.addf %add3A, %get3A_14 : vector<1280x128xf32>
    %mul3A = arith.mulf %get3A_11, %add3A_15 : vector<1280x128xf32>
    %get3A_16 = arith.constant 0 : index
    %get3A_17 = arith.constant 0 : index
    %get3A_18 = vector.load %arg4[%get3A_16, %get3A_17] : memref<1x128xf32, #tpu.memory_space<vmem>>, vector<1x128xf32>
    %add3A_19 = vector.broadcast %get3A_18 : vector<1x128xf32> to vector<1280x128xf32>
    %add3A_20 = arith.addf %mul3A, %add3A_19 : vector<1280x128xf32>
    %max3A = arith.constant 0.000000e+00 : f32
    %max3A_21 = vector.broadcast %max3A : f32 to vector<1280x128xf32>
    %max3A_22 = arith.maximumf %add3A_20, %max3A_21 : vector<1280x128xf32>
    %get3A_23 = arith.constant 0 : index
    %get3A_24 = arith.constant 0 : index
    %get3A_25 = vector.load %arg3[%get3A_23, %get3A_24] : memref<1280x128xf32, #tpu.memory_space<vmem>>, vector<1280x128xf32>
    %mul3A_26 = arith.mulf %get3A_25, %max3A_22 : vector<1280x128xf32>
    %reduce_sum3A = arith.constant dense<0.000000e+00> : vector<128xf32>
    %reduce_sum3A_27 = vector.multi_reduction <add>, %mul3A_26, %reduce_sum3A [0] : vector<1280x128xf32> to vector<128xf32>
    %broadcast_in_dim3A = vector.shape_cast %reduce_sum3A_27 : vector<128xf32> to vector<1x128xf32>
    %slice3A = vector.extract_strided_slice %broadcast_in_dim3A {offsets = [0, 0], sizes = [1, 16], strides = [1, 1]} : vector<1x128xf32> to vector<1x16xf32>
    %slice3A_28 = vector.extract_strided_slice %broadcast_in_dim3A {offsets = [0, 16], sizes = [1, 16], strides = [1, 1]} : vector<1x128xf32> to vector<1x16xf32>
    %add3A_29 = arith.addf %slice3A, %slice3A_28 : vector<1x16xf32>
    %slice3A_30 = vector.extract_strided_slice %broadcast_in_dim3A {offsets = [0, 32], sizes = [1, 16], strides = [1, 1]} : vector<1x128xf32> to vector<1x16xf32>
    %add3A_31 = arith.addf %add3A_29, %slice3A_30 : vector<1x16xf32>
    %slice3A_32 = vector.extract_strided_slice %broadcast_in_dim3A {offsets = [0, 48], sizes = [1, 16], strides = [1, 1]} : vector<1x128xf32> to vector<1x16xf32>
    %add3A_33 = arith.addf %add3A_31, %slice3A_32 : vector<1x16xf32>
    %slice3A_34 = vector.extract_strided_slice %broadcast_in_dim3A {offsets = [0, 64], sizes = [1, 16], strides = [1, 1]} : vector<1x128xf32> to vector<1x16xf32>
    %add3A_35 = arith.addf %add3A_33, %slice3A_34 : vector<1x16xf32>
    %slice3A_36 = vector.extract_strided_slice %broadcast_in_dim3A {offsets = [0, 80], sizes = [1, 16], strides = [1, 1]} : vector<1x128xf32> to vector<1x16xf32>
    %add3A_37 = arith.addf %add3A_35, %slice3A_36 : vector<1x16xf32>
    %slice3A_38 = vector.extract_strided_slice %broadcast_in_dim3A {offsets = [0, 96], sizes = [1, 16], strides = [1, 1]} : vector<1x128xf32> to vector<1x16xf32>
    %add3A_39 = arith.addf %add3A_37, %slice3A_38 : vector<1x16xf32>
    %slice3A_40 = vector.extract_strided_slice %broadcast_in_dim3A {offsets = [0, 112], sizes = [1, 16], strides = [1, 1]} : vector<1x128xf32> to vector<1x16xf32>
    %add3A_41 = arith.addf %add3A_39, %slice3A_40 : vector<1x16xf32>
    %mul3A_42 = arith.constant 9.99999974E-5 : f32
    %mul3A_43 = vector.broadcast %mul3A_42 : f32 to vector<1x16xf32>
    %mul3A_44 = arith.mulf %add3A_41, %mul3A_43 : vector<1x16xf32>
    %get3A_45 = arith.constant 0 : index
    %get3A_46 = arith.constant 0 : index
    %get3A_47 = vector.load %arg5[%get3A_45, %get3A_46] : memref<16x16xf32, #tpu.memory_space<vmem>>, vector<16x16xf32>
    %dot_general3A = arith.constant dense<0.000000e+00> : vector<1x16xf32>
    %dot_general3A_48 = tpu.matmul %mul3A_44, %get3A_47, %dot_general3A {dimension_numbers = #tpu.dot_dimension_numbers<[1], [0], [0], [1], [0, 0, 1, 1], [], []>, transpose_lhs_hint = false} : vector<1x16xf32>, vector<16x16xf32>, vector<1x16xf32> -> vector<1x16xf32>
    %get3A_49 = arith.constant 0 : index
    %get3A_50 = arith.constant 0 : index
    %get3A_51 = vector.load %arg6[%get3A_49, %get3A_50] : memref<1x16xf32, #tpu.memory_space<vmem>>, vector<1x16xf32>
    %add3A_52 = arith.addf %dot_general3A_48, %get3A_51 : vector<1x16xf32>
    %get3A_53 = arith.constant 0 : index
    %get3A_54 = arith.constant 0 : index
    %get3A_55 = vector.load %arg7[%get3A_53, %get3A_54] : memref<16x10xf32, #tpu.memory_space<vmem>>, vector<16x10xf32>
    %dot_general3A_56 = arith.constant dense<0.000000e+00> : vector<1x10xf32>
    %dot_general3A_57 = tpu.matmul %add3A_52, %get3A_55, %dot_general3A_56 {dimension_numbers = #tpu.dot_dimension_numbers<[1], [0], [0], [1], [0, 0, 1, 1], [], []>, transpose_lhs_hint = false} : vector<1x16xf32>, vector<16x10xf32>, vector<1x10xf32> -> vector<1x10xf32>
    %get3A_58 = arith.constant 0 : index
    %get3A_59 = arith.constant 0 : index
    %get3A_60 = vector.load %arg8[%get3A_58, %get3A_59] : memref<1x10xf32, #tpu.memory_space<vmem>>, vector<1x10xf32>
    %add3A_61 = arith.addf %dot_general3A_57, %get3A_60 : vector<1x10xf32>
    %swap3A = arith.constant 0 : index
    %swap3A_62 = arith.constant 0 : index
    %swap3A_63 = vector.load %arg9[%swap3A, %swap3A_62] : memref<1x10xf32, #tpu.memory_space<vmem>>, vector<1x10xf32>
    tpu.vector_store %arg9[%swap3A, %swap3A_62], %add3A_61 {strides = array<i32>} : memref<1x10xf32, #tpu.memory_space<vmem>>, vector<1x10xf32>,
    return
  }
}

</mosaic_0001>

<sc_bundles>
// kernel: kernel.5.cloned.1.call-start
scs
__scs_entry_jumppad:
0x0: {  	(pc) =	sbr.rel $0x88, $3  }
0x1: {  	(tag) =	ssettag $0x0;
	lr =	simm.s32 $0x1  }
0x2: {  	[smem:$0x3F99] =	sst lr;
	_ =	strace $0xD0000000  }
0x3: {  	_ = 	snop  }
0x4: {  	_ = 	snop  }
0x5: {  	_ = 	snop  }
0x6: {  	_ = 	snop  }
0x7: {  	_ = 	snop  }
__scs_overlays_trampoline_lowered:
0x8: {  	[smem:$0x3FA8] =	sst s0  }
0x9: {  	[smem:$0x3FA9] =	sst s1  }
0xa: {  	[smem:$0x3FAA] =	sst s2  }
0xb: {  	[smem:$0x3FAB] =	sst s3  }
0xc: {  	[smem:$0x3FAC] =	sst s4  }
0xd: {  	[smem:$0x3FAD] =	sst s5  }
0xe: {  	[smem:$0x3FAE] =	sst s6  }
0xf: {  	[smem:$0x3FAF] =	sst s7  }
0x10: {  	[smem:$0x3FB0] =	sst s8  }
0x11: {  	[smem:$0x3FB1] =	sst s9;
	s0 =	simm.s32 @!p0 $0x0  }
0x12: {  	s1 =	sld [smem:$0x3F97];
	s0 =	simm.s32 @p0 $0x1  }
0x13: {  	[smem:$0x3FB2] =	sst s0;
	s0 =	simm.s32 @!p1 $0x0  }
0x14: {  	s2 =	sld [smem:$0x3F96];
	s0 =	simm.s32 @p1 $0x1  }
0x15: {  	[smem:$0x3FB3] =	sst s0;
	s0 =	simm.s32 @!p2 $0x0  }
0x16: {  	s3 =	sld [smem:$0x3FDB];
	s0 =	simm.s32 @p2 $0x1  }
0x17: {  	s4 =	simm.s32 $0x1BF5;
	[smem:$0x3FB5] =	sst s0  }
0x18: {  	s0 =	sld [smem:$0x3F98];
	_ =	swait.ge [sflag:s4], $0x0  }
0x19: {  	s7 =	sld [smem:$0x3F99]  }
0x1a: {  	s8 =	sadd.s32 $0xFFFFE003, lr  }
0x1b: {  	s9 =	sadd.s32 $0xFFFFFEF7, lr;
	s5 =	simm.s32 $0xFFFFFFFF;
	p2 =	slt.u32 s8, $0xFFFFF086  }
0x1c: {  	p1 =	slt.u32 s9, $0xF7A;
	s5 =	simm.s32 @!p2 $0x0  }
0x1d: {  	s5 =	simm.s32 @p1 $0x1;
	p0 =	seq.s32 s7, s2  }
0x1e: {  	s7 =	smul.u32 @!p0 $0xF7A, s2;
	p2 =	seq.s32 @!p0 s5, $0x0  }
0x1f: {  	s9 =	smul.u32 $0xF7A, s1;
	s8 =	simm.s32 @!p0 $0x1BF5;
	p2 =	por !p2, p0  }
0x20: {  	[sflag:s8] =	ssyncset.s32 @!p0 $0xFFFFF086;
	s6 =	sadd.s32 @!p0 s3, s7;
	s7 =	simm.s32 @!p0 $0x108  }
0x21: {  	s3 =	sadd.s32 s3, s9;
	s6 =	sadd.s32 @!p0 $0x88, s6;
	s7 =	simm.s32 @p2 $0x1082  }
0x22: {  	[simem:s7], [sflag:s8] =	dma.local @!p0 [hbm:s6], $0xF7A  }
0x23: {  	s9 =	sor.u32 $0xD0000000, s2;
	s6 =	simm.s32 $0x108;
	_ =	swait.ge @!p0 [sflag:s8], $0x0  }
0x24: {  	s3 =	sadd.s32 $0x88, s3;
	s6 =	simm.s32 @!p1 $0x1082;
	[sflag:s4] =	ssyncset.s32 $0xFFFFF086  }
0x25: {  	[simem:s6], [sflag:s4] =	dma.local [hbm:s3], $0xF7A  }
0x26: {  	[smem:$0x3F99] =	sst s1;
	(tag) =	ssettag s2;
	_ =	strace s9  }
0x27: {  	s1 =	sld [smem:$0x3FA9]  }
0x28: {  	s2 =	sld [smem:$0x3FAA]  }
0x29: {  	s4 =	sld [smem:$0x3FAC]  }
0x2a: {  	p0 =	seq.s32 s5, $0x0;
	s5 =	sld [smem:$0x3FAD]  }
0x2b: {  	s6 =	sld [smem:$0x3FAE]  }
0x2c: {  	s7 =	sld [smem:$0x3FAF]  }
0x2d: {  	s3 =	simm.s32 $0x108;
	s8 =	sld [smem:$0x3FB0]  }
0x2e: {  	s3 =	simm.s32 @!p0 $0x1082;
	s9 =	sld [smem:$0x3FB1]  }
0x2f: {  	lr =	sadd.s32 s0, s3;
	s0 =	sld [smem:$0x3FA8]  }
0x30: {  	s3 =	sld [smem:$0x3FAB]  }
0x31: {  	[smem:$0x3FB4] =	sst s10  }
0x32: {  	s10 =	sld [smem:$0x3FB2];
	_ =	sdelay $0x3  }
0x33: {  	p0 =	seq.s32 s10, $0x1;
	s10 =	sld [smem:$0x3FB4];
	_ =	sdelay $0x3  }
0x34: {  	[smem:$0x3FB4] =	sst s10  }
0x35: {  	s10 =	sld [smem:$0x3FB3];
	_ =	sdelay $0x3  }
0x36: {  	p1 =	seq.s32 s10, $0x1;
	s10 =	sld [smem:$0x3FB4];
	_ =	sdelay $0x3  }
0x37: {  	[smem:$0x3FB4] =	sst s10  }
0x38: {  	s10 =	sld [smem:$0x3FB5]  }
0x39: {  	_ = 	snop;
	(pc) =	sbr.ind lr, $3  }
0x3a: {  	_ = 	snop  }
0x3b: {  	_ = 	snop  }
0x3c: {  	p2 =	seq.s32 s10, $0x1;
	s10 =	sld [smem:$0x3FB4]  }
0x3d: {  	_ =	shalt  }
0x3e: {  	_ =	shalt  }
0x3f: {  	_ =	shalt  }
0x40: {  	_ =	shalt  }
0x41: {  	_ =	shalt  }
0x42: {  	_ =	shalt  }
0x43: {  	_ =	shalt  }
0x44: {  	_ =	shalt  }
0x45: {  	_ =	shalt  }
0x46: {  	_ =	shalt  }
0x47: {  	_ =	shalt  }
0x48: {  	_ =	shalt  }
0x49: {  	_ =	shalt  }
0x4a: {  	_ =	shalt  }
0x4b: {  	_ =	shalt  }
0x4c: {  	_ =	shalt  }
0x4d: {  	_ =	shalt  }
0x4e: {  	_ =	shalt  }
0x4f: {  	_ =	shalt  }
0x50: {  	_ =	shalt  }
0x51: {  	_ =	shalt  }
0x52: {  	_ =	shalt  }
0x53: {  	_ =	shalt  }
0x54: {  	_ =	shalt  }
0x55: {  	_ =	shalt  }
0x56: {  	_ =	shalt  }
0x57: {  	_ =	shalt  }
0x58: {  	_ =	shalt  }
0x59: {  	_ =	shalt  }
0x5a: {  	_ =	shalt  }
0x5b: {  	_ =	shalt  }
0x5c: {  	_ =	shalt  }
0x5d: {  	_ =	shalt  }
0x5e: {  	_ =	shalt  }
0x5f: {  	_ =	shalt  }
0x60: {  	_ =	shalt  }
0x61: {  	_ =	shalt  }
0x62: {  	_ =	shalt  }
0x63: {  	_ =	shalt  }
0x64: {  	_ =	shalt  }
0x65: {  	_ =	shalt  }
0x66: {  	_ =	shalt  }
0x67: {  	_ =	shalt  }
0x68: {  	_ =	shalt  }
0x69: {  	_ =	shalt  }
0x6a: {  	_ =	shalt  }
0x6b: {  	_ =	shalt  }
0x6c: {  	_ =	shalt  }
0x6d: {  	_ =	shalt  }
0x6e: {  	_ =	shalt  }
0x6f: {  	_ =	shalt  }
0x70: {  	_ =	shalt  }
0x71: {  	_ =	shalt  }
0x72: {  	_ =	shalt  }
0x73: {  	_ =	shalt  }
0x74: {  	_ =	shalt  }
0x75: {  	_ =	shalt  }
0x76: {  	_ =	shalt  }
0x77: {  	_ =	shalt  }
0x78: {  	_ =	shalt  }
0x79: {  	_ =	shalt  }
0x7a: {  	_ =	shalt  }
0x7b: {  	_ =	shalt  }
0x7c: {  	_ =	shalt  }
0x7d: {  	_ =	shalt  }
0x7e: {  	_ =	shalt  }
0x7f: {  	_ =	shalt  }
0x80: {  	_ =	shalt  }
0x81: {  	_ =	shalt  }
0x82: {  	_ =	shalt  }
0x83: {  	_ =	shalt  }
0x84: {  	_ =	shalt  }
0x85: {  	_ =	shalt  }
0x86: {  	_ =	shalt  }
0x87: {  	_ =	shalt  }
.Lfunc_end0:
.L_simem_size_0:
called_computation_lowered:
.L_overlay_start_0:
0x88: {  	s2 =	sld [smem:$0x3FD9]  }
0x89: {  	s3 =	sld [smem:$0x3FFE];
	_ =	sdelay $0x1  }
0x8a: {  	s1 =	srdreg.scid  }
0x8b: {  	s0 =	sand.u32 $0x1, s1  }
0x8c: {  	s16 =	sshll.u32 s0, $0xA;
	s2 =	sadd.s32 s3, s2  }
0x8d: {  	s2 =	sadd.s32 s2, s16  }
0x8e: {  	[smem:$0x3FC0] =	sst s2  }
0x8f: {  	_ = 	snop  }
0x90: {  	(tm) =	ssettm $0x1  }
0x91: {  	s17 =	sld [smem:$0x3FFB];
	_ =	sdelay $0x3  }
0x92: {  	_ =	strace s17  }
0x93: {  	s2 =	sld [smem:$0x3FFC];
	_ =	sdelay $0x3  }
0x94: {  	_ =	strace s2  }
0x95: {  	s2 =	sld [smem:$0x3FFD];
	_ =	sdelay $0x3  }
0x96: {  	_ =	strace s2  }
0x97: {  	_ =	strace $0x8FFFFFFF  }
0x98: {  	s18 =	sld [smem:$0x3FDB];
	_ =	sdelay $0x1  }
0x99: {  	s19 =	simm.s32 $_scs_section_size  }
0x9a: {  	s4 =	simm.s32 $_size__tile_overlayer_lowered;
	s5 =	simm.s32 $_tile_overlayer_lowered  }
0x9b: {  	s22 =	simm.s32 $0x1BFF;
	s21 =	sshll.u32 s5, $0x1;
	s2 =	sadd.s32 s19, s18  }
0x9c: {  	s6 =	simm.s32 $0x0;
	s20 =	sshll.u32 s4, $0x1;
	s4 =	sadd.s32 s21, s2  }
0x9d: {  	[timem:s6], [sflag:s22] =	dma.local [hbm:s4], s20  }
0x9e: {  	_ =	swait.ge [sflag:s22], s20  }
0x9f: {  	s3 =	ssub.s32 $0x0, s20;
	[sflag:s22] =	ssyncset.done $0x0  }
0xa0: {  	[sflag:s22] =	ssyncadd.s32 s3;
	_ =	sdelay $0x1  }
0xa1: {  	s23 =	simm.s32 $0x1B8B  }
0xa2: {  	_ =	swait.ge [sflag:s23], $0x1  }
0xa3: {  	[sflag:s23] =	ssyncset.done $0x0  }
0xa4: {  	s25 =	simm.s32 $0x1B8E;
	s24 =	sld [smem:$0x3FFE];
	[sflag:s23] =	ssyncadd.s32 $0xFFFFFFFF  }
0xa5: {  	s26 =	simm.s32 $execute0_lowered;
	[smem:$0x3FD2] =	sst s25  }
0xa6: {  	s4 =	sshll.u32 s26, $0x1;
	_ =	strace $0x80000046;
	[dreg:$0x1] =	wrdreg $0xFFFFFFFF  }
0xa7: {  	s28 =	simm.s32 $_size_execute0_lowered;
	s2 =	sadd.s32 s2, s4;
	[dreg:$0x0] =	wrdreg $0x0  }
0xa8: {  	s4 =	sshll.u32 s28, $0x1;
	[dreg:$0x2] =	wrdreg s2  }
0xa9: {  	[dreg:$0x3] =	wrdreg s4  }
0xaa: {  	[dreg:$0x4] =	wrdreg $0xC0  }
0xab: {  	_ =	task [dreg:s6], $0x5FFFF  }
0xac: {  	[dreg:$0x1] =	wrdreg $0xFFFFFFFF  }
0xad: {  	[dreg:$0x0] =	wrdreg $0x60  }
0xae: {  	[dreg:$0x2] =	wrdreg s24  }
0xaf: {  	[dreg:$0x3] =	wrdreg $0x132100  }
0xb0: {  	[dreg:$0x4] =	wrdreg $0x187100  }
0xb1: {  	[dreg:$0x5] =	wrdreg $0x15F100  }
0xb2: {  	[dreg:$0x6] =	wrdreg $0x134900  }
0xb3: {  	[dreg:$0x7] =	wrdreg $0x137100  }
0xb4: {  	[dreg:$0x8] =	wrdreg $0x9  }
0xb5: {  	_ =	task.clear_ibuf [dreg:s6], $0x9FFFF;
	_ =	strace $0x90000046  }
0xb6: {  	s29 =	simm.s32 $0x9;
	_ =	strace $0x80000048  }
0xb7: {  	_ =	swait.ge [sflag:s29], $0x1  }
0xb8: {  	[sflag:s29] =	ssyncadd.s32 $0xFFFFFFFF  }
0xb9: {  	_ =	strace $0x90000048  }
0xba: {  	_ =	sfence  }
0xbb: {  	s30 =	sld [smem:$0x0];
	_ =	sdelay $0x2  }
0xbc: {  	s31 =	sshll.u32 s1, $0xD;
	s1 =	sshrl.u32 s1, $0x2  }
0xbd: {  	s3 =	sand.u32 $0x4000, s31;
	s1 =	sadd.s32 s1, s30  }
0xbe: {  	s0 =	sor.u32 s3, s0;
	s1 =	sshll.u32 s1, $0x11  }
0xbf: {  	s0 =	sor.u32 s1, s0  }
0xc0: {  	s0 =	sadd.s32 $0x8F2B, s0  }
0xc1: {  	[sflag:s0] =	ssyncadd.remote.s32 $0x1  }
0xc2: {  	_ =	sfence.sel $0xFFFF  }
0xc3: {  	[dreg:$0x0] =	wrdreg $0xFFFFFFFF;
	(pc) =	sbr.abs _section_cstart, $3  }
0xc4: {  	[dreg:$0x1] =	wrdreg $0xFFFFFFFF  }
0xc5: {  	_ =	task.clear_ibuf [dreg:s6], $0x2FFFF;
	_ =	strace $0x9FFFFFFF  }
0xc6: {  	(tm) =	ssettm $0x7FFFFFFF  }
0xc7: {  	_ =	shalt  }
tec
execute0_lowered:
.L_overlay_start_1:
0x0: {  	(tag) =	ssettag $0x1  }
0x1: {  	s10 =	rddreg [dreg:$0x0]  }
0x2: {  	s1 =	rddreg [dreg:$0x1]  }
0x3: {  	s2 =	rddreg [dreg:$0x2]  }
0x4: {  	s4 =	rddreg [dreg:$0x3]  }
0x5: {  	s5 =	rddreg [dreg:$0x4]  }
0x6: {  	s6 =	rddreg [dreg:$0x5];
	s8 =	simm.s32 $0x0  }
0x7: {  	s0 =	srdreg.scid;
	s16 =	simm.s32 $0xAA80;
	[smem:$0x7FF] =	sst s8  }
0x8: {  	s21 =	simm.s32 $0xA800;
	_ =	strace $0x80000047;
	[dreg:$0x7] =	wrdreg s16  }
0x9: {  	s19 =	stileid.u32;
	s23 =	simm.s32 $0xAB00;
	[dreg:$0x8] =	wrdreg s21  }
0xa: {  	s24 =	simm.s32 $0xBA00;
	s25 =	simm.s32 $0xA880;
	[dreg:$0x9] =	wrdreg s23  }
0xb: {  	s26 =	simm.s32 $0x10280;
	s0 =	sand.u32 $0x1, s0;
	[dreg:$0xa] =	wrdreg s24  }
0xc: {  	s9 =	smul.u32 $0x280, s19;
	s3 =	sshll.u32 s0, $0x4;
	[dreg:$0xb] =	wrdreg s25  }
0xd: {  	s18 =	smul.u32 $0x2800, s0;
	[dreg:$0xc] =	wrdreg s26;
	s21 =	simm.s32 $0xC200  }
0xe: {  	s22 =	ssub.s32 $0x2, s0;
	s24 =	simm.s32 $0x10300;
	[dreg:$0xe] =	wrdreg s21  }
0xf: {  	s25 =	simm.s32 $0xAC00;
	s3 =	sor.u32 s19, s3;
	[dreg:$0x10] =	wrdreg s24  }
0x10: {  	s17 =	sshrl.u32 s22, $0x1;
	[dreg:$0x11] =	wrdreg s25;
	s11 =	smul.u32 $0x500, s3  }
0x11: {  	s24 =	simm.s32 $0xD200;
	s25 =	simm.s32 $0xAA00;
	s3 =	smul.u32 $0x2800, s19  }
0x12: {  	s8 =	sadd.s32 s9, s18;
	s18 =	smul.u32 $0xA00, s19;
	[dreg:$0x16] =	wrdreg s24  }
0x13: {  	s16 =	ssub.s32 s22, s17;
	s22 =	simm.s32 $0xA900;
	[dreg:$0x17] =	wrdreg s25  }
0x14: {  	s17 =	sshll.u32 s19, $0x6;
	s19 =	simm.s32 $0x10380;
	[dreg:$0xf] =	wrdreg s22  }
0x15: {  	s24 =	simm.s32 $0x10500;
	[dreg:$0x14] =	wrdreg s19  }
0x16: {  	s22 =	simm.s32 $0xAC80;
	[dreg:$0x1e] =	wrdreg s24  }
0x17: {  	s21 =	sor.u32 $0x1C08, s17;
	s17 =	simm.s32 $0xB000;
	[dreg:$0x15] =	wrdreg s22  }
0x18: {  	s19 =	simm.s32 $0xE200;
	[dreg:$0x1b] =	wrdreg s17  }
0x19: {  	s25 =	smax.u32 s16, $0x1;
	[dreg:$0x1c] =	wrdreg s19  }
0x1a: {  	s13 =	sadd.s32 $0xC400, s10;
	[smem:$0x7FB] =	sst s25  }
0x1b: {  	s7 =	smul.u32 $0x28000, s0;
	s18 =	sadd.s32 s13, s18;
	[smem:$0x7FD] =	sst s21  }
0x1c: {  	s12 =	sadd.s32 s11, s10;
	s11 =	sadd.s32 s13, s11;
	[smem:$0x7ED] =	sst s18  }
0x1d: {  	s20 =	sshrl.u32 s9, $0x3;
	s13 =	simm.s32 $0xCA00;
	[smem:$0x7EF] =	sst s11  }
0x1e: {  	s14 =	sshrl.u32 s8, $0x3;
	s22 =	simm.s32 $0xAD80;
	[dreg:$0x12] =	wrdreg s13  }
0x1f: {  	s7 =	sadd.s32 s3, s7;
	s12 =	sadd.s32 $0x2400, s12;
	[dreg:$0x1d] =	wrdreg s22  }
0x20: {  	s7 =	sshrl.u32 s7, $0x3;
	s18 =	simm.s32 $0xA980;
	[smem:$0x7EE] =	sst s12  }
0x21: {  	s11 =	simm.s32 $0x10400;
	s13 =	simm.s32 $0xAD00;
	[dreg:$0x13] =	wrdreg s18  }
0x22: {  	s8 =	sadd.s32 s7, s10;
	s7 =	sadd.s32 s14, s10;
	[dreg:$0x18] =	wrdreg s11  }
0x23: {  	s14 =	sadd.s32 s20, s10;
	s20 =	simm.s32 $0xAB80;
	[dreg:$0x1a] =	wrdreg s13  }
0x24: {  	s15 =	sshrl.u32 s3, $0x3;
	s12 =	simm.s32 $0xAF80;
	[dreg:$0xd] =	wrdreg s20  }
0x25: {  	s10 =	sadd.s32 s15, s10;
	s15 =	sadd.s32 s9, s1;
	[dreg:$0x19] =	wrdreg s12  }
0x26: {  	s23 =	sadd.s32 $0x16400, s10;
	[smem:$0x7FC] =	sst s15  }
0x27: {  	s31 =	simm.s32 $0x80;
	s26 =	sadd.s32 $0x1B400, s14;
	[smem:$0x7F0] =	sst s23  }
0x28: {  	s30 =	simm.s32 $0x280;
	s20 =	sadd.s32 s9, s2;
	[smem:$0x7F1] =	sst s26  }
0x29: {  	s29 =	simm.s32 $0x2;
	s9 =	sadd.s32 s9, s5;
	[smem:$0x7F2] =	sst s20  }
0x2a: {  	s28 =	simm.s32 $0x4;
	s14 =	sadd.s32 $0x21400, s14;
	[smem:$0x7F5] =	sst s9  }
0x2b: {  	p0 =	sne.s32 s0, $0x0;
	s18 =	sadd.s32 $0x2BA00, s10;
	[smem:$0x7F7] =	sst s14  }
0x2c: {  	s0 =	simm.s32 $0x10700;
	s23 =	sadd.s32 s3, s4;
	[smem:$0x7F8] =	sst s18  }
0x2d: {  	s24 =	simm.s32 $0xDA00;
	s26 =	sadd.s32 $0x1BA00, s10;
	[smem:$0x7F3] =	sst s23  }
0x2e: {  	s19 =	simm.s32 $0x3;
	s3 =	sadd.s32 s3, s6;
	[smem:$0x7F4] =	sst s26  }
0x2f: {  	s13 =	simm.s32 $0x1;
	s20 =	sadd.s32 $0x21A00, s8;
	[smem:$0x7F6] =	sst s3  }
0x30: {  	s5 =	simm.s32 $0x0;
	[smem:$0x7F9] =	sst s20;
	s23 =	sadd.s32 $0x20A00, s7  }
0x31: {  	s6 =	simm.s32 $0x10A10;
	s26 =	simm.s32 $0xB080;
	[smem:$0x7FA] =	sst s23  }
0x32: {  	v0 =	vimm.f32 $1.000000000e+00;
	s14 =	simm.s32 $0x10480;
	[dreg:$0x1f] =	wrdreg s26;
	s23 =	simm.s32 $0x5  }
.LBB2_1:
0x33: {  	s20 =	sld [smem:$0x7ED];
	_ =	sdelay $0x1  }
0x34: {  	s3 =	simm.s32 $0x0;
	s9 =	sld [smem:$0x7EE]  }
0x35: {  	[tilespmem:s3], [sflag:$0x6] =	stream.linear.gather [hbm4b:s20+s3], $0x5000, $0x38;
	[tilespmem:$0x18990] =	vst v63  }
0x36: {  	s25 =	simm.s32 $0x5000;
	s10 =	sld [smem:$0x7EF]  }
0x37: {  	[tilespmem:s25], [sflag:$0x7] =	stream.linear.gather [hbm4b:s9+s3], $0x2800, $0x38;
	[tilespmem:$0x18990] =	vst v63  }
0x38: {  	s11 =	simm.s32 $0x7800;
	s12 =	sld [smem:$0x7F0]  }
0x39: {  	[tilespmem:s11], [sflag:$0x7] =	stream.linear.gather [hbm4b:s10+s3], $0x2800, $0x38;
	[tilespmem:$0x18990] =	vst v63  }
0x3a: {  	_ = 	snop  }
0x3b: {  	[tilespmem:s6], [sflag:$0x7] =	stream.linear.gather [hbm4b:s12+s3], $0x2800, $0x38;
	[tilespmem:$0x18990] =	vst v63  }
0x3c: {  	[tilespmem:$0x10700] =	vst v0  }
0x3d: {  	[tilespmem:$0x10710] =	vst v0  }
0x3e: {  	[tilespmem:$0x10720] =	vst v0  }
0x3f: {  	[tilespmem:$0x10730] =	vst v0  }
0x40: {  	[tilespmem:$0x10740] =	vst v0  }
0x41: {  	s17 =	sld [smem:$0x7F1];
	[tilespmem:$0x10750] =	vst v0  }
0x42: {  	[tilespmem:$0x10760] =	vst v0  }
0x43: {  	[smem:$0x7EA] =	sst s5;
	s7 =	simm.s32 $0x8;
	s16 =	sshrl.u32 s15, $0x3;
	[tilespmem:$0x10770] =	vst v0  }
0x44: {  	[spmem:s16], [sflag:s21] =	dma.local [hbm:s17], $0x50  }
0x45: {  	_ =	swait.ge [sflag:s7], $0x50  }
0x46: {  	s18 =	sld [smem:$0x7F2];
	_ =	sdelay $0x2  }
0x47: {  	[sflag:s7] =	ssyncset.done $0x0;
	s3 =	sshrl.u32 s18, $0x3  }
0x48: {  	[sflag:s7] =	ssyncadd.s32 $0xFFFFFFB0;
	[smem:$0x7EB] =	sst s3  }
0x49: {  	[spmem:s3], [sflag:s21] =	dma.local [hbm:s17], $0x50  }
0x4a: {  	_ =	swait.ge [sflag:s7], $0x50  }
0x4b: {  	s20 =	sld [smem:$0x7F3];
	_ =	sdelay $0x1  }
0x4c: {  	s26 =	simm.s32 $0x6;
	s15 =	simm.s32 $0xA380;
	s25 =	sld [smem:$0x7F4]  }
0x4d: {  	s5 =	simm.s32 $0xA600;
	[sflag:s7] =	ssyncset.done $0x0;
	s22 =	sshrl.u32 s20, $0x3  }
0x4e: {  	s8 =	simm.s32 $0xA180;
	[sflag:s7] =	ssyncadd.s32 $0xFFFFFFB0;
	[smem:$0x7EC] =	sst s22  }
0x4f: {  	[spmem:s22], [sflag:s21] =	dma.local [hbm:s25], $0x500  }
0x50: {  	s9 =	simm.s32 $0xA200;
	s10 =	simm.s32 $0xA280;
	_ =	swait.ge [sflag:s7], $0x500  }
0x51: {  	s11 =	simm.s32 $0xA300;
	s6 =	simm.s32 $0xA680;
	[sflag:s7] =	ssyncset.done $0x0  }
0x52: {  	s12 =	simm.s32 $0xA780;
	s16 =	simm.s32 $0xA400;
	[sflag:s7] =	ssyncadd.s32 $0xFFFFFB00  }
0x53: {  	s18 =	simm.s32 $0xA500;
	s3 =	simm.s32 $0xA000;
	[bflag:$0x0] =	sbarrier.arrive $0xFFFF  }
0x54: {  	s17 =	simm.s32 $0xA480;
	s20 =	simm.s32 $0x1FC0;
	_ =	swait.ge [sflag:s26], $0x5000  }
0x55: {  	s22 =	simm.s32 $0xA100;
	s25 =	simm.s32 $0xA580;
	[sflag:s26] =	ssyncset.done $0x0  }
0x56: {  	s7 =	simm.s32 $0xA700;
	[sflag:s26] =	ssyncadd.s32 $0xFFFFB000;
	s26 =	simm.s32 $0xA080  }
.LBB2_2:
0x57: {  	s21 =	sshra.s32 s20, $0x2  }
0x58: {  	v1 =	vld [tilespmem:s21+$0xFFFFF810];
	_ =	sdelay $0x4  }
0x59: {  	[tilespmem:$0xA000] =	vst v1  }
0x5a: {  	v1 =	vld [tilespmem:s21+$0xFFFFF820];
	_ =	sdelay $0x4  }
0x5b: {  	[tilespmem:$0xA010] =	vst v1  }
0x5c: {  	v1 =	vld [tilespmem:s21+$0xFFFFF830];
	_ =	sdelay $0x4  }
0x5d: {  	[tilespmem:$0xA020] =	vst v1  }
0x5e: {  	v1 =	vld [tilespmem:s21+$0xFFFFF840];
	_ =	sdelay $0x4  }
0x5f: {  	[tilespmem:$0xA030] =	vst v1  }
0x60: {  	v1 =	vld [tilespmem:s21+$0xFFFFF850];
	_ =	sdelay $0x4  }
0x61: {  	[tilespmem:$0xA040] =	vst v1  }
0x62: {  	v1 =	vld [tilespmem:s21+$0xFFFFF860];
	_ =	sdelay $0x4  }
0x63: {  	[tilespmem:$0xA050] =	vst v1  }
0x64: {  	v1 =	vld [tilespmem:s21+$0xFFFFF870];
	_ =	sdelay $0x4  }
0x65: {  	[tilespmem:$0xA060] =	vst v1  }
0x66: {  	v1 =	vld [tilespmem:s21+$0xFFFFF880];
	_ =	sdelay $0x4  }
0x67: {  	[tilespmem:$0xA070] =	vst v1  }
0x68: {  	v1 =	vld [tilespmem:s21+$0xFFFFF890];
	_ =	sdelay $0x4  }
0x69: {  	[tilespmem:$0xA080] =	vst v1  }
0x6a: {  	v1 =	vld [tilespmem:s21+$0xFFFFF8A0];
	_ =	sdelay $0x4  }
0x6b: {  	[tilespmem:$0xA090] =	vst v1  }
0x6c: {  	v1 =	vld [tilespmem:s21+$0xFFFFF8B0];
	_ =	sdelay $0x4  }
0x6d: {  	[tilespmem:$0xA0A0] =	vst v1  }
0x6e: {  	v1 =	vld [tilespmem:s21+$0xFFFFF8C0];
	_ =	sdelay $0x4  }
0x6f: {  	[tilespmem:$0xA0B0] =	vst v1  }
0x70: {  	v1 =	vld [tilespmem:s21+$0xFFFFF8D0];
	_ =	sdelay $0x4  }
0x71: {  	[tilespmem:$0xA0C0] =	vst v1  }
0x72: {  	v1 =	vld [tilespmem:s21+$0xFFFFF8E0];
	_ =	sdelay $0x4  }
0x73: {  	[tilespmem:$0xA0D0] =	vst v1  }
0x74: {  	v1 =	vld [tilespmem:s21+$0xFFFFF8F0];
	_ =	sdelay $0x4  }
0x75: {  	[tilespmem:$0xA0E0] =	vst v1  }
0x76: {  	v1 =	vld [tilespmem:s21+$0xFFFFF900];
	_ =	sdelay $0x4  }
0x77: {  	[tilespmem:$0xA0F0] =	vst v1  }
0x78: {  	v1 =	vld [tilespmem:s21+$0xFFFFF910];
	_ =	sdelay $0x4  }
0x79: {  	[tilespmem:$0xA100] =	vst v1  }
0x7a: {  	v1 =	vld [tilespmem:s21+$0xFFFFF920];
	_ =	sdelay $0x4  }
0x7b: {  	[tilespmem:$0xA110] =	vst v1  }
0x7c: {  	v1 =	vld [tilespmem:s21+$0xFFFFF930];
	_ =	sdelay $0x4  }
0x7d: {  	[tilespmem:$0xA120] =	vst v1  }
0x7e: {  	v1 =	vld [tilespmem:s21+$0xFFFFF940];
	_ =	sdelay $0x4  }
0x7f: {  	[tilespmem:$0xA130] =	vst v1  }
0x80: {  	v1 =	vld [tilespmem:s21+$0xFFFFF950];
	_ =	sdelay $0x4  }
0x81: {  	[tilespmem:$0xA140] =	vst v1  }
0x82: {  	v1 =	vld [tilespmem:s21+$0xFFFFF960];
	_ =	sdelay $0x4  }
0x83: {  	[tilespmem:$0xA150] =	vst v1  }
0x84: {  	v1 =	vld [tilespmem:s21+$0xFFFFF970];
	_ =	sdelay $0x4  }
0x85: {  	[tilespmem:$0xA160] =	vst v1  }
0x86: {  	v1 =	vld [tilespmem:s21+$0xFFFFF980];
	_ =	sdelay $0x4  }
0x87: {  	[tilespmem:$0xA170] =	vst v1  }
0x88: {  	v1 =	vld [tilespmem:s21+$0xFFFFF990];
	_ =	sdelay $0x4  }
0x89: {  	[tilespmem:$0xA180] =	vst v1  }
0x8a: {  	v1 =	vld [tilespmem:s21+$0xFFFFF9A0];
	_ =	sdelay $0x4  }
0x8b: {  	[tilespmem:$0xA190] =	vst v1  }
0x8c: {  	v1 =	vld [tilespmem:s21+$0xFFFFF9B0];
	_ =	sdelay $0x4  }
0x8d: {  	[tilespmem:$0xA1A0] =	vst v1  }
0x8e: {  	v1 =	vld [tilespmem:s21+$0xFFFFF9C0];
	_ =	sdelay $0x4  }
0x8f: {  	[tilespmem:$0xA1B0] =	vst v1  }
0x90: {  	v1 =	vld [tilespmem:s21+$0xFFFFF9D0];
	_ =	sdelay $0x4  }
0x91: {  	[tilespmem:$0xA1C0] =	vst v1  }
0x92: {  	v1 =	vld [tilespmem:s21+$0xFFFFF9E0];
	_ =	sdelay $0x4  }
0x93: {  	[tilespmem:$0xA1D0] =	vst v1  }
0x94: {  	v1 =	vld [tilespmem:s21+$0xFFFFF9F0];
	_ =	sdelay $0x4  }
0x95: {  	[tilespmem:$0xA1E0] =	vst v1  }
0x96: {  	v1 =	vld [tilespmem:s21+$0xFFFFFA00];
	_ =	sdelay $0x4  }
0x97: {  	[tilespmem:$0xA1F0] =	vst v1  }
0x98: {  	v1 =	vld [tilespmem:s21+$0xFFFFFA10];
	_ =	sdelay $0x4  }
0x99: {  	[tilespmem:$0xA200] =	vst v1  }
0x9a: {  	v1 =	vld [tilespmem:s21+$0xFFFFFA20];
	_ =	sdelay $0x4  }
0x9b: {  	[tilespmem:$0xA210] =	vst v1  }
0x9c: {  	v1 =	vld [tilespmem:s21+$0xFFFFFA30];
	_ =	sdelay $0x4  }
0x9d: {  	[tilespmem:$0xA220] =	vst v1  }
0x9e: {  	v1 =	vld [tilespmem:s21+$0xFFFFFA40];
	_ =	sdelay $0x4  }
0x9f: {  	[tilespmem:$0xA230] =	vst v1  }
0xa0: {  	v1 =	vld [tilespmem:s21+$0xFFFFFA50];
	_ =	sdelay $0x4  }
0xa1: {  	[tilespmem:$0xA240] =	vst v1  }
0xa2: {  	v1 =	vld [tilespmem:s21+$0xFFFFFA60];
	_ =	sdelay $0x4  }
0xa3: {  	[tilespmem:$0xA250] =	vst v1  }
0xa4: {  	v1 =	vld [tilespmem:s21+$0xFFFFFA70];
	_ =	sdelay $0x4  }
0xa5: {  	[tilespmem:$0xA260] =	vst v1  }
0xa6: {  	v1 =	vld [tilespmem:s21+$0xFFFFFA80];
	_ =	sdelay $0x4  }
0xa7: {  	[tilespmem:$0xA270] =	vst v1  }
0xa8: {  	v1 =	vld [tilespmem:s21+$0xFFFFFA90];
	_ =	sdelay $0x4  }
0xa9: {  	[tilespmem:$0xA280] =	vst v1  }
0xaa: {  	v1 =	vld [tilespmem:s21+$0xFFFFFAA0];
	_ =	sdelay $0x4  }
0xab: {  	[tilespmem:$0xA290] =	vst v1  }
0xac: {  	v1 =	vld [tilespmem:s21+$0xFFFFFAB0];
	_ =	sdelay $0x4  }
0xad: {  	[tilespmem:$0xA2A0] =	vst v1  }
0xae: {  	v1 =	vld [tilespmem:s21+$0xFFFFFAC0];
	_ =	sdelay $0x4  }
0xaf: {  	[tilespmem:$0xA2B0] =	vst v1  }
0xb0: {  	v1 =	vld [tilespmem:s21+$0xFFFFFAD0];
	_ =	sdelay $0x4  }
0xb1: {  	[tilespmem:$0xA2C0] =	vst v1  }
0xb2: {  	v1 =	vld [tilespmem:s21+$0xFFFFFAE0];
	_ =	sdelay $0x4  }
0xb3: {  	[tilespmem:$0xA2D0] =	vst v1  }
0xb4: {  	v1 =	vld [tilespmem:s21+$0xFFFFFAF0];
	_ =	sdelay $0x4  }
0xb5: {  	[tilespmem:$0xA2E0] =	vst v1  }
0xb6: {  	v1 =	vld [tilespmem:s21+$0xFFFFFB00];
	_ =	sdelay $0x4  }
0xb7: {  	[tilespmem:$0xA2F0] =	vst v1  }
0xb8: {  	v1 =	vld [tilespmem:s21+$0xFFFFFB10];
	_ =	sdelay $0x4  }
0xb9: {  	[tilespmem:$0xA300] =	vst v1  }
0xba: {  	v1 =	vld [tilespmem:s21+$0xFFFFFB20];
	_ =	sdelay $0x4  }
0xbb: {  	[tilespmem:$0xA310] =	vst v1  }
0xbc: {  	v1 =	vld [tilespmem:s21+$0xFFFFFB30];
	_ =	sdelay $0x4  }
0xbd: {  	[tilespmem:$0xA320] =	vst v1  }
0xbe: {  	v1 =	vld [tilespmem:s21+$0xFFFFFB40];
	_ =	sdelay $0x4  }
0xbf: {  	[tilespmem:$0xA330] =	vst v1  }
0xc0: {  	v1 =	vld [tilespmem:s21+$0xFFFFFB50];
	_ =	sdelay $0x4  }
0xc1: {  	[tilespmem:$0xA340] =	vst v1  }
0xc2: {  	v1 =	vld [tilespmem:s21+$0xFFFFFB60];
	_ =	sdelay $0x4  }
0xc3: {  	[tilespmem:$0xA350] =	vst v1  }
0xc4: {  	v1 =	vld [tilespmem:s21+$0xFFFFFB70];
	_ =	sdelay $0x4  }
0xc5: {  	[tilespmem:$0xA360] =	vst v1  }
0xc6: {  	v1 =	vld [tilespmem:s21+$0xFFFFFB80];
	_ =	sdelay $0x4  }
0xc7: {  	[tilespmem:$0xA370] =	vst v1  }
0xc8: {  	v1 =	vld [tilespmem:s21+$0xFFFFFB90];
	_ =	sdelay $0x4  }
0xc9: {  	[tilespmem:$0xA380] =	vst v1  }
0xca: {  	v1 =	vld [tilespmem:s21+$0xFFFFFBA0];
	_ =	sdelay $0x4  }
0xcb: {  	[tilespmem:$0xA390] =	vst v1  }
0xcc: {  	v1 =	vld [tilespmem:s21+$0xFFFFFBB0];
	_ =	sdelay $0x4  }
0xcd: {  	[tilespmem:$0xA3A0] =	vst v1  }
0xce: {  	v1 =	vld [tilespmem:s21+$0xFFFFFBC0];
	_ =	sdelay $0x4  }
0xcf: {  	[tilespmem:$0xA3B0] =	vst v1  }
0xd0: {  	v1 =	vld [tilespmem:s21+$0xFFFFFBD0];
	_ =	sdelay $0x4  }
0xd1: {  	[tilespmem:$0xA3C0] =	vst v1  }
0xd2: {  	v1 =	vld [tilespmem:s21+$0xFFFFFBE0];
	_ =	sdelay $0x4  }
0xd3: {  	[tilespmem:$0xA3D0] =	vst v1  }
0xd4: {  	v1 =	vld [tilespmem:s21+$0xFFFFFBF0];
	_ =	sdelay $0x4  }
0xd5: {  	[tilespmem:$0xA3E0] =	vst v1  }
0xd6: {  	v1 =	vld [tilespmem:s21+$0xFFFFFC00];
	_ =	sdelay $0x4  }
0xd7: {  	[tilespmem:$0xA3F0] =	vst v1  }
0xd8: {  	[spmem:s1] =	stream.indirect.scatter.add.f32 [tilespmem:s0], [sflag:$0x5], $0x1, s3, s31, $0xb8;
	[tilespmem:$0x18990] =	vst v63  }
0xd9: {  	_ = 	snop  }
0xda: {  	[spmem:s1] =	stream.indirect.scatter.add.f32 [tilespmem:s0], [sflag:$0x5], $0x1, s26, s31, $0xb8;
	[tilespmem:$0x18990] =	vst v63  }
0xdb: {  	_ = 	snop  }
0xdc: {  	[spmem:s1] =	stream.indirect.scatter.add.f32 [tilespmem:s0], [sflag:$0x5], $0x1, s22, s31, $0xb8;
	[tilespmem:$0x18990] =	vst v63  }
0xdd: {  	_ = 	snop  }
0xde: {  	[spmem:s1] =	stream.indirect.scatter.add.f32 [tilespmem:s0], [sflag:$0x5], $0x1, s8, s31, $0xb8;
	[tilespmem:$0x18990] =	vst v63  }
0xdf: {  	_ = 	snop  }
0xe0: {  	[spmem:s1] =	stream.indirect.scatter.add.f32 [tilespmem:s0], [sflag:$0x5], $0x1, s9, s31, $0xb8;
	[tilespmem:$0x18990] =	vst v63  }
0xe1: {  	_ = 	snop  }
0xe2: {  	[spmem:s1] =	stream.indirect.scatter.add.f32 [tilespmem:s0], [sflag:$0x5], $0x1, s10, s31, $0xb8;
	[tilespmem:$0x18990] =	vst v63  }
0xe3: {  	_ = 	snop  }
0xe4: {  	[spmem:s1] =	stream.indirect.scatter.add.f32 [tilespmem:s0], [sflag:$0x5], $0x1, s11, s31, $0xb8;
	[tilespmem:$0x18990] =	vst v63  }
0xe5: {  	_ = 	snop  }
0xe6: {  	[spmem:s1] =	stream.indirect.scatter.add.f32 [tilespmem:s0], [sflag:$0x5], $0x1, s15, s31, $0xb8;
	[tilespmem:$0x18990] =	vst v63  }
0xe7: {  	v1 =	vld [tilespmem:s21+$0xFFFFFC10];
	_ =	sdelay $0x4  }
0xe8: {  	[tilespmem:$0xA400] =	vst v1  }
0xe9: {  	v1 =	vld [tilespmem:s21+$0xFFFFFC20];
	_ =	sdelay $0x4  }
0xea: {  	[tilespmem:$0xA410] =	vst v1  }
0xeb: {  	v1 =	vld [tilespmem:s21+$0xFFFFFC30];
	_ =	sdelay $0x4  }
0xec: {  	[tilespmem:$0xA420] =	vst v1  }
0xed: {  	v1 =	vld [tilespmem:s21+$0xFFFFFC40];
	_ =	sdelay $0x4  }
0xee: {  	[tilespmem:$0xA430] =	vst v1  }
0xef: {  	v1 =	vld [tilespmem:s21+$0xFFFFFC50];
	_ =	sdelay $0x4  }
0xf0: {  	[tilespmem:$0xA440] =	vst v1  }
0xf1: {  	v1 =	vld [tilespmem:s21+$0xFFFFFC60];
	_ =	sdelay $0x4  }
0xf2: {  	[tilespmem:$0xA450] =	vst v1  }
0xf3: {  	v1 =	vld [tilespmem:s21+$0xFFFFFC70];
	_ =	sdelay $0x4  }
0xf4: {  	[tilespmem:$0xA460] =	vst v1  }
0xf5: {  	v1 =	vld [tilespmem:s21+$0xFFFFFC80];
	_ =	sdelay $0x4  }
0xf6: {  	[tilespmem:$0xA470] =	vst v1  }
0xf7: {  	v1 =	vld [tilespmem:s21+$0xFFFFFC90];
	_ =	sdelay $0x4  }
0xf8: {  	[tilespmem:$0xA480] =	vst v1  }
0xf9: {  	v1 =	vld [tilespmem:s21+$0xFFFFFCA0];
	_ =	sdelay $0x4  }
0xfa: {  	[tilespmem:$0xA490] =	vst v1  }
0xfb: {  	v1 =	vld [tilespmem:s21+$0xFFFFFCB0];
	_ =	sdelay $0x4  }
0xfc: {  	[tilespmem:$0xA4A0] =	vst v1  }
0xfd: {  	v1 =	vld [tilespmem:s21+$0xFFFFFCC0];
	_ =	sdelay $0x4  }
0xfe: {  	[tilespmem:$0xA4B0] =	vst v1  }
0xff: {  	v1 =	vld [tilespmem:s21+$0xFFFFFCD0];
	_ =	sdelay $0x4  }
0x100: {  	[tilespmem:$0xA4C0] =	vst v1  }
0x101: {  	v1 =	vld [tilespmem:s21+$0xFFFFFCE0];
	_ =	sdelay $0x4  }
0x102: {  	[tilespmem:$0xA4D0] =	vst v1  }
0x103: {  	v1 =	vld [tilespmem:s21+$0xFFFFFCF0];
	_ =	sdelay $0x4  }
0x104: {  	[tilespmem:$0xA4E0] =	vst v1  }
0x105: {  	v1 =	vld [tilespmem:s21+$0xFFFFFD00];
	_ =	sdelay $0x4  }
0x106: {  	[tilespmem:$0xA4F0] =	vst v1  }
0x107: {  	v1 =	vld [tilespmem:s21+$0xFFFFFD10];
	_ =	sdelay $0x4  }
0x108: {  	[tilespmem:$0xA500] =	vst v1  }
0x109: {  	v1 =	vld [tilespmem:s21+$0xFFFFFD20];
	_ =	sdelay $0x4  }
0x10a: {  	[tilespmem:$0xA510] =	vst v1  }
0x10b: {  	v1 =	vld [tilespmem:s21+$0xFFFFFD30];
	_ =	sdelay $0x4  }
0x10c: {  	[tilespmem:$0xA520] =	vst v1  }
0x10d: {  	v1 =	vld [tilespmem:s21+$0xFFFFFD40];
	_ =	sdelay $0x4  }
0x10e: {  	[tilespmem:$0xA530] =	vst v1  }
0x10f: {  	v1 =	vld [tilespmem:s21+$0xFFFFFD50];
	_ =	sdelay $0x4  }
0x110: {  	[tilespmem:$0xA540] =	vst v1  }
0x111: {  	v1 =	vld [tilespmem:s21+$0xFFFFFD60];
	_ =	sdelay $0x4  }
0x112: {  	[tilespmem:$0xA550] =	vst v1  }
0x113: {  	v1 =	vld [tilespmem:s21+$0xFFFFFD70];
	_ =	sdelay $0x4  }
0x114: {  	[tilespmem:$0xA560] =	vst v1  }
0x115: {  	v1 =	vld [tilespmem:s21+$0xFFFFFD80];
	_ =	sdelay $0x4  }
0x116: {  	[tilespmem:$0xA570] =	vst v1  }
0x117: {  	v1 =	vld [tilespmem:s21+$0xFFFFFD90];
	_ =	sdelay $0x4  }
0x118: {  	[tilespmem:$0xA580] =	vst v1  }
0x119: {  	v1 =	vld [tilespmem:s21+$0xFFFFFDA0];
	_ =	sdelay $0x4  }
0x11a: {  	[tilespmem:$0xA590] =	vst v1  }
0x11b: {  	v1 =	vld [tilespmem:s21+$0xFFFFFDB0];
	_ =	sdelay $0x4  }
0x11c: {  	[tilespmem:$0xA5A0] =	vst v1  }
0x11d: {  	v1 =	vld [tilespmem:s21+$0xFFFFFDC0];
	_ =	sdelay $0x4  }
0x11e: {  	[tilespmem:$0xA5B0] =	vst v1  }
0x11f: {  	v1 =	vld [tilespmem:s21+$0xFFFFFDD0];
	_ =	sdelay $0x4  }
0x120: {  	[tilespmem:$0xA5C0] =	vst v1  }
0x121: {  	v1 =	vld [tilespmem:s21+$0xFFFFFDE0];
	_ =	sdelay $0x4  }
0x122: {  	[tilespmem:$0xA5D0] =	vst v1  }
0x123: {  	v1 =	vld [tilespmem:s21+$0xFFFFFDF0];
	_ =	sdelay $0x4  }
0x124: {  	[tilespmem:$0xA5E0] =	vst v1  }
0x125: {  	v1 =	vld [tilespmem:s21+$0xFFFFFE00];
	_ =	sdelay $0x4  }
0x126: {  	[tilespmem:$0xA5F0] =	vst v1  }
0x127: {  	v1 =	vld [tilespmem:s21+$0xFFFFFE10];
	_ =	sdelay $0x4  }
0x128: {  	[tilespmem:$0xA600] =	vst v1  }
0x129: {  	v1 =	vld [tilespmem:s21+$0xFFFFFE20];
	_ =	sdelay $0x4  }
0x12a: {  	[tilespmem:$0xA610] =	vst v1  }
0x12b: {  	v1 =	vld [tilespmem:s21+$0xFFFFFE30];
	_ =	sdelay $0x4  }
0x12c: {  	[tilespmem:$0xA620] =	vst v1  }
0x12d: {  	v1 =	vld [tilespmem:s21+$0xFFFFFE40];
	_ =	sdelay $0x4  }
0x12e: {  	[tilespmem:$0xA630] =	vst v1  }
0x12f: {  	v1 =	vld [tilespmem:s21+$0xFFFFFE50];
	_ =	sdelay $0x4  }
0x130: {  	[tilespmem:$0xA640] =	vst v1  }
0x131: {  	v1 =	vld [tilespmem:s21+$0xFFFFFE60];
	_ =	sdelay $0x4  }
0x132: {  	[tilespmem:$0xA650] =	vst v1  }
0x133: {  	v1 =	vld [tilespmem:s21+$0xFFFFFE70];
	_ =	sdelay $0x4  }
0x134: {  	[tilespmem:$0xA660] =	vst v1  }
0x135: {  	v1 =	vld [tilespmem:s21+$0xFFFFFE80];
	_ =	sdelay $0x4  }
0x136: {  	[tilespmem:$0xA670] =	vst v1  }
0x137: {  	v1 =	vld [tilespmem:s21+$0xFFFFFE90];
	_ =	sdelay $0x4  }
0x138: {  	[tilespmem:$0xA680] =	vst v1  }
0x139: {  	v1 =	vld [tilespmem:s21+$0xFFFFFEA0];
	_ =	sdelay $0x4  }
0x13a: {  	[tilespmem:$0xA690] =	vst v1  }
0x13b: {  	v1 =	vld [tilespmem:s21+$0xFFFFFEB0];
	_ =	sdelay $0x4  }
0x13c: {  	[tilespmem:$0xA6A0] =	vst v1  }
0x13d: {  	v1 =	vld [tilespmem:s21+$0xFFFFFEC0];
	_ =	sdelay $0x4  }
0x13e: {  	[tilespmem:$0xA6B0] =	vst v1  }
0x13f: {  	v1 =	vld [tilespmem:s21+$0xFFFFFED0];
	_ =	sdelay $0x4  }
0x140: {  	[tilespmem:$0xA6C0] =	vst v1  }
0x141: {  	v1 =	vld [tilespmem:s21+$0xFFFFFEE0];
	_ =	sdelay $0x4  }
0x142: {  	[tilespmem:$0xA6D0] =	vst v1  }
0x143: {  	v1 =	vld [tilespmem:s21+$0xFFFFFEF0];
	_ =	sdelay $0x4  }
0x144: {  	[tilespmem:$0xA6E0] =	vst v1  }
0x145: {  	v1 =	vld [tilespmem:s21+$0xFFFFFF00];
	_ =	sdelay $0x4  }
0x146: {  	[tilespmem:$0xA6F0] =	vst v1  }
0x147: {  	v1 =	vld [tilespmem:s21+$0xFFFFFF10];
	_ =	sdelay $0x4  }
0x148: {  	[tilespmem:$0xA700] =	vst v1  }
0x149: {  	v1 =	vld [tilespmem:s21+$0xFFFFFF20];
	_ =	sdelay $0x4  }
0x14a: {  	[tilespmem:$0xA710] =	vst v1  }
0x14b: {  	v1 =	vld [tilespmem:s21+$0xFFFFFF30];
	_ =	sdelay $0x4  }
0x14c: {  	[tilespmem:$0xA720] =	vst v1  }
0x14d: {  	v1 =	vld [tilespmem:s21+$0xFFFFFF40];
	_ =	sdelay $0x4  }
0x14e: {  	[tilespmem:$0xA730] =	vst v1  }
0x14f: {  	v1 =	vld [tilespmem:s21+$0xFFFFFF50];
	_ =	sdelay $0x4  }
0x150: {  	[tilespmem:$0xA740] =	vst v1  }
0x151: {  	v1 =	vld [tilespmem:s21+$0xFFFFFF60];
	_ =	sdelay $0x4  }
0x152: {  	[tilespmem:$0xA750] =	vst v1  }
0x153: {  	v1 =	vld [tilespmem:s21+$0xFFFFFF70];
	_ =	sdelay $0x4  }
0x154: {  	[tilespmem:$0xA760] =	vst v1  }
0x155: {  	v1 =	vld [tilespmem:s21+$0xFFFFFF80];
	_ =	sdelay $0x4  }
0x156: {  	[tilespmem:$0xA770] =	vst v1  }
0x157: {  	v1 =	vld [tilespmem:s21+$0xFFFFFF90];
	_ =	sdelay $0x4  }
0x158: {  	[tilespmem:$0xA780] =	vst v1  }
0x159: {  	v1 =	vld [tilespmem:s21+$0xFFFFFFA0];
	_ =	sdelay $0x4  }
0x15a: {  	[tilespmem:$0xA790] =	vst v1  }
0x15b: {  	v1 =	vld [tilespmem:s21+$0xFFFFFFB0];
	_ =	sdelay $0x4  }
0x15c: {  	[tilespmem:$0xA7A0] =	vst v1  }
0x15d: {  	v1 =	vld [tilespmem:s21+$0xFFFFFFC0];
	_ =	sdelay $0x4  }
0x15e: {  	[tilespmem:$0xA7B0] =	vst v1  }
0x15f: {  	v1 =	vld [tilespmem:s21+$0xFFFFFFD0];
	_ =	sdelay $0x4  }
0x160: {  	[tilespmem:$0xA7C0] =	vst v1  }
0x161: {  	v1 =	vld [tilespmem:s21+$0xFFFFFFE0];
	_ =	sdelay $0x4  }
0x162: {  	[tilespmem:$0xA7D0] =	vst v1  }
0x163: {  	v1 =	vld [tilespmem:s21+$0xFFFFFFF0];
	_ =	sdelay $0x4  }
0x164: {  	[tilespmem:$0xA7E0] =	vst v1  }
0x165: {  	v1 =	vld [tilespmem:s21+$0x0];
	_ =	sdelay $0x4  }
0x166: {  	[tilespmem:$0xA7F0] =	vst v1  }
0x167: {  	[spmem:s1] =	stream.indirect.scatter.add.f32 [tilespmem:s0], [sflag:$0x5], $0x1, s16, s31, $0xb8;
	[tilespmem:$0x18990] =	vst v63  }
0x168: {  	_ = 	snop  }
0x169: {  	[spmem:s1] =	stream.indirect.scatter.add.f32 [tilespmem:s0], [sflag:$0x5], $0x1, s17, s31, $0xb8;
	[tilespmem:$0x18990] =	vst v63  }
0x16a: {  	_ = 	snop  }
0x16b: {  	[spmem:s1] =	stream.indirect.scatter.add.f32 [tilespmem:s0], [sflag:$0x5], $0x1, s18, s31, $0xb8;
	[tilespmem:$0x18990] =	vst v63  }
0x16c: {  	_ = 	snop  }
0x16d: {  	[spmem:s1] =	stream.indirect.scatter.add.f32 [tilespmem:s0], [sflag:$0x5], $0x1, s25, s31, $0xb8;
	[tilespmem:$0x18990] =	vst v63  }
0x16e: {  	_ = 	snop  }
0x16f: {  	[spmem:s1] =	stream.indirect.scatter.add.f32 [tilespmem:s0], [sflag:$0x5], $0x1, s5, s31, $0xb8;
	[tilespmem:$0x18990] =	vst v63  }
0x170: {  	_ = 	snop  }
0x171: {  	[spmem:s1] =	stream.indirect.scatter.add.f32 [tilespmem:s0], [sflag:$0x5], $0x1, s6, s31, $0xb8;
	[tilespmem:$0x18990] =	vst v63  }
0x172: {  	_ = 	snop  }
0x173: {  	[spmem:s1] =	stream.indirect.scatter.add.f32 [tilespmem:s0], [sflag:$0x5], $0x1, s7, s31, $0xb8;
	[tilespmem:$0x18990] =	vst v63  }
0x174: {  	_ = 	snop  }
0x175: {  	[spmem:s1] =	stream.indirect.scatter.add.f32 [tilespmem:s0], [sflag:$0x5], $0x1, s12, s31, $0xb8;
	[tilespmem:$0x18990] =	vst v63  }
0x176: {  	_ =	swait.ge [sflag:s23], $0x80  }
0x177: {  	[sflag:s23] =	ssyncset.done $0x0  }
0x178: {  	[sflag:s23] =	ssyncadd.s32 $0xFFFFFF80  }
0x179: {  	_ =	swait.ge [sflag:s23], $0x80  }
0x17a: {  	[sflag:s23] =	ssyncset.done $0x0  }
0x17b: {  	[sflag:s23] =	ssyncadd.s32 $0xFFFFFF80  }
0x17c: {  	_ =	swait.ge [sflag:s23], $0x80  }
0x17d: {  	[sflag:s23] =	ssyncset.done $0x0  }
0x17e: {  	[sflag:s23] =	ssyncadd.s32 $0xFFFFFF80  }
0x17f: {  	_ =	swait.ge [sflag:s23], $0x80  }
0x180: {  	[sflag:s23] =	ssyncset.done $0x0  }
0x181: {  	[sflag:s23] =	ssyncadd.s32 $0xFFFFFF80  }
0x182: {  	_ =	swait.ge [sflag:s23], $0x80  }
0x183: {  	[sflag:s23] =	ssyncset.done $0x0  }
0x184: {  	[sflag:s23] =	ssyncadd.s32 $0xFFFFFF80  }
0x185: {  	_ =	swait.ge [sflag:s23], $0x80  }
0x186: {  	[sflag:s23] =	ssyncset.done $0x0  }
0x187: {  	[sflag:s23] =	ssyncadd.s32 $0xFFFFFF80  }
0x188: {  	_ =	swait.ge [sflag:s23], $0x80  }
0x189: {  	[sflag:s23] =	ssyncset.done $0x0  }
0x18a: {  	[sflag:s23] =	ssyncadd.s32 $0xFFFFFF80  }
0x18b: {  	_ =	swait.ge [sflag:s23], $0x80  }
0x18c: {  	[sflag:s23] =	ssyncset.done $0x0  }
0x18d: {  	[sflag:s23] =	ssyncadd.s32 $0xFFFFFF80  }
0x18e: {  	_ =	swait.ge [sflag:s23], $0x80  }
0x18f: {  	[sflag:s23] =	ssyncset.done $0x0  }
0x190: {  	[sflag:s23] =	ssyncadd.s32 $0xFFFFFF80  }
0x191: {  	_ =	swait.ge [sflag:s23], $0x80  }
0x192: {  	[sflag:s23] =	ssyncset.done $0x0  }
0x193: {  	[sflag:s23] =	ssyncadd.s32 $0xFFFFFF80  }
0x194: {  	_ =	swait.ge [sflag:s23], $0x80  }
0x195: {  	[sflag:s23] =	ssyncset.done $0x0  }
0x196: {  	[sflag:s23] =	ssyncadd.s32 $0xFFFFFF80  }
0x197: {  	_ =	swait.ge [sflag:s23], $0x80  }
0x198: {  	[sflag:s23] =	ssyncset.done $0x0  }
0x199: {  	[sflag:s23] =	ssyncadd.s32 $0xFFFFFF80  }
0x19a: {  	_ =	swait.ge [sflag:s23], $0x80  }
0x19b: {  	[sflag:s23] =	ssyncset.done $0x0  }
0x19c: {  	[sflag:s23] =	ssyncadd.s32 $0xFFFFFF80  }
0x19d: {  	_ =	swait.ge [sflag:s23], $0x80  }
0x19e: {  	[sflag:s23] =	ssyncset.done $0x0  }
0x19f: {  	[sflag:s23] =	ssyncadd.s32 $0xFFFFFF80  }
0x1a0: {  	p1 =	sne.s32 s20, $0x13FC0;
	_ =	swait.ge [sflag:s23], $0x80  }
.Ltmp0:
0x1a1: {  	[sflag:s23] =	ssyncset.done $0x0;
	(pc) =	sbr.rel @p1 .LBB2_2-.Ltmp0, $4  }
0x1a2: {  	[sflag:s23] =	ssyncadd.s32 $0xFFFFFF80  }
0x1a3: {  	_ =	swait.ge [sflag:s23], $0x80  }
0x1a4: {  	[sflag:s23] =	ssyncset.done $0x0  }
0x1a5: {  	s20 =	sadd.s32 $0x2000, s20;
	[sflag:s23] =	ssyncadd.s32 $0xFFFFFF80  }
0x1a6: {  	[bflag:$0x0] =	sbarrier.arrive $0xFFFF  }
0x1a7: {  	s3 =	sld [smem:$0x7FC];
	_ =	sdelay $0x1  }
0x1a8: {  	s7 =	simm.s32 $0x10780;
	s25 =	simm.s32 $0x8  }
0x1a9: {  	[tilespmem:s7], [sflag:$0x8] =	stream.linear.gather [spmem:s3], $0x280, $0x38;
	[tilespmem:$0x18990] =	vst v63  }
0x1aa: {  	_ =	swait.ge [sflag:s25], $0x280  }
0x1ab: {  	[sflag:s25] =	ssyncset.done $0x0  }
0x1ac: {  	s26 =	simm.s32 $0x7;
	[sflag:s25] =	ssyncadd.s32 $0xFFFFFD80  }
0x1ad: {  	_ =	swait.ge [sflag:s26], $0x2800  }
0x1ae: {  	[sflag:s26] =	ssyncset.done $0x0  }
0x1af: {  	[sflag:s26] =	ssyncadd.s32 $0xFFFFD800  }
0x1b0: {  	_ =	swait.ge [sflag:s26], $0x2800  }
0x1b1: {  	[sflag:s26] =	ssyncset.done $0x0  }
0x1b2: {  	[sflag:s26] =	ssyncadd.s32 $0xFFFFD800  }
0x1b3: {  	_ =	swait.ge [sflag:s26], $0x2800  }
0x1b4: {  	[sflag:s26] =	ssyncset.done $0x0  }
0x1b5: {  	s20 =	simm.s32 $0x0;
	s21 =	simm.s32 $0x40;
	[sflag:s26] =	ssyncadd.s32 $0xFFFFD800  }
.LBB2_4:
0x1b6: {  	p1 =	sne.s32 s21, $0x9C0;
	v1 =	vld [tilespmem:s20+$0x10780];
	_ =	sdelay $0x4  }
0x1b7: {  	v1 =	vadd.f32 $1.000000000e+00, v1;
	_ =	sdelay $0x1  }
0x1b8: {  	v2 =	vshrl.u32 v1, $0x1;
	v1 =	vmul.f32 $5.000000000e-01, v1  }
0x1b9: {  	v2 =	vsub.s32 $0x5F3759DF, v2  }
0x1ba: {  	v3 =	vmul.f32 v2, v1;
	_ =	sdelay $0x1  }
0x1bb: {  	v3 =	vmul.f32 v2, v3;
	_ =	sdelay $0x1  }
0x1bc: {  	v3 =	vsub.f32 $1.500000000e+00, v3;
	_ =	sdelay $0x1  }
0x1bd: {  	v2 =	vmul.f32 v2, v3;
	_ =	sdelay $0x1  }
0x1be: {  	v3 =	vmul.f32 v2, v1;
	_ =	sdelay $0x1  }
0x1bf: {  	v3 =	vmul.f32 v3, v2;
	_ =	sdelay $0x1  }
0x1c0: {  	v3 =	vsub.f32 $1.500000000e+00, v3;
	_ =	sdelay $0x1  }
0x1c1: {  	v2 =	vmul.f32 v3, v2;
	_ =	sdelay $0x1  }
0x1c2: {  	v1 =	vmul.f32 v2, v1;
	_ =	sdelay $0x1  }
0x1c3: {  	v1 =	vmul.f32 v1, v2;
	_ =	sdelay $0x1  }
.Ltmp1:
0x1c4: {  	v1 =	vsub.f32 $1.500000000e+00, v1;
	(pc) =	sbr.rel @p1 .LBB2_4-.Ltmp1, $3  }
0x1c5: {  	_ = 	snop  }
0x1c6: {  	v1 =	vmul.f32 v1, v2;
	_ =	sdelay $0x1  }
0x1c7: {  	[tilespmem:s20+$0x10780] =	vst v1;
	s20 =	sshra.s32 s21, $0x2;
	s21 =	sadd.s32 $0x40, s21  }
0x1c8: {  	v1 =	vld [tilespmem:s20+$0x10780];
	_ =	sdelay $0x4  }
0x1c9: {  	v1 =	vadd.f32 $1.000000000e+00, v1;
	_ =	sdelay $0x1  }
0x1ca: {  	v2 =	vshrl.u32 v1, $0x1;
	v1 =	vmul.f32 $5.000000000e-01, v1  }
0x1cb: {  	v2 =	vsub.s32 $0x5F3759DF, v2  }
0x1cc: {  	v3 =	vmul.f32 v2, v1;
	_ =	sdelay $0x1  }
0x1cd: {  	v3 =	vmul.f32 v2, v3;
	_ =	sdelay $0x1  }
0x1ce: {  	v3 =	vsub.f32 $1.500000000e+00, v3;
	_ =	sdelay $0x1  }
0x1cf: {  	v2 =	vmul.f32 v2, v3;
	_ =	sdelay $0x1  }
0x1d0: {  	v3 =	vmul.f32 v2, v1;
	_ =	sdelay $0x1  }
0x1d1: {  	v3 =	vmul.f32 v3, v2;
	_ =	sdelay $0x1  }
0x1d2: {  	v3 =	vsub.f32 $1.500000000e+00, v3;
	_ =	sdelay $0x1  }
0x1d3: {  	v2 =	vmul.f32 v3, v2;
	_ =	sdelay $0x1  }
0x1d4: {  	v1 =	vmul.f32 v2, v1;
	_ =	sdelay $0x1  }
0x1d5: {  	v1 =	vmul.f32 v1, v2;
	_ =	sdelay $0x1  }
0x1d6: {  	v1 =	vsub.f32 $1.500000000e+00, v1  }
0x1d7: {  	s3 =	simm.s32 $0x0;
	s22 =	simm.s32 $0x40;
	s5 =	rddreg [dreg:$0x4]  }
0x1d8: {  	s21 =	simm.s32 $0x10A90;
	s6 =	rddreg [dreg:$0x5];
	s8 =	simm.s32 $0x10200;
	v1 =	vmul.f32 v1, v2  }
0x1d9: {  	s9 =	simm.s32 $0xEA00;
	s10 =	simm.s32 $0xAE00;
	s11 =	simm.s32 $0x10580  }
0x1da: {  	s12 =	simm.s32 $0xB100;
	s15 =	simm.s32 $0xF200;
	[tilespmem:s20+$0x10780] =	vst v1;
	s20 =	simm.s32 $0x10A90  }
0x1db: {  	s16 =	simm.s32 $0xAE80;
	s17 =	simm.s32 $0x10600;
	s18 =	simm.s32 $0xB180;
	v1 =	vld [tilespmem:s20+$0xFFFFFFB0]  }
.LBB2_6:
0x1dc: {  	p1 =	sne.s32 s22, $0x9C0;
	v2 =	vld [tilespmem:s3+$0x10780]  }
0x1dd: {  	v3 =	vld [tilespmem:s20+$0xFFFFFF90]  }
0x1de: {  	v4 =	vld [tilespmem:s20+$0xFFFFFF80]  }
0x1df: {  	v5 =	vld [tilespmem:s20+$0xFFFFFFA0]  }
0x1e0: {  	v6 =	vld [tilespmem:s20+$0xFFFFFFF0]  }
0x1e1: {  	v7 =	vbroadcast v2, $0x0;
	v8 =	vbroadcast v2, $0x1;
	v9 =	vld [tilespmem:s20+$0xFFFFFFD0]  }
0x1e2: {  	v10 =	vbroadcast v2, $0x2;
	v11 =	vbroadcast v2, $0x3;
	v12 =	vld [tilespmem:s20+$0xFFFFFFC0]  }
0x1e3: {  	v4 =	vmul.f32 v7, v4;
	v3 =	vmul.f32 v3, v8;
	v7 =	vld [tilespmem:s20+$0xFFFFFFE0]  }
0x1e4: {  	v1 =	vmul.f32 v1, v11;
	v5 =	vmul.f32 v5, v10;
	v8 =	vld [tilespmem:s20+$0x30]  }
0x1e5: {  	v10 =	vbroadcast v2, $0x5;
	[tilespmem:s20+$0xFFFFFF80] =	vst v4;
	v4 =	vbroadcast v2, $0x4;
	v11 =	vld [tilespmem:s20+$0x10]  }
0x1e6: {  	v13 =	vbroadcast v2, $0x7;
	[tilespmem:s20+$0xFFFFFF90] =	vst v3;
	v3 =	vbroadcast v2, $0x6;
	v14 =	vld [tilespmem:s20+$0x0]  }
0x1e7: {  	[tilespmem:s20+$0xFFFFFFA0] =	vst v5;
	v4 =	vmul.f32 v12, v4;
	v5 =	vmul.f32 v9, v10;
	v9 =	vld [tilespmem:s20+$0x20]  }
0x1e8: {  	[tilespmem:s20+$0xFFFFFFB0] =	vst v1;
	v1 =	vmul.f32 v7, v3;
	v3 =	vmul.f32 v6, v13;
	v6 =	vld [tilespmem:s20+$0x70]  }
0x1e9: {  	v7 =	vbroadcast v2, $0x9;
	[tilespmem:s20+$0xFFFFFFC0] =	vst v4;
	v4 =	vbroadcast v2, $0x8;
	v10 =	vld [tilespmem:s20+$0x50]  }
0x1ea: {  	v12 =	vbroadcast v2, $0xB;
	[tilespmem:s20+$0xFFFFFFD0] =	vst v5;
	v5 =	vbroadcast v2, $0xA;
	v13 =	vld [tilespmem:s20+$0x40]  }
0x1eb: {  	[tilespmem:s20+$0xFFFFFFE0] =	vst v1;
	v1 =	vmul.f32 v14, v4;
	v4 =	vmul.f32 v11, v7;
	v7 =	vld [tilespmem:s20+$0x60]  }
0x1ec: {  	[tilespmem:s20+$0xFFFFFFF0] =	vst v3;
	v3 =	vmul.f32 v9, v5;
	v5 =	vmul.f32 v8, v12  }
0x1ed: {  	v8 =	vbroadcast v2, $0xD;
	[tilespmem:s20+$0x0] =	vst v1;
	v1 =	vbroadcast v2, $0xC  }
0x1ee: {  	[tilespmem:s20+$0x10] =	vst v4;
	v4 =	vbroadcast v2, $0xE;
	v2 =	vbroadcast v2, $0xF  }
0x1ef: {  	[tilespmem:s20+$0x20] =	vst v3;
	v1 =	vmul.f32 v13, v1;
	v3 =	vmul.f32 v10, v8  }
.Ltmp2:
0x1f0: {  	[tilespmem:s20+$0x30] =	vst v5;
	v4 =	vmul.f32 v7, v4;
	v2 =	vmul.f32 v6, v2;
	(pc) =	sbr.rel @p1 .LBB2_6-.Ltmp2, $4  }
0x1f1: {  	[tilespmem:s20+$0x40] =	vst v1  }
0x1f2: {  	[tilespmem:s20+$0x50] =	vst v3  }
0x1f3: {  	s20 =	sadd.s32 $0x100, s20;
	[tilespmem:s21+$0x60] =	vst v4  }
0x1f4: {  	s3 =	sshra.s32 s22, $0x2;
	s22 =	sadd.s32 $0x40, s22;
	v1 =	vld [tilespmem:s20+$0xFFFFFFB0];
	[tilespmem:s21+$0x70] =	vst v2;
	s21 =	smov.u32 s20  }
0x1f5: {  	v2 =	vld [tilespmem:s3+$0x10780];
	_ =	sdelay $0x1  }
0x1f6: {  	v3 =	vld [tilespmem:s20+$0xFFFFFF80];
	_ =	sdelay $0x1  }
0x1f7: {  	v4 =	vld [tilespmem:s20+$0xFFFFFF90]  }
0x1f8: {  	v6 =	vbroadcast v2, $0x0  }
0x1f9: {  	v8 =	vld [tilespmem:s20+$0xFFFFFFC0];
	v7 =	vbroadcast v2, $0x1  }
0x1fa: {  	v5 =	vld [tilespmem:s20+$0xFFFFFFA0];
	v10 =	vbroadcast v2, $0x2;
	v3 =	vmul.f32 v6, v3  }
0x1fb: {  	v9 =	vld [tilespmem:s20+$0xFFFFFFD0];
	v47 =	vbroadcast v2, $0x3;
	v49 =	vbroadcast v2, $0x5  }
0x1fc: {  	v48 =	vld [tilespmem:s20+$0xFFFFFFE0];
	v4 =	vmul.f32 v4, v7;
	[tilespmem:s20+$0xFFFFFF80] =	vst v3;
	v3 =	vbroadcast v2, $0x4  }
0x1fd: {  	v50 =	vld [tilespmem:s20+$0x0];
	v12 =	vbroadcast v2, $0x6;
	v1 =	vmul.f32 v1, v47  }
0x1fe: {  	v51 =	vld [tilespmem:s20+$0x10];
	v52 =	vbroadcast v2, $0x7;
	[tilespmem:s20+$0xFFFFFF90] =	vst v4;
	v3 =	vmul.f32 v8, v3  }
0x1ff: {  	v56 =	vld [tilespmem:s20+$0x50];
	v54 =	vbroadcast v2, $0x9;
	v5 =	vmul.f32 v5, v10;
	[tilespmem:s20+$0xFFFFFFB0] =	vst v1  }
0x200: {  	v6 =	vmul.f32 v9, v49;
	v1 =	vld [tilespmem:s20+$0x30];
	[tilespmem:s20+$0xFFFFFFC0] =	vst v3;
	v3 =	vbroadcast v2, $0x8  }
0x201: {  	v55 =	vld [tilespmem:s20+$0x40];
	v57 =	vbroadcast v2, $0xA;
	v7 =	vmul.f32 v48, v12;
	[tilespmem:s20+$0xFFFFFFA0] =	vst v5  }
0x202: {  	v60 =	vld [tilespmem:s20+$0x60];
	v62 =	vbroadcast v2, $0xD;
	[tilespmem:s20+$0xFFFFFFD0] =	vst v6;
	v3 =	vmul.f32 v50, v3  }
0x203: {  	v61 =	vld [tilespmem:s20+$0x70];
	v58 =	vbroadcast v2, $0xB;
	v59 =	vmul.f32 v51, v54;
	[tilespmem:s20+$0xFFFFFFE0] =	vst v7  }
0x204: {  	v11 =	vld [tilespmem:s20+$0xFFFFFFF0];
	v4 =	vmul.f32 v56, v62;
	[tilespmem:s20+$0x0] =	vst v3;
	v3 =	vbroadcast v2, $0xC  }
0x205: {  	v53 =	vld [tilespmem:s20+$0x20];
	v63 =	vbroadcast v2, $0xE;
	[tilespmem:s20+$0x10] =	vst v59;
	v1 =	vmul.f32 v1, v58  }
0x206: {  	[tilespmem:s20+$0x50] =	vst v4;
	v2 =	vbroadcast v2, $0xF;
	v3 =	vmul.f32 v55, v3  }
0x207: {  	[tilespmem:s20+$0x30] =	vst v1;
	v1 =	vmul.f32 v60, v63  }
0x208: {  	v2 =	vmul.f32 v61, v2;
	[tilespmem:s20+$0x40] =	vst v3  }
0x209: {  	v5 =	vmul.f32 v11, v52;
	[tilespmem:s21+$0x60] =	vst v1  }
0x20a: {  	v8 =	vmul.f32 v53, v57;
	[tilespmem:s21+$0x70] =	vst v2;
	s21 =	sld [smem:$0x7F5]  }
0x20b: {  	[tilespmem:s20+$0xFFFFFFF0] =	vst v5  }
0x20c: {  	[tilespmem:s20+$0x20] =	vst v8  }
0x20d: {  	[spmem:s21] =	stream.linear.scatter [tilespmem:s7], [sflag:$0x8], $0x280, $0x38;
	[tilespmem:$0x18990] =	vst v63  }
0x20e: {  	_ =	swait.ge [sflag:s25], $0x280  }
0x20f: {  	s22 =	sld [smem:$0x7F6]  }
0x210: {  	[sflag:s25] =	ssyncset.done $0x0  }
0x211: {  	s26 =	simm.s32 $0x10A10;
	[sflag:s25] =	ssyncadd.s32 $0xFFFFFD80  }
0x212: {  	[spmem:s22] =	stream.linear.scatter [tilespmem:s26], [sflag:$0x8], $0x2800, $0x38;
	[tilespmem:$0x18990] =	vst v63  }
0x213: {  	_ =	swait.ge [sflag:s25], $0x2800  }
0x214: {  	s21 =	sld [smem:$0x7F7]  }
0x215: {  	[sflag:s25] =	ssyncset.done $0x0  }
0x216: {  	s3 =	simm.s32 @!p0 $0x0;
	s20 =	simm.s32 @!p0 $0x10780;
	[sflag:s25] =	ssyncadd.s32 $0xFFFFD800  }
0x217: {  	[hbm4b:s21+s3] =	stream.linear.scatter @!p0 [tilespmem:s20], [sflag:$0x8], $0x280, $0x38;
	[tilespmem:$0x18990] =	vst v63  }
0x218: {  	s20 =	simm.s32 @!p0 $0x8  }
0x219: {  	_ =	swait.ge @!p0 [sflag:s20], $0x280  }
0x21a: {  	s22 =	sld [smem:$0x7F8]  }
0x21b: {  	[sflag:s20] =	ssyncset.done @!p0 $0x0  }
0x21c: {  	s21 =	simm.s32 @!p0 $0x10A10;
	[sflag:s20] =	ssyncadd.s32 @!p0 $0xFFFFFD80  }
0x21d: {  	[hbm4b:s22+s3] =	stream.linear.scatter @!p0 [tilespmem:s21], [sflag:$0x8], $0x2800, $0x38;
	[tilespmem:$0x18990] =	vst v63  }
0x21e: {  	_ =	swait.ge @!p0 [sflag:s20], $0x2800  }
0x21f: {  	[sflag:s20] =	ssyncset.done @!p0 $0x0  }
0x220: {  	[sflag:s20] =	ssyncadd.s32 @!p0 $0xFFFFD800  }
0x221: {  	s7 =	simm.s32 $0xB200;
	s20 =	simm.s32 $0x0;
	[bflag:$0x0] =	sbarrier.arrive $0xFFFF  }
.LBB2_8:
0x222: {  	s21 =	sshra.s32 s20, $0x2  }
0x223: {  	s3 =	sadd.s32 $0x5000, s21  }
0x224: {  	[tilespmem:s7], [sflag:$0x1] =	stream.indirect.gather [spmem:s6], $0x10, s3, s30, $0xb8;
	[tilespmem:$0x18990] =	vst v63  }
0x225: {  	s22 =	sadd.s32 $0x7800, s21  }
0x226: {  	[tilespmem:s8], [sflag:$0x1] =	stream.indirect.gather [spmem:s5], $0x1, s22, s30, $0xb8;
	[tilespmem:$0x18990] =	vst v63  }
0x227: {  	v1 =	vld [tilespmem:s21+$0x7800];
	_ =	sdelay $0x4  }
0x228: {  	[tilespmem:$0xAA80] =	vst v1  }
0x229: {  	v1 =	vld [tilespmem:s21+$0x5000];
	_ =	sdelay $0x4  }
0x22a: {  	[tilespmem:$0xA800] =	vst v1  }
0x22b: {  	v1 =	vld [tilespmem:s21+$0x7810];
	_ =	sdelay $0x4  }
0x22c: {  	[tilespmem:$0xAA90] =	vst v1  }
0x22d: {  	v1 =	vld [tilespmem:s21+$0x5010];
	_ =	sdelay $0x4  }
0x22e: {  	[tilespmem:$0xA810] =	vst v1  }
0x22f: {  	v1 =	vld [tilespmem:s21+$0x7820];
	_ =	sdelay $0x4  }
0x230: {  	[tilespmem:$0xAAA0] =	vst v1  }
0x231: {  	v1 =	vld [tilespmem:s21+$0x5020];
	_ =	sdelay $0x4  }
0x232: {  	[tilespmem:$0xA820] =	vst v1  }
0x233: {  	v1 =	vld [tilespmem:s21+$0x7830];
	_ =	sdelay $0x4  }
0x234: {  	[tilespmem:$0xAAB0] =	vst v1  }
0x235: {  	v1 =	vld [tilespmem:s21+$0x5030];
	_ =	sdelay $0x4  }
0x236: {  	[tilespmem:$0xA830] =	vst v1  }
0x237: {  	v1 =	vld [tilespmem:s21+$0x7840];
	_ =	sdelay $0x4  }
0x238: {  	[tilespmem:$0xAAC0] =	vst v1  }
0x239: {  	v1 =	vld [tilespmem:s21+$0x5040];
	_ =	sdelay $0x4  }
0x23a: {  	[tilespmem:$0xA840] =	vst v1  }
0x23b: {  	v1 =	vld [tilespmem:s21+$0x7850];
	_ =	sdelay $0x4  }
0x23c: {  	[tilespmem:$0xAAD0] =	vst v1  }
0x23d: {  	v1 =	vld [tilespmem:s21+$0x5050];
	_ =	sdelay $0x4  }
0x23e: {  	[tilespmem:$0xA850] =	vst v1  }
0x23f: {  	v1 =	vld [tilespmem:s21+$0x7860];
	_ =	sdelay $0x4  }
0x240: {  	[tilespmem:$0xAAE0] =	vst v1  }
0x241: {  	v1 =	vld [tilespmem:s21+$0x5060];
	_ =	sdelay $0x4  }
0x242: {  	[tilespmem:$0xA860] =	vst v1  }
0x243: {  	v1 =	vld [tilespmem:s21+$0x7870];
	_ =	sdelay $0x4  }
0x244: {  	[tilespmem:$0xAAF0] =	vst v1  }
0x245: {  	v1 =	vld [tilespmem:s21+$0x5070];
	_ =	sdelay $0x4  }
0x246: {  	[tilespmem:$0xA870] =	vst v1  }
0x247: {  	v1 =	vld [tilespmem:s21+$0x7880];
	_ =	sdelay $0x4  }
0x248: {  	[tilespmem:$0xAB00] =	vst v1  }
0x249: {  	v1 =	vld [tilespmem:s21+$0x5080];
	_ =	sdelay $0x4  }
0x24a: {  	[tilespmem:$0xA880] =	vst v1  }
0x24b: {  	v1 =	vld [tilespmem:s21+$0x7890];
	_ =	sdelay $0x4  }
0x24c: {  	[tilespmem:$0xAB10] =	vst v1  }
0x24d: {  	v1 =	vld [tilespmem:s21+$0x5090];
	_ =	sdelay $0x4  }
0x24e: {  	[tilespmem:$0xA890] =	vst v1  }
0x24f: {  	v1 =	vld [tilespmem:s21+$0x78A0];
	_ =	sdelay $0x4  }
0x250: {  	[tilespmem:$0xAB20] =	vst v1  }
0x251: {  	v1 =	vld [tilespmem:s21+$0x50A0];
	_ =	sdelay $0x4  }
0x252: {  	[tilespmem:$0xA8A0] =	vst v1  }
0x253: {  	v1 =	vld [tilespmem:s21+$0x78B0];
	_ =	sdelay $0x4  }
0x254: {  	[tilespmem:$0xAB30] =	vst v1  }
0x255: {  	v1 =	vld [tilespmem:s21+$0x50B0];
	_ =	sdelay $0x4  }
0x256: {  	[tilespmem:$0xA8B0] =	vst v1  }
0x257: {  	v1 =	vld [tilespmem:s21+$0x78C0];
	_ =	sdelay $0x4  }
0x258: {  	[tilespmem:$0xAB40] =	vst v1  }
0x259: {  	v1 =	vld [tilespmem:s21+$0x50C0];
	_ =	sdelay $0x4  }
0x25a: {  	[tilespmem:$0xA8C0] =	vst v1  }
0x25b: {  	v1 =	vld [tilespmem:s21+$0x78D0];
	_ =	sdelay $0x4  }
0x25c: {  	[tilespmem:$0xAB50] =	vst v1  }
0x25d: {  	v1 =	vld [tilespmem:s21+$0x50D0];
	_ =	sdelay $0x4  }
0x25e: {  	[tilespmem:$0xA8D0] =	vst v1  }
0x25f: {  	v1 =	vld [tilespmem:s21+$0x78E0];
	_ =	sdelay $0x4  }
0x260: {  	[tilespmem:$0xAB60] =	vst v1  }
0x261: {  	v1 =	vld [tilespmem:s21+$0x50E0];
	_ =	sdelay $0x4  }
0x262: {  	[tilespmem:$0xA8E0] =	vst v1  }
0x263: {  	v1 =	vld [tilespmem:s21+$0x78F0];
	_ =	sdelay $0x4  }
0x264: {  	[tilespmem:$0xAB70] =	vst v1  }
0x265: {  	v1 =	vld [tilespmem:s21+$0x50F0];
	_ =	sdelay $0x4  }
0x266: {  	[tilespmem:$0xA8F0] =	vst v1  }
0x267: {  	v1 =	vld [tilespmem:s21+$0x7900];
	_ =	sdelay $0x4  }
0x268: {  	[tilespmem:$0xAB80] =	vst v1  }
0x269: {  	v1 =	vld [tilespmem:s21+$0x5100];
	_ =	sdelay $0x4  }
0x26a: {  	[tilespmem:$0xA900] =	vst v1  }
0x26b: {  	v1 =	vld [tilespmem:s21+$0x7910];
	_ =	sdelay $0x4  }
0x26c: {  	[tilespmem:$0xAB90] =	vst v1  }
0x26d: {  	v1 =	vld [tilespmem:s21+$0x5110];
	_ =	sdelay $0x4  }
0x26e: {  	[tilespmem:$0xA910] =	vst v1  }
0x26f: {  	v1 =	vld [tilespmem:s21+$0x7920];
	_ =	sdelay $0x4  }
0x270: {  	[tilespmem:$0xABA0] =	vst v1  }
0x271: {  	v1 =	vld [tilespmem:s21+$0x5120];
	_ =	sdelay $0x4  }
0x272: {  	[tilespmem:$0xA920] =	vst v1  }
0x273: {  	v1 =	vld [tilespmem:s21+$0x7930];
	_ =	sdelay $0x4  }
0x274: {  	[tilespmem:$0xABB0] =	vst v1  }
0x275: {  	v1 =	vld [tilespmem:s21+$0x5130];
	_ =	sdelay $0x4  }
0x276: {  	[tilespmem:$0xA930] =	vst v1  }
0x277: {  	v1 =	vld [tilespmem:s21+$0x7940];
	_ =	sdelay $0x4  }
0x278: {  	[tilespmem:$0xABC0] =	vst v1  }
0x279: {  	v1 =	vld [tilespmem:s21+$0x5140];
	_ =	sdelay $0x4  }
0x27a: {  	[tilespmem:$0xA940] =	vst v1  }
0x27b: {  	v1 =	vld [tilespmem:s21+$0x7950];
	_ =	sdelay $0x4  }
0x27c: {  	[tilespmem:$0xABD0] =	vst v1  }
0x27d: {  	v1 =	vld [tilespmem:s21+$0x5150];
	_ =	sdelay $0x4  }
0x27e: {  	[tilespmem:$0xA950] =	vst v1  }
0x27f: {  	v1 =	vld [tilespmem:s21+$0x7960];
	_ =	sdelay $0x4  }
0x280: {  	[tilespmem:$0xABE0] =	vst v1  }
0x281: {  	v1 =	vld [tilespmem:s21+$0x5160];
	_ =	sdelay $0x4  }
0x282: {  	[tilespmem:$0xA960] =	vst v1  }
0x283: {  	v1 =	vld [tilespmem:s21+$0x7970];
	_ =	sdelay $0x4  }
0x284: {  	[tilespmem:$0xABF0] =	vst v1  }
0x285: {  	v1 =	vld [tilespmem:s21+$0x5170];
	_ =	sdelay $0x4  }
0x286: {  	[tilespmem:$0xA970] =	vst v1  }
0x287: {  	v1 =	vld [tilespmem:s21+$0x7980];
	_ =	sdelay $0x4  }
0x288: {  	[tilespmem:$0xAC00] =	vst v1  }
0x289: {  	v1 =	vld [tilespmem:s21+$0x5180];
	_ =	sdelay $0x4  }
0x28a: {  	[tilespmem:$0xA980] =	vst v1  }
0x28b: {  	v1 =	vld [tilespmem:s21+$0x7990];
	_ =	sdelay $0x4  }
0x28c: {  	[tilespmem:$0xAC10] =	vst v1  }
0x28d: {  	v1 =	vld [tilespmem:s21+$0x5190];
	_ =	sdelay $0x4  }
0x28e: {  	[tilespmem:$0xA990] =	vst v1  }
0x28f: {  	v1 =	vld [tilespmem:s21+$0x79A0];
	_ =	sdelay $0x4  }
0x290: {  	[tilespmem:$0xAC20] =	vst v1  }
0x291: {  	v1 =	vld [tilespmem:s21+$0x51A0];
	_ =	sdelay $0x4  }
0x292: {  	[tilespmem:$0xA9A0] =	vst v1  }
0x293: {  	v1 =	vld [tilespmem:s21+$0x79B0];
	_ =	sdelay $0x4  }
0x294: {  	[tilespmem:$0xAC30] =	vst v1  }
0x295: {  	v1 =	vld [tilespmem:s21+$0x51B0];
	_ =	sdelay $0x4  }
0x296: {  	[tilespmem:$0xA9B0] =	vst v1  }
0x297: {  	v1 =	vld [tilespmem:s21+$0x79C0];
	_ =	sdelay $0x4  }
0x298: {  	[tilespmem:$0xAC40] =	vst v1  }
0x299: {  	v1 =	vld [tilespmem:s21+$0x51C0];
	_ =	sdelay $0x4  }
0x29a: {  	[tilespmem:$0xA9C0] =	vst v1  }
0x29b: {  	v1 =	vld [tilespmem:s21+$0x79D0];
	_ =	sdelay $0x4  }
0x29c: {  	[tilespmem:$0xAC50] =	vst v1  }
0x29d: {  	v1 =	vld [tilespmem:s21+$0x51D0];
	_ =	sdelay $0x4  }
0x29e: {  	[tilespmem:$0xA9D0] =	vst v1  }
0x29f: {  	v1 =	vld [tilespmem:s21+$0x79E0];
	_ =	sdelay $0x4  }
0x2a0: {  	[tilespmem:$0xAC60] =	vst v1  }
0x2a1: {  	v1 =	vld [tilespmem:s21+$0x51E0];
	_ =	sdelay $0x4  }
0x2a2: {  	[tilespmem:$0xA9E0] =	vst v1  }
0x2a3: {  	v1 =	vld [tilespmem:s21+$0x79F0];
	_ =	sdelay $0x4  }
0x2a4: {  	[tilespmem:$0xAC70] =	vst v1  }
0x2a5: {  	v1 =	vld [tilespmem:s21+$0x51F0];
	_ =	sdelay $0x4  }
0x2a6: {  	[tilespmem:$0xA9F0] =	vst v1  }
0x2a7: {  	v1 =	vld [tilespmem:s21+$0x7A00];
	_ =	sdelay $0x4  }
0x2a8: {  	[tilespmem:$0xAC80] =	vst v1  }
0x2a9: {  	v1 =	vld [tilespmem:s21+$0x5200];
	_ =	sdelay $0x4  }
0x2aa: {  	[tilespmem:$0xAA00] =	vst v1  }
0x2ab: {  	v1 =	vld [tilespmem:s21+$0x7A10];
	_ =	sdelay $0x4  }
0x2ac: {  	[tilespmem:$0xAC90] =	vst v1  }
0x2ad: {  	v1 =	vld [tilespmem:s21+$0x5210];
	_ =	sdelay $0x4  }
0x2ae: {  	[tilespmem:$0xAA10] =	vst v1  }
0x2af: {  	v1 =	vld [tilespmem:s21+$0x7A20];
	_ =	sdelay $0x4  }
0x2b0: {  	[tilespmem:$0xACA0] =	vst v1  }
0x2b1: {  	v1 =	vld [tilespmem:s21+$0x5220];
	_ =	sdelay $0x4  }
0x2b2: {  	[tilespmem:$0xAA20] =	vst v1  }
0x2b3: {  	v1 =	vld [tilespmem:s21+$0x7A30];
	_ =	sdelay $0x4  }
0x2b4: {  	[tilespmem:$0xACB0] =	vst v1  }
0x2b5: {  	v1 =	vld [tilespmem:s21+$0x5230];
	_ =	sdelay $0x4  }
0x2b6: {  	[tilespmem:$0xAA30] =	vst v1  }
0x2b7: {  	v1 =	vld [tilespmem:s21+$0x7A40];
	_ =	sdelay $0x4  }
0x2b8: {  	[tilespmem:$0xACC0] =	vst v1  }
0x2b9: {  	v1 =	vld [tilespmem:s21+$0x5240];
	_ =	sdelay $0x4  }
0x2ba: {  	[tilespmem:$0xAA40] =	vst v1  }
0x2bb: {  	v1 =	vld [tilespmem:s21+$0x7A50];
	_ =	sdelay $0x4  }
0x2bc: {  	[tilespmem:$0xACD0] =	vst v1  }
0x2bd: {  	v1 =	vld [tilespmem:s21+$0x5250];
	_ =	sdelay $0x4  }
0x2be: {  	[tilespmem:$0xAA50] =	vst v1  }
0x2bf: {  	v1 =	vld [tilespmem:s21+$0x7A60];
	_ =	sdelay $0x4  }
0x2c0: {  	[tilespmem:$0xACE0] =	vst v1  }
0x2c1: {  	v1 =	vld [tilespmem:s21+$0x5260];
	_ =	sdelay $0x4  }
0x2c2: {  	[tilespmem:$0xAA60] =	vst v1  }
0x2c3: {  	v1 =	vld [tilespmem:s21+$0x7A70];
	_ =	sdelay $0x4  }
0x2c4: {  	[tilespmem:$0xACF0] =	vst v1  }
0x2c5: {  	v1 =	vld [tilespmem:s21+$0x5270];
	_ =	sdelay $0x4  }
0x2c6: {  	[tilespmem:$0xAA70] =	vst v1  }
0x2c7: {  	_ =	swait.ge [sflag:s13], $0x2800  }
0x2c8: {  	[sflag:s13] =	ssyncset.done $0x0  }
0x2c9: {  	[sflag:s13] =	ssyncadd.s32 $0xFFFFD800  }
0x2ca: {  	_ =	swait.ge [sflag:s13], $0x280  }
0x2cb: {  	s25 =	rddreg [dreg:$0x7]  }
0x2cc: {  	s22 =	rddreg [dreg:$0x8]  }
0x2cd: {  	[sflag:s13] =	ssyncset.done $0x0;
	s3 =	rddreg [dreg:$0x9]  }
0x2ce: {  	s26 =	rddreg [dreg:$0xc];
	[sflag:s13] =	ssyncadd.s32 $0xFFFFFD80  }
0x2cf: {  	[spmem:s4] =	stream.indirect.scatter.add.f32 [tilespmem:s7], [sflag:$0x3], $0x10, s25, s31, $0xb8;
	[tilespmem:$0x18990] =	vst v63  }
0x2d0: {  	s25 =	rddreg [dreg:$0xb]  }
0x2d1: {  	[spmem:s2] =	stream.indirect.scatter.add.f32 [tilespmem:s8], [sflag:$0x3], $0x1, s22, s31, $0xb8;
	[tilespmem:$0x18990] =	vst v63  }
0x2d2: {  	s22 =	rddreg [dreg:$0xa]  }
0x2d3: {  	[spmem:s4] =	stream.indirect.scatter.add.f32 [tilespmem:s22], [sflag:$0x3], $0x10, s3, s31, $0xb8;
	[tilespmem:$0x18990] =	vst v63  }
0x2d4: {  	s3 =	rddreg [dreg:$0xd]  }
0x2d5: {  	s22 =	rddreg [dreg:$0xe]  }
0x2d6: {  	[spmem:s2] =	stream.indirect.scatter.add.f32 [tilespmem:s26], [sflag:$0x3], $0x1, s25, s31, $0xb8;
	[tilespmem:$0x18990] =	vst v63  }
0x2d7: {  	s25 =	rddreg [dreg:$0xf]  }
0x2d8: {  	s26 =	rddreg [dreg:$0x10]  }
0x2d9: {  	[spmem:s4] =	stream.indirect.scatter.add.f32 [tilespmem:s22], [sflag:$0x3], $0x10, s3, s31, $0xb8;
	[tilespmem:$0x18990] =	vst v63  }
0x2da: {  	s3 =	rddreg [dreg:$0x11]  }
0x2db: {  	s22 =	rddreg [dreg:$0x12]  }
0x2dc: {  	[spmem:s2] =	stream.indirect.scatter.add.f32 [tilespmem:s26], [sflag:$0x3], $0x1, s25, s31, $0xb8;
	[tilespmem:$0x18990] =	vst v63  }
0x2dd: {  	s25 =	rddreg [dreg:$0x13]  }
0x2de: {  	s26 =	rddreg [dreg:$0x14]  }
0x2df: {  	[spmem:s4] =	stream.indirect.scatter.add.f32 [tilespmem:s22], [sflag:$0x3], $0x10, s3, s31, $0xb8;
	[tilespmem:$0x18990] =	vst v63  }
0x2e0: {  	s3 =	rddreg [dreg:$0x15]  }
0x2e1: {  	s22 =	rddreg [dreg:$0x16]  }
0x2e2: {  	[spmem:s2] =	stream.indirect.scatter.add.f32 [tilespmem:s26], [sflag:$0x3], $0x1, s25, s31, $0xb8;
	[tilespmem:$0x18990] =	vst v63  }
0x2e3: {  	s25 =	rddreg [dreg:$0x17]  }
0x2e4: {  	[spmem:s4] =	stream.indirect.scatter.add.f32 [tilespmem:s22], [sflag:$0x3], $0x10, s3, s31, $0xb8;
	[tilespmem:$0x18990] =	vst v63  }
0x2e5: {  	s26 =	rddreg [dreg:$0x18]  }
0x2e6: {  	[spmem:s2] =	stream.indirect.scatter.add.f32 [tilespmem:s26], [sflag:$0x3], $0x1, s25, s31, $0xb8;
	[tilespmem:$0x18990] =	vst v63  }
0x2e7: {  	s26 =	sadd.s32 $0x5280, s21  }
0x2e8: {  	[tilespmem:s24], [sflag:$0x2] =	stream.indirect.gather [spmem:s6], $0x10, s26, s30, $0xb8;
	[tilespmem:$0x18990] =	vst v63  }
0x2e9: {  	s22 =	sadd.s32 $0x7A80, s21  }
0x2ea: {  	[tilespmem:s14], [sflag:$0x2] =	stream.indirect.gather [spmem:s5], $0x1, s22, s30, $0xb8;
	[tilespmem:$0x18990] =	vst v63  }
0x2eb: {  	v1 =	vld [tilespmem:s21+$0x7A80];
	_ =	sdelay $0x4  }
0x2ec: {  	[tilespmem:$0xAF80] =	vst v1  }
0x2ed: {  	v1 =	vld [tilespmem:s21+$0x5280];
	_ =	sdelay $0x4  }
0x2ee: {  	[tilespmem:$0xAD00] =	vst v1  }
0x2ef: {  	v1 =	vld [tilespmem:s21+$0x7A90];
	_ =	sdelay $0x4  }
0x2f0: {  	[tilespmem:$0xAF90] =	vst v1  }
0x2f1: {  	v1 =	vld [tilespmem:s21+$0x5290];
	_ =	sdelay $0x4  }
0x2f2: {  	[tilespmem:$0xAD10] =	vst v1  }
0x2f3: {  	v1 =	vld [tilespmem:s21+$0x7AA0];
	_ =	sdelay $0x4  }
0x2f4: {  	[tilespmem:$0xAFA0] =	vst v1  }
0x2f5: {  	v1 =	vld [tilespmem:s21+$0x52A0];
	_ =	sdelay $0x4  }
0x2f6: {  	[tilespmem:$0xAD20] =	vst v1  }
0x2f7: {  	v1 =	vld [tilespmem:s21+$0x7AB0];
	_ =	sdelay $0x4  }
0x2f8: {  	[tilespmem:$0xAFB0] =	vst v1  }
0x2f9: {  	v1 =	vld [tilespmem:s21+$0x52B0];
	_ =	sdelay $0x4  }
0x2fa: {  	[tilespmem:$0xAD30] =	vst v1  }
0x2fb: {  	v1 =	vld [tilespmem:s21+$0x7AC0];
	_ =	sdelay $0x4  }
0x2fc: {  	[tilespmem:$0xAFC0] =	vst v1  }
0x2fd: {  	v1 =	vld [tilespmem:s21+$0x52C0];
	_ =	sdelay $0x4  }
0x2fe: {  	[tilespmem:$0xAD40] =	vst v1  }
0x2ff: {  	v1 =	vld [tilespmem:s21+$0x7AD0];
	_ =	sdelay $0x4  }
0x300: {  	[tilespmem:$0xAFD0] =	vst v1  }
0x301: {  	v1 =	vld [tilespmem:s21+$0x52D0];
	_ =	sdelay $0x4  }
0x302: {  	[tilespmem:$0xAD50] =	vst v1  }
0x303: {  	v1 =	vld [tilespmem:s21+$0x7AE0];
	_ =	sdelay $0x4  }
0x304: {  	[tilespmem:$0xAFE0] =	vst v1  }
0x305: {  	v1 =	vld [tilespmem:s21+$0x52E0];
	_ =	sdelay $0x4  }
0x306: {  	[tilespmem:$0xAD60] =	vst v1  }
0x307: {  	v1 =	vld [tilespmem:s21+$0x7AF0];
	_ =	sdelay $0x4  }
0x308: {  	[tilespmem:$0xAFF0] =	vst v1  }
0x309: {  	v1 =	vld [tilespmem:s21+$0x52F0];
	_ =	sdelay $0x4  }
0x30a: {  	[tilespmem:$0xAD70] =	vst v1  }
0x30b: {  	v1 =	vld [tilespmem:s21+$0x7B00];
	_ =	sdelay $0x4  }
0x30c: {  	[tilespmem:$0xB000] =	vst v1  }
0x30d: {  	v1 =	vld [tilespmem:s21+$0x5300];
	_ =	sdelay $0x4  }
0x30e: {  	[tilespmem:$0xAD80] =	vst v1  }
0x30f: {  	v1 =	vld [tilespmem:s21+$0x7B10];
	_ =	sdelay $0x4  }
0x310: {  	[tilespmem:$0xB010] =	vst v1  }
0x311: {  	v1 =	vld [tilespmem:s21+$0x5310];
	_ =	sdelay $0x4  }
0x312: {  	[tilespmem:$0xAD90] =	vst v1  }
0x313: {  	v1 =	vld [tilespmem:s21+$0x7B20];
	_ =	sdelay $0x4  }
0x314: {  	[tilespmem:$0xB020] =	vst v1  }
0x315: {  	v1 =	vld [tilespmem:s21+$0x5320];
	_ =	sdelay $0x4  }
0x316: {  	[tilespmem:$0xADA0] =	vst v1  }
0x317: {  	v1 =	vld [tilespmem:s21+$0x7B30];
	_ =	sdelay $0x4  }
0x318: {  	[tilespmem:$0xB030] =	vst v1  }
0x319: {  	v1 =	vld [tilespmem:s21+$0x5330];
	_ =	sdelay $0x4  }
0x31a: {  	[tilespmem:$0xADB0] =	vst v1  }
0x31b: {  	v1 =	vld [tilespmem:s21+$0x7B40];
	_ =	sdelay $0x4  }
0x31c: {  	[tilespmem:$0xB040] =	vst v1  }
0x31d: {  	v1 =	vld [tilespmem:s21+$0x5340];
	_ =	sdelay $0x4  }
0x31e: {  	[tilespmem:$0xADC0] =	vst v1  }
0x31f: {  	v1 =	vld [tilespmem:s21+$0x7B50];
	_ =	sdelay $0x4  }
0x320: {  	[tilespmem:$0xB050] =	vst v1  }
0x321: {  	v1 =	vld [tilespmem:s21+$0x5350];
	_ =	sdelay $0x4  }
0x322: {  	[tilespmem:$0xADD0] =	vst v1  }
0x323: {  	v1 =	vld [tilespmem:s21+$0x7B60];
	_ =	sdelay $0x4  }
0x324: {  	[tilespmem:$0xB060] =	vst v1  }
0x325: {  	v1 =	vld [tilespmem:s21+$0x5360];
	_ =	sdelay $0x4  }
0x326: {  	[tilespmem:$0xADE0] =	vst v1  }
0x327: {  	v1 =	vld [tilespmem:s21+$0x7B70];
	_ =	sdelay $0x4  }
0x328: {  	[tilespmem:$0xB070] =	vst v1  }
0x329: {  	v1 =	vld [tilespmem:s21+$0x5370];
	_ =	sdelay $0x4  }
0x32a: {  	[tilespmem:$0xADF0] =	vst v1  }
0x32b: {  	v1 =	vld [tilespmem:s21+$0x7B80];
	_ =	sdelay $0x4  }
0x32c: {  	[tilespmem:$0xB080] =	vst v1  }
0x32d: {  	v1 =	vld [tilespmem:s21+$0x5380];
	_ =	sdelay $0x4  }
0x32e: {  	[tilespmem:$0xAE00] =	vst v1  }
0x32f: {  	v1 =	vld [tilespmem:s21+$0x7B90];
	_ =	sdelay $0x4  }
0x330: {  	[tilespmem:$0xB090] =	vst v1  }
0x331: {  	v1 =	vld [tilespmem:s21+$0x5390];
	_ =	sdelay $0x4  }
0x332: {  	[tilespmem:$0xAE10] =	vst v1  }
0x333: {  	v1 =	vld [tilespmem:s21+$0x7BA0];
	_ =	sdelay $0x4  }
0x334: {  	[tilespmem:$0xB0A0] =	vst v1  }
0x335: {  	v1 =	vld [tilespmem:s21+$0x53A0];
	_ =	sdelay $0x4  }
0x336: {  	[tilespmem:$0xAE20] =	vst v1  }
0x337: {  	v1 =	vld [tilespmem:s21+$0x7BB0];
	_ =	sdelay $0x4  }
0x338: {  	[tilespmem:$0xB0B0] =	vst v1  }
0x339: {  	v1 =	vld [tilespmem:s21+$0x53B0];
	_ =	sdelay $0x4  }
0x33a: {  	[tilespmem:$0xAE30] =	vst v1  }
0x33b: {  	v1 =	vld [tilespmem:s21+$0x7BC0];
	_ =	sdelay $0x4  }
0x33c: {  	[tilespmem:$0xB0C0] =	vst v1  }
0x33d: {  	v1 =	vld [tilespmem:s21+$0x53C0];
	_ =	sdelay $0x4  }
0x33e: {  	[tilespmem:$0xAE40] =	vst v1  }
0x33f: {  	v1 =	vld [tilespmem:s21+$0x7BD0];
	_ =	sdelay $0x4  }
0x340: {  	[tilespmem:$0xB0D0] =	vst v1  }
0x341: {  	v1 =	vld [tilespmem:s21+$0x53D0];
	_ =	sdelay $0x4  }
0x342: {  	[tilespmem:$0xAE50] =	vst v1  }
0x343: {  	v1 =	vld [tilespmem:s21+$0x7BE0];
	_ =	sdelay $0x4  }
0x344: {  	[tilespmem:$0xB0E0] =	vst v1  }
0x345: {  	v1 =	vld [tilespmem:s21+$0x53E0];
	_ =	sdelay $0x4  }
0x346: {  	[tilespmem:$0xAE60] =	vst v1  }
0x347: {  	v1 =	vld [tilespmem:s21+$0x7BF0];
	_ =	sdelay $0x4  }
0x348: {  	[tilespmem:$0xB0F0] =	vst v1  }
0x349: {  	v1 =	vld [tilespmem:s21+$0x53F0];
	_ =	sdelay $0x4  }
0x34a: {  	[tilespmem:$0xAE70] =	vst v1  }
0x34b: {  	v1 =	vld [tilespmem:s21+$0x7C00];
	_ =	sdelay $0x4  }
0x34c: {  	[tilespmem:$0xB100] =	vst v1  }
0x34d: {  	v1 =	vld [tilespmem:s21+$0x5400];
	_ =	sdelay $0x4  }
0x34e: {  	[tilespmem:$0xAE80] =	vst v1  }
0x34f: {  	v1 =	vld [tilespmem:s21+$0x7C10];
	_ =	sdelay $0x4  }
0x350: {  	[tilespmem:$0xB110] =	vst v1  }
0x351: {  	v1 =	vld [tilespmem:s21+$0x5410];
	_ =	sdelay $0x4  }
0x352: {  	[tilespmem:$0xAE90] =	vst v1  }
0x353: {  	v1 =	vld [tilespmem:s21+$0x7C20];
	_ =	sdelay $0x4  }
0x354: {  	[tilespmem:$0xB120] =	vst v1  }
0x355: {  	v1 =	vld [tilespmem:s21+$0x5420];
	_ =	sdelay $0x4  }
0x356: {  	[tilespmem:$0xAEA0] =	vst v1  }
0x357: {  	v1 =	vld [tilespmem:s21+$0x7C30];
	_ =	sdelay $0x4  }
0x358: {  	[tilespmem:$0xB130] =	vst v1  }
0x359: {  	v1 =	vld [tilespmem:s21+$0x5430];
	_ =	sdelay $0x4  }
0x35a: {  	[tilespmem:$0xAEB0] =	vst v1  }
0x35b: {  	v1 =	vld [tilespmem:s21+$0x7C40];
	_ =	sdelay $0x4  }
0x35c: {  	[tilespmem:$0xB140] =	vst v1  }
0x35d: {  	v1 =	vld [tilespmem:s21+$0x5440];
	_ =	sdelay $0x4  }
0x35e: {  	[tilespmem:$0xAEC0] =	vst v1  }
0x35f: {  	v1 =	vld [tilespmem:s21+$0x7C50];
	_ =	sdelay $0x4  }
0x360: {  	[tilespmem:$0xB150] =	vst v1  }
0x361: {  	v1 =	vld [tilespmem:s21+$0x5450];
	_ =	sdelay $0x4  }
0x362: {  	[tilespmem:$0xAED0] =	vst v1  }
0x363: {  	v1 =	vld [tilespmem:s21+$0x7C60];
	_ =	sdelay $0x4  }
0x364: {  	[tilespmem:$0xB160] =	vst v1  }
0x365: {  	v1 =	vld [tilespmem:s21+$0x5460];
	_ =	sdelay $0x4  }
0x366: {  	[tilespmem:$0xAEE0] =	vst v1  }
0x367: {  	v1 =	vld [tilespmem:s21+$0x7C70];
	_ =	sdelay $0x4  }
0x368: {  	[tilespmem:$0xB170] =	vst v1  }
0x369: {  	v1 =	vld [tilespmem:s21+$0x5470];
	_ =	sdelay $0x4  }
0x36a: {  	[tilespmem:$0xAEF0] =	vst v1  }
0x36b: {  	v1 =	vld [tilespmem:s21+$0x7C80];
	_ =	sdelay $0x4  }
0x36c: {  	[tilespmem:$0xB180] =	vst v1  }
0x36d: {  	v1 =	vld [tilespmem:s21+$0x5480];
	_ =	sdelay $0x4  }
0x36e: {  	[tilespmem:$0xAF00] =	vst v1  }
0x36f: {  	v1 =	vld [tilespmem:s21+$0x7C90];
	_ =	sdelay $0x4  }
0x370: {  	[tilespmem:$0xB190] =	vst v1  }
0x371: {  	v1 =	vld [tilespmem:s21+$0x5490];
	_ =	sdelay $0x4  }
0x372: {  	[tilespmem:$0xAF10] =	vst v1  }
0x373: {  	v1 =	vld [tilespmem:s21+$0x7CA0];
	_ =	sdelay $0x4  }
0x374: {  	[tilespmem:$0xB1A0] =	vst v1  }
0x375: {  	v1 =	vld [tilespmem:s21+$0x54A0];
	_ =	sdelay $0x4  }
0x376: {  	[tilespmem:$0xAF20] =	vst v1  }
0x377: {  	v1 =	vld [tilespmem:s21+$0x7CB0];
	_ =	sdelay $0x4  }
0x378: {  	[tilespmem:$0xB1B0] =	vst v1  }
0x379: {  	v1 =	vld [tilespmem:s21+$0x54B0];
	_ =	sdelay $0x4  }
0x37a: {  	[tilespmem:$0xAF30] =	vst v1  }
0x37b: {  	v1 =	vld [tilespmem:s21+$0x7CC0];
	_ =	sdelay $0x4  }
0x37c: {  	[tilespmem:$0xB1C0] =	vst v1  }
0x37d: {  	v1 =	vld [tilespmem:s21+$0x54C0];
	_ =	sdelay $0x4  }
0x37e: {  	[tilespmem:$0xAF40] =	vst v1  }
0x37f: {  	v1 =	vld [tilespmem:s21+$0x7CD0];
	_ =	sdelay $0x4  }
0x380: {  	[tilespmem:$0xB1D0] =	vst v1  }
0x381: {  	v1 =	vld [tilespmem:s21+$0x54D0];
	_ =	sdelay $0x4  }
0x382: {  	[tilespmem:$0xAF50] =	vst v1  }
0x383: {  	v1 =	vld [tilespmem:s21+$0x7CE0];
	_ =	sdelay $0x4  }
0x384: {  	[tilespmem:$0xB1E0] =	vst v1  }
0x385: {  	v1 =	vld [tilespmem:s21+$0x54E0];
	_ =	sdelay $0x4  }
0x386: {  	[tilespmem:$0xAF60] =	vst v1  }
0x387: {  	v1 =	vld [tilespmem:s21+$0x7CF0];
	_ =	sdelay $0x4  }
0x388: {  	[tilespmem:$0xB1F0] =	vst v1  }
0x389: {  	v1 =	vld [tilespmem:s21+$0x54F0];
	_ =	sdelay $0x4  }
0x38a: {  	[tilespmem:$0xAF70] =	vst v1  }
0x38b: {  	_ =	swait.ge [sflag:s29], $0x2800  }
0x38c: {  	[sflag:s29] =	ssyncset.done $0x0  }
0x38d: {  	[sflag:s29] =	ssyncadd.s32 $0xFFFFD800  }
0x38e: {  	_ =	swait.ge [sflag:s29], $0x280  }
0x38f: {  	s25 =	rddreg [dreg:$0x19]  }
0x390: {  	[sflag:s29] =	ssyncset.done $0x0;
	s26 =	rddreg [dreg:$0x1a]  }
0x391: {  	s21 =	rddreg [dreg:$0x1b];
	[sflag:s29] =	ssyncadd.s32 $0xFFFFFD80  }
0x392: {  	[spmem:s4] =	stream.indirect.scatter.add.f32 [tilespmem:s24], [sflag:$0x4], $0x10, s25, s31, $0xb8;
	[tilespmem:$0x18990] =	vst v63  }
0x393: {  	s22 =	rddreg [dreg:$0x1c]  }
0x394: {  	[spmem:s2] =	stream.indirect.scatter.add.f32 [tilespmem:s14], [sflag:$0x4], $0x1, s26, s31, $0xb8;
	[tilespmem:$0x18990] =	vst v63  }
0x395: {  	s25 =	rddreg [dreg:$0x1d]  }
0x396: {  	[spmem:s4] =	stream.indirect.scatter.add.f32 [tilespmem:s22], [sflag:$0x4], $0x10, s21, s31, $0xb8;
	[tilespmem:$0x18990] =	vst v63  }
0x397: {  	s26 =	rddreg [dreg:$0x1e]  }
0x398: {  	[spmem:s2] =	stream.indirect.scatter.add.f32 [tilespmem:s26], [sflag:$0x4], $0x1, s25, s31, $0xb8;
	[tilespmem:$0x18990] =	vst v63  }
0x399: {  	s21 =	rddreg [dreg:$0x1f]  }
0x39a: {  	[spmem:s4] =	stream.indirect.scatter.add.f32 [tilespmem:s9], [sflag:$0x4], $0x10, s21, s31, $0xb8;
	[tilespmem:$0x18990] =	vst v63  }
0x39b: {  	_ = 	snop  }
0x39c: {  	[spmem:s2] =	stream.indirect.scatter.add.f32 [tilespmem:s11], [sflag:$0x4], $0x1, s10, s31, $0xb8;
	[tilespmem:$0x18990] =	vst v63  }
0x39d: {  	_ = 	snop  }
0x39e: {  	[spmem:s4] =	stream.indirect.scatter.add.f32 [tilespmem:s15], [sflag:$0x4], $0x10, s12, s31, $0xb8;
	[tilespmem:$0x18990] =	vst v63  }
0x39f: {  	_ = 	snop  }
0x3a0: {  	[spmem:s2] =	stream.indirect.scatter.add.f32 [tilespmem:s17], [sflag:$0x4], $0x1, s16, s31, $0xb8;
	[tilespmem:$0x18990] =	vst v63  }
0x3a1: {  	s26 =	simm.s32 $0xFA00  }
0x3a2: {  	[spmem:s4] =	stream.indirect.scatter.add.f32 [tilespmem:s26], [sflag:$0x4], $0x10, s18, s31, $0xb8;
	[tilespmem:$0x18990] =	vst v63  }
0x3a3: {  	s22 =	simm.s32 $0xAF00;
	s25 =	simm.s32 $0x10680  }
0x3a4: {  	[spmem:s2] =	stream.indirect.scatter.add.f32 [tilespmem:s25], [sflag:$0x4], $0x1, s22, s31, $0xb8;
	[tilespmem:$0x18990] =	vst v63  }
0x3a5: {  	_ =	swait.ge [sflag:s19], $0x800  }
0x3a6: {  	[sflag:s19] =	ssyncset.done $0x0  }
0x3a7: {  	[sflag:s19] =	ssyncadd.s32 $0xFFFFF800  }
0x3a8: {  	_ =	swait.ge [sflag:s19], $0x80  }
0x3a9: {  	[sflag:s19] =	ssyncset.done $0x0  }
0x3aa: {  	[sflag:s19] =	ssyncadd.s32 $0xFFFFFF80  }
0x3ab: {  	_ =	swait.ge [sflag:s19], $0x800  }
0x3ac: {  	[sflag:s19] =	ssyncset.done $0x0  }
0x3ad: {  	[sflag:s19] =	ssyncadd.s32 $0xFFFFF800  }
0x3ae: {  	_ =	swait.ge [sflag:s19], $0x80  }
0x3af: {  	[sflag:s19] =	ssyncset.done $0x0  }
0x3b0: {  	[sflag:s19] =	ssyncadd.s32 $0xFFFFFF80  }
0x3b1: {  	_ =	swait.ge [sflag:s19], $0x800  }
0x3b2: {  	[sflag:s19] =	ssyncset.done $0x0  }
0x3b3: {  	[sflag:s19] =	ssyncadd.s32 $0xFFFFF800  }
0x3b4: {  	_ =	swait.ge [sflag:s19], $0x80  }
0x3b5: {  	[sflag:s19] =	ssyncset.done $0x0  }
0x3b6: {  	[sflag:s19] =	ssyncadd.s32 $0xFFFFFF80  }
0x3b7: {  	_ =	swait.ge [sflag:s19], $0x800  }
0x3b8: {  	[sflag:s19] =	ssyncset.done $0x0  }
0x3b9: {  	[sflag:s19] =	ssyncadd.s32 $0xFFFFF800  }
0x3ba: {  	_ =	swait.ge [sflag:s19], $0x80  }
0x3bb: {  	[sflag:s19] =	ssyncset.done $0x0  }
0x3bc: {  	[sflag:s19] =	ssyncadd.s32 $0xFFFFFF80  }
0x3bd: {  	_ =	swait.ge [sflag:s19], $0x800  }
0x3be: {  	[sflag:s19] =	ssyncset.done $0x0  }
0x3bf: {  	[sflag:s19] =	ssyncadd.s32 $0xFFFFF800  }
0x3c0: {  	_ =	swait.ge [sflag:s19], $0x80  }
0x3c1: {  	[sflag:s19] =	ssyncset.done $0x0  }
0x3c2: {  	[sflag:s19] =	ssyncadd.s32 $0xFFFFFF80  }
0x3c3: {  	_ =	swait.ge [sflag:s28], $0x800  }
0x3c4: {  	[sflag:s28] =	ssyncset.done $0x0  }
0x3c5: {  	[sflag:s28] =	ssyncadd.s32 $0xFFFFF800  }
0x3c6: {  	_ =	swait.ge [sflag:s28], $0x80  }
0x3c7: {  	[sflag:s28] =	ssyncset.done $0x0  }
0x3c8: {  	[sflag:s28] =	ssyncadd.s32 $0xFFFFFF80  }
0x3c9: {  	_ =	swait.ge [sflag:s28], $0x800  }
0x3ca: {  	[sflag:s28] =	ssyncset.done $0x0  }
0x3cb: {  	[sflag:s28] =	ssyncadd.s32 $0xFFFFF800  }
0x3cc: {  	_ =	swait.ge [sflag:s28], $0x80  }
0x3cd: {  	[sflag:s28] =	ssyncset.done $0x0  }
0x3ce: {  	[sflag:s28] =	ssyncadd.s32 $0xFFFFFF80  }
0x3cf: {  	_ =	swait.ge [sflag:s28], $0x800  }
0x3d0: {  	[sflag:s28] =	ssyncset.done $0x0  }
0x3d1: {  	[sflag:s28] =	ssyncadd.s32 $0xFFFFF800  }
0x3d2: {  	_ =	swait.ge [sflag:s28], $0x80  }
0x3d3: {  	[sflag:s28] =	ssyncset.done $0x0  }
0x3d4: {  	[sflag:s28] =	ssyncadd.s32 $0xFFFFFF80  }
0x3d5: {  	_ =	swait.ge [sflag:s28], $0x800  }
0x3d6: {  	[sflag:s28] =	ssyncset.done $0x0  }
0x3d7: {  	[sflag:s28] =	ssyncadd.s32 $0xFFFFF800  }
0x3d8: {  	_ =	swait.ge [sflag:s28], $0x80  }
0x3d9: {  	[sflag:s28] =	ssyncset.done $0x0  }
0x3da: {  	[sflag:s28] =	ssyncadd.s32 $0xFFFFFF80  }
0x3db: {  	p1 =	sne.s32 s20, $0x8C00;
	_ =	swait.ge [sflag:s28], $0x800  }
.Ltmp3:
0x3dc: {  	[sflag:s28] =	ssyncset.done $0x0;
	(pc) =	sbr.rel @p1 .LBB2_8-.Ltmp3, $4  }
0x3dd: {  	[sflag:s28] =	ssyncadd.s32 $0xFFFFF800  }
0x3de: {  	_ =	swait.ge [sflag:s28], $0x80  }
0x3df: {  	[sflag:s28] =	ssyncset.done $0x0  }
0x3e0: {  	s20 =	sadd.s32 $0x1400, s20;
	[sflag:s28] =	ssyncadd.s32 $0xFFFFFF80  }
0x3e1: {  	[bflag:$0x0] =	sbarrier.arrive $0xFFFF  }
0x3e2: {  	s21 =	sld [smem:$0x7FD]  }
0x3e3: {  	s3 =	sld [smem:$0x7F9]  }
0x3e4: {  	s5 =	sld [smem:$0x7EC];
	_ =	sdelay $0x1  }
0x3e5: {  	s20 =	simm.s32 $0x8  }
0x3e6: {  	[hbm:s3], [sflag:s21] =	dma.local [spmem:s5], $0x500  }
0x3e7: {  	_ =	swait.ge [sflag:s20], $0x500  }
0x3e8: {  	s18 =	sld [smem:$0x7FA]  }
0x3e9: {  	s22 =	sld [smem:$0x7EB]  }
0x3ea: {  	[sflag:s20] =	ssyncset.done $0x0  }
0x3eb: {  	[sflag:s20] =	ssyncadd.s32 $0xFFFFFB00  }
0x3ec: {  	[hbm:s18], [sflag:s21] =	dma.local [spmem:s22], $0x50  }
0x3ed: {  	_ =	swait.ge [sflag:s20], $0x50  }
0x3ee: {  	s25 =	sld [smem:$0x7EA]  }
0x3ef: {  	s26 =	sld [smem:$0x7FB];
	_ =	sdelay $0x1  }
0x3f0: {  	s5 =	sadd.s32 $0x1, s25  }
0x3f1: {  	p1 =	sne.s32 s5, s26  }
.Ltmp4:
0x3f2: {  	_ = 	snop;
	(pc) =	sbr.rel @p1 .LBB2_1-.Ltmp4, $3  }
0x3f3: {  	_ =	sdelay $0x1  }
0x3f4: {  	[sflag:s20] =	ssyncset.done $0x0  }
0x3f5: {  	s6 =	simm.s32 $0x10A10;
	s15 =	sld [smem:$0x7FC];
	[sflag:s20] =	ssyncadd.s32 $0xFFFFFFB0  }
0x3f6: {  	_ =	sfence.sel $0x180000  }
0x3f7: {  	[bflag:$0x0] =	sbarrier.arrive $0xFFFF  }
0x3f8: {  	_ =	strace $0x90000047  }
0x3f9: {  	s0 =	stileid.u32;
	[bflag:$0x2] =	sbarrier.arrive $0xFFFF  }
0x3fa: {  	p0 =	sne.s32 s0, $0x0;
	s0 =	rddreg [dreg:$0x6]  }
0x3fb: {  	s0 =	sadd.s32 @!p0 $0x100000, s0  }
0x3fc: {  	[sflag:s0] =	ssyncadd.tile.s32 @!p0 $0x1;
	_ =	shalt  }
.Lfunc_end2:
_tile_overlayer_lowered:
.L_overlay_start_2:
0x3fd: {  	(tag) =	ssettag $0x2  }
0x3fe: {  	s0 =	rddreg [dreg:$0x0];
	s2 =	stileid.u32  }
0x3ff: {  	s1 =	rddreg [dreg:$0x1];
	p0 =	sne.s32 s2, $0x0  }
0x400: {  	s3 =	rddreg [dreg:$0x2];
	[bflag:$0x3] =	sbarrier.arrive $0xFFFF;
	s2 =	simm.s32 @!p0 $0x1C08  }
0x401: {  	[timem:s3], [sflag:s2] =	dma.local @!p0 [hbm:s0], s1  }
0x402: {  	s0 =	simm.s32 @!p0 $0x8  }
0x403: {  	_ =	swait.ge @!p0 [sflag:s0], s1  }
0x404: {  	s1 =	ssub.s32 @!p0 $0x0, s1;
	[sflag:s0] =	ssyncset.done @!p0 $0x0  }
0x405: {  	[sflag:s0] =	ssyncadd.s32 @!p0 s1  }
0x406: {  	[bflag:$0x3] =	sbarrier.arrive $0xFFFF  }
0x407: {  	_ =	shalt  }

</sc_bundles>
